<compile_context>
chip_gen: v7x
topology: tpu7x:2x2x1
jax: 0.10.2.dev20260603
libtpu: 0.0.44.dev20260713+nightly
codegen_flags: <defaults>
</compile_context>

<pallas_src>
import functools

import jax
import jax.numpy as jnp
from jax import lax
from jax.experimental import pallas as pl
from jax.experimental.pallas import tpu as pltpu
from jax.experimental.pallas import tpu_sc as plsc

jax.config.update("jax_enable_x64", True)

ZCH = 1_000_000
PLANE = 1 << 20
EDIM = 32
NVAL = 327_680
NWORK = 32
PERW = NVAL // NWORK
CH = 128
NCH = PERW // CH
RING = 8

BW = 25
BCH = 4000
BLOOP = ZCH // (BW * BCH)

_K1_LO, _K1_HI = 0x7F4A7C15, 0x9E3779B9
_K2_LO, _K2_HI = 0x1CE4E5B9, 0xBF58476D
_M80 = (2**35 + 79) // 80
_M3125 = (2**42 + 3124) // 3125
_R32_12500 = 4796


def _u(x):
    return jnp.uint32(x)


def _mulhi(a, b_const):
    b0 = _u(b_const & 0xFFFF)
    b1 = _u(b_const >> 16)
    a0 = a & _u(0xFFFF)
    a1 = a >> _u(16)
    p00 = a0 * b0
    p01 = a0 * b1
    p10 = a1 * b0
    p11 = a1 * b1
    w = (p00 >> _u(16)) + (p01 & _u(0xFFFF)) + (p10 & _u(0xFFFF))
    return p11 + (p01 >> _u(16)) + (p10 >> _u(16)) + (w >> _u(16))


def _mod12500(x):
    q = _mulhi(x >> _u(2), _M3125) >> _u(10)
    return x - q * _u(12500)


def _remap16(v):
    qb = _mulhi(v, _M80) >> _u(3)
    bucket = v - qb * _u(80)
    lo1 = v * _u(_K1_LO)
    hi1 = _mulhi(v, _K1_LO) + v * _u(_K1_HI)
    lo2 = lo1 ^ ((hi1 << _u(3)) | (lo1 >> _u(29)))
    hi2 = hi1 ^ (hi1 >> _u(29))
    lo3 = lo2 * _u(_K2_LO)
    hi3 = _mulhi(lo2, _K2_LO) + lo2 * _u(_K2_HI) + hi2 * _u(_K2_LO)
    lo4 = lo3 ^ hi3
    s = _mod12500(_mod12500(hi3) * _u(_R32_12500) + _mod12500(lo4))
    return plsc.bitcast(bucket * _u(12500) + s, jnp.int32)


def _sc_body(v_hbm, table_hbm, emb_hbm, idxout_hbm, counts_hbm,
             v_buf, idx_buf, rows, zbuf, ones_buf, plane, add_sem, *sems):
    gs = sems[:RING]
    os = sems[RING:]
    cid = lax.axis_index("c")
    sid = lax.axis_index("s")
    wid = sid * 2 + cid
    base = wid * PERW

    pltpu.sync_copy(v_hbm.at[pl.ds(base, PERW)], v_buf)

    @pl.loop(jnp.int32(0), jnp.int32(zbuf.shape[0] // 16))
    def _(k):
        zbuf[pl.ds(k * 16, 16)] = jnp.zeros((16,), jnp.int32)
    for k in range(8):
        ones_buf[pl.ds(k * 16, 16)] = jnp.ones((16,), jnp.int32)
    zchunk = zbuf.shape[0]
    for k in range(PLANE // 16 // zchunk):
        pltpu.sync_copy(
            zbuf, plane.at[pl.ds(sid * (PLANE // 16) + jnp.int32(k) * zchunk,
                                 zchunk)])
    plsc.subcore_barrier()

    @pl.loop(jnp.int32(0), jnp.int32(NCH))
    def _(j):
        row = idx_buf.at[j]

        @pl.loop(jnp.int32(0), jnp.int32(CH // 16))
        def _(k):
            v = plsc.bitcast(v_buf[pl.ds(j * CH + k * 16, 16)], jnp.uint32)
            row[pl.ds(k * 16, 16)] = _remap16(v)

    pltpu.sync_copy(idx_buf, idxout_hbm.at[wid])

    _i = jnp.int32

    @pl.loop(jnp.int32(0), jnp.int32(NCH))
    def _(j):
        pltpu.async_copy(ones_buf, plane.at[idx_buf.at[_i(j)]], add_sem,
                         add=True)

    def g_desc(c, b):
        return pltpu.make_async_copy(
            table_hbm.at[idx_buf.at[_i(c)]], rows.at[_i(b)], gs[b])

    def o_desc(c, b):
        return pltpu.make_async_copy(
            rows.at[_i(b)], emb_hbm.at[pl.ds(base + _i(c) * CH, CH)], os[b])

    def issue(c, b, first):
        if not first:
            o_desc(c - RING, b).wait()
        g_desc(c, b).start()

    def work(c, b):
        g_desc(c, b).wait()
        o_desc(c, b).start()

    for b in range(RING):
        issue(b, b, True)

    @pl.loop(jnp.int32(0), jnp.int32(NCH - RING), step=jnp.int32(RING))
    def _(c0):
        for b in range(RING):
            work(c0 + b, b)
        for b in range(RING):
            issue(c0 + RING + b, b, False)

    for b in range(RING):
        work(NCH - RING + b, b)
    for b in range(RING):
        o_desc(NCH - RING + b, b).wait()

    @pl.loop(jnp.int32(0), jnp.int32(NCH))
    def _(j):
        pltpu.make_async_copy(ones_buf, plane.at[idx_buf.at[_i(j)]],
                              add_sem).wait()

    plsc.subcore_barrier()
    pltpu.sync_copy(plane.at[pl.ds(sid * (PLANE // 16), PLANE // 16)],
                    counts_hbm.at[cid].at[pl.ds(sid * (PLANE // 16),
                                                PLANE // 16)])


@functools.cache
def _make_sc_fwd():
    return pl.kernel(
        _sc_body,
        out_type=(
            jax.ShapeDtypeStruct((NVAL, EDIM), jnp.float32),
            jax.ShapeDtypeStruct((NWORK, NCH, CH), jnp.int32),
            jax.ShapeDtypeStruct((2, PLANE), jnp.int32),
        ),
        mesh=plsc.VectorSubcoreMesh(core_axis_name="c", subcore_axis_name="s"),
        compiler_params=pltpu.CompilerParams(use_tc_tiling_on_sc=False),
        scratch_types=[
            pltpu.VMEM((PERW,), jnp.int32),
            pltpu.VMEM((NCH, CH), jnp.int32),
            pltpu.VMEM((RING, CH, EDIM), jnp.float32),
            pltpu.VMEM((8192,), jnp.int32),
            pltpu.VMEM((CH,), jnp.int32),
            pltpu.VMEM_SHARED((PLANE,), jnp.int32),
        ] + [pltpu.SemaphoreType.DMA] * (2 * RING + 1),
    )


def _sc_meta_body(counts_hbm, mlo_hbm, mhi_hbm, olo_hbm, ohi_hbm,
                  c0b, c1b, mlob, mhib, olob, ohib):
    cid = lax.axis_index("c")
    sid = lax.axis_index("s")
    wid = sid * 2 + cid

    @pl.when(wid < BW)
    def _():
        @pl.loop(jnp.int32(0), jnp.int32(BLOOP))
        def _(i):
            sbase = wid * (BCH * BLOOP) + i * BCH
            pltpu.sync_copy(counts_hbm.at[jnp.int32(0)].at[pl.ds(sbase, BCH)],
                            c0b)
            pltpu.sync_copy(counts_hbm.at[jnp.int32(1)].at[pl.ds(sbase, BCH)],
                            c1b)
            pltpu.sync_copy(mlo_hbm.at[pl.ds(sbase, BCH)], mlob)
            pltpu.sync_copy(mhi_hbm.at[pl.ds(sbase, BCH)], mhib)

            @pl.loop(jnp.int32(0), jnp.int32(BCH // 16))
            def _(k):
                t = (c0b[pl.ds(k * 16, 16)] + c1b[pl.ds(k * 16, 16)]) != 0
                one = jnp.full((16,), 1, jnp.int32)
                zero = jnp.zeros((16,), jnp.int32)
                olob[pl.ds(k * 16, 16)] = jnp.where(
                    t, one, mlob[pl.ds(k * 16, 16)])
                ohib[pl.ds(k * 16, 16)] = jnp.where(
                    t, zero, mhib[pl.ds(k * 16, 16)])

            pltpu.sync_copy(olob, olo_hbm.at[pl.ds(sbase, BCH)])
            pltpu.sync_copy(ohib, ohi_hbm.at[pl.ds(sbase, BCH)])


@functools.cache
def _make_sc_meta():
    return pl.kernel(
        _sc_meta_body,
        out_type=(
            jax.ShapeDtypeStruct((ZCH,), jnp.int32),
            jax.ShapeDtypeStruct((ZCH,), jnp.int32),
        ),
        mesh=plsc.VectorSubcoreMesh(core_axis_name="c", subcore_axis_name="s"),
        compiler_params=pltpu.CompilerParams(use_tc_tiling_on_sc=False,
                                             needs_layout_passes=False),
        scratch_types=[pltpu.VMEM((BCH,), jnp.int32)] * 6,
    )


def kernel(values, lengths, table, metadata):
    v32 = values.astype(jnp.int32)
    emb, idxout, counts = _make_sc_fwd()(v32, table)
    mlo = metadata.astype(jnp.int32)
    mhi = (metadata >> jnp.int64(32)).astype(jnp.int32)
    olo, ohi = _make_sc_meta()(counts, mlo, mhi)
    new_metadata = (
        (ohi.astype(jnp.int64) << jnp.int64(32))
        | olo.astype(jnp.uint32).astype(jnp.int64))
    remapped = idxout.reshape(NVAL).astype(jnp.int64)
    return emb, lengths, remapped, new_metadata

# --- scband reference (transcript-rebuilt; emitter-appended) ---
"""Pipeline reference for scband-mc-embedding-collection-adapter-29180007809177 (READ-ONLY COPY).

The authoritative reference and input builder live on the scoring server;
editing this copy changes nothing except your own understanding.
"""

import jax, jax.numpy as jnp
import numpy as np

jax.config.update("jax_enable_x64", True)

ZCH_SIZE = 1000000
EMBED_DIM = 32
INPUT_HASH_SIZE = 10000000
NUM_BUCKETS = 80
BUCKET_SIZE = ZCH_SIZE // NUM_BUCKETS  # 12500
BATCH = 16384
HIST_LEN = 20
TOTAL_VALUES = BATCH * HIST_LEN  # 327680


def _hash_remap(values):
    """Stateless analogue of HashZchManagedCollisionModule remapping:
    raw id in [0, input_hash_size) -> slot in [0, zch_size).
    Bucketed: bucket chosen by id % num_buckets, slot within bucket via a
    splitmix64-style hash (stands in for the probe-start hash)."""
    v = values.astype(jnp.uint64)
    bucket_id = v % jnp.uint64(NUM_BUCKETS)
    h = v * jnp.uint64(0x9E3779B97F4A7C15)
    h = h ^ (h >> jnp.uint64(29))
    h = h * jnp.uint64(0xBF58476D1CE4E5B9)
    h = h ^ (h >> jnp.uint64(32))
    slot = h % jnp.uint64(BUCKET_SIZE)
    remapped = bucket_id * jnp.uint64(BUCKET_SIZE) + slot
    return remapped.astype(jnp.int64)


def setup_inputs(seed: int = 0) -> dict:
    key = jax.random.key(seed)
    k1, k2 = jax.random.split(key)
    values = jax.random.randint(k1, (TOTAL_VALUES,), 0, INPUT_HASH_SIZE, dtype=jnp.int64)
    lengths = (jnp.ones((BATCH,), dtype=jnp.int32) * HIST_LEN)
    # learned parameter: the EmbeddingCollection table
    table = jax.random.normal(k2, (ZCH_SIZE, EMBED_DIM), dtype=jnp.float32) * 0.01
    # MC module eviction metadata (TTL timestamps per slot)
    metadata = jnp.zeros((ZCH_SIZE,), dtype=jnp.int64)
    return {"values": values, "lengths": lengths, "table": table, "metadata": metadata}


def reference(values, lengths, table, metadata):
    # 1) managed-collision remap of raw ids into table range
    remapped = _hash_remap(values)
    # 2) eviction-metadata update: scatter-overwrite TTL timestamp for touched slots
    new_metadata = metadata.at[remapped].set(jnp.int64(1))
    # 3) embedding lookup with remapped ids (the EmbeddingCollection forward)
    emb = jnp.take(table, remapped, axis=0)
    # output JaggedTensor == (flat embeddings, lengths); adapter also stores remapped_ids
    return emb, lengths, remapped, new_metadata

if __name__ == "__main__":
    import jax
    _d = setup_inputs()
    print(jax.jit(kernel)(*tuple(_d.values())))

</pallas_src>

<mosaic_0001>
#map = affine_map<(d0, d1) -> (0)>
#map1 = affine_map<(d0, d1) -> (0, 0)>
#map2 = affine_map<(d0, d1) -> (0, 0, 0)>
module attributes {stable_mosaic.version = 14 : i64} {
  func.func @_sc_body(%arg0: i32, %arg1: i32, %arg2: memref<327680xi32, #tpu.memory_space<hbm>>, %arg3: memref<1000000x32xf32, #tpu.memory_space<hbm>>, %arg4: memref<327680x32xf32, #tpu.memory_space<hbm>>, %arg5: memref<32x80x128xi32, #tpu.memory_space<hbm>>, %arg6: memref<2x1048576xi32, #tpu.memory_space<hbm>>, %arg7: memref<10240xi32, #tpu.memory_space<vmem>>, %arg8: memref<80x128xi32, #tpu.memory_space<vmem>>, %arg9: memref<8x128x32xf32, #tpu.memory_space<vmem>>, %arg10: memref<8192xi32, #tpu.memory_space<vmem>>, %arg11: memref<128xi32, #tpu.memory_space<vmem>>, %arg12: memref<1048576xi32, #tpu.memory_space<vmem_shared>>, %arg13: memref<!tpu.dma_semaphore, #tpu.memory_space<semaphore_mem>>, %arg14: memref<!tpu.dma_semaphore, #tpu.memory_space<semaphore_mem>>, %arg15: memref<!tpu.dma_semaphore, #tpu.memory_space<semaphore_mem>>, %arg16: memref<!tpu.dma_semaphore, #tpu.memory_space<semaphore_mem>>, %arg17: memref<!tpu.dma_semaphore, #tpu.memory_space<semaphore_mem>>, %arg18: memref<!tpu.dma_semaphore, #tpu.memory_space<semaphore_mem>>, %arg19: memref<!tpu.dma_semaphore, #tpu.memory_space<semaphore_mem>>, %arg20: memref<!tpu.dma_semaphore, #tpu.memory_space<semaphore_mem>>, %arg21: memref<!tpu.dma_semaphore, #tpu.memory_space<semaphore_mem>>, %arg22: memref<!tpu.dma_semaphore, #tpu.memory_space<semaphore_mem>>, %arg23: memref<!tpu.dma_semaphore, #tpu.memory_space<semaphore_mem>>, %arg24: memref<!tpu.dma_semaphore, #tpu.memory_space<semaphore_mem>>, %arg25: memref<!tpu.dma_semaphore, #tpu.memory_space<semaphore_mem>>, %arg26: memref<!tpu.dma_semaphore, #tpu.memory_space<semaphore_mem>>, %arg27: memref<!tpu.dma_semaphore, #tpu.memory_space<semaphore_mem>>, %arg28: memref<!tpu.dma_semaphore, #tpu.memory_space<semaphore_mem>>, %arg29: memref<!tpu.dma_semaphore, #tpu.memory_space<semaphore_mem>>) attributes {dimension_semantics = [#tpu.dimension_semantics<core_parallel>, #tpu.dimension_semantics<subcore_parallel>], iteration_bounds = array<i64: 2, 16>, scalar_prefetch = 0 : i64, scratch_operands = 23 : i64, tpu.core_type = #tpu.core_type<sc_vector_subcore>, window_params = [{transform_indices = #map}, {transform_indices = #map1}, {transform_indices = #map1}, {transform_indices = #map2}, {transform_indices = #map1}]} {
    %mul3A = arith.constant 2 : i32
    %mul3A_0 = arith.muli %arg1, %mul3A : i32
    %add3A = arith.addi %mul3A_0, %arg0 : i32
    %mul3A_1 = arith.constant 10240 : i32
    %mul3A_2 = arith.muli %add3A, %mul3A_1 : i32
    "tpu.region"() ({
      %run_scoped3A = tpu.sem_alloc : memref<!tpu.dma_semaphore, #tpu.memory_space<semaphore_mem>>
      %dma_start3A_661 = tpu.memref_slice %arg2[%mul3A_2] : memref<327680xi32, #tpu.memory_space<hbm>> -> memref<10240xi32, #tpu.memory_space<hbm>>
      %dma_start3A_662 = tpu.memref_slice %arg2[%mul3A_2] : memref<327680xi32, #tpu.memory_space<hbm>> -> memref<10240xi32, #tpu.memory_space<hbm>>
      tpu.enqueue_dma source(%dma_start3A_662 : memref<10240xi32, #tpu.memory_space<hbm>>) target(%arg7 : memref<10240xi32, #tpu.memory_space<vmem>>) target_semaphore(%run_scoped3A : memref<!tpu.dma_semaphore, #tpu.memory_space<semaphore_mem>>)
      %dma_wait3A_663 = tpu.memref_slice %arg2[%mul3A_2] : memref<327680xi32, #tpu.memory_space<hbm>> -> memref<10240xi32, #tpu.memory_space<hbm>>
      %dma_wait3A_664 = tpu.memref_slice %arg2[%mul3A_2] : memref<327680xi32, #tpu.memory_space<hbm>> -> memref<10240xi32, #tpu.memory_space<hbm>>
      tpu.wait_dma2 semaphore(%run_scoped3A : memref<!tpu.dma_semaphore, #tpu.memory_space<semaphore_mem>>) src(%dma_wait3A_664 : memref<10240xi32, #tpu.memory_space<hbm>>) dst(%arg7 : memref<10240xi32, #tpu.memory_space<vmem>>)
      tpu.yield
    }) : () -> ()
    %sub3A = arith.constant 512 : i32
    %sub3A_3 = arith.constant 0 : i32
    %sub3A_4 = arith.subi %sub3A, %sub3A_3 : i32
    %sub3A_5 = arith.constant 1 : i32
    %sub3A_6 = arith.constant 1 : i32
    %sub3A_7 = arith.subi %sub3A_5, %sub3A_6 : i32
    %add3A_8 = arith.addi %sub3A_4, %sub3A_7 : i32
    %div3A = arith.constant 1 : i32
    %div3A_9 = arith.divsi %add3A_8, %div3A : i32
    %while3A = arith.constant 1 : i32
    %while3A_10 = arith.constant 0 : i32
    %while3A_11 = arith.constant 0 : i32
    %while3A_12 = arith.subi %div3A_9, %while3A_11 : i32
    %while3A_13 = arith.addi %while3A_11, %while3A_12 : i32
    %while3A_14 = arith.constant 1 : i32
    %while3A_15 = arith.divsi %while3A_12, %while3A_14 : i32
    %while3A_16 = arith.muli %while3A_15, %while3A_14 : i32
    %while3A_17 = arith.addi %while3A_11, %while3A_16 : i32
    %while3A_18 = arith.constant 1 : i32
    scf.for %while3A_661 = %while3A_11 to %while3A_17 step %while3A_18  : i32 {
      %mul3A_662 = arith.muli %while3A_661, %while3A : i32
      %add3A_663 = arith.addi %while3A_10, %mul3A_662 : i32
      %broadcast_in_dim3A_664 = arith.constant 0 : i32
      %broadcast_in_dim3A_665 = vector.broadcast %broadcast_in_dim3A_664 : i32 to vector<16xi32>
      %mul3A_666 = arith.constant 16 : i32
      %mul3A_667 = arith.muli %add3A_663, %mul3A_666 : i32
      %swap3A_668 = arith.index_cast %mul3A_667 : i32 to index
      %swap3A_669 = tpu.vector_load %arg10[%swap3A_668] {strides = array<i32>} : memref<8192xi32, #tpu.memory_space<vmem>>, vector<16xi32>,
      %swap3A_670 = vector.shape_cast %swap3A_669 : vector<16xi32> to vector<16xi32>
      %swap3A_671 = vector.shape_cast %broadcast_in_dim3A_665 : vector<16xi32> to vector<16xi32>
      tpu.vector_store %arg10[%swap3A_668], %swap3A_671 {strides = array<i32>} : memref<8192xi32, #tpu.memory_space<vmem>>, vector<16xi32>,
    }
    %while3A_19 = arith.constant 1 : i32
    scf.for %while3A_661 = %while3A_17 to %while3A_13 step %while3A_19  : i32 {
      %mul3A_662 = arith.muli %while3A_661, %while3A : i32
      %add3A_663 = arith.addi %while3A_10, %mul3A_662 : i32
      %broadcast_in_dim3A_664 = arith.constant 0 : i32
      %broadcast_in_dim3A_665 = vector.broadcast %broadcast_in_dim3A_664 : i32 to vector<16xi32>
      %mul3A_666 = arith.constant 16 : i32
      %mul3A_667 = arith.muli %add3A_663, %mul3A_666 : i32
      %swap3A_668 = arith.index_cast %mul3A_667 : i32 to index
      %swap3A_669 = tpu.vector_load %arg10[%swap3A_668] {strides = array<i32>} : memref<8192xi32, #tpu.memory_space<vmem>>, vector<16xi32>,
      %swap3A_670 = vector.shape_cast %swap3A_669 : vector<16xi32> to vector<16xi32>
      %swap3A_671 = vector.shape_cast %broadcast_in_dim3A_665 : vector<16xi32> to vector<16xi32>
      tpu.vector_store %arg10[%swap3A_668], %swap3A_671 {strides = array<i32>} : memref<8192xi32, #tpu.memory_space<vmem>>, vector<16xi32>,
    }
    %broadcast_in_dim3A = arith.constant 1 : i32
    %broadcast_in_dim3A_20 = vector.broadcast %broadcast_in_dim3A : i32 to vector<16xi32>
    %swap3A = arith.constant 0 : index
    %swap3A_21 = tpu.vector_load %arg11[%swap3A] {strides = array<i32>} : memref<128xi32, #tpu.memory_space<vmem>>, vector<16xi32>,
    %swap3A_22 = vector.shape_cast %swap3A_21 : vector<16xi32> to vector<16xi32>
    %swap3A_23 = vector.shape_cast %broadcast_in_dim3A_20 : vector<16xi32> to vector<16xi32>
    tpu.vector_store %arg11[%swap3A], %swap3A_23 {strides = array<i32>} : memref<128xi32, #tpu.memory_space<vmem>>, vector<16xi32>,
    %broadcast_in_dim3A_24 = arith.constant 1 : i32
    %broadcast_in_dim3A_25 = vector.broadcast %broadcast_in_dim3A_24 : i32 to vector<16xi32>
    %swap3A_26 = arith.constant 16 : index
    %swap3A_27 = tpu.vector_load %arg11[%swap3A_26] {strides = array<i32>} : memref<128xi32, #tpu.memory_space<vmem>>, vector<16xi32>,
    %swap3A_28 = vector.shape_cast %swap3A_27 : vector<16xi32> to vector<16xi32>
    %swap3A_29 = vector.shape_cast %broadcast_in_dim3A_25 : vector<16xi32> to vector<16xi32>
    tpu.vector_store %arg11[%swap3A_26], %swap3A_29 {strides = array<i32>} : memref<128xi32, #tpu.memory_space<vmem>>, vector<16xi32>,
    %broadcast_in_dim3A_30 = arith.constant 1 : i32
    %broadcast_in_dim3A_31 = vector.broadcast %broadcast_in_dim3A_30 : i32 to vector<16xi32>
    %swap3A_32 = arith.constant 32 : index
    %swap3A_33 = tpu.vector_load %arg11[%swap3A_32] {strides = array<i32>} : memref<128xi32, #tpu.memory_space<vmem>>, vector<16xi32>,
    %swap3A_34 = vector.shape_cast %swap3A_33 : vector<16xi32> to vector<16xi32>
    %swap3A_35 = vector.shape_cast %broadcast_in_dim3A_31 : vector<16xi32> to vector<16xi32>
    tpu.vector_store %arg11[%swap3A_32], %swap3A_35 {strides = array<i32>} : memref<128xi32, #tpu.memory_space<vmem>>, vector<16xi32>,
    %broadcast_in_dim3A_36 = arith.constant 1 : i32
    %broadcast_in_dim3A_37 = vector.broadcast %broadcast_in_dim3A_36 : i32 to vector<16xi32>
    %swap3A_38 = arith.constant 48 : index
    %swap3A_39 = tpu.vector_load %arg11[%swap3A_38] {strides = array<i32>} : memref<128xi32, #tpu.memory_space<vmem>>, vector<16xi32>,
    %swap3A_40 = vector.shape_cast %swap3A_39 : vector<16xi32> to vector<16xi32>
    %swap3A_41 = vector.shape_cast %broadcast_in_dim3A_37 : vector<16xi32> to vector<16xi32>
    tpu.vector_store %arg11[%swap3A_38], %swap3A_41 {strides = array<i32>} : memref<128xi32, #tpu.memory_space<vmem>>, vector<16xi32>,
    %broadcast_in_dim3A_42 = arith.constant 1 : i32
    %broadcast_in_dim3A_43 = vector.broadcast %broadcast_in_dim3A_42 : i32 to vector<16xi32>
    %swap3A_44 = arith.constant 64 : index
    %swap3A_45 = tpu.vector_load %arg11[%swap3A_44] {strides = array<i32>} : memref<128xi32, #tpu.memory_space<vmem>>, vector<16xi32>,
    %swap3A_46 = vector.shape_cast %swap3A_45 : vector<16xi32> to vector<16xi32>
    %swap3A_47 = vector.shape_cast %broadcast_in_dim3A_43 : vector<16xi32> to vector<16xi32>
    tpu.vector_store %arg11[%swap3A_44], %swap3A_47 {strides = array<i32>} : memref<128xi32, #tpu.memory_space<vmem>>, vector<16xi32>,
    %broadcast_in_dim3A_48 = arith.constant 1 : i32
    %broadcast_in_dim3A_49 = vector.broadcast %broadcast_in_dim3A_48 : i32 to vector<16xi32>
    %swap3A_50 = arith.constant 80 : index
    %swap3A_51 = tpu.vector_load %arg11[%swap3A_50] {strides = array<i32>} : memref<128xi32, #tpu.memory_space<vmem>>, vector<16xi32>,
    %swap3A_52 = vector.shape_cast %swap3A_51 : vector<16xi32> to vector<16xi32>
    %swap3A_53 = vector.shape_cast %broadcast_in_dim3A_49 : vector<16xi32> to vector<16xi32>
    tpu.vector_store %arg11[%swap3A_50], %swap3A_53 {strides = array<i32>} : memref<128xi32, #tpu.memory_space<vmem>>, vector<16xi32>,
    %broadcast_in_dim3A_54 = arith.constant 1 : i32
    %broadcast_in_dim3A_55 = vector.broadcast %broadcast_in_dim3A_54 : i32 to vector<16xi32>
    %swap3A_56 = arith.constant 96 : index
    %swap3A_57 = tpu.vector_load %arg11[%swap3A_56] {strides = array<i32>} : memref<128xi32, #tpu.memory_space<vmem>>, vector<16xi32>,
    %swap3A_58 = vector.shape_cast %swap3A_57 : vector<16xi32> to vector<16xi32>
    %swap3A_59 = vector.shape_cast %broadcast_in_dim3A_55 : vector<16xi32> to vector<16xi32>
    tpu.vector_store %arg11[%swap3A_56], %swap3A_59 {strides = array<i32>} : memref<128xi32, #tpu.memory_space<vmem>>, vector<16xi32>,
    %broadcast_in_dim3A_60 = arith.constant 1 : i32
    %broadcast_in_dim3A_61 = vector.broadcast %broadcast_in_dim3A_60 : i32 to vector<16xi32>
    %swap3A_62 = arith.constant 112 : index
    %swap3A_63 = tpu.vector_load %arg11[%swap3A_62] {strides = array<i32>} : memref<128xi32, #tpu.memory_space<vmem>>, vector<16xi32>,
    %swap3A_64 = vector.shape_cast %swap3A_63 : vector<16xi32> to vector<16xi32>
    %swap3A_65 = vector.shape_cast %broadcast_in_dim3A_61 : vector<16xi32> to vector<16xi32>
    tpu.vector_store %arg11[%swap3A_62], %swap3A_65 {strides = array<i32>} : memref<128xi32, #tpu.memory_space<vmem>>, vector<16xi32>,
    %mul3A_66 = arith.constant 65536 : i32
    %mul3A_67 = arith.muli %arg1, %mul3A_66 : i32
    %mul3A_68 = arith.constant 0 : i32
    %mul3A_69 = arith.constant 8192 : i32
    %mul3A_70 = arith.muli %mul3A_68, %mul3A_69 : i32
    %add3A_71 = arith.addi %mul3A_67, %mul3A_70 : i32
    "tpu.region"() ({
      %run_scoped3A = tpu.sem_alloc : memref<!tpu.dma_semaphore, #tpu.memory_space<semaphore_mem>>
      %dma_start3A_661 = tpu.memref_slice %arg12[%add3A_71] : memref<1048576xi32, #tpu.memory_space<vmem_shared>> -> memref<8192xi32, #tpu.memory_space<vmem_shared>>
      %dma_start3A_662 = tpu.memref_slice %arg12[%add3A_71] : memref<1048576xi32, #tpu.memory_space<vmem_shared>> -> memref<8192xi32, #tpu.memory_space<vmem_shared>>
      tpu.enqueue_dma source(%arg10 : memref<8192xi32, #tpu.memory_space<vmem>>) target(%dma_start3A_662 : memref<8192xi32, #tpu.memory_space<vmem_shared>>) target_semaphore(%run_scoped3A : memref<!tpu.dma_semaphore, #tpu.memory_space<semaphore_mem>>)
      %dma_wait3A_663 = tpu.memref_slice %arg12[%add3A_71] : memref<1048576xi32, #tpu.memory_space<vmem_shared>> -> memref<8192xi32, #tpu.memory_space<vmem_shared>>
      %dma_wait3A_664 = tpu.memref_slice %arg12[%add3A_71] : memref<1048576xi32, #tpu.memory_space<vmem_shared>> -> memref<8192xi32, #tpu.memory_space<vmem_shared>>
      tpu.wait_dma2 semaphore(%run_scoped3A : memref<!tpu.dma_semaphore, #tpu.memory_space<semaphore_mem>>) src(%arg10 : memref<8192xi32, #tpu.memory_space<vmem>>) dst(%dma_wait3A_664 : memref<8192xi32, #tpu.memory_space<vmem_shared>>)
      tpu.yield
    }) : () -> ()
    %mul3A_72 = arith.constant 65536 : i32
    %mul3A_73 = arith.muli %arg1, %mul3A_72 : i32
    %mul3A_74 = arith.constant 1 : i32
    %mul3A_75 = arith.constant 8192 : i32
    %mul3A_76 = arith.muli %mul3A_74, %mul3A_75 : i32
    %add3A_77 = arith.addi %mul3A_73, %mul3A_76 : i32
    "tpu.region"() ({
      %run_scoped3A = tpu.sem_alloc : memref<!tpu.dma_semaphore, #tpu.memory_space<semaphore_mem>>
      %dma_start3A_661 = tpu.memref_slice %arg12[%add3A_77] : memref<1048576xi32, #tpu.memory_space<vmem_shared>> -> memref<8192xi32, #tpu.memory_space<vmem_shared>>
      %dma_start3A_662 = tpu.memref_slice %arg12[%add3A_77] : memref<1048576xi32, #tpu.memory_space<vmem_shared>> -> memref<8192xi32, #tpu.memory_space<vmem_shared>>
      tpu.enqueue_dma source(%arg10 : memref<8192xi32, #tpu.memory_space<vmem>>) target(%dma_start3A_662 : memref<8192xi32, #tpu.memory_space<vmem_shared>>) target_semaphore(%run_scoped3A : memref<!tpu.dma_semaphore, #tpu.memory_space<semaphore_mem>>)
      %dma_wait3A_663 = tpu.memref_slice %arg12[%add3A_77] : memref<1048576xi32, #tpu.memory_space<vmem_shared>> -> memref<8192xi32, #tpu.memory_space<vmem_shared>>
      %dma_wait3A_664 = tpu.memref_slice %arg12[%add3A_77] : memref<1048576xi32, #tpu.memory_space<vmem_shared>> -> memref<8192xi32, #tpu.memory_space<vmem_shared>>
      tpu.wait_dma2 semaphore(%run_scoped3A : memref<!tpu.dma_semaphore, #tpu.memory_space<semaphore_mem>>) src(%arg10 : memref<8192xi32, #tpu.memory_space<vmem>>) dst(%dma_wait3A_664 : memref<8192xi32, #tpu.memory_space<vmem_shared>>)
      tpu.yield
    }) : () -> ()
    %mul3A_78 = arith.constant 65536 : i32
    %mul3A_79 = arith.muli %arg1, %mul3A_78 : i32
    %mul3A_80 = arith.constant 2 : i32
    %mul3A_81 = arith.constant 8192 : i32
    %mul3A_82 = arith.muli %mul3A_80, %mul3A_81 : i32
    %add3A_83 = arith.addi %mul3A_79, %mul3A_82 : i32
    "tpu.region"() ({
      %run_scoped3A = tpu.sem_alloc : memref<!tpu.dma_semaphore, #tpu.memory_space<semaphore_mem>>
      %dma_start3A_661 = tpu.memref_slice %arg12[%add3A_83] : memref<1048576xi32, #tpu.memory_space<vmem_shared>> -> memref<8192xi32, #tpu.memory_space<vmem_shared>>
      %dma_start3A_662 = tpu.memref_slice %arg12[%add3A_83] : memref<1048576xi32, #tpu.memory_space<vmem_shared>> -> memref<8192xi32, #tpu.memory_space<vmem_shared>>
      tpu.enqueue_dma source(%arg10 : memref<8192xi32, #tpu.memory_space<vmem>>) target(%dma_start3A_662 : memref<8192xi32, #tpu.memory_space<vmem_shared>>) target_semaphore(%run_scoped3A : memref<!tpu.dma_semaphore, #tpu.memory_space<semaphore_mem>>)
      %dma_wait3A_663 = tpu.memref_slice %arg12[%add3A_83] : memref<1048576xi32, #tpu.memory_space<vmem_shared>> -> memref<8192xi32, #tpu.memory_space<vmem_shared>>
      %dma_wait3A_664 = tpu.memref_slice %arg12[%add3A_83] : memref<1048576xi32, #tpu.memory_space<vmem_shared>> -> memref<8192xi32, #tpu.memory_space<vmem_shared>>
      tpu.wait_dma2 semaphore(%run_scoped3A : memref<!tpu.dma_semaphore, #tpu.memory_space<semaphore_mem>>) src(%arg10 : memref<8192xi32, #tpu.memory_space<vmem>>) dst(%dma_wait3A_664 : memref<8192xi32, #tpu.memory_space<vmem_shared>>)
      tpu.yield
    }) : () -> ()
    %mul3A_84 = arith.constant 65536 : i32
    %mul3A_85 = arith.muli %arg1, %mul3A_84 : i32
    %mul3A_86 = arith.constant 3 : i32
    %mul3A_87 = arith.constant 8192 : i32
    %mul3A_88 = arith.muli %mul3A_86, %mul3A_87 : i32
    %add3A_89 = arith.addi %mul3A_85, %mul3A_88 : i32
    "tpu.region"() ({
      %run_scoped3A = tpu.sem_alloc : memref<!tpu.dma_semaphore, #tpu.memory_space<semaphore_mem>>
      %dma_start3A_661 = tpu.memref_slice %arg12[%add3A_89] : memref<1048576xi32, #tpu.memory_space<vmem_shared>> -> memref<8192xi32, #tpu.memory_space<vmem_shared>>
      %dma_start3A_662 = tpu.memref_slice %arg12[%add3A_89] : memref<1048576xi32, #tpu.memory_space<vmem_shared>> -> memref<8192xi32, #tpu.memory_space<vmem_shared>>
      tpu.enqueue_dma source(%arg10 : memref<8192xi32, #tpu.memory_space<vmem>>) target(%dma_start3A_662 : memref<8192xi32, #tpu.memory_space<vmem_shared>>) target_semaphore(%run_scoped3A : memref<!tpu.dma_semaphore, #tpu.memory_space<semaphore_mem>>)
      %dma_wait3A_663 = tpu.memref_slice %arg12[%add3A_89] : memref<1048576xi32, #tpu.memory_space<vmem_shared>> -> memref<8192xi32, #tpu.memory_space<vmem_shared>>
      %dma_wait3A_664 = tpu.memref_slice %arg12[%add3A_89] : memref<1048576xi32, #tpu.memory_space<vmem_shared>> -> memref<8192xi32, #tpu.memory_space<vmem_shared>>
      tpu.wait_dma2 semaphore(%run_scoped3A : memref<!tpu.dma_semaphore, #tpu.memory_space<semaphore_mem>>) src(%arg10 : memref<8192xi32, #tpu.memory_space<vmem>>) dst(%dma_wait3A_664 : memref<8192xi32, #tpu.memory_space<vmem_shared>>)
      tpu.yield
    }) : () -> ()
    %mul3A_90 = arith.constant 65536 : i32
    %mul3A_91 = arith.muli %arg1, %mul3A_90 : i32
    %mul3A_92 = arith.constant 4 : i32
    %mul3A_93 = arith.constant 8192 : i32
    %mul3A_94 = arith.muli %mul3A_92, %mul3A_93 : i32
    %add3A_95 = arith.addi %mul3A_91, %mul3A_94 : i32
    "tpu.region"() ({
      %run_scoped3A = tpu.sem_alloc : memref<!tpu.dma_semaphore, #tpu.memory_space<semaphore_mem>>
      %dma_start3A_661 = tpu.memref_slice %arg12[%add3A_95] : memref<1048576xi32, #tpu.memory_space<vmem_shared>> -> memref<8192xi32, #tpu.memory_space<vmem_shared>>
      %dma_start3A_662 = tpu.memref_slice %arg12[%add3A_95] : memref<1048576xi32, #tpu.memory_space<vmem_shared>> -> memref<8192xi32, #tpu.memory_space<vmem_shared>>
      tpu.enqueue_dma source(%arg10 : memref<8192xi32, #tpu.memory_space<vmem>>) target(%dma_start3A_662 : memref<8192xi32, #tpu.memory_space<vmem_shared>>) target_semaphore(%run_scoped3A : memref<!tpu.dma_semaphore, #tpu.memory_space<semaphore_mem>>)
      %dma_wait3A_663 = tpu.memref_slice %arg12[%add3A_95] : memref<1048576xi32, #tpu.memory_space<vmem_shared>> -> memref<8192xi32, #tpu.memory_space<vmem_shared>>
      %dma_wait3A_664 = tpu.memref_slice %arg12[%add3A_95] : memref<1048576xi32, #tpu.memory_space<vmem_shared>> -> memref<8192xi32, #tpu.memory_space<vmem_shared>>
      tpu.wait_dma2 semaphore(%run_scoped3A : memref<!tpu.dma_semaphore, #tpu.memory_space<semaphore_mem>>) src(%arg10 : memref<8192xi32, #tpu.memory_space<vmem>>) dst(%dma_wait3A_664 : memref<8192xi32, #tpu.memory_space<vmem_shared>>)
      tpu.yield
    }) : () -> ()
    %mul3A_96 = arith.constant 65536 : i32
    %mul3A_97 = arith.muli %arg1, %mul3A_96 : i32
    %mul3A_98 = arith.constant 5 : i32
    %mul3A_99 = arith.constant 8192 : i32
    %mul3A_100 = arith.muli %mul3A_98, %mul3A_99 : i32
    %add3A_101 = arith.addi %mul3A_97, %mul3A_100 : i32
    "tpu.region"() ({
      %run_scoped3A = tpu.sem_alloc : memref<!tpu.dma_semaphore, #tpu.memory_space<semaphore_mem>>
      %dma_start3A_661 = tpu.memref_slice %arg12[%add3A_101] : memref<1048576xi32, #tpu.memory_space<vmem_shared>> -> memref<8192xi32, #tpu.memory_space<vmem_shared>>
      %dma_start3A_662 = tpu.memref_slice %arg12[%add3A_101] : memref<1048576xi32, #tpu.memory_space<vmem_shared>> -> memref<8192xi32, #tpu.memory_space<vmem_shared>>
      tpu.enqueue_dma source(%arg10 : memref<8192xi32, #tpu.memory_space<vmem>>) target(%dma_start3A_662 : memref<8192xi32, #tpu.memory_space<vmem_shared>>) target_semaphore(%run_scoped3A : memref<!tpu.dma_semaphore, #tpu.memory_space<semaphore_mem>>)
      %dma_wait3A_663 = tpu.memref_slice %arg12[%add3A_101] : memref<1048576xi32, #tpu.memory_space<vmem_shared>> -> memref<8192xi32, #tpu.memory_space<vmem_shared>>
      %dma_wait3A_664 = tpu.memref_slice %arg12[%add3A_101] : memref<1048576xi32, #tpu.memory_space<vmem_shared>> -> memref<8192xi32, #tpu.memory_space<vmem_shared>>
      tpu.wait_dma2 semaphore(%run_scoped3A : memref<!tpu.dma_semaphore, #tpu.memory_space<semaphore_mem>>) src(%arg10 : memref<8192xi32, #tpu.memory_space<vmem>>) dst(%dma_wait3A_664 : memref<8192xi32, #tpu.memory_space<vmem_shared>>)
      tpu.yield
    }) : () -> ()
    %mul3A_102 = arith.constant 65536 : i32
    %mul3A_103 = arith.muli %arg1, %mul3A_102 : i32
    %mul3A_104 = arith.constant 6 : i32
    %mul3A_105 = arith.constant 8192 : i32
    %mul3A_106 = arith.muli %mul3A_104, %mul3A_105 : i32
    %add3A_107 = arith.addi %mul3A_103, %mul3A_106 : i32
    "tpu.region"() ({
      %run_scoped3A = tpu.sem_alloc : memref<!tpu.dma_semaphore, #tpu.memory_space<semaphore_mem>>
      %dma_start3A_661 = tpu.memref_slice %arg12[%add3A_107] : memref<1048576xi32, #tpu.memory_space<vmem_shared>> -> memref<8192xi32, #tpu.memory_space<vmem_shared>>
      %dma_start3A_662 = tpu.memref_slice %arg12[%add3A_107] : memref<1048576xi32, #tpu.memory_space<vmem_shared>> -> memref<8192xi32, #tpu.memory_space<vmem_shared>>
      tpu.enqueue_dma source(%arg10 : memref<8192xi32, #tpu.memory_space<vmem>>) target(%dma_start3A_662 : memref<8192xi32, #tpu.memory_space<vmem_shared>>) target_semaphore(%run_scoped3A : memref<!tpu.dma_semaphore, #tpu.memory_space<semaphore_mem>>)
      %dma_wait3A_663 = tpu.memref_slice %arg12[%add3A_107] : memref<1048576xi32, #tpu.memory_space<vmem_shared>> -> memref<8192xi32, #tpu.memory_space<vmem_shared>>
      %dma_wait3A_664 = tpu.memref_slice %arg12[%add3A_107] : memref<1048576xi32, #tpu.memory_space<vmem_shared>> -> memref<8192xi32, #tpu.memory_space<vmem_shared>>
      tpu.wait_dma2 semaphore(%run_scoped3A : memref<!tpu.dma_semaphore, #tpu.memory_space<semaphore_mem>>) src(%arg10 : memref<8192xi32, #tpu.memory_space<vmem>>) dst(%dma_wait3A_664 : memref<8192xi32, #tpu.memory_space<vmem_shared>>)
      tpu.yield
    }) : () -> ()
    %mul3A_108 = arith.constant 65536 : i32
    %mul3A_109 = arith.muli %arg1, %mul3A_108 : i32
    %mul3A_110 = arith.constant 7 : i32
    %mul3A_111 = arith.constant 8192 : i32
    %mul3A_112 = arith.muli %mul3A_110, %mul3A_111 : i32
    %add3A_113 = arith.addi %mul3A_109, %mul3A_112 : i32
    "tpu.region"() ({
      %run_scoped3A = tpu.sem_alloc : memref<!tpu.dma_semaphore, #tpu.memory_space<semaphore_mem>>
      %dma_start3A_661 = tpu.memref_slice %arg12[%add3A_113] : memref<1048576xi32, #tpu.memory_space<vmem_shared>> -> memref<8192xi32, #tpu.memory_space<vmem_shared>>
      %dma_start3A_662 = tpu.memref_slice %arg12[%add3A_113] : memref<1048576xi32, #tpu.memory_space<vmem_shared>> -> memref<8192xi32, #tpu.memory_space<vmem_shared>>
      tpu.enqueue_dma source(%arg10 : memref<8192xi32, #tpu.memory_space<vmem>>) target(%dma_start3A_662 : memref<8192xi32, #tpu.memory_space<vmem_shared>>) target_semaphore(%run_scoped3A : memref<!tpu.dma_semaphore, #tpu.memory_space<semaphore_mem>>)
      %dma_wait3A_663 = tpu.memref_slice %arg12[%add3A_113] : memref<1048576xi32, #tpu.memory_space<vmem_shared>> -> memref<8192xi32, #tpu.memory_space<vmem_shared>>
      %dma_wait3A_664 = tpu.memref_slice %arg12[%add3A_113] : memref<1048576xi32, #tpu.memory_space<vmem_shared>> -> memref<8192xi32, #tpu.memory_space<vmem_shared>>
      tpu.wait_dma2 semaphore(%run_scoped3A : memref<!tpu.dma_semaphore, #tpu.memory_space<semaphore_mem>>) src(%arg10 : memref<8192xi32, #tpu.memory_space<vmem>>) dst(%dma_wait3A_664 : memref<8192xi32, #tpu.memory_space<vmem_shared>>)
      tpu.yield
    }) : () -> ()
    %barrier3A = arith.constant 0 : index
    tpu.barrier barrier_id(%barrier3A)
    %sub3A_114 = arith.constant 80 : i32
    %sub3A_115 = arith.constant 0 : i32
    %sub3A_116 = arith.subi %sub3A_114, %sub3A_115 : i32
    %sub3A_117 = arith.constant 1 : i32
    %sub3A_118 = arith.constant 1 : i32
    %sub3A_119 = arith.subi %sub3A_117, %sub3A_118 : i32
    %add3A_120 = arith.addi %sub3A_116, %sub3A_119 : i32
    %div3A_121 = arith.constant 1 : i32
    %div3A_122 = arith.divsi %add3A_120, %div3A_121 : i32
    %while3A_123 = arith.constant 1 : i32
    %while3A_124 = arith.constant 0 : i32
    %while3A_125 = arith.constant 0 : i32
    %while3A_126 = arith.subi %div3A_122, %while3A_125 : i32
    %while3A_127 = arith.addi %while3A_125, %while3A_126 : i32
    %while3A_128 = arith.constant 1 : i32
    %while3A_129 = arith.divsi %while3A_126, %while3A_128 : i32
    %while3A_130 = arith.muli %while3A_129, %while3A_128 : i32
    %while3A_131 = arith.addi %while3A_125, %while3A_130 : i32
    %while3A_132 = arith.constant 1 : i32
    scf.for %while3A_661 = %while3A_125 to %while3A_131 step %while3A_132  : i32 {
      %mul3A_662 = arith.muli %while3A_661, %while3A_123 : i32
      %add3A_663 = arith.addi %while3A_124, %mul3A_662 : i32
      %sub3A_664 = arith.constant 8 : i32
      %sub3A_665 = arith.constant 0 : i32
      %sub3A_666 = arith.subi %sub3A_664, %sub3A_665 : i32
      %sub3A_667 = arith.constant 1 : i32
      %sub3A_668 = arith.constant 1 : i32
      %sub3A_669 = arith.subi %sub3A_667, %sub3A_668 : i32
      %add3A_670 = arith.addi %sub3A_666, %sub3A_669 : i32
      %div3A_671 = arith.constant 1 : i32
      %div3A_672 = arith.divsi %add3A_670, %div3A_671 : i32
      %while3A_673 = arith.constant 1 : i32
      %while3A_674 = arith.constant 0 : i32
      %while3A_675 = arith.constant 0 : i32
      %while3A_676 = arith.subi %div3A_672, %while3A_675 : i32
      %while3A_677 = arith.addi %while3A_675, %while3A_676 : i32
      %while3A_678 = arith.constant 1 : i32
      %while3A_679 = arith.divsi %while3A_676, %while3A_678 : i32
      %while3A_680 = arith.muli %while3A_679, %while3A_678 : i32
      %while3A_681 = arith.addi %while3A_675, %while3A_680 : i32
      %while3A_682 = arith.constant 1 : i32
      scf.for %while3A_684 = %while3A_675 to %while3A_681 step %while3A_682  : i32 {
        %mul3A_685 = arith.muli %while3A_684, %while3A_673 : i32
        %add3A_686 = arith.addi %while3A_674, %mul3A_685 : i32
        %mul3A_687 = arith.constant 128 : i32
        %mul3A_688 = arith.muli %add3A_663, %mul3A_687 : i32
        %mul3A_689 = arith.constant 16 : i32
        %mul3A_690 = arith.muli %add3A_686, %mul3A_689 : i32
        %add3A_691 = arith.addi %mul3A_688, %mul3A_690 : i32
        %get3A = arith.index_cast %add3A_691 : i32 to index
        %get3A_692 = tpu.vector_load %arg7[%get3A] {strides = array<i32>} : memref<10240xi32, #tpu.memory_space<vmem>>, vector<16xi32>,
        %get3A_693 = vector.shape_cast %get3A_692 : vector<16xi32> to vector<16xi32>
        %bitcast3A = vector.bitcast %get3A_693 : vector<16xi32> to vector<16xi32>
        %and3A = arith.constant 65535 : i32
        %and3A_694 = vector.broadcast %and3A : i32 to vector<16xi32>
        %and3A_695 = arith.andi %bitcast3A, %and3A_694 : vector<16xi32>
        %shift_right_logical3A = arith.constant 16 : i32
        %shift_right_logical3A_696 = vector.broadcast %shift_right_logical3A : i32 to vector<16xi32>
        %shift_right_logical3A_697 = arith.shrui %bitcast3A, %shift_right_logical3A_696 : vector<16xi32>
        %mul3A_698 = arith.constant 39322 : i32
        %mul3A_699 = vector.broadcast %mul3A_698 : i32 to vector<16xi32>
        %mul3A_700 = arith.muli %and3A_695, %mul3A_699 : vector<16xi32>
        %mul3A_701 = arith.constant 6553 : i32
        %mul3A_702 = vector.broadcast %mul3A_701 : i32 to vector<16xi32>
        %mul3A_703 = arith.muli %and3A_695, %mul3A_702 : vector<16xi32>
        %mul3A_704 = arith.constant 39322 : i32
        %mul3A_705 = vector.broadcast %mul3A_704 : i32 to vector<16xi32>
        %mul3A_706 = arith.muli %shift_right_logical3A_697, %mul3A_705 : vector<16xi32>
        %mul3A_707 = arith.constant 6553 : i32
        %mul3A_708 = vector.broadcast %mul3A_707 : i32 to vector<16xi32>
        %mul3A_709 = arith.muli %shift_right_logical3A_697, %mul3A_708 : vector<16xi32>
        %shift_right_logical3A_710 = arith.constant 16 : i32
        %shift_right_logical3A_711 = vector.broadcast %shift_right_logical3A_710 : i32 to vector<16xi32>
        %shift_right_logical3A_712 = arith.shrui %mul3A_700, %shift_right_logical3A_711 : vector<16xi32>
        %and3A_713 = arith.constant 65535 : i32
        %and3A_714 = vector.broadcast %and3A_713 : i32 to vector<16xi32>
        %and3A_715 = arith.andi %mul3A_703, %and3A_714 : vector<16xi32>
        %add3A_716 = arith.addi %shift_right_logical3A_712, %and3A_715 : vector<16xi32>
        %and3A_717 = arith.constant 65535 : i32
        %and3A_718 = vector.broadcast %and3A_717 : i32 to vector<16xi32>
        %and3A_719 = arith.andi %mul3A_706, %and3A_718 : vector<16xi32>
        %add3A_720 = arith.addi %add3A_716, %and3A_719 : vector<16xi32>
        %shift_right_logical3A_721 = arith.constant 16 : i32
        %shift_right_logical3A_722 = vector.broadcast %shift_right_logical3A_721 : i32 to vector<16xi32>
        %shift_right_logical3A_723 = arith.shrui %mul3A_703, %shift_right_logical3A_722 : vector<16xi32>
        %add3A_724 = arith.addi %mul3A_709, %shift_right_logical3A_723 : vector<16xi32>
        %shift_right_logical3A_725 = arith.constant 16 : i32
        %shift_right_logical3A_726 = vector.broadcast %shift_right_logical3A_725 : i32 to vector<16xi32>
        %shift_right_logical3A_727 = arith.shrui %mul3A_706, %shift_right_logical3A_726 : vector<16xi32>
        %add3A_728 = arith.addi %add3A_724, %shift_right_logical3A_727 : vector<16xi32>
        %shift_right_logical3A_729 = arith.constant 16 : i32
        %shift_right_logical3A_730 = vector.broadcast %shift_right_logical3A_729 : i32 to vector<16xi32>
        %shift_right_logical3A_731 = arith.shrui %add3A_720, %shift_right_logical3A_730 : vector<16xi32>
        %add3A_732 = arith.addi %add3A_728, %shift_right_logical3A_731 : vector<16xi32>
        %shift_right_logical3A_733 = arith.constant 3 : i32
        %shift_right_logical3A_734 = vector.broadcast %shift_right_logical3A_733 : i32 to vector<16xi32>
        %shift_right_logical3A_735 = arith.shrui %add3A_732, %shift_right_logical3A_734 : vector<16xi32>
        %mul3A_736 = arith.constant 80 : i32
        %mul3A_737 = vector.broadcast %mul3A_736 : i32 to vector<16xi32>
        %mul3A_738 = arith.muli %shift_right_logical3A_735, %mul3A_737 : vector<16xi32>
        %sub3A_739 = arith.subi %bitcast3A, %mul3A_738 : vector<16xi32>
        %mul3A_740 = arith.constant 2135587861 : i32
        %mul3A_741 = vector.broadcast %mul3A_740 : i32 to vector<16xi32>
        %mul3A_742 = arith.muli %bitcast3A, %mul3A_741 : vector<16xi32>
        %and3A_743 = arith.constant 65535 : i32
        %and3A_744 = vector.broadcast %and3A_743 : i32 to vector<16xi32>
        %and3A_745 = arith.andi %bitcast3A, %and3A_744 : vector<16xi32>
        %shift_right_logical3A_746 = arith.constant 16 : i32
        %shift_right_logical3A_747 = vector.broadcast %shift_right_logical3A_746 : i32 to vector<16xi32>
        %shift_right_logical3A_748 = arith.shrui %bitcast3A, %shift_right_logical3A_747 : vector<16xi32>
        %mul3A_749 = arith.constant 31765 : i32
        %mul3A_750 = vector.broadcast %mul3A_749 : i32 to vector<16xi32>
        %mul3A_751 = arith.muli %and3A_745, %mul3A_750 : vector<16xi32>
        %mul3A_752 = arith.constant 32586 : i32
        %mul3A_753 = vector.broadcast %mul3A_752 : i32 to vector<16xi32>
        %mul3A_754 = arith.muli %and3A_745, %mul3A_753 : vector<16xi32>
        %mul3A_755 = arith.constant 31765 : i32
        %mul3A_756 = vector.broadcast %mul3A_755 : i32 to vector<16xi32>
        %mul3A_757 = arith.muli %shift_right_logical3A_748, %mul3A_756 : vector<16xi32>
        %mul3A_758 = arith.constant 32586 : i32
        %mul3A_759 = vector.broadcast %mul3A_758 : i32 to vector<16xi32>
        %mul3A_760 = arith.muli %shift_right_logical3A_748, %mul3A_759 : vector<16xi32>
        %shift_right_logical3A_761 = arith.constant 16 : i32
        %shift_right_logical3A_762 = vector.broadcast %shift_right_logical3A_761 : i32 to vector<16xi32>
        %shift_right_logical3A_763 = arith.shrui %mul3A_751, %shift_right_logical3A_762 : vector<16xi32>
        %and3A_764 = arith.constant 65535 : i32
        %and3A_765 = vector.broadcast %and3A_764 : i32 to vector<16xi32>
        %and3A_766 = arith.andi %mul3A_754, %and3A_765 : vector<16xi32>
        %add3A_767 = arith.addi %shift_right_logical3A_763, %and3A_766 : vector<16xi32>
        %and3A_768 = arith.constant 65535 : i32
        %and3A_769 = vector.broadcast %and3A_768 : i32 to vector<16xi32>
        %and3A_770 = arith.andi %mul3A_757, %and3A_769 : vector<16xi32>
        %add3A_771 = arith.addi %add3A_767, %and3A_770 : vector<16xi32>
        %shift_right_logical3A_772 = arith.constant 16 : i32
        %shift_right_logical3A_773 = vector.broadcast %shift_right_logical3A_772 : i32 to vector<16xi32>
        %shift_right_logical3A_774 = arith.shrui %mul3A_754, %shift_right_logical3A_773 : vector<16xi32>
        %add3A_775 = arith.addi %mul3A_760, %shift_right_logical3A_774 : vector<16xi32>
        %shift_right_logical3A_776 = arith.constant 16 : i32
        %shift_right_logical3A_777 = vector.broadcast %shift_right_logical3A_776 : i32 to vector<16xi32>
        %shift_right_logical3A_778 = arith.shrui %mul3A_757, %shift_right_logical3A_777 : vector<16xi32>
        %add3A_779 = arith.addi %add3A_775, %shift_right_logical3A_778 : vector<16xi32>
        %shift_right_logical3A_780 = arith.constant 16 : i32
        %shift_right_logical3A_781 = vector.broadcast %shift_right_logical3A_780 : i32 to vector<16xi32>
        %shift_right_logical3A_782 = arith.shrui %add3A_771, %shift_right_logical3A_781 : vector<16xi32>
        %add3A_783 = arith.addi %add3A_779, %shift_right_logical3A_782 : vector<16xi32>
        %mul3A_784 = arith.constant -1640531527 : i32
        %mul3A_785 = vector.broadcast %mul3A_784 : i32 to vector<16xi32>
        %mul3A_786 = arith.muli %bitcast3A, %mul3A_785 : vector<16xi32>
        %add3A_787 = arith.addi %add3A_783, %mul3A_786 : vector<16xi32>
        %shift_left3A = arith.constant 3 : i32
        %shift_left3A_788 = vector.broadcast %shift_left3A : i32 to vector<16xi32>
        %shift_left3A_789 = arith.shli %add3A_787, %shift_left3A_788 : vector<16xi32>
        %shift_right_logical3A_790 = arith.constant 29 : i32
        %shift_right_logical3A_791 = vector.broadcast %shift_right_logical3A_790 : i32 to vector<16xi32>
        %shift_right_logical3A_792 = arith.shrui %mul3A_742, %shift_right_logical3A_791 : vector<16xi32>
        %or3A = arith.ori %shift_left3A_789, %shift_right_logical3A_792 : vector<16xi32>
        %xor3A = arith.xori %mul3A_742, %or3A : vector<16xi32>
        %shift_right_logical3A_793 = arith.constant 29 : i32
        %shift_right_logical3A_794 = vector.broadcast %shift_right_logical3A_793 : i32 to vector<16xi32>
        %shift_right_logical3A_795 = arith.shrui %add3A_787, %shift_right_logical3A_794 : vector<16xi32>
        %xor3A_796 = arith.xori %add3A_787, %shift_right_logical3A_795 : vector<16xi32>
        %mul3A_797 = arith.constant 484763065 : i32
        %mul3A_798 = vector.broadcast %mul3A_797 : i32 to vector<16xi32>
        %mul3A_799 = arith.muli %xor3A, %mul3A_798 : vector<16xi32>
        %and3A_800 = arith.constant 65535 : i32
        %and3A_801 = vector.broadcast %and3A_800 : i32 to vector<16xi32>
        %and3A_802 = arith.andi %xor3A, %and3A_801 : vector<16xi32>
        %shift_right_logical3A_803 = arith.constant 16 : i32
        %shift_right_logical3A_804 = vector.broadcast %shift_right_logical3A_803 : i32 to vector<16xi32>
        %shift_right_logical3A_805 = arith.shrui %xor3A, %shift_right_logical3A_804 : vector<16xi32>
        %mul3A_806 = arith.constant 58809 : i32
        %mul3A_807 = vector.broadcast %mul3A_806 : i32 to vector<16xi32>
        %mul3A_808 = arith.muli %and3A_802, %mul3A_807 : vector<16xi32>
        %mul3A_809 = arith.constant 7396 : i32
        %mul3A_810 = vector.broadcast %mul3A_809 : i32 to vector<16xi32>
        %mul3A_811 = arith.muli %and3A_802, %mul3A_810 : vector<16xi32>
        %mul3A_812 = arith.constant 58809 : i32
        %mul3A_813 = vector.broadcast %mul3A_812 : i32 to vector<16xi32>
        %mul3A_814 = arith.muli %shift_right_logical3A_805, %mul3A_813 : vector<16xi32>
        %mul3A_815 = arith.constant 7396 : i32
        %mul3A_816 = vector.broadcast %mul3A_815 : i32 to vector<16xi32>
        %mul3A_817 = arith.muli %shift_right_logical3A_805, %mul3A_816 : vector<16xi32>
        %shift_right_logical3A_818 = arith.constant 16 : i32
        %shift_right_logical3A_819 = vector.broadcast %shift_right_logical3A_818 : i32 to vector<16xi32>
        %shift_right_logical3A_820 = arith.shrui %mul3A_808, %shift_right_logical3A_819 : vector<16xi32>
        %and3A_821 = arith.constant 65535 : i32
        %and3A_822 = vector.broadcast %and3A_821 : i32 to vector<16xi32>
        %and3A_823 = arith.andi %mul3A_811, %and3A_822 : vector<16xi32>
        %add3A_824 = arith.addi %shift_right_logical3A_820, %and3A_823 : vector<16xi32>
        %and3A_825 = arith.constant 65535 : i32
        %and3A_826 = vector.broadcast %and3A_825 : i32 to vector<16xi32>
        %and3A_827 = arith.andi %mul3A_814, %and3A_826 : vector<16xi32>
        %add3A_828 = arith.addi %add3A_824, %and3A_827 : vector<16xi32>
        %shift_right_logical3A_829 = arith.constant 16 : i32
        %shift_right_logical3A_830 = vector.broadcast %shift_right_logical3A_829 : i32 to vector<16xi32>
        %shift_right_logical3A_831 = arith.shrui %mul3A_811, %shift_right_logical3A_830 : vector<16xi32>
        %add3A_832 = arith.addi %mul3A_817, %shift_right_logical3A_831 : vector<16xi32>
        %shift_right_logical3A_833 = arith.constant 16 : i32
        %shift_right_logical3A_834 = vector.broadcast %shift_right_logical3A_833 : i32 to vector<16xi32>
        %shift_right_logical3A_835 = arith.shrui %mul3A_814, %shift_right_logical3A_834 : vector<16xi32>
        %add3A_836 = arith.addi %add3A_832, %shift_right_logical3A_835 : vector<16xi32>
        %shift_right_logical3A_837 = arith.constant 16 : i32
        %shift_right_logical3A_838 = vector.broadcast %shift_right_logical3A_837 : i32 to vector<16xi32>
        %shift_right_logical3A_839 = arith.shrui %add3A_828, %shift_right_logical3A_838 : vector<16xi32>
        %add3A_840 = arith.addi %add3A_836, %shift_right_logical3A_839 : vector<16xi32>
        %mul3A_841 = arith.constant -1084733587 : i32
        %mul3A_842 = vector.broadcast %mul3A_841 : i32 to vector<16xi32>
        %mul3A_843 = arith.muli %xor3A, %mul3A_842 : vector<16xi32>
        %add3A_844 = arith.addi %add3A_840, %mul3A_843 : vector<16xi32>
        %mul3A_845 = arith.constant 484763065 : i32
        %mul3A_846 = vector.broadcast %mul3A_845 : i32 to vector<16xi32>
        %mul3A_847 = arith.muli %xor3A_796, %mul3A_846 : vector<16xi32>
        %add3A_848 = arith.addi %add3A_844, %mul3A_847 : vector<16xi32>
        %xor3A_849 = arith.xori %mul3A_799, %add3A_848 : vector<16xi32>
        %shift_right_logical3A_850 = arith.constant 2 : i32
        %shift_right_logical3A_851 = vector.broadcast %shift_right_logical3A_850 : i32 to vector<16xi32>
        %shift_right_logical3A_852 = arith.shrui %add3A_848, %shift_right_logical3A_851 : vector<16xi32>
        %and3A_853 = arith.constant 65535 : i32
        %and3A_854 = vector.broadcast %and3A_853 : i32 to vector<16xi32>
        %and3A_855 = arith.andi %shift_right_logical3A_852, %and3A_854 : vector<16xi32>
        %shift_right_logical3A_856 = arith.constant 16 : i32
        %shift_right_logical3A_857 = vector.broadcast %shift_right_logical3A_856 : i32 to vector<16xi32>
        %shift_right_logical3A_858 = arith.shrui %shift_right_logical3A_852, %shift_right_logical3A_857 : vector<16xi32>
        %mul3A_859 = arith.constant 54820 : i32
        %mul3A_860 = vector.broadcast %mul3A_859 : i32 to vector<16xi32>
        %mul3A_861 = arith.muli %and3A_855, %mul3A_860 : vector<16xi32>
        %mul3A_862 = arith.constant 21474 : i32
        %mul3A_863 = vector.broadcast %mul3A_862 : i32 to vector<16xi32>
        %mul3A_864 = arith.muli %and3A_855, %mul3A_863 : vector<16xi32>
        %mul3A_865 = arith.constant 54820 : i32
        %mul3A_866 = vector.broadcast %mul3A_865 : i32 to vector<16xi32>
        %mul3A_867 = arith.muli %shift_right_logical3A_858, %mul3A_866 : vector<16xi32>
        %mul3A_868 = arith.constant 21474 : i32
        %mul3A_869 = vector.broadcast %mul3A_868 : i32 to vector<16xi32>
        %mul3A_870 = arith.muli %shift_right_logical3A_858, %mul3A_869 : vector<16xi32>
        %shift_right_logical3A_871 = arith.constant 16 : i32
        %shift_right_logical3A_872 = vector.broadcast %shift_right_logical3A_871 : i32 to vector<16xi32>
        %shift_right_logical3A_873 = arith.shrui %mul3A_861, %shift_right_logical3A_872 : vector<16xi32>
        %and3A_874 = arith.constant 65535 : i32
        %and3A_875 = vector.broadcast %and3A_874 : i32 to vector<16xi32>
        %and3A_876 = arith.andi %mul3A_864, %and3A_875 : vector<16xi32>
        %add3A_877 = arith.addi %shift_right_logical3A_873, %and3A_876 : vector<16xi32>
        %and3A_878 = arith.constant 65535 : i32
        %and3A_879 = vector.broadcast %and3A_878 : i32 to vector<16xi32>
        %and3A_880 = arith.andi %mul3A_867, %and3A_879 : vector<16xi32>
        %add3A_881 = arith.addi %add3A_877, %and3A_880 : vector<16xi32>
        %shift_right_logical3A_882 = arith.constant 16 : i32
        %shift_right_logical3A_883 = vector.broadcast %shift_right_logical3A_882 : i32 to vector<16xi32>
        %shift_right_logical3A_884 = arith.shrui %mul3A_864, %shift_right_logical3A_883 : vector<16xi32>
        %add3A_885 = arith.addi %mul3A_870, %shift_right_logical3A_884 : vector<16xi32>
        %shift_right_logical3A_886 = arith.constant 16 : i32
        %shift_right_logical3A_887 = vector.broadcast %shift_right_logical3A_886 : i32 to vector<16xi32>
        %shift_right_logical3A_888 = arith.shrui %mul3A_867, %shift_right_logical3A_887 : vector<16xi32>
        %add3A_889 = arith.addi %add3A_885, %shift_right_logical3A_888 : vector<16xi32>
        %shift_right_logical3A_890 = arith.constant 16 : i32
        %shift_right_logical3A_891 = vector.broadcast %shift_right_logical3A_890 : i32 to vector<16xi32>
        %shift_right_logical3A_892 = arith.shrui %add3A_881, %shift_right_logical3A_891 : vector<16xi32>
        %add3A_893 = arith.addi %add3A_889, %shift_right_logical3A_892 : vector<16xi32>
        %shift_right_logical3A_894 = arith.constant 10 : i32
        %shift_right_logical3A_895 = vector.broadcast %shift_right_logical3A_894 : i32 to vector<16xi32>
        %shift_right_logical3A_896 = arith.shrui %add3A_893, %shift_right_logical3A_895 : vector<16xi32>
        %mul3A_897 = arith.constant 12500 : i32
        %mul3A_898 = vector.broadcast %mul3A_897 : i32 to vector<16xi32>
        %mul3A_899 = arith.muli %shift_right_logical3A_896, %mul3A_898 : vector<16xi32>
        %sub3A_900 = arith.subi %add3A_848, %mul3A_899 : vector<16xi32>
        %mul3A_901 = arith.constant 4796 : i32
        %mul3A_902 = vector.broadcast %mul3A_901 : i32 to vector<16xi32>
        %mul3A_903 = arith.muli %sub3A_900, %mul3A_902 : vector<16xi32>
        %shift_right_logical3A_904 = arith.constant 2 : i32
        %shift_right_logical3A_905 = vector.broadcast %shift_right_logical3A_904 : i32 to vector<16xi32>
        %shift_right_logical3A_906 = arith.shrui %xor3A_849, %shift_right_logical3A_905 : vector<16xi32>
        %and3A_907 = arith.constant 65535 : i32
        %and3A_908 = vector.broadcast %and3A_907 : i32 to vector<16xi32>
        %and3A_909 = arith.andi %shift_right_logical3A_906, %and3A_908 : vector<16xi32>
        %shift_right_logical3A_910 = arith.constant 16 : i32
        %shift_right_logical3A_911 = vector.broadcast %shift_right_logical3A_910 : i32 to vector<16xi32>
        %shift_right_logical3A_912 = arith.shrui %shift_right_logical3A_906, %shift_right_logical3A_911 : vector<16xi32>
        %mul3A_913 = arith.constant 54820 : i32
        %mul3A_914 = vector.broadcast %mul3A_913 : i32 to vector<16xi32>
        %mul3A_915 = arith.muli %and3A_909, %mul3A_914 : vector<16xi32>
        %mul3A_916 = arith.constant 21474 : i32
        %mul3A_917 = vector.broadcast %mul3A_916 : i32 to vector<16xi32>
        %mul3A_918 = arith.muli %and3A_909, %mul3A_917 : vector<16xi32>
        %mul3A_919 = arith.constant 54820 : i32
        %mul3A_920 = vector.broadcast %mul3A_919 : i32 to vector<16xi32>
        %mul3A_921 = arith.muli %shift_right_logical3A_912, %mul3A_920 : vector<16xi32>
        %mul3A_922 = arith.constant 21474 : i32
        %mul3A_923 = vector.broadcast %mul3A_922 : i32 to vector<16xi32>
        %mul3A_924 = arith.muli %shift_right_logical3A_912, %mul3A_923 : vector<16xi32>
        %shift_right_logical3A_925 = arith.constant 16 : i32
        %shift_right_logical3A_926 = vector.broadcast %shift_right_logical3A_925 : i32 to vector<16xi32>
        %shift_right_logical3A_927 = arith.shrui %mul3A_915, %shift_right_logical3A_926 : vector<16xi32>
        %and3A_928 = arith.constant 65535 : i32
        %and3A_929 = vector.broadcast %and3A_928 : i32 to vector<16xi32>
        %and3A_930 = arith.andi %mul3A_918, %and3A_929 : vector<16xi32>
        %add3A_931 = arith.addi %shift_right_logical3A_927, %and3A_930 : vector<16xi32>
        %and3A_932 = arith.constant 65535 : i32
        %and3A_933 = vector.broadcast %and3A_932 : i32 to vector<16xi32>
        %and3A_934 = arith.andi %mul3A_921, %and3A_933 : vector<16xi32>
        %add3A_935 = arith.addi %add3A_931, %and3A_934 : vector<16xi32>
        %shift_right_logical3A_936 = arith.constant 16 : i32
        %shift_right_logical3A_937 = vector.broadcast %shift_right_logical3A_936 : i32 to vector<16xi32>
        %shift_right_logical3A_938 = arith.shrui %mul3A_918, %shift_right_logical3A_937 : vector<16xi32>
        %add3A_939 = arith.addi %mul3A_924, %shift_right_logical3A_938 : vector<16xi32>
        %shift_right_logical3A_940 = arith.constant 16 : i32
        %shift_right_logical3A_941 = vector.broadcast %shift_right_logical3A_940 : i32 to vector<16xi32>
        %shift_right_logical3A_942 = arith.shrui %mul3A_921, %shift_right_logical3A_941 : vector<16xi32>
        %add3A_943 = arith.addi %add3A_939, %shift_right_logical3A_942 : vector<16xi32>
        %shift_right_logical3A_944 = arith.constant 16 : i32
        %shift_right_logical3A_945 = vector.broadcast %shift_right_logical3A_944 : i32 to vector<16xi32>
        %shift_right_logical3A_946 = arith.shrui %add3A_935, %shift_right_logical3A_945 : vector<16xi32>
        %add3A_947 = arith.addi %add3A_943, %shift_right_logical3A_946 : vector<16xi32>
        %shift_right_logical3A_948 = arith.constant 10 : i32
        %shift_right_logical3A_949 = vector.broadcast %shift_right_logical3A_948 : i32 to vector<16xi32>
        %shift_right_logical3A_950 = arith.shrui %add3A_947, %shift_right_logical3A_949 : vector<16xi32>
        %mul3A_951 = arith.constant 12500 : i32
        %mul3A_952 = vector.broadcast %mul3A_951 : i32 to vector<16xi32>
        %mul3A_953 = arith.muli %shift_right_logical3A_950, %mul3A_952 : vector<16xi32>
        %sub3A_954 = arith.subi %xor3A_849, %mul3A_953 : vector<16xi32>
        %add3A_955 = arith.addi %mul3A_903, %sub3A_954 : vector<16xi32>
        %shift_right_logical3A_956 = arith.constant 2 : i32
        %shift_right_logical3A_957 = vector.broadcast %shift_right_logical3A_956 : i32 to vector<16xi32>
        %shift_right_logical3A_958 = arith.shrui %add3A_955, %shift_right_logical3A_957 : vector<16xi32>
        %and3A_959 = arith.constant 65535 : i32
        %and3A_960 = vector.broadcast %and3A_959 : i32 to vector<16xi32>
        %and3A_961 = arith.andi %shift_right_logical3A_958, %and3A_960 : vector<16xi32>
        %shift_right_logical3A_962 = arith.constant 16 : i32
        %shift_right_logical3A_963 = vector.broadcast %shift_right_logical3A_962 : i32 to vector<16xi32>
        %shift_right_logical3A_964 = arith.shrui %shift_right_logical3A_958, %shift_right_logical3A_963 : vector<16xi32>
        %mul3A_965 = arith.constant 54820 : i32
        %mul3A_966 = vector.broadcast %mul3A_965 : i32 to vector<16xi32>
        %mul3A_967 = arith.muli %and3A_961, %mul3A_966 : vector<16xi32>
        %mul3A_968 = arith.constant 21474 : i32
        %mul3A_969 = vector.broadcast %mul3A_968 : i32 to vector<16xi32>
        %mul3A_970 = arith.muli %and3A_961, %mul3A_969 : vector<16xi32>
        %mul3A_971 = arith.constant 54820 : i32
        %mul3A_972 = vector.broadcast %mul3A_971 : i32 to vector<16xi32>
        %mul3A_973 = arith.muli %shift_right_logical3A_964, %mul3A_972 : vector<16xi32>
        %mul3A_974 = arith.constant 21474 : i32
        %mul3A_975 = vector.broadcast %mul3A_974 : i32 to vector<16xi32>
        %mul3A_976 = arith.muli %shift_right_logical3A_964, %mul3A_975 : vector<16xi32>
        %shift_right_logical3A_977 = arith.constant 16 : i32
        %shift_right_logical3A_978 = vector.broadcast %shift_right_logical3A_977 : i32 to vector<16xi32>
        %shift_right_logical3A_979 = arith.shrui %mul3A_967, %shift_right_logical3A_978 : vector<16xi32>
        %and3A_980 = arith.constant 65535 : i32
        %and3A_981 = vector.broadcast %and3A_980 : i32 to vector<16xi32>
        %and3A_982 = arith.andi %mul3A_970, %and3A_981 : vector<16xi32>
        %add3A_983 = arith.addi %shift_right_logical3A_979, %and3A_982 : vector<16xi32>
        %and3A_984 = arith.constant 65535 : i32
        %and3A_985 = vector.broadcast %and3A_984 : i32 to vector<16xi32>
        %and3A_986 = arith.andi %mul3A_973, %and3A_985 : vector<16xi32>
        %add3A_987 = arith.addi %add3A_983, %and3A_986 : vector<16xi32>
        %shift_right_logical3A_988 = arith.constant 16 : i32
        %shift_right_logical3A_989 = vector.broadcast %shift_right_logical3A_988 : i32 to vector<16xi32>
        %shift_right_logical3A_990 = arith.shrui %mul3A_970, %shift_right_logical3A_989 : vector<16xi32>
        %add3A_991 = arith.addi %mul3A_976, %shift_right_logical3A_990 : vector<16xi32>
        %shift_right_logical3A_992 = arith.constant 16 : i32
        %shift_right_logical3A_993 = vector.broadcast %shift_right_logical3A_992 : i32 to vector<16xi32>
        %shift_right_logical3A_994 = arith.shrui %mul3A_973, %shift_right_logical3A_993 : vector<16xi32>
        %add3A_995 = arith.addi %add3A_991, %shift_right_logical3A_994 : vector<16xi32>
        %shift_right_logical3A_996 = arith.constant 16 : i32
        %shift_right_logical3A_997 = vector.broadcast %shift_right_logical3A_996 : i32 to vector<16xi32>
        %shift_right_logical3A_998 = arith.shrui %add3A_987, %shift_right_logical3A_997 : vector<16xi32>
        %add3A_999 = arith.addi %add3A_995, %shift_right_logical3A_998 : vector<16xi32>
        %shift_right_logical3A_1000 = arith.constant 10 : i32
        %shift_right_logical3A_1001 = vector.broadcast %shift_right_logical3A_1000 : i32 to vector<16xi32>
        %shift_right_logical3A_1002 = arith.shrui %add3A_999, %shift_right_logical3A_1001 : vector<16xi32>
        %mul3A_1003 = arith.constant 12500 : i32
        %mul3A_1004 = vector.broadcast %mul3A_1003 : i32 to vector<16xi32>
        %mul3A_1005 = arith.muli %shift_right_logical3A_1002, %mul3A_1004 : vector<16xi32>
        %sub3A_1006 = arith.subi %add3A_955, %mul3A_1005 : vector<16xi32>
        %mul3A_1007 = arith.constant 12500 : i32
        %mul3A_1008 = vector.broadcast %mul3A_1007 : i32 to vector<16xi32>
        %mul3A_1009 = arith.muli %sub3A_739, %mul3A_1008 : vector<16xi32>
        %add3A_1010 = arith.addi %mul3A_1009, %sub3A_1006 : vector<16xi32>
        %bitcast3A_1011 = vector.bitcast %add3A_1010 : vector<16xi32> to vector<16xi32>
        %mul3A_1012 = arith.constant 16 : i32
        %mul3A_1013 = arith.muli %add3A_686, %mul3A_1012 : i32
        %swap3A_1014 = arith.constant 0 : i32
        %swap3A_1015 = tpu.memref_slice %arg8[%add3A_663, %swap3A_1014] : memref<80x128xi32, #tpu.memory_space<vmem>> -> memref<1x128xi32, #tpu.memory_space<vmem>>
        %swap3A_1016 = tpu.memref_squeeze %swap3A_1015 : memref<1x128xi32, #tpu.memory_space<vmem>> -> memref<128xi32, #tpu.memory_space<vmem>>
        %swap3A_1017 = arith.index_cast %mul3A_1013 : i32 to index
        %swap3A_1018 = tpu.vector_load %swap3A_1016[%swap3A_1017] {strides = array<i32>} : memref<128xi32, #tpu.memory_space<vmem>>, vector<16xi32>,
        %swap3A_1019 = vector.shape_cast %swap3A_1018 : vector<16xi32> to vector<16xi32>
        %swap3A_1020 = vector.shape_cast %bitcast3A_1011 : vector<16xi32> to vector<16xi32>
        tpu.vector_store %swap3A_1016[%swap3A_1017], %swap3A_1020 {strides = array<i32>} : memref<128xi32, #tpu.memory_space<vmem>>, vector<16xi32>,
      }
      %while3A_683 = arith.constant 1 : i32
      scf.for %while3A_684 = %while3A_681 to %while3A_677 step %while3A_683  : i32 {
        %mul3A_685 = arith.muli %while3A_684, %while3A_673 : i32
        %add3A_686 = arith.addi %while3A_674, %mul3A_685 : i32
        %mul3A_687 = arith.constant 128 : i32
        %mul3A_688 = arith.muli %add3A_663, %mul3A_687 : i32
        %mul3A_689 = arith.constant 16 : i32
        %mul3A_690 = arith.muli %add3A_686, %mul3A_689 : i32
        %add3A_691 = arith.addi %mul3A_688, %mul3A_690 : i32
        %get3A = arith.index_cast %add3A_691 : i32 to index
        %get3A_692 = tpu.vector_load %arg7[%get3A] {strides = array<i32>} : memref<10240xi32, #tpu.memory_space<vmem>>, vector<16xi32>,
        %get3A_693 = vector.shape_cast %get3A_692 : vector<16xi32> to vector<16xi32>
        %bitcast3A = vector.bitcast %get3A_693 : vector<16xi32> to vector<16xi32>
        %and3A = arith.constant 65535 : i32
        %and3A_694 = vector.broadcast %and3A : i32 to vector<16xi32>
        %and3A_695 = arith.andi %bitcast3A, %and3A_694 : vector<16xi32>
        %shift_right_logical3A = arith.constant 16 : i32
        %shift_right_logical3A_696 = vector.broadcast %shift_right_logical3A : i32 to vector<16xi32>
        %shift_right_logical3A_697 = arith.shrui %bitcast3A, %shift_right_logical3A_696 : vector<16xi32>
        %mul3A_698 = arith.constant 39322 : i32
        %mul3A_699 = vector.broadcast %mul3A_698 : i32 to vector<16xi32>
        %mul3A_700 = arith.muli %and3A_695, %mul3A_699 : vector<16xi32>
        %mul3A_701 = arith.constant 6553 : i32
        %mul3A_702 = vector.broadcast %mul3A_701 : i32 to vector<16xi32>
        %mul3A_703 = arith.muli %and3A_695, %mul3A_702 : vector<16xi32>
        %mul3A_704 = arith.constant 39322 : i32
        %mul3A_705 = vector.broadcast %mul3A_704 : i32 to vector<16xi32>
        %mul3A_706 = arith.muli %shift_right_logical3A_697, %mul3A_705 : vector<16xi32>
        %mul3A_707 = arith.constant 6553 : i32
        %mul3A_708 = vector.broadcast %mul3A_707 : i32 to vector<16xi32>
        %mul3A_709 = arith.muli %shift_right_logical3A_697, %mul3A_708 : vector<16xi32>
        %shift_right_logical3A_710 = arith.constant 16 : i32
        %shift_right_logical3A_711 = vector.broadcast %shift_right_logical3A_710 : i32 to vector<16xi32>
        %shift_right_logical3A_712 = arith.shrui %mul3A_700, %shift_right_logical3A_711 : vector<16xi32>
        %and3A_713 = arith.constant 65535 : i32
        %and3A_714 = vector.broadcast %and3A_713 : i32 to vector<16xi32>
        %and3A_715 = arith.andi %mul3A_703, %and3A_714 : vector<16xi32>
        %add3A_716 = arith.addi %shift_right_logical3A_712, %and3A_715 : vector<16xi32>
        %and3A_717 = arith.constant 65535 : i32
        %and3A_718 = vector.broadcast %and3A_717 : i32 to vector<16xi32>
        %and3A_719 = arith.andi %mul3A_706, %and3A_718 : vector<16xi32>
        %add3A_720 = arith.addi %add3A_716, %and3A_719 : vector<16xi32>
        %shift_right_logical3A_721 = arith.constant 16 : i32
        %shift_right_logical3A_722 = vector.broadcast %shift_right_logical3A_721 : i32 to vector<16xi32>
        %shift_right_logical3A_723 = arith.shrui %mul3A_703, %shift_right_logical3A_722 : vector<16xi32>
        %add3A_724 = arith.addi %mul3A_709, %shift_right_logical3A_723 : vector<16xi32>
        %shift_right_logical3A_725 = arith.constant 16 : i32
        %shift_right_logical3A_726 = vector.broadcast %shift_right_logical3A_725 : i32 to vector<16xi32>
        %shift_right_logical3A_727 = arith.shrui %mul3A_706, %shift_right_logical3A_726 : vector<16xi32>
        %add3A_728 = arith.addi %add3A_724, %shift_right_logical3A_727 : vector<16xi32>
        %shift_right_logical3A_729 = arith.constant 16 : i32
        %shift_right_logical3A_730 = vector.broadcast %shift_right_logical3A_729 : i32 to vector<16xi32>
        %shift_right_logical3A_731 = arith.shrui %add3A_720, %shift_right_logical3A_730 : vector<16xi32>
        %add3A_732 = arith.addi %add3A_728, %shift_right_logical3A_731 : vector<16xi32>
        %shift_right_logical3A_733 = arith.constant 3 : i32
        %shift_right_logical3A_734 = vector.broadcast %shift_right_logical3A_733 : i32 to vector<16xi32>
        %shift_right_logical3A_735 = arith.shrui %add3A_732, %shift_right_logical3A_734 : vector<16xi32>
        %mul3A_736 = arith.constant 80 : i32
        %mul3A_737 = vector.broadcast %mul3A_736 : i32 to vector<16xi32>
        %mul3A_738 = arith.muli %shift_right_logical3A_735, %mul3A_737 : vector<16xi32>
        %sub3A_739 = arith.subi %bitcast3A, %mul3A_738 : vector<16xi32>
        %mul3A_740 = arith.constant 2135587861 : i32
        %mul3A_741 = vector.broadcast %mul3A_740 : i32 to vector<16xi32>
        %mul3A_742 = arith.muli %bitcast3A, %mul3A_741 : vector<16xi32>
        %and3A_743 = arith.constant 65535 : i32
        %and3A_744 = vector.broadcast %and3A_743 : i32 to vector<16xi32>
        %and3A_745 = arith.andi %bitcast3A, %and3A_744 : vector<16xi32>
        %shift_right_logical3A_746 = arith.constant 16 : i32
        %shift_right_logical3A_747 = vector.broadcast %shift_right_logical3A_746 : i32 to vector<16xi32>
        %shift_right_logical3A_748 = arith.shrui %bitcast3A, %shift_right_logical3A_747 : vector<16xi32>
        %mul3A_749 = arith.constant 31765 : i32
        %mul3A_750 = vector.broadcast %mul3A_749 : i32 to vector<16xi32>
        %mul3A_751 = arith.muli %and3A_745, %mul3A_750 : vector<16xi32>
        %mul3A_752 = arith.constant 32586 : i32
        %mul3A_753 = vector.broadcast %mul3A_752 : i32 to vector<16xi32>
        %mul3A_754 = arith.muli %and3A_745, %mul3A_753 : vector<16xi32>
        %mul3A_755 = arith.constant 31765 : i32
        %mul3A_756 = vector.broadcast %mul3A_755 : i32 to vector<16xi32>
        %mul3A_757 = arith.muli %shift_right_logical3A_748, %mul3A_756 : vector<16xi32>
        %mul3A_758 = arith.constant 32586 : i32
        %mul3A_759 = vector.broadcast %mul3A_758 : i32 to vector<16xi32>
        %mul3A_760 = arith.muli %shift_right_logical3A_748, %mul3A_759 : vector<16xi32>
        %shift_right_logical3A_761 = arith.constant 16 : i32
        %shift_right_logical3A_762 = vector.broadcast %shift_right_logical3A_761 : i32 to vector<16xi32>
        %shift_right_logical3A_763 = arith.shrui %mul3A_751, %shift_right_logical3A_762 : vector<16xi32>
        %and3A_764 = arith.constant 65535 : i32
        %and3A_765 = vector.broadcast %and3A_764 : i32 to vector<16xi32>
        %and3A_766 = arith.andi %mul3A_754, %and3A_765 : vector<16xi32>
        %add3A_767 = arith.addi %shift_right_logical3A_763, %and3A_766 : vector<16xi32>
        %and3A_768 = arith.constant 65535 : i32
        %and3A_769 = vector.broadcast %and3A_768 : i32 to vector<16xi32>
        %and3A_770 = arith.andi %mul3A_757, %and3A_769 : vector<16xi32>
        %add3A_771 = arith.addi %add3A_767, %and3A_770 : vector<16xi32>
        %shift_right_logical3A_772 = arith.constant 16 : i32
        %shift_right_logical3A_773 = vector.broadcast %shift_right_logical3A_772 : i32 to vector<16xi32>
        %shift_right_logical3A_774 = arith.shrui %mul3A_754, %shift_right_logical3A_773 : vector<16xi32>
        %add3A_775 = arith.addi %mul3A_760, %shift_right_logical3A_774 : vector<16xi32>
        %shift_right_logical3A_776 = arith.constant 16 : i32
        %shift_right_logical3A_777 = vector.broadcast %shift_right_logical3A_776 : i32 to vector<16xi32>
        %shift_right_logical3A_778 = arith.shrui %mul3A_757, %shift_right_logical3A_777 : vector<16xi32>
        %add3A_779 = arith.addi %add3A_775, %shift_right_logical3A_778 : vector<16xi32>
        %shift_right_logical3A_780 = arith.constant 16 : i32
        %shift_right_logical3A_781 = vector.broadcast %shift_right_logical3A_780 : i32 to vector<16xi32>
        %shift_right_logical3A_782 = arith.shrui %add3A_771, %shift_right_logical3A_781 : vector<16xi32>
        %add3A_783 = arith.addi %add3A_779, %shift_right_logical3A_782 : vector<16xi32>
        %mul3A_784 = arith.constant -1640531527 : i32
        %mul3A_785 = vector.broadcast %mul3A_784 : i32 to vector<16xi32>
        %mul3A_786 = arith.muli %bitcast3A, %mul3A_785 : vector<16xi32>
        %add3A_787 = arith.addi %add3A_783, %mul3A_786 : vector<16xi32>
        %shift_left3A = arith.constant 3 : i32
        %shift_left3A_788 = vector.broadcast %shift_left3A : i32 to vector<16xi32>
        %shift_left3A_789 = arith.shli %add3A_787, %shift_left3A_788 : vector<16xi32>
        %shift_right_logical3A_790 = arith.constant 29 : i32
        %shift_right_logical3A_791 = vector.broadcast %shift_right_logical3A_790 : i32 to vector<16xi32>
        %shift_right_logical3A_792 = arith.shrui %mul3A_742, %shift_right_logical3A_791 : vector<16xi32>
        %or3A = arith.ori %shift_left3A_789, %shift_right_logical3A_792 : vector<16xi32>
        %xor3A = arith.xori %mul3A_742, %or3A : vector<16xi32>
        %shift_right_logical3A_793 = arith.constant 29 : i32
        %shift_right_logical3A_794 = vector.broadcast %shift_right_logical3A_793 : i32 to vector<16xi32>
        %shift_right_logical3A_795 = arith.shrui %add3A_787, %shift_right_logical3A_794 : vector<16xi32>
        %xor3A_796 = arith.xori %add3A_787, %shift_right_logical3A_795 : vector<16xi32>
        %mul3A_797 = arith.constant 484763065 : i32
        %mul3A_798 = vector.broadcast %mul3A_797 : i32 to vector<16xi32>
        %mul3A_799 = arith.muli %xor3A, %mul3A_798 : vector<16xi32>
        %and3A_800 = arith.constant 65535 : i32
        %and3A_801 = vector.broadcast %and3A_800 : i32 to vector<16xi32>
        %and3A_802 = arith.andi %xor3A, %and3A_801 : vector<16xi32>
        %shift_right_logical3A_803 = arith.constant 16 : i32
        %shift_right_logical3A_804 = vector.broadcast %shift_right_logical3A_803 : i32 to vector<16xi32>
        %shift_right_logical3A_805 = arith.shrui %xor3A, %shift_right_logical3A_804 : vector<16xi32>
        %mul3A_806 = arith.constant 58809 : i32
        %mul3A_807 = vector.broadcast %mul3A_806 : i32 to vector<16xi32>
        %mul3A_808 = arith.muli %and3A_802, %mul3A_807 : vector<16xi32>
        %mul3A_809 = arith.constant 7396 : i32
        %mul3A_810 = vector.broadcast %mul3A_809 : i32 to vector<16xi32>
        %mul3A_811 = arith.muli %and3A_802, %mul3A_810 : vector<16xi32>
        %mul3A_812 = arith.constant 58809 : i32
        %mul3A_813 = vector.broadcast %mul3A_812 : i32 to vector<16xi32>
        %mul3A_814 = arith.muli %shift_right_logical3A_805, %mul3A_813 : vector<16xi32>
        %mul3A_815 = arith.constant 7396 : i32
        %mul3A_816 = vector.broadcast %mul3A_815 : i32 to vector<16xi32>
        %mul3A_817 = arith.muli %shift_right_logical3A_805, %mul3A_816 : vector<16xi32>
        %shift_right_logical3A_818 = arith.constant 16 : i32
        %shift_right_logical3A_819 = vector.broadcast %shift_right_logical3A_818 : i32 to vector<16xi32>
        %shift_right_logical3A_820 = arith.shrui %mul3A_808, %shift_right_logical3A_819 : vector<16xi32>
        %and3A_821 = arith.constant 65535 : i32
        %and3A_822 = vector.broadcast %and3A_821 : i32 to vector<16xi32>
        %and3A_823 = arith.andi %mul3A_811, %and3A_822 : vector<16xi32>
        %add3A_824 = arith.addi %shift_right_logical3A_820, %and3A_823 : vector<16xi32>
        %and3A_825 = arith.constant 65535 : i32
        %and3A_826 = vector.broadcast %and3A_825 : i32 to vector<16xi32>
        %and3A_827 = arith.andi %mul3A_814, %and3A_826 : vector<16xi32>
        %add3A_828 = arith.addi %add3A_824, %and3A_827 : vector<16xi32>
        %shift_right_logical3A_829 = arith.constant 16 : i32
        %shift_right_logical3A_830 = vector.broadcast %shift_right_logical3A_829 : i32 to vector<16xi32>
        %shift_right_logical3A_831 = arith.shrui %mul3A_811, %shift_right_logical3A_830 : vector<16xi32>
        %add3A_832 = arith.addi %mul3A_817, %shift_right_logical3A_831 : vector<16xi32>
        %shift_right_logical3A_833 = arith.constant 16 : i32
        %shift_right_logical3A_834 = vector.broadcast %shift_right_logical3A_833 : i32 to vector<16xi32>
        %shift_right_logical3A_835 = arith.shrui %mul3A_814, %shift_right_logical3A_834 : vector<16xi32>
        %add3A_836 = arith.addi %add3A_832, %shift_right_logical3A_835 : vector<16xi32>
        %shift_right_logical3A_837 = arith.constant 16 : i32
        %shift_right_logical3A_838 = vector.broadcast %shift_right_logical3A_837 : i32 to vector<16xi32>
        %shift_right_logical3A_839 = arith.shrui %add3A_828, %shift_right_logical3A_838 : vector<16xi32>
        %add3A_840 = arith.addi %add3A_836, %shift_right_logical3A_839 : vector<16xi32>
        %mul3A_841 = arith.constant -1084733587 : i32
        %mul3A_842 = vector.broadcast %mul3A_841 : i32 to vector<16xi32>
        %mul3A_843 = arith.muli %xor3A, %mul3A_842 : vector<16xi32>
        %add3A_844 = arith.addi %add3A_840, %mul3A_843 : vector<16xi32>
        %mul3A_845 = arith.constant 484763065 : i32
        %mul3A_846 = vector.broadcast %mul3A_845 : i32 to vector<16xi32>
        %mul3A_847 = arith.muli %xor3A_796, %mul3A_846 : vector<16xi32>
        %add3A_848 = arith.addi %add3A_844, %mul3A_847 : vector<16xi32>
        %xor3A_849 = arith.xori %mul3A_799, %add3A_848 : vector<16xi32>
        %shift_right_logical3A_850 = arith.constant 2 : i32
        %shift_right_logical3A_851 = vector.broadcast %shift_right_logical3A_850 : i32 to vector<16xi32>
        %shift_right_logical3A_852 = arith.shrui %add3A_848, %shift_right_logical3A_851 : vector<16xi32>
        %and3A_853 = arith.constant 65535 : i32
        %and3A_854 = vector.broadcast %and3A_853 : i32 to vector<16xi32>
        %and3A_855 = arith.andi %shift_right_logical3A_852, %and3A_854 : vector<16xi32>
        %shift_right_logical3A_856 = arith.constant 16 : i32
        %shift_right_logical3A_857 = vector.broadcast %shift_right_logical3A_856 : i32 to vector<16xi32>
        %shift_right_logical3A_858 = arith.shrui %shift_right_logical3A_852, %shift_right_logical3A_857 : vector<16xi32>
        %mul3A_859 = arith.constant 54820 : i32
        %mul3A_860 = vector.broadcast %mul3A_859 : i32 to vector<16xi32>
        %mul3A_861 = arith.muli %and3A_855, %mul3A_860 : vector<16xi32>
        %mul3A_862 = arith.constant 21474 : i32
        %mul3A_863 = vector.broadcast %mul3A_862 : i32 to vector<16xi32>
        %mul3A_864 = arith.muli %and3A_855, %mul3A_863 : vector<16xi32>
        %mul3A_865 = arith.constant 54820 : i32
        %mul3A_866 = vector.broadcast %mul3A_865 : i32 to vector<16xi32>
        %mul3A_867 = arith.muli %shift_right_logical3A_858, %mul3A_866 : vector<16xi32>
        %mul3A_868 = arith.constant 21474 : i32
        %mul3A_869 = vector.broadcast %mul3A_868 : i32 to vector<16xi32>
        %mul3A_870 = arith.muli %shift_right_logical3A_858, %mul3A_869 : vector<16xi32>
        %shift_right_logical3A_871 = arith.constant 16 : i32
        %shift_right_logical3A_872 = vector.broadcast %shift_right_logical3A_871 : i32 to vector<16xi32>
        %shift_right_logical3A_873 = arith.shrui %mul3A_861, %shift_right_logical3A_872 : vector<16xi32>
        %and3A_874 = arith.constant 65535 : i32
        %and3A_875 = vector.broadcast %and3A_874 : i32 to vector<16xi32>
        %and3A_876 = arith.andi %mul3A_864, %and3A_875 : vector<16xi32>
        %add3A_877 = arith.addi %shift_right_logical3A_873, %and3A_876 : vector<16xi32>
        %and3A_878 = arith.constant 65535 : i32
        %and3A_879 = vector.broadcast %and3A_878 : i32 to vector<16xi32>
        %and3A_880 = arith.andi %mul3A_867, %and3A_879 : vector<16xi32>
        %add3A_881 = arith.addi %add3A_877, %and3A_880 : vector<16xi32>
        %shift_right_logical3A_882 = arith.constant 16 : i32
        %shift_right_logical3A_883 = vector.broadcast %shift_right_logical3A_882 : i32 to vector<16xi32>
        %shift_right_logical3A_884 = arith.shrui %mul3A_864, %shift_right_logical3A_883 : vector<16xi32>
        %add3A_885 = arith.addi %mul3A_870, %shift_right_logical3A_884 : vector<16xi32>
        %shift_right_logical3A_886 = arith.constant 16 : i32
        %shift_right_logical3A_887 = vector.broadcast %shift_right_logical3A_886 : i32 to vector<16xi32>
        %shift_right_logical3A_888 = arith.shrui %mul3A_867, %shift_right_logical3A_887 : vector<16xi32>
        %add3A_889 = arith.addi %add3A_885, %shift_right_logical3A_888 : vector<16xi32>
        %shift_right_logical3A_890 = arith.constant 16 : i32
        %shift_right_logical3A_891 = vector.broadcast %shift_right_logical3A_890 : i32 to vector<16xi32>
        %shift_right_logical3A_892 = arith.shrui %add3A_881, %shift_right_logical3A_891 : vector<16xi32>
        %add3A_893 = arith.addi %add3A_889, %shift_right_logical3A_892 : vector<16xi32>
        %shift_right_logical3A_894 = arith.constant 10 : i32
        %shift_right_logical3A_895 = vector.broadcast %shift_right_logical3A_894 : i32 to vector<16xi32>
        %shift_right_logical3A_896 = arith.shrui %add3A_893, %shift_right_logical3A_895 : vector<16xi32>
        %mul3A_897 = arith.constant 12500 : i32
        %mul3A_898 = vector.broadcast %mul3A_897 : i32 to vector<16xi32>
        %mul3A_899 = arith.muli %shift_right_logical3A_896, %mul3A_898 : vector<16xi32>
        %sub3A_900 = arith.subi %add3A_848, %mul3A_899 : vector<16xi32>
        %mul3A_901 = arith.constant 4796 : i32
        %mul3A_902 = vector.broadcast %mul3A_901 : i32 to vector<16xi32>
        %mul3A_903 = arith.muli %sub3A_900, %mul3A_902 : vector<16xi32>
        %shift_right_logical3A_904 = arith.constant 2 : i32
        %shift_right_logical3A_905 = vector.broadcast %shift_right_logical3A_904 : i32 to vector<16xi32>
        %shift_right_logical3A_906 = arith.shrui %xor3A_849, %shift_right_logical3A_905 : vector<16xi32>
        %and3A_907 = arith.constant 65535 : i32
        %and3A_908 = vector.broadcast %and3A_907 : i32 to vector<16xi32>
        %and3A_909 = arith.andi %shift_right_logical3A_906, %and3A_908 : vector<16xi32>
        %shift_right_logical3A_910 = arith.constant 16 : i32
        %shift_right_logical3A_911 = vector.broadcast %shift_right_logical3A_910 : i32 to vector<16xi32>
        %shift_right_logical3A_912 = arith.shrui %shift_right_logical3A_906, %shift_right_logical3A_911 : vector<16xi32>
        %mul3A_913 = arith.constant 54820 : i32
        %mul3A_914 = vector.broadcast %mul3A_913 : i32 to vector<16xi32>
        %mul3A_915 = arith.muli %and3A_909, %mul3A_914 : vector<16xi32>
        %mul3A_916 = arith.constant 21474 : i32
        %mul3A_917 = vector.broadcast %mul3A_916 : i32 to vector<16xi32>
        %mul3A_918 = arith.muli %and3A_909, %mul3A_917 : vector<16xi32>
        %mul3A_919 = arith.constant 54820 : i32
        %mul3A_920 = vector.broadcast %mul3A_919 : i32 to vector<16xi32>
        %mul3A_921 = arith.muli %shift_right_logical3A_912, %mul3A_920 : vector<16xi32>
        %mul3A_922 = arith.constant 21474 : i32
        %mul3A_923 = vector.broadcast %mul3A_922 : i32 to vector<16xi32>
        %mul3A_924 = arith.muli %shift_right_logical3A_912, %mul3A_923 : vector<16xi32>
        %shift_right_logical3A_925 = arith.constant 16 : i32
        %shift_right_logical3A_926 = vector.broadcast %shift_right_logical3A_925 : i32 to vector<16xi32>
        %shift_right_logical3A_927 = arith.shrui %mul3A_915, %shift_right_logical3A_926 : vector<16xi32>
        %and3A_928 = arith.constant 65535 : i32
        %and3A_929 = vector.broadcast %and3A_928 : i32 to vector<16xi32>
        %and3A_930 = arith.andi %mul3A_918, %and3A_929 : vector<16xi32>
        %add3A_931 = arith.addi %shift_right_logical3A_927, %and3A_930 : vector<16xi32>
        %and3A_932 = arith.constant 65535 : i32
        %and3A_933 = vector.broadcast %and3A_932 : i32 to vector<16xi32>
        %and3A_934 = arith.andi %mul3A_921, %and3A_933 : vector<16xi32>
        %add3A_935 = arith.addi %add3A_931, %and3A_934 : vector<16xi32>
        %shift_right_logical3A_936 = arith.constant 16 : i32
        %shift_right_logical3A_937 = vector.broadcast %shift_right_logical3A_936 : i32 to vector<16xi32>
        %shift_right_logical3A_938 = arith.shrui %mul3A_918, %shift_right_logical3A_937 : vector<16xi32>
        %add3A_939 = arith.addi %mul3A_924, %shift_right_logical3A_938 : vector<16xi32>
        %shift_right_logical3A_940 = arith.constant 16 : i32
        %shift_right_logical3A_941 = vector.broadcast %shift_right_logical3A_940 : i32 to vector<16xi32>
        %shift_right_logical3A_942 = arith.shrui %mul3A_921, %shift_right_logical3A_941 : vector<16xi32>
        %add3A_943 = arith.addi %add3A_939, %shift_right_logical3A_942 : vector<16xi32>
        %shift_right_logical3A_944 = arith.constant 16 : i32
        %shift_right_logical3A_945 = vector.broadcast %shift_right_logical3A_944 : i32 to vector<16xi32>
        %shift_right_logical3A_946 = arith.shrui %add3A_935, %shift_right_logical3A_945 : vector<16xi32>
        %add3A_947 = arith.addi %add3A_943, %shift_right_logical3A_946 : vector<16xi32>
        %shift_right_logical3A_948 = arith.constant 10 : i32
        %shift_right_logical3A_949 = vector.broadcast %shift_right_logical3A_948 : i32 to vector<16xi32>
        %shift_right_logical3A_950 = arith.shrui %add3A_947, %shift_right_logical3A_949 : vector<16xi32>
        %mul3A_951 = arith.constant 12500 : i32
        %mul3A_952 = vector.broadcast %mul3A_951 : i32 to vector<16xi32>
        %mul3A_953 = arith.muli %shift_right_logical3A_950, %mul3A_952 : vector<16xi32>
        %sub3A_954 = arith.subi %xor3A_849, %mul3A_953 : vector<16xi32>
        %add3A_955 = arith.addi %mul3A_903, %sub3A_954 : vector<16xi32>
        %shift_right_logical3A_956 = arith.constant 2 : i32
        %shift_right_logical3A_957 = vector.broadcast %shift_right_logical3A_956 : i32 to vector<16xi32>
        %shift_right_logical3A_958 = arith.shrui %add3A_955, %shift_right_logical3A_957 : vector<16xi32>
        %and3A_959 = arith.constant 65535 : i32
        %and3A_960 = vector.broadcast %and3A_959 : i32 to vector<16xi32>
        %and3A_961 = arith.andi %shift_right_logical3A_958, %and3A_960 : vector<16xi32>
        %shift_right_logical3A_962 = arith.constant 16 : i32
        %shift_right_logical3A_963 = vector.broadcast %shift_right_logical3A_962 : i32 to vector<16xi32>
        %shift_right_logical3A_964 = arith.shrui %shift_right_logical3A_958, %shift_right_logical3A_963 : vector<16xi32>
        %mul3A_965 = arith.constant 54820 : i32
        %mul3A_966 = vector.broadcast %mul3A_965 : i32 to vector<16xi32>
        %mul3A_967 = arith.muli %and3A_961, %mul3A_966 : vector<16xi32>
        %mul3A_968 = arith.constant 21474 : i32
        %mul3A_969 = vector.broadcast %mul3A_968 : i32 to vector<16xi32>
        %mul3A_970 = arith.muli %and3A_961, %mul3A_969 : vector<16xi32>
        %mul3A_971 = arith.constant 54820 : i32
        %mul3A_972 = vector.broadcast %mul3A_971 : i32 to vector<16xi32>
        %mul3A_973 = arith.muli %shift_right_logical3A_964, %mul3A_972 : vector<16xi32>
        %mul3A_974 = arith.constant 21474 : i32
        %mul3A_975 = vector.broadcast %mul3A_974 : i32 to vector<16xi32>
        %mul3A_976 = arith.muli %shift_right_logical3A_964, %mul3A_975 : vector<16xi32>
        %shift_right_logical3A_977 = arith.constant 16 : i32
        %shift_right_logical3A_978 = vector.broadcast %shift_right_logical3A_977 : i32 to vector<16xi32>
        %shift_right_logical3A_979 = arith.shrui %mul3A_967, %shift_right_logical3A_978 : vector<16xi32>
        %and3A_980 = arith.constant 65535 : i32
        %and3A_981 = vector.broadcast %and3A_980 : i32 to vector<16xi32>
        %and3A_982 = arith.andi %mul3A_970, %and3A_981 : vector<16xi32>
        %add3A_983 = arith.addi %shift_right_logical3A_979, %and3A_982 : vector<16xi32>
        %and3A_984 = arith.constant 65535 : i32
        %and3A_985 = vector.broadcast %and3A_984 : i32 to vector<16xi32>
        %and3A_986 = arith.andi %mul3A_973, %and3A_985 : vector<16xi32>
        %add3A_987 = arith.addi %add3A_983, %and3A_986 : vector<16xi32>
        %shift_right_logical3A_988 = arith.constant 16 : i32
        %shift_right_logical3A_989 = vector.broadcast %shift_right_logical3A_988 : i32 to vector<16xi32>
        %shift_right_logical3A_990 = arith.shrui %mul3A_970, %shift_right_logical3A_989 : vector<16xi32>
        %add3A_991 = arith.addi %mul3A_976, %shift_right_logical3A_990 : vector<16xi32>
        %shift_right_logical3A_992 = arith.constant 16 : i32
        %shift_right_logical3A_993 = vector.broadcast %shift_right_logical3A_992 : i32 to vector<16xi32>
        %shift_right_logical3A_994 = arith.shrui %mul3A_973, %shift_right_logical3A_993 : vector<16xi32>
        %add3A_995 = arith.addi %add3A_991, %shift_right_logical3A_994 : vector<16xi32>
        %shift_right_logical3A_996 = arith.constant 16 : i32
        %shift_right_logical3A_997 = vector.broadcast %shift_right_logical3A_996 : i32 to vector<16xi32>
        %shift_right_logical3A_998 = arith.shrui %add3A_987, %shift_right_logical3A_997 : vector<16xi32>
        %add3A_999 = arith.addi %add3A_995, %shift_right_logical3A_998 : vector<16xi32>
        %shift_right_logical3A_1000 = arith.constant 10 : i32
        %shift_right_logical3A_1001 = vector.broadcast %shift_right_logical3A_1000 : i32 to vector<16xi32>
        %shift_right_logical3A_1002 = arith.shrui %add3A_999, %shift_right_logical3A_1001 : vector<16xi32>
        %mul3A_1003 = arith.constant 12500 : i32
        %mul3A_1004 = vector.broadcast %mul3A_1003 : i32 to vector<16xi32>
        %mul3A_1005 = arith.muli %shift_right_logical3A_1002, %mul3A_1004 : vector<16xi32>
        %sub3A_1006 = arith.subi %add3A_955, %mul3A_1005 : vector<16xi32>
        %mul3A_1007 = arith.constant 12500 : i32
        %mul3A_1008 = vector.broadcast %mul3A_1007 : i32 to vector<16xi32>
        %mul3A_1009 = arith.muli %sub3A_739, %mul3A_1008 : vector<16xi32>
        %add3A_1010 = arith.addi %mul3A_1009, %sub3A_1006 : vector<16xi32>
        %bitcast3A_1011 = vector.bitcast %add3A_1010 : vector<16xi32> to vector<16xi32>
        %mul3A_1012 = arith.constant 16 : i32
        %mul3A_1013 = arith.muli %add3A_686, %mul3A_1012 : i32
        %swap3A_1014 = arith.constant 0 : i32
        %swap3A_1015 = tpu.memref_slice %arg8[%add3A_663, %swap3A_1014] : memref<80x128xi32, #tpu.memory_space<vmem>> -> memref<1x128xi32, #tpu.memory_space<vmem>>
        %swap3A_1016 = tpu.memref_squeeze %swap3A_1015 : memref<1x128xi32, #tpu.memory_space<vmem>> -> memref<128xi32, #tpu.memory_space<vmem>>
        %swap3A_1017 = arith.index_cast %mul3A_1013 : i32 to index
        %swap3A_1018 = tpu.vector_load %swap3A_1016[%swap3A_1017] {strides = array<i32>} : memref<128xi32, #tpu.memory_space<vmem>>, vector<16xi32>,
        %swap3A_1019 = vector.shape_cast %swap3A_1018 : vector<16xi32> to vector<16xi32>
        %swap3A_1020 = vector.shape_cast %bitcast3A_1011 : vector<16xi32> to vector<16xi32>
        tpu.vector_store %swap3A_1016[%swap3A_1017], %swap3A_1020 {strides = array<i32>} : memref<128xi32, #tpu.memory_space<vmem>>, vector<16xi32>,
      }
    }
    %while3A_133 = arith.constant 1 : i32
    scf.for %while3A_661 = %while3A_131 to %while3A_127 step %while3A_133  : i32 {
      %mul3A_662 = arith.muli %while3A_661, %while3A_123 : i32
      %add3A_663 = arith.addi %while3A_124, %mul3A_662 : i32
      %sub3A_664 = arith.constant 8 : i32
      %sub3A_665 = arith.constant 0 : i32
      %sub3A_666 = arith.subi %sub3A_664, %sub3A_665 : i32
      %sub3A_667 = arith.constant 1 : i32
      %sub3A_668 = arith.constant 1 : i32
      %sub3A_669 = arith.subi %sub3A_667, %sub3A_668 : i32
      %add3A_670 = arith.addi %sub3A_666, %sub3A_669 : i32
      %div3A_671 = arith.constant 1 : i32
      %div3A_672 = arith.divsi %add3A_670, %div3A_671 : i32
      %while3A_673 = arith.constant 1 : i32
      %while3A_674 = arith.constant 0 : i32
      %while3A_675 = arith.constant 0 : i32
      %while3A_676 = arith.subi %div3A_672, %while3A_675 : i32
      %while3A_677 = arith.addi %while3A_675, %while3A_676 : i32
      %while3A_678 = arith.constant 1 : i32
      %while3A_679 = arith.divsi %while3A_676, %while3A_678 : i32
      %while3A_680 = arith.muli %while3A_679, %while3A_678 : i32
      %while3A_681 = arith.addi %while3A_675, %while3A_680 : i32
      %while3A_682 = arith.constant 1 : i32
      scf.for %while3A_684 = %while3A_675 to %while3A_681 step %while3A_682  : i32 {
        %mul3A_685 = arith.muli %while3A_684, %while3A_673 : i32
        %add3A_686 = arith.addi %while3A_674, %mul3A_685 : i32
        %mul3A_687 = arith.constant 128 : i32
        %mul3A_688 = arith.muli %add3A_663, %mul3A_687 : i32
        %mul3A_689 = arith.constant 16 : i32
        %mul3A_690 = arith.muli %add3A_686, %mul3A_689 : i32
        %add3A_691 = arith.addi %mul3A_688, %mul3A_690 : i32
        %get3A = arith.index_cast %add3A_691 : i32 to index
        %get3A_692 = tpu.vector_load %arg7[%get3A] {strides = array<i32>} : memref<10240xi32, #tpu.memory_space<vmem>>, vector<16xi32>,
        %get3A_693 = vector.shape_cast %get3A_692 : vector<16xi32> to vector<16xi32>
        %bitcast3A = vector.bitcast %get3A_693 : vector<16xi32> to vector<16xi32>
        %and3A = arith.constant 65535 : i32
        %and3A_694 = vector.broadcast %and3A : i32 to vector<16xi32>
        %and3A_695 = arith.andi %bitcast3A, %and3A_694 : vector<16xi32>
        %shift_right_logical3A = arith.constant 16 : i32
        %shift_right_logical3A_696 = vector.broadcast %shift_right_logical3A : i32 to vector<16xi32>
        %shift_right_logical3A_697 = arith.shrui %bitcast3A, %shift_right_logical3A_696 : vector<16xi32>
        %mul3A_698 = arith.constant 39322 : i32
        %mul3A_699 = vector.broadcast %mul3A_698 : i32 to vector<16xi32>
        %mul3A_700 = arith.muli %and3A_695, %mul3A_699 : vector<16xi32>
        %mul3A_701 = arith.constant 6553 : i32
        %mul3A_702 = vector.broadcast %mul3A_701 : i32 to vector<16xi32>
        %mul3A_703 = arith.muli %and3A_695, %mul3A_702 : vector<16xi32>
        %mul3A_704 = arith.constant 39322 : i32
        %mul3A_705 = vector.broadcast %mul3A_704 : i32 to vector<16xi32>
        %mul3A_706 = arith.muli %shift_right_logical3A_697, %mul3A_705 : vector<16xi32>
        %mul3A_707 = arith.constant 6553 : i32
        %mul3A_708 = vector.broadcast %mul3A_707 : i32 to vector<16xi32>
        %mul3A_709 = arith.muli %shift_right_logical3A_697, %mul3A_708 : vector<16xi32>
        %shift_right_logical3A_710 = arith.constant 16 : i32
        %shift_right_logical3A_711 = vector.broadcast %shift_right_logical3A_710 : i32 to vector<16xi32>
        %shift_right_logical3A_712 = arith.shrui %mul3A_700, %shift_right_logical3A_711 : vector<16xi32>
        %and3A_713 = arith.constant 65535 : i32
        %and3A_714 = vector.broadcast %and3A_713 : i32 to vector<16xi32>
        %and3A_715 = arith.andi %mul3A_703, %and3A_714 : vector<16xi32>
        %add3A_716 = arith.addi %shift_right_logical3A_712, %and3A_715 : vector<16xi32>
        %and3A_717 = arith.constant 65535 : i32
        %and3A_718 = vector.broadcast %and3A_717 : i32 to vector<16xi32>
        %and3A_719 = arith.andi %mul3A_706, %and3A_718 : vector<16xi32>
        %add3A_720 = arith.addi %add3A_716, %and3A_719 : vector<16xi32>
        %shift_right_logical3A_721 = arith.constant 16 : i32
        %shift_right_logical3A_722 = vector.broadcast %shift_right_logical3A_721 : i32 to vector<16xi32>
        %shift_right_logical3A_723 = arith.shrui %mul3A_703, %shift_right_logical3A_722 : vector<16xi32>
        %add3A_724 = arith.addi %mul3A_709, %shift_right_logical3A_723 : vector<16xi32>
        %shift_right_logical3A_725 = arith.constant 16 : i32
        %shift_right_logical3A_726 = vector.broadcast %shift_right_logical3A_725 : i32 to vector<16xi32>
        %shift_right_logical3A_727 = arith.shrui %mul3A_706, %shift_right_logical3A_726 : vector<16xi32>
        %add3A_728 = arith.addi %add3A_724, %shift_right_logical3A_727 : vector<16xi32>
        %shift_right_logical3A_729 = arith.constant 16 : i32
        %shift_right_logical3A_730 = vector.broadcast %shift_right_logical3A_729 : i32 to vector<16xi32>
        %shift_right_logical3A_731 = arith.shrui %add3A_720, %shift_right_logical3A_730 : vector<16xi32>
        %add3A_732 = arith.addi %add3A_728, %shift_right_logical3A_731 : vector<16xi32>
        %shift_right_logical3A_733 = arith.constant 3 : i32
        %shift_right_logical3A_734 = vector.broadcast %shift_right_logical3A_733 : i32 to vector<16xi32>
        %shift_right_logical3A_735 = arith.shrui %add3A_732, %shift_right_logical3A_734 : vector<16xi32>
        %mul3A_736 = arith.constant 80 : i32
        %mul3A_737 = vector.broadcast %mul3A_736 : i32 to vector<16xi32>
        %mul3A_738 = arith.muli %shift_right_logical3A_735, %mul3A_737 : vector<16xi32>
        %sub3A_739 = arith.subi %bitcast3A, %mul3A_738 : vector<16xi32>
        %mul3A_740 = arith.constant 2135587861 : i32
        %mul3A_741 = vector.broadcast %mul3A_740 : i32 to vector<16xi32>
        %mul3A_742 = arith.muli %bitcast3A, %mul3A_741 : vector<16xi32>
        %and3A_743 = arith.constant 65535 : i32
        %and3A_744 = vector.broadcast %and3A_743 : i32 to vector<16xi32>
        %and3A_745 = arith.andi %bitcast3A, %and3A_744 : vector<16xi32>
        %shift_right_logical3A_746 = arith.constant 16 : i32
        %shift_right_logical3A_747 = vector.broadcast %shift_right_logical3A_746 : i32 to vector<16xi32>
        %shift_right_logical3A_748 = arith.shrui %bitcast3A, %shift_right_logical3A_747 : vector<16xi32>
        %mul3A_749 = arith.constant 31765 : i32
        %mul3A_750 = vector.broadcast %mul3A_749 : i32 to vector<16xi32>
        %mul3A_751 = arith.muli %and3A_745, %mul3A_750 : vector<16xi32>
        %mul3A_752 = arith.constant 32586 : i32
        %mul3A_753 = vector.broadcast %mul3A_752 : i32 to vector<16xi32>
        %mul3A_754 = arith.muli %and3A_745, %mul3A_753 : vector<16xi32>
        %mul3A_755 = arith.constant 31765 : i32
        %mul3A_756 = vector.broadcast %mul3A_755 : i32 to vector<16xi32>
        %mul3A_757 = arith.muli %shift_right_logical3A_748, %mul3A_756 : vector<16xi32>
        %mul3A_758 = arith.constant 32586 : i32
        %mul3A_759 = vector.broadcast %mul3A_758 : i32 to vector<16xi32>
        %mul3A_760 = arith.muli %shift_right_logical3A_748, %mul3A_759 : vector<16xi32>
        %shift_right_logical3A_761 = arith.constant 16 : i32
        %shift_right_logical3A_762 = vector.broadcast %shift_right_logical3A_761 : i32 to vector<16xi32>
        %shift_right_logical3A_763 = arith.shrui %mul3A_751, %shift_right_logical3A_762 : vector<16xi32>
        %and3A_764 = arith.constant 65535 : i32
        %and3A_765 = vector.broadcast %and3A_764 : i32 to vector<16xi32>
        %and3A_766 = arith.andi %mul3A_754, %and3A_765 : vector<16xi32>
        %add3A_767 = arith.addi %shift_right_logical3A_763, %and3A_766 : vector<16xi32>
        %and3A_768 = arith.constant 65535 : i32
        %and3A_769 = vector.broadcast %and3A_768 : i32 to vector<16xi32>
        %and3A_770 = arith.andi %mul3A_757, %and3A_769 : vector<16xi32>
        %add3A_771 = arith.addi %add3A_767, %and3A_770 : vector<16xi32>
        %shift_right_logical3A_772 = arith.constant 16 : i32
        %shift_right_logical3A_773 = vector.broadcast %shift_right_logical3A_772 : i32 to vector<16xi32>
        %shift_right_logical3A_774 = arith.shrui %mul3A_754, %shift_right_logical3A_773 : vector<16xi32>
        %add3A_775 = arith.addi %mul3A_760, %shift_right_logical3A_774 : vector<16xi32>
        %shift_right_logical3A_776 = arith.constant 16 : i32
        %shift_right_logical3A_777 = vector.broadcast %shift_right_logical3A_776 : i32 to vector<16xi32>
        %shift_right_logical3A_778 = arith.shrui %mul3A_757, %shift_right_logical3A_777 : vector<16xi32>
        %add3A_779 = arith.addi %add3A_775, %shift_right_logical3A_778 : vector<16xi32>
        %shift_right_logical3A_780 = arith.constant 16 : i32
        %shift_right_logical3A_781 = vector.broadcast %shift_right_logical3A_780 : i32 to vector<16xi32>
        %shift_right_logical3A_782 = arith.shrui %add3A_771, %shift_right_logical3A_781 : vector<16xi32>
        %add3A_783 = arith.addi %add3A_779, %shift_right_logical3A_782 : vector<16xi32>
        %mul3A_784 = arith.constant -1640531527 : i32
        %mul3A_785 = vector.broadcast %mul3A_784 : i32 to vector<16xi32>
        %mul3A_786 = arith.muli %bitcast3A, %mul3A_785 : vector<16xi32>
        %add3A_787 = arith.addi %add3A_783, %mul3A_786 : vector<16xi32>
        %shift_left3A = arith.constant 3 : i32
        %shift_left3A_788 = vector.broadcast %shift_left3A : i32 to vector<16xi32>
        %shift_left3A_789 = arith.shli %add3A_787, %shift_left3A_788 : vector<16xi32>
        %shift_right_logical3A_790 = arith.constant 29 : i32
        %shift_right_logical3A_791 = vector.broadcast %shift_right_logical3A_790 : i32 to vector<16xi32>
        %shift_right_logical3A_792 = arith.shrui %mul3A_742, %shift_right_logical3A_791 : vector<16xi32>
        %or3A = arith.ori %shift_left3A_789, %shift_right_logical3A_792 : vector<16xi32>
        %xor3A = arith.xori %mul3A_742, %or3A : vector<16xi32>
        %shift_right_logical3A_793 = arith.constant 29 : i32
        %shift_right_logical3A_794 = vector.broadcast %shift_right_logical3A_793 : i32 to vector<16xi32>
        %shift_right_logical3A_795 = arith.shrui %add3A_787, %shift_right_logical3A_794 : vector<16xi32>
        %xor3A_796 = arith.xori %add3A_787, %shift_right_logical3A_795 : vector<16xi32>
        %mul3A_797 = arith.constant 484763065 : i32
        %mul3A_798 = vector.broadcast %mul3A_797 : i32 to vector<16xi32>
        %mul3A_799 = arith.muli %xor3A, %mul3A_798 : vector<16xi32>
        %and3A_800 = arith.constant 65535 : i32
        %and3A_801 = vector.broadcast %and3A_800 : i32 to vector<16xi32>
        %and3A_802 = arith.andi %xor3A, %and3A_801 : vector<16xi32>
        %shift_right_logical3A_803 = arith.constant 16 : i32
        %shift_right_logical3A_804 = vector.broadcast %shift_right_logical3A_803 : i32 to vector<16xi32>
        %shift_right_logical3A_805 = arith.shrui %xor3A, %shift_right_logical3A_804 : vector<16xi32>
        %mul3A_806 = arith.constant 58809 : i32
        %mul3A_807 = vector.broadcast %mul3A_806 : i32 to vector<16xi32>
        %mul3A_808 = arith.muli %and3A_802, %mul3A_807 : vector<16xi32>
        %mul3A_809 = arith.constant 7396 : i32
        %mul3A_810 = vector.broadcast %mul3A_809 : i32 to vector<16xi32>
        %mul3A_811 = arith.muli %and3A_802, %mul3A_810 : vector<16xi32>
        %mul3A_812 = arith.constant 58809 : i32
        %mul3A_813 = vector.broadcast %mul3A_812 : i32 to vector<16xi32>
        %mul3A_814 = arith.muli %shift_right_logical3A_805, %mul3A_813 : vector<16xi32>
        %mul3A_815 = arith.constant 7396 : i32
        %mul3A_816 = vector.broadcast %mul3A_815 : i32 to vector<16xi32>
        %mul3A_817 = arith.muli %shift_right_logical3A_805, %mul3A_816 : vector<16xi32>
        %shift_right_logical3A_818 = arith.constant 16 : i32
        %shift_right_logical3A_819 = vector.broadcast %shift_right_logical3A_818 : i32 to vector<16xi32>
        %shift_right_logical3A_820 = arith.shrui %mul3A_808, %shift_right_logical3A_819 : vector<16xi32>
        %and3A_821 = arith.constant 65535 : i32
        %and3A_822 = vector.broadcast %and3A_821 : i32 to vector<16xi32>
        %and3A_823 = arith.andi %mul3A_811, %and3A_822 : vector<16xi32>
        %add3A_824 = arith.addi %shift_right_logical3A_820, %and3A_823 : vector<16xi32>
        %and3A_825 = arith.constant 65535 : i32
        %and3A_826 = vector.broadcast %and3A_825 : i32 to vector<16xi32>
        %and3A_827 = arith.andi %mul3A_814, %and3A_826 : vector<16xi32>
        %add3A_828 = arith.addi %add3A_824, %and3A_827 : vector<16xi32>
        %shift_right_logical3A_829 = arith.constant 16 : i32
        %shift_right_logical3A_830 = vector.broadcast %shift_right_logical3A_829 : i32 to vector<16xi32>
        %shift_right_logical3A_831 = arith.shrui %mul3A_811, %shift_right_logical3A_830 : vector<16xi32>
        %add3A_832 = arith.addi %mul3A_817, %shift_right_logical3A_831 : vector<16xi32>
        %shift_right_logical3A_833 = arith.constant 16 : i32
        %shift_right_logical3A_834 = vector.broadcast %shift_right_logical3A_833 : i32 to vector<16xi32>
        %shift_right_logical3A_835 = arith.shrui %mul3A_814, %shift_right_logical3A_834 : vector<16xi32>
        %add3A_836 = arith.addi %add3A_832, %shift_right_logical3A_835 : vector<16xi32>
        %shift_right_logical3A_837 = arith.constant 16 : i32
        %shift_right_logical3A_838 = vector.broadcast %shift_right_logical3A_837 : i32 to vector<16xi32>
        %shift_right_logical3A_839 = arith.shrui %add3A_828, %shift_right_logical3A_838 : vector<16xi32>
        %add3A_840 = arith.addi %add3A_836, %shift_right_logical3A_839 : vector<16xi32>
        %mul3A_841 = arith.constant -1084733587 : i32
        %mul3A_842 = vector.broadcast %mul3A_841 : i32 to vector<16xi32>
        %mul3A_843 = arith.muli %xor3A, %mul3A_842 : vector<16xi32>
        %add3A_844 = arith.addi %add3A_840, %mul3A_843 : vector<16xi32>
        %mul3A_845 = arith.constant 484763065 : i32
        %mul3A_846 = vector.broadcast %mul3A_845 : i32 to vector<16xi32>
        %mul3A_847 = arith.muli %xor3A_796, %mul3A_846 : vector<16xi32>
        %add3A_848 = arith.addi %add3A_844, %mul3A_847 : vector<16xi32>
        %xor3A_849 = arith.xori %mul3A_799, %add3A_848 : vector<16xi32>
        %shift_right_logical3A_850 = arith.constant 2 : i32
        %shift_right_logical3A_851 = vector.broadcast %shift_right_logical3A_850 : i32 to vector<16xi32>
        %shift_right_logical3A_852 = arith.shrui %add3A_848, %shift_right_logical3A_851 : vector<16xi32>
        %and3A_853 = arith.constant 65535 : i32
        %and3A_854 = vector.broadcast %and3A_853 : i32 to vector<16xi32>
        %and3A_855 = arith.andi %shift_right_logical3A_852, %and3A_854 : vector<16xi32>
        %shift_right_logical3A_856 = arith.constant 16 : i32
        %shift_right_logical3A_857 = vector.broadcast %shift_right_logical3A_856 : i32 to vector<16xi32>
        %shift_right_logical3A_858 = arith.shrui %shift_right_logical3A_852, %shift_right_logical3A_857 : vector<16xi32>
        %mul3A_859 = arith.constant 54820 : i32
        %mul3A_860 = vector.broadcast %mul3A_859 : i32 to vector<16xi32>
        %mul3A_861 = arith.muli %and3A_855, %mul3A_860 : vector<16xi32>
        %mul3A_862 = arith.constant 21474 : i32
        %mul3A_863 = vector.broadcast %mul3A_862 : i32 to vector<16xi32>
        %mul3A_864 = arith.muli %and3A_855, %mul3A_863 : vector<16xi32>
        %mul3A_865 = arith.constant 54820 : i32
        %mul3A_866 = vector.broadcast %mul3A_865 : i32 to vector<16xi32>
        %mul3A_867 = arith.muli %shift_right_logical3A_858, %mul3A_866 : vector<16xi32>
        %mul3A_868 = arith.constant 21474 : i32
        %mul3A_869 = vector.broadcast %mul3A_868 : i32 to vector<16xi32>
        %mul3A_870 = arith.muli %shift_right_logical3A_858, %mul3A_869 : vector<16xi32>
        %shift_right_logical3A_871 = arith.constant 16 : i32
        %shift_right_logical3A_872 = vector.broadcast %shift_right_logical3A_871 : i32 to vector<16xi32>
        %shift_right_logical3A_873 = arith.shrui %mul3A_861, %shift_right_logical3A_872 : vector<16xi32>
        %and3A_874 = arith.constant 65535 : i32
        %and3A_875 = vector.broadcast %and3A_874 : i32 to vector<16xi32>
        %and3A_876 = arith.andi %mul3A_864, %and3A_875 : vector<16xi32>
        %add3A_877 = arith.addi %shift_right_logical3A_873, %and3A_876 : vector<16xi32>
        %and3A_878 = arith.constant 65535 : i32
        %and3A_879 = vector.broadcast %and3A_878 : i32 to vector<16xi32>
        %and3A_880 = arith.andi %mul3A_867, %and3A_879 : vector<16xi32>
        %add3A_881 = arith.addi %add3A_877, %and3A_880 : vector<16xi32>
        %shift_right_logical3A_882 = arith.constant 16 : i32
        %shift_right_logical3A_883 = vector.broadcast %shift_right_logical3A_882 : i32 to vector<16xi32>
        %shift_right_logical3A_884 = arith.shrui %mul3A_864, %shift_right_logical3A_883 : vector<16xi32>
        %add3A_885 = arith.addi %mul3A_870, %shift_right_logical3A_884 : vector<16xi32>
        %shift_right_logical3A_886 = arith.constant 16 : i32
        %shift_right_logical3A_887 = vector.broadcast %shift_right_logical3A_886 : i32 to vector<16xi32>
        %shift_right_logical3A_888 = arith.shrui %mul3A_867, %shift_right_logical3A_887 : vector<16xi32>
        %add3A_889 = arith.addi %add3A_885, %shift_right_logical3A_888 : vector<16xi32>
        %shift_right_logical3A_890 = arith.constant 16 : i32
        %shift_right_logical3A_891 = vector.broadcast %shift_right_logical3A_890 : i32 to vector<16xi32>
        %shift_right_logical3A_892 = arith.shrui %add3A_881, %shift_right_logical3A_891 : vector<16xi32>
        %add3A_893 = arith.addi %add3A_889, %shift_right_logical3A_892 : vector<16xi32>
        %shift_right_logical3A_894 = arith.constant 10 : i32
        %shift_right_logical3A_895 = vector.broadcast %shift_right_logical3A_894 : i32 to vector<16xi32>
        %shift_right_logical3A_896 = arith.shrui %add3A_893, %shift_right_logical3A_895 : vector<16xi32>
        %mul3A_897 = arith.constant 12500 : i32
        %mul3A_898 = vector.broadcast %mul3A_897 : i32 to vector<16xi32>
        %mul3A_899 = arith.muli %shift_right_logical3A_896, %mul3A_898 : vector<16xi32>
        %sub3A_900 = arith.subi %add3A_848, %mul3A_899 : vector<16xi32>
        %mul3A_901 = arith.constant 4796 : i32
        %mul3A_902 = vector.broadcast %mul3A_901 : i32 to vector<16xi32>
        %mul3A_903 = arith.muli %sub3A_900, %mul3A_902 : vector<16xi32>
        %shift_right_logical3A_904 = arith.constant 2 : i32
        %shift_right_logical3A_905 = vector.broadcast %shift_right_logical3A_904 : i32 to vector<16xi32>
        %shift_right_logical3A_906 = arith.shrui %xor3A_849, %shift_right_logical3A_905 : vector<16xi32>
        %and3A_907 = arith.constant 65535 : i32
        %and3A_908 = vector.broadcast %and3A_907 : i32 to vector<16xi32>
        %and3A_909 = arith.andi %shift_right_logical3A_906, %and3A_908 : vector<16xi32>
        %shift_right_logical3A_910 = arith.constant 16 : i32
        %shift_right_logical3A_911 = vector.broadcast %shift_right_logical3A_910 : i32 to vector<16xi32>
        %shift_right_logical3A_912 = arith.shrui %shift_right_logical3A_906, %shift_right_logical3A_911 : vector<16xi32>
        %mul3A_913 = arith.constant 54820 : i32
        %mul3A_914 = vector.broadcast %mul3A_913 : i32 to vector<16xi32>
        %mul3A_915 = arith.muli %and3A_909, %mul3A_914 : vector<16xi32>
        %mul3A_916 = arith.constant 21474 : i32
        %mul3A_917 = vector.broadcast %mul3A_916 : i32 to vector<16xi32>
        %mul3A_918 = arith.muli %and3A_909, %mul3A_917 : vector<16xi32>
        %mul3A_919 = arith.constant 54820 : i32
        %mul3A_920 = vector.broadcast %mul3A_919 : i32 to vector<16xi32>
        %mul3A_921 = arith.muli %shift_right_logical3A_912, %mul3A_920 : vector<16xi32>
        %mul3A_922 = arith.constant 21474 : i32
        %mul3A_923 = vector.broadcast %mul3A_922 : i32 to vector<16xi32>
        %mul3A_924 = arith.muli %shift_right_logical3A_912, %mul3A_923 : vector<16xi32>
        %shift_right_logical3A_925 = arith.constant 16 : i32
        %shift_right_logical3A_926 = vector.broadcast %shift_right_logical3A_925 : i32 to vector<16xi32>
        %shift_right_logical3A_927 = arith.shrui %mul3A_915, %shift_right_logical3A_926 : vector<16xi32>
        %and3A_928 = arith.constant 65535 : i32
        %and3A_929 = vector.broadcast %and3A_928 : i32 to vector<16xi32>
        %and3A_930 = arith.andi %mul3A_918, %and3A_929 : vector<16xi32>
        %add3A_931 = arith.addi %shift_right_logical3A_927, %and3A_930 : vector<16xi32>
        %and3A_932 = arith.constant 65535 : i32
        %and3A_933 = vector.broadcast %and3A_932 : i32 to vector<16xi32>
        %and3A_934 = arith.andi %mul3A_921, %and3A_933 : vector<16xi32>
        %add3A_935 = arith.addi %add3A_931, %and3A_934 : vector<16xi32>
        %shift_right_logical3A_936 = arith.constant 16 : i32
        %shift_right_logical3A_937 = vector.broadcast %shift_right_logical3A_936 : i32 to vector<16xi32>
        %shift_right_logical3A_938 = arith.shrui %mul3A_918, %shift_right_logical3A_937 : vector<16xi32>
        %add3A_939 = arith.addi %mul3A_924, %shift_right_logical3A_938 : vector<16xi32>
        %shift_right_logical3A_940 = arith.constant 16 : i32
        %shift_right_logical3A_941 = vector.broadcast %shift_right_logical3A_940 : i32 to vector<16xi32>
        %shift_right_logical3A_942 = arith.shrui %mul3A_921, %shift_right_logical3A_941 : vector<16xi32>
        %add3A_943 = arith.addi %add3A_939, %shift_right_logical3A_942 : vector<16xi32>
        %shift_right_logical3A_944 = arith.constant 16 : i32
        %shift_right_logical3A_945 = vector.broadcast %shift_right_logical3A_944 : i32 to vector<16xi32>
        %shift_right_logical3A_946 = arith.shrui %add3A_935, %shift_right_logical3A_945 : vector<16xi32>
        %add3A_947 = arith.addi %add3A_943, %shift_right_logical3A_946 : vector<16xi32>
        %shift_right_logical3A_948 = arith.constant 10 : i32
        %shift_right_logical3A_949 = vector.broadcast %shift_right_logical3A_948 : i32 to vector<16xi32>
        %shift_right_logical3A_950 = arith.shrui %add3A_947, %shift_right_logical3A_949 : vector<16xi32>
        %mul3A_951 = arith.constant 12500 : i32
        %mul3A_952 = vector.broadcast %mul3A_951 : i32 to vector<16xi32>
        %mul3A_953 = arith.muli %shift_right_logical3A_950, %mul3A_952 : vector<16xi32>
        %sub3A_954 = arith.subi %xor3A_849, %mul3A_953 : vector<16xi32>
        %add3A_955 = arith.addi %mul3A_903, %sub3A_954 : vector<16xi32>
        %shift_right_logical3A_956 = arith.constant 2 : i32
        %shift_right_logical3A_957 = vector.broadcast %shift_right_logical3A_956 : i32 to vector<16xi32>
        %shift_right_logical3A_958 = arith.shrui %add3A_955, %shift_right_logical3A_957 : vector<16xi32>
        %and3A_959 = arith.constant 65535 : i32
        %and3A_960 = vector.broadcast %and3A_959 : i32 to vector<16xi32>
        %and3A_961 = arith.andi %shift_right_logical3A_958, %and3A_960 : vector<16xi32>
        %shift_right_logical3A_962 = arith.constant 16 : i32
        %shift_right_logical3A_963 = vector.broadcast %shift_right_logical3A_962 : i32 to vector<16xi32>
        %shift_right_logical3A_964 = arith.shrui %shift_right_logical3A_958, %shift_right_logical3A_963 : vector<16xi32>
        %mul3A_965 = arith.constant 54820 : i32
        %mul3A_966 = vector.broadcast %mul3A_965 : i32 to vector<16xi32>
        %mul3A_967 = arith.muli %and3A_961, %mul3A_966 : vector<16xi32>
        %mul3A_968 = arith.constant 21474 : i32
        %mul3A_969 = vector.broadcast %mul3A_968 : i32 to vector<16xi32>
        %mul3A_970 = arith.muli %and3A_961, %mul3A_969 : vector<16xi32>
        %mul3A_971 = arith.constant 54820 : i32
        %mul3A_972 = vector.broadcast %mul3A_971 : i32 to vector<16xi32>
        %mul3A_973 = arith.muli %shift_right_logical3A_964, %mul3A_972 : vector<16xi32>
        %mul3A_974 = arith.constant 21474 : i32
        %mul3A_975 = vector.broadcast %mul3A_974 : i32 to vector<16xi32>
        %mul3A_976 = arith.muli %shift_right_logical3A_964, %mul3A_975 : vector<16xi32>
        %shift_right_logical3A_977 = arith.constant 16 : i32
        %shift_right_logical3A_978 = vector.broadcast %shift_right_logical3A_977 : i32 to vector<16xi32>
        %shift_right_logical3A_979 = arith.shrui %mul3A_967, %shift_right_logical3A_978 : vector<16xi32>
        %and3A_980 = arith.constant 65535 : i32
        %and3A_981 = vector.broadcast %and3A_980 : i32 to vector<16xi32>
        %and3A_982 = arith.andi %mul3A_970, %and3A_981 : vector<16xi32>
        %add3A_983 = arith.addi %shift_right_logical3A_979, %and3A_982 : vector<16xi32>
        %and3A_984 = arith.constant 65535 : i32
        %and3A_985 = vector.broadcast %and3A_984 : i32 to vector<16xi32>
        %and3A_986 = arith.andi %mul3A_973, %and3A_985 : vector<16xi32>
        %add3A_987 = arith.addi %add3A_983, %and3A_986 : vector<16xi32>
        %shift_right_logical3A_988 = arith.constant 16 : i32
        %shift_right_logical3A_989 = vector.broadcast %shift_right_logical3A_988 : i32 to vector<16xi32>
        %shift_right_logical3A_990 = arith.shrui %mul3A_970, %shift_right_logical3A_989 : vector<16xi32>
        %add3A_991 = arith.addi %mul3A_976, %shift_right_logical3A_990 : vector<16xi32>
        %shift_right_logical3A_992 = arith.constant 16 : i32
        %shift_right_logical3A_993 = vector.broadcast %shift_right_logical3A_992 : i32 to vector<16xi32>
        %shift_right_logical3A_994 = arith.shrui %mul3A_973, %shift_right_logical3A_993 : vector<16xi32>
        %add3A_995 = arith.addi %add3A_991, %shift_right_logical3A_994 : vector<16xi32>
        %shift_right_logical3A_996 = arith.constant 16 : i32
        %shift_right_logical3A_997 = vector.broadcast %shift_right_logical3A_996 : i32 to vector<16xi32>
        %shift_right_logical3A_998 = arith.shrui %add3A_987, %shift_right_logical3A_997 : vector<16xi32>
        %add3A_999 = arith.addi %add3A_995, %shift_right_logical3A_998 : vector<16xi32>
        %shift_right_logical3A_1000 = arith.constant 10 : i32
        %shift_right_logical3A_1001 = vector.broadcast %shift_right_logical3A_1000 : i32 to vector<16xi32>
        %shift_right_logical3A_1002 = arith.shrui %add3A_999, %shift_right_logical3A_1001 : vector<16xi32>
        %mul3A_1003 = arith.constant 12500 : i32
        %mul3A_1004 = vector.broadcast %mul3A_1003 : i32 to vector<16xi32>
        %mul3A_1005 = arith.muli %shift_right_logical3A_1002, %mul3A_1004 : vector<16xi32>
        %sub3A_1006 = arith.subi %add3A_955, %mul3A_1005 : vector<16xi32>
        %mul3A_1007 = arith.constant 12500 : i32
        %mul3A_1008 = vector.broadcast %mul3A_1007 : i32 to vector<16xi32>
        %mul3A_1009 = arith.muli %sub3A_739, %mul3A_1008 : vector<16xi32>
        %add3A_1010 = arith.addi %mul3A_1009, %sub3A_1006 : vector<16xi32>
        %bitcast3A_1011 = vector.bitcast %add3A_1010 : vector<16xi32> to vector<16xi32>
        %mul3A_1012 = arith.constant 16 : i32
        %mul3A_1013 = arith.muli %add3A_686, %mul3A_1012 : i32
        %swap3A_1014 = arith.constant 0 : i32
        %swap3A_1015 = tpu.memref_slice %arg8[%add3A_663, %swap3A_1014] : memref<80x128xi32, #tpu.memory_space<vmem>> -> memref<1x128xi32, #tpu.memory_space<vmem>>
        %swap3A_1016 = tpu.memref_squeeze %swap3A_1015 : memref<1x128xi32, #tpu.memory_space<vmem>> -> memref<128xi32, #tpu.memory_space<vmem>>
        %swap3A_1017 = arith.index_cast %mul3A_1013 : i32 to index
        %swap3A_1018 = tpu.vector_load %swap3A_1016[%swap3A_1017] {strides = array<i32>} : memref<128xi32, #tpu.memory_space<vmem>>, vector<16xi32>,
        %swap3A_1019 = vector.shape_cast %swap3A_1018 : vector<16xi32> to vector<16xi32>
        %swap3A_1020 = vector.shape_cast %bitcast3A_1011 : vector<16xi32> to vector<16xi32>
        tpu.vector_store %swap3A_1016[%swap3A_1017], %swap3A_1020 {strides = array<i32>} : memref<128xi32, #tpu.memory_space<vmem>>, vector<16xi32>,
      }
      %while3A_683 = arith.constant 1 : i32
      scf.for %while3A_684 = %while3A_681 to %while3A_677 step %while3A_683  : i32 {
        %mul3A_685 = arith.muli %while3A_684, %while3A_673 : i32
        %add3A_686 = arith.addi %while3A_674, %mul3A_685 : i32
        %mul3A_687 = arith.constant 128 : i32
        %mul3A_688 = arith.muli %add3A_663, %mul3A_687 : i32
        %mul3A_689 = arith.constant 16 : i32
        %mul3A_690 = arith.muli %add3A_686, %mul3A_689 : i32
        %add3A_691 = arith.addi %mul3A_688, %mul3A_690 : i32
        %get3A = arith.index_cast %add3A_691 : i32 to index
        %get3A_692 = tpu.vector_load %arg7[%get3A] {strides = array<i32>} : memref<10240xi32, #tpu.memory_space<vmem>>, vector<16xi32>,
        %get3A_693 = vector.shape_cast %get3A_692 : vector<16xi32> to vector<16xi32>
        %bitcast3A = vector.bitcast %get3A_693 : vector<16xi32> to vector<16xi32>
        %and3A = arith.constant 65535 : i32
        %and3A_694 = vector.broadcast %and3A : i32 to vector<16xi32>
        %and3A_695 = arith.andi %bitcast3A, %and3A_694 : vector<16xi32>
        %shift_right_logical3A = arith.constant 16 : i32
        %shift_right_logical3A_696 = vector.broadcast %shift_right_logical3A : i32 to vector<16xi32>
        %shift_right_logical3A_697 = arith.shrui %bitcast3A, %shift_right_logical3A_696 : vector<16xi32>
        %mul3A_698 = arith.constant 39322 : i32
        %mul3A_699 = vector.broadcast %mul3A_698 : i32 to vector<16xi32>
        %mul3A_700 = arith.muli %and3A_695, %mul3A_699 : vector<16xi32>
        %mul3A_701 = arith.constant 6553 : i32
        %mul3A_702 = vector.broadcast %mul3A_701 : i32 to vector<16xi32>
        %mul3A_703 = arith.muli %and3A_695, %mul3A_702 : vector<16xi32>
        %mul3A_704 = arith.constant 39322 : i32
        %mul3A_705 = vector.broadcast %mul3A_704 : i32 to vector<16xi32>
        %mul3A_706 = arith.muli %shift_right_logical3A_697, %mul3A_705 : vector<16xi32>
        %mul3A_707 = arith.constant 6553 : i32
        %mul3A_708 = vector.broadcast %mul3A_707 : i32 to vector<16xi32>
        %mul3A_709 = arith.muli %shift_right_logical3A_697, %mul3A_708 : vector<16xi32>
        %shift_right_logical3A_710 = arith.constant 16 : i32
        %shift_right_logical3A_711 = vector.broadcast %shift_right_logical3A_710 : i32 to vector<16xi32>
        %shift_right_logical3A_712 = arith.shrui %mul3A_700, %shift_right_logical3A_711 : vector<16xi32>
        %and3A_713 = arith.constant 65535 : i32
        %and3A_714 = vector.broadcast %and3A_713 : i32 to vector<16xi32>
        %and3A_715 = arith.andi %mul3A_703, %and3A_714 : vector<16xi32>
        %add3A_716 = arith.addi %shift_right_logical3A_712, %and3A_715 : vector<16xi32>
        %and3A_717 = arith.constant 65535 : i32
        %and3A_718 = vector.broadcast %and3A_717 : i32 to vector<16xi32>
        %and3A_719 = arith.andi %mul3A_706, %and3A_718 : vector<16xi32>
        %add3A_720 = arith.addi %add3A_716, %and3A_719 : vector<16xi32>
        %shift_right_logical3A_721 = arith.constant 16 : i32
        %shift_right_logical3A_722 = vector.broadcast %shift_right_logical3A_721 : i32 to vector<16xi32>
        %shift_right_logical3A_723 = arith.shrui %mul3A_703, %shift_right_logical3A_722 : vector<16xi32>
        %add3A_724 = arith.addi %mul3A_709, %shift_right_logical3A_723 : vector<16xi32>
        %shift_right_logical3A_725 = arith.constant 16 : i32
        %shift_right_logical3A_726 = vector.broadcast %shift_right_logical3A_725 : i32 to vector<16xi32>
        %shift_right_logical3A_727 = arith.shrui %mul3A_706, %shift_right_logical3A_726 : vector<16xi32>
        %add3A_728 = arith.addi %add3A_724, %shift_right_logical3A_727 : vector<16xi32>
        %shift_right_logical3A_729 = arith.constant 16 : i32
        %shift_right_logical3A_730 = vector.broadcast %shift_right_logical3A_729 : i32 to vector<16xi32>
        %shift_right_logical3A_731 = arith.shrui %add3A_720, %shift_right_logical3A_730 : vector<16xi32>
        %add3A_732 = arith.addi %add3A_728, %shift_right_logical3A_731 : vector<16xi32>
        %shift_right_logical3A_733 = arith.constant 3 : i32
        %shift_right_logical3A_734 = vector.broadcast %shift_right_logical3A_733 : i32 to vector<16xi32>
        %shift_right_logical3A_735 = arith.shrui %add3A_732, %shift_right_logical3A_734 : vector<16xi32>
        %mul3A_736 = arith.constant 80 : i32
        %mul3A_737 = vector.broadcast %mul3A_736 : i32 to vector<16xi32>
        %mul3A_738 = arith.muli %shift_right_logical3A_735, %mul3A_737 : vector<16xi32>
        %sub3A_739 = arith.subi %bitcast3A, %mul3A_738 : vector<16xi32>
        %mul3A_740 = arith.constant 2135587861 : i32
        %mul3A_741 = vector.broadcast %mul3A_740 : i32 to vector<16xi32>
        %mul3A_742 = arith.muli %bitcast3A, %mul3A_741 : vector<16xi32>
        %and3A_743 = arith.constant 65535 : i32
        %and3A_744 = vector.broadcast %and3A_743 : i32 to vector<16xi32>
        %and3A_745 = arith.andi %bitcast3A, %and3A_744 : vector<16xi32>
        %shift_right_logical3A_746 = arith.constant 16 : i32
        %shift_right_logical3A_747 = vector.broadcast %shift_right_logical3A_746 : i32 to vector<16xi32>
        %shift_right_logical3A_748 = arith.shrui %bitcast3A, %shift_right_logical3A_747 : vector<16xi32>
        %mul3A_749 = arith.constant 31765 : i32
        %mul3A_750 = vector.broadcast %mul3A_749 : i32 to vector<16xi32>
        %mul3A_751 = arith.muli %and3A_745, %mul3A_750 : vector<16xi32>
        %mul3A_752 = arith.constant 32586 : i32
        %mul3A_753 = vector.broadcast %mul3A_752 : i32 to vector<16xi32>
        %mul3A_754 = arith.muli %and3A_745, %mul3A_753 : vector<16xi32>
        %mul3A_755 = arith.constant 31765 : i32
        %mul3A_756 = vector.broadcast %mul3A_755 : i32 to vector<16xi32>
        %mul3A_757 = arith.muli %shift_right_logical3A_748, %mul3A_756 : vector<16xi32>
        %mul3A_758 = arith.constant 32586 : i32
        %mul3A_759 = vector.broadcast %mul3A_758 : i32 to vector<16xi32>
        %mul3A_760 = arith.muli %shift_right_logical3A_748, %mul3A_759 : vector<16xi32>
        %shift_right_logical3A_761 = arith.constant 16 : i32
        %shift_right_logical3A_762 = vector.broadcast %shift_right_logical3A_761 : i32 to vector<16xi32>
        %shift_right_logical3A_763 = arith.shrui %mul3A_751, %shift_right_logical3A_762 : vector<16xi32>
        %and3A_764 = arith.constant 65535 : i32
        %and3A_765 = vector.broadcast %and3A_764 : i32 to vector<16xi32>
        %and3A_766 = arith.andi %mul3A_754, %and3A_765 : vector<16xi32>
        %add3A_767 = arith.addi %shift_right_logical3A_763, %and3A_766 : vector<16xi32>
        %and3A_768 = arith.constant 65535 : i32
        %and3A_769 = vector.broadcast %and3A_768 : i32 to vector<16xi32>
        %and3A_770 = arith.andi %mul3A_757, %and3A_769 : vector<16xi32>
        %add3A_771 = arith.addi %add3A_767, %and3A_770 : vector<16xi32>
        %shift_right_logical3A_772 = arith.constant 16 : i32
        %shift_right_logical3A_773 = vector.broadcast %shift_right_logical3A_772 : i32 to vector<16xi32>
        %shift_right_logical3A_774 = arith.shrui %mul3A_754, %shift_right_logical3A_773 : vector<16xi32>
        %add3A_775 = arith.addi %mul3A_760, %shift_right_logical3A_774 : vector<16xi32>
        %shift_right_logical3A_776 = arith.constant 16 : i32
        %shift_right_logical3A_777 = vector.broadcast %shift_right_logical3A_776 : i32 to vector<16xi32>
        %shift_right_logical3A_778 = arith.shrui %mul3A_757, %shift_right_logical3A_777 : vector<16xi32>
        %add3A_779 = arith.addi %add3A_775, %shift_right_logical3A_778 : vector<16xi32>
        %shift_right_logical3A_780 = arith.constant 16 : i32
        %shift_right_logical3A_781 = vector.broadcast %shift_right_logical3A_780 : i32 to vector<16xi32>
        %shift_right_logical3A_782 = arith.shrui %add3A_771, %shift_right_logical3A_781 : vector<16xi32>
        %add3A_783 = arith.addi %add3A_779, %shift_right_logical3A_782 : vector<16xi32>
        %mul3A_784 = arith.constant -1640531527 : i32
        %mul3A_785 = vector.broadcast %mul3A_784 : i32 to vector<16xi32>
        %mul3A_786 = arith.muli %bitcast3A, %mul3A_785 : vector<16xi32>
        %add3A_787 = arith.addi %add3A_783, %mul3A_786 : vector<16xi32>
        %shift_left3A = arith.constant 3 : i32
        %shift_left3A_788 = vector.broadcast %shift_left3A : i32 to vector<16xi32>
        %shift_left3A_789 = arith.shli %add3A_787, %shift_left3A_788 : vector<16xi32>
        %shift_right_logical3A_790 = arith.constant 29 : i32
        %shift_right_logical3A_791 = vector.broadcast %shift_right_logical3A_790 : i32 to vector<16xi32>
        %shift_right_logical3A_792 = arith.shrui %mul3A_742, %shift_right_logical3A_791 : vector<16xi32>
        %or3A = arith.ori %shift_left3A_789, %shift_right_logical3A_792 : vector<16xi32>
        %xor3A = arith.xori %mul3A_742, %or3A : vector<16xi32>
        %shift_right_logical3A_793 = arith.constant 29 : i32
        %shift_right_logical3A_794 = vector.broadcast %shift_right_logical3A_793 : i32 to vector<16xi32>
        %shift_right_logical3A_795 = arith.shrui %add3A_787, %shift_right_logical3A_794 : vector<16xi32>
        %xor3A_796 = arith.xori %add3A_787, %shift_right_logical3A_795 : vector<16xi32>
        %mul3A_797 = arith.constant 484763065 : i32
        %mul3A_798 = vector.broadcast %mul3A_797 : i32 to vector<16xi32>
        %mul3A_799 = arith.muli %xor3A, %mul3A_798 : vector<16xi32>
        %and3A_800 = arith.constant 65535 : i32
        %and3A_801 = vector.broadcast %and3A_800 : i32 to vector<16xi32>
        %and3A_802 = arith.andi %xor3A, %and3A_801 : vector<16xi32>
        %shift_right_logical3A_803 = arith.constant 16 : i32
        %shift_right_logical3A_804 = vector.broadcast %shift_right_logical3A_803 : i32 to vector<16xi32>
        %shift_right_logical3A_805 = arith.shrui %xor3A, %shift_right_logical3A_804 : vector<16xi32>
        %mul3A_806 = arith.constant 58809 : i32
        %mul3A_807 = vector.broadcast %mul3A_806 : i32 to vector<16xi32>
        %mul3A_808 = arith.muli %and3A_802, %mul3A_807 : vector<16xi32>
        %mul3A_809 = arith.constant 7396 : i32
        %mul3A_810 = vector.broadcast %mul3A_809 : i32 to vector<16xi32>
        %mul3A_811 = arith.muli %and3A_802, %mul3A_810 : vector<16xi32>
        %mul3A_812 = arith.constant 58809 : i32
        %mul3A_813 = vector.broadcast %mul3A_812 : i32 to vector<16xi32>
        %mul3A_814 = arith.muli %shift_right_logical3A_805, %mul3A_813 : vector<16xi32>
        %mul3A_815 = arith.constant 7396 : i32
        %mul3A_816 = vector.broadcast %mul3A_815 : i32 to vector<16xi32>
        %mul3A_817 = arith.muli %shift_right_logical3A_805, %mul3A_816 : vector<16xi32>
        %shift_right_logical3A_818 = arith.constant 16 : i32
        %shift_right_logical3A_819 = vector.broadcast %shift_right_logical3A_818 : i32 to vector<16xi32>
        %shift_right_logical3A_820 = arith.shrui %mul3A_808, %shift_right_logical3A_819 : vector<16xi32>
        %and3A_821 = arith.constant 65535 : i32
        %and3A_822 = vector.broadcast %and3A_821 : i32 to vector<16xi32>
        %and3A_823 = arith.andi %mul3A_811, %and3A_822 : vector<16xi32>
        %add3A_824 = arith.addi %shift_right_logical3A_820, %and3A_823 : vector<16xi32>
        %and3A_825 = arith.constant 65535 : i32
        %and3A_826 = vector.broadcast %and3A_825 : i32 to vector<16xi32>
        %and3A_827 = arith.andi %mul3A_814, %and3A_826 : vector<16xi32>
        %add3A_828 = arith.addi %add3A_824, %and3A_827 : vector<16xi32>
        %shift_right_logical3A_829 = arith.constant 16 : i32
        %shift_right_logical3A_830 = vector.broadcast %shift_right_logical3A_829 : i32 to vector<16xi32>
        %shift_right_logical3A_831 = arith.shrui %mul3A_811, %shift_right_logical3A_830 : vector<16xi32>
        %add3A_832 = arith.addi %mul3A_817, %shift_right_logical3A_831 : vector<16xi32>
        %shift_right_logical3A_833 = arith.constant 16 : i32
        %shift_right_logical3A_834 = vector.broadcast %shift_right_logical3A_833 : i32 to vector<16xi32>
        %shift_right_logical3A_835 = arith.shrui %mul3A_814, %shift_right_logical3A_834 : vector<16xi32>
        %add3A_836 = arith.addi %add3A_832, %shift_right_logical3A_835 : vector<16xi32>
        %shift_right_logical3A_837 = arith.constant 16 : i32
        %shift_right_logical3A_838 = vector.broadcast %shift_right_logical3A_837 : i32 to vector<16xi32>
        %shift_right_logical3A_839 = arith.shrui %add3A_828, %shift_right_logical3A_838 : vector<16xi32>
        %add3A_840 = arith.addi %add3A_836, %shift_right_logical3A_839 : vector<16xi32>
        %mul3A_841 = arith.constant -1084733587 : i32
        %mul3A_842 = vector.broadcast %mul3A_841 : i32 to vector<16xi32>
        %mul3A_843 = arith.muli %xor3A, %mul3A_842 : vector<16xi32>
        %add3A_844 = arith.addi %add3A_840, %mul3A_843 : vector<16xi32>
        %mul3A_845 = arith.constant 484763065 : i32
        %mul3A_846 = vector.broadcast %mul3A_845 : i32 to vector<16xi32>
        %mul3A_847 = arith.muli %xor3A_796, %mul3A_846 : vector<16xi32>
        %add3A_848 = arith.addi %add3A_844, %mul3A_847 : vector<16xi32>
        %xor3A_849 = arith.xori %mul3A_799, %add3A_848 : vector<16xi32>
        %shift_right_logical3A_850 = arith.constant 2 : i32
        %shift_right_logical3A_851 = vector.broadcast %shift_right_logical3A_850 : i32 to vector<16xi32>
        %shift_right_logical3A_852 = arith.shrui %add3A_848, %shift_right_logical3A_851 : vector<16xi32>
        %and3A_853 = arith.constant 65535 : i32
        %and3A_854 = vector.broadcast %and3A_853 : i32 to vector<16xi32>
        %and3A_855 = arith.andi %shift_right_logical3A_852, %and3A_854 : vector<16xi32>
        %shift_right_logical3A_856 = arith.constant 16 : i32
        %shift_right_logical3A_857 = vector.broadcast %shift_right_logical3A_856 : i32 to vector<16xi32>
        %shift_right_logical3A_858 = arith.shrui %shift_right_logical3A_852, %shift_right_logical3A_857 : vector<16xi32>
        %mul3A_859 = arith.constant 54820 : i32
        %mul3A_860 = vector.broadcast %mul3A_859 : i32 to vector<16xi32>
        %mul3A_861 = arith.muli %and3A_855, %mul3A_860 : vector<16xi32>
        %mul3A_862 = arith.constant 21474 : i32
        %mul3A_863 = vector.broadcast %mul3A_862 : i32 to vector<16xi32>
        %mul3A_864 = arith.muli %and3A_855, %mul3A_863 : vector<16xi32>
        %mul3A_865 = arith.constant 54820 : i32
        %mul3A_866 = vector.broadcast %mul3A_865 : i32 to vector<16xi32>
        %mul3A_867 = arith.muli %shift_right_logical3A_858, %mul3A_866 : vector<16xi32>
        %mul3A_868 = arith.constant 21474 : i32
        %mul3A_869 = vector.broadcast %mul3A_868 : i32 to vector<16xi32>
        %mul3A_870 = arith.muli %shift_right_logical3A_858, %mul3A_869 : vector<16xi32>
        %shift_right_logical3A_871 = arith.constant 16 : i32
        %shift_right_logical3A_872 = vector.broadcast %shift_right_logical3A_871 : i32 to vector<16xi32>
        %shift_right_logical3A_873 = arith.shrui %mul3A_861, %shift_right_logical3A_872 : vector<16xi32>
        %and3A_874 = arith.constant 65535 : i32
        %and3A_875 = vector.broadcast %and3A_874 : i32 to vector<16xi32>
        %and3A_876 = arith.andi %mul3A_864, %and3A_875 : vector<16xi32>
        %add3A_877 = arith.addi %shift_right_logical3A_873, %and3A_876 : vector<16xi32>
        %and3A_878 = arith.constant 65535 : i32
        %and3A_879 = vector.broadcast %and3A_878 : i32 to vector<16xi32>
        %and3A_880 = arith.andi %mul3A_867, %and3A_879 : vector<16xi32>
        %add3A_881 = arith.addi %add3A_877, %and3A_880 : vector<16xi32>
        %shift_right_logical3A_882 = arith.constant 16 : i32
        %shift_right_logical3A_883 = vector.broadcast %shift_right_logical3A_882 : i32 to vector<16xi32>
        %shift_right_logical3A_884 = arith.shrui %mul3A_864, %shift_right_logical3A_883 : vector<16xi32>
        %add3A_885 = arith.addi %mul3A_870, %shift_right_logical3A_884 : vector<16xi32>
        %shift_right_logical3A_886 = arith.constant 16 : i32
        %shift_right_logical3A_887 = vector.broadcast %shift_right_logical3A_886 : i32 to vector<16xi32>
        %shift_right_logical3A_888 = arith.shrui %mul3A_867, %shift_right_logical3A_887 : vector<16xi32>
        %add3A_889 = arith.addi %add3A_885, %shift_right_logical3A_888 : vector<16xi32>
        %shift_right_logical3A_890 = arith.constant 16 : i32
        %shift_right_logical3A_891 = vector.broadcast %shift_right_logical3A_890 : i32 to vector<16xi32>
        %shift_right_logical3A_892 = arith.shrui %add3A_881, %shift_right_logical3A_891 : vector<16xi32>
        %add3A_893 = arith.addi %add3A_889, %shift_right_logical3A_892 : vector<16xi32>
        %shift_right_logical3A_894 = arith.constant 10 : i32
        %shift_right_logical3A_895 = vector.broadcast %shift_right_logical3A_894 : i32 to vector<16xi32>
        %shift_right_logical3A_896 = arith.shrui %add3A_893, %shift_right_logical3A_895 : vector<16xi32>
        %mul3A_897 = arith.constant 12500 : i32
        %mul3A_898 = vector.broadcast %mul3A_897 : i32 to vector<16xi32>
        %mul3A_899 = arith.muli %shift_right_logical3A_896, %mul3A_898 : vector<16xi32>
        %sub3A_900 = arith.subi %add3A_848, %mul3A_899 : vector<16xi32>
        %mul3A_901 = arith.constant 4796 : i32
        %mul3A_902 = vector.broadcast %mul3A_901 : i32 to vector<16xi32>
        %mul3A_903 = arith.muli %sub3A_900, %mul3A_902 : vector<16xi32>
        %shift_right_logical3A_904 = arith.constant 2 : i32
        %shift_right_logical3A_905 = vector.broadcast %shift_right_logical3A_904 : i32 to vector<16xi32>
        %shift_right_logical3A_906 = arith.shrui %xor3A_849, %shift_right_logical3A_905 : vector<16xi32>
        %and3A_907 = arith.constant 65535 : i32
        %and3A_908 = vector.broadcast %and3A_907 : i32 to vector<16xi32>
        %and3A_909 = arith.andi %shift_right_logical3A_906, %and3A_908 : vector<16xi32>
        %shift_right_logical3A_910 = arith.constant 16 : i32
        %shift_right_logical3A_911 = vector.broadcast %shift_right_logical3A_910 : i32 to vector<16xi32>
        %shift_right_logical3A_912 = arith.shrui %shift_right_logical3A_906, %shift_right_logical3A_911 : vector<16xi32>
        %mul3A_913 = arith.constant 54820 : i32
        %mul3A_914 = vector.broadcast %mul3A_913 : i32 to vector<16xi32>
        %mul3A_915 = arith.muli %and3A_909, %mul3A_914 : vector<16xi32>
        %mul3A_916 = arith.constant 21474 : i32
        %mul3A_917 = vector.broadcast %mul3A_916 : i32 to vector<16xi32>
        %mul3A_918 = arith.muli %and3A_909, %mul3A_917 : vector<16xi32>
        %mul3A_919 = arith.constant 54820 : i32
        %mul3A_920 = vector.broadcast %mul3A_919 : i32 to vector<16xi32>
        %mul3A_921 = arith.muli %shift_right_logical3A_912, %mul3A_920 : vector<16xi32>
        %mul3A_922 = arith.constant 21474 : i32
        %mul3A_923 = vector.broadcast %mul3A_922 : i32 to vector<16xi32>
        %mul3A_924 = arith.muli %shift_right_logical3A_912, %mul3A_923 : vector<16xi32>
        %shift_right_logical3A_925 = arith.constant 16 : i32
        %shift_right_logical3A_926 = vector.broadcast %shift_right_logical3A_925 : i32 to vector<16xi32>
        %shift_right_logical3A_927 = arith.shrui %mul3A_915, %shift_right_logical3A_926 : vector<16xi32>
        %and3A_928 = arith.constant 65535 : i32
        %and3A_929 = vector.broadcast %and3A_928 : i32 to vector<16xi32>
        %and3A_930 = arith.andi %mul3A_918, %and3A_929 : vector<16xi32>
        %add3A_931 = arith.addi %shift_right_logical3A_927, %and3A_930 : vector<16xi32>
        %and3A_932 = arith.constant 65535 : i32
        %and3A_933 = vector.broadcast %and3A_932 : i32 to vector<16xi32>
        %and3A_934 = arith.andi %mul3A_921, %and3A_933 : vector<16xi32>
        %add3A_935 = arith.addi %add3A_931, %and3A_934 : vector<16xi32>
        %shift_right_logical3A_936 = arith.constant 16 : i32
        %shift_right_logical3A_937 = vector.broadcast %shift_right_logical3A_936 : i32 to vector<16xi32>
        %shift_right_logical3A_938 = arith.shrui %mul3A_918, %shift_right_logical3A_937 : vector<16xi32>
        %add3A_939 = arith.addi %mul3A_924, %shift_right_logical3A_938 : vector<16xi32>
        %shift_right_logical3A_940 = arith.constant 16 : i32
        %shift_right_logical3A_941 = vector.broadcast %shift_right_logical3A_940 : i32 to vector<16xi32>
        %shift_right_logical3A_942 = arith.shrui %mul3A_921, %shift_right_logical3A_941 : vector<16xi32>
        %add3A_943 = arith.addi %add3A_939, %shift_right_logical3A_942 : vector<16xi32>
        %shift_right_logical3A_944 = arith.constant 16 : i32
        %shift_right_logical3A_945 = vector.broadcast %shift_right_logical3A_944 : i32 to vector<16xi32>
        %shift_right_logical3A_946 = arith.shrui %add3A_935, %shift_right_logical3A_945 : vector<16xi32>
        %add3A_947 = arith.addi %add3A_943, %shift_right_logical3A_946 : vector<16xi32>
        %shift_right_logical3A_948 = arith.constant 10 : i32
        %shift_right_logical3A_949 = vector.broadcast %shift_right_logical3A_948 : i32 to vector<16xi32>
        %shift_right_logical3A_950 = arith.shrui %add3A_947, %shift_right_logical3A_949 : vector<16xi32>
        %mul3A_951 = arith.constant 12500 : i32
        %mul3A_952 = vector.broadcast %mul3A_951 : i32 to vector<16xi32>
        %mul3A_953 = arith.muli %shift_right_logical3A_950, %mul3A_952 : vector<16xi32>
        %sub3A_954 = arith.subi %xor3A_849, %mul3A_953 : vector<16xi32>
        %add3A_955 = arith.addi %mul3A_903, %sub3A_954 : vector<16xi32>
        %shift_right_logical3A_956 = arith.constant 2 : i32
        %shift_right_logical3A_957 = vector.broadcast %shift_right_logical3A_956 : i32 to vector<16xi32>
        %shift_right_logical3A_958 = arith.shrui %add3A_955, %shift_right_logical3A_957 : vector<16xi32>
        %and3A_959 = arith.constant 65535 : i32
        %and3A_960 = vector.broadcast %and3A_959 : i32 to vector<16xi32>
        %and3A_961 = arith.andi %shift_right_logical3A_958, %and3A_960 : vector<16xi32>
        %shift_right_logical3A_962 = arith.constant 16 : i32
        %shift_right_logical3A_963 = vector.broadcast %shift_right_logical3A_962 : i32 to vector<16xi32>
        %shift_right_logical3A_964 = arith.shrui %shift_right_logical3A_958, %shift_right_logical3A_963 : vector<16xi32>
        %mul3A_965 = arith.constant 54820 : i32
        %mul3A_966 = vector.broadcast %mul3A_965 : i32 to vector<16xi32>
        %mul3A_967 = arith.muli %and3A_961, %mul3A_966 : vector<16xi32>
        %mul3A_968 = arith.constant 21474 : i32
        %mul3A_969 = vector.broadcast %mul3A_968 : i32 to vector<16xi32>
        %mul3A_970 = arith.muli %and3A_961, %mul3A_969 : vector<16xi32>
        %mul3A_971 = arith.constant 54820 : i32
        %mul3A_972 = vector.broadcast %mul3A_971 : i32 to vector<16xi32>
        %mul3A_973 = arith.muli %shift_right_logical3A_964, %mul3A_972 : vector<16xi32>
        %mul3A_974 = arith.constant 21474 : i32
        %mul3A_975 = vector.broadcast %mul3A_974 : i32 to vector<16xi32>
        %mul3A_976 = arith.muli %shift_right_logical3A_964, %mul3A_975 : vector<16xi32>
        %shift_right_logical3A_977 = arith.constant 16 : i32
        %shift_right_logical3A_978 = vector.broadcast %shift_right_logical3A_977 : i32 to vector<16xi32>
        %shift_right_logical3A_979 = arith.shrui %mul3A_967, %shift_right_logical3A_978 : vector<16xi32>
        %and3A_980 = arith.constant 65535 : i32
        %and3A_981 = vector.broadcast %and3A_980 : i32 to vector<16xi32>
        %and3A_982 = arith.andi %mul3A_970, %and3A_981 : vector<16xi32>
        %add3A_983 = arith.addi %shift_right_logical3A_979, %and3A_982 : vector<16xi32>
        %and3A_984 = arith.constant 65535 : i32
        %and3A_985 = vector.broadcast %and3A_984 : i32 to vector<16xi32>
        %and3A_986 = arith.andi %mul3A_973, %and3A_985 : vector<16xi32>
        %add3A_987 = arith.addi %add3A_983, %and3A_986 : vector<16xi32>
        %shift_right_logical3A_988 = arith.constant 16 : i32
        %shift_right_logical3A_989 = vector.broadcast %shift_right_logical3A_988 : i32 to vector<16xi32>
        %shift_right_logical3A_990 = arith.shrui %mul3A_970, %shift_right_logical3A_989 : vector<16xi32>
        %add3A_991 = arith.addi %mul3A_976, %shift_right_logical3A_990 : vector<16xi32>
        %shift_right_logical3A_992 = arith.constant 16 : i32
        %shift_right_logical3A_993 = vector.broadcast %shift_right_logical3A_992 : i32 to vector<16xi32>
        %shift_right_logical3A_994 = arith.shrui %mul3A_973, %shift_right_logical3A_993 : vector<16xi32>
        %add3A_995 = arith.addi %add3A_991, %shift_right_logical3A_994 : vector<16xi32>
        %shift_right_logical3A_996 = arith.constant 16 : i32
        %shift_right_logical3A_997 = vector.broadcast %shift_right_logical3A_996 : i32 to vector<16xi32>
        %shift_right_logical3A_998 = arith.shrui %add3A_987, %shift_right_logical3A_997 : vector<16xi32>
        %add3A_999 = arith.addi %add3A_995, %shift_right_logical3A_998 : vector<16xi32>
        %shift_right_logical3A_1000 = arith.constant 10 : i32
        %shift_right_logical3A_1001 = vector.broadcast %shift_right_logical3A_1000 : i32 to vector<16xi32>
        %shift_right_logical3A_1002 = arith.shrui %add3A_999, %shift_right_logical3A_1001 : vector<16xi32>
        %mul3A_1003 = arith.constant 12500 : i32
        %mul3A_1004 = vector.broadcast %mul3A_1003 : i32 to vector<16xi32>
        %mul3A_1005 = arith.muli %shift_right_logical3A_1002, %mul3A_1004 : vector<16xi32>
        %sub3A_1006 = arith.subi %add3A_955, %mul3A_1005 : vector<16xi32>
        %mul3A_1007 = arith.constant 12500 : i32
        %mul3A_1008 = vector.broadcast %mul3A_1007 : i32 to vector<16xi32>
        %mul3A_1009 = arith.muli %sub3A_739, %mul3A_1008 : vector<16xi32>
        %add3A_1010 = arith.addi %mul3A_1009, %sub3A_1006 : vector<16xi32>
        %bitcast3A_1011 = vector.bitcast %add3A_1010 : vector<16xi32> to vector<16xi32>
        %mul3A_1012 = arith.constant 16 : i32
        %mul3A_1013 = arith.muli %add3A_686, %mul3A_1012 : i32
        %swap3A_1014 = arith.constant 0 : i32
        %swap3A_1015 = tpu.memref_slice %arg8[%add3A_663, %swap3A_1014] : memref<80x128xi32, #tpu.memory_space<vmem>> -> memref<1x128xi32, #tpu.memory_space<vmem>>
        %swap3A_1016 = tpu.memref_squeeze %swap3A_1015 : memref<1x128xi32, #tpu.memory_space<vmem>> -> memref<128xi32, #tpu.memory_space<vmem>>
        %swap3A_1017 = arith.index_cast %mul3A_1013 : i32 to index
        %swap3A_1018 = tpu.vector_load %swap3A_1016[%swap3A_1017] {strides = array<i32>} : memref<128xi32, #tpu.memory_space<vmem>>, vector<16xi32>,
        %swap3A_1019 = vector.shape_cast %swap3A_1018 : vector<16xi32> to vector<16xi32>
        %swap3A_1020 = vector.shape_cast %bitcast3A_1011 : vector<16xi32> to vector<16xi32>
        tpu.vector_store %swap3A_1016[%swap3A_1017], %swap3A_1020 {strides = array<i32>} : memref<128xi32, #tpu.memory_space<vmem>>, vector<16xi32>,
      }
    }
    "tpu.region"() ({
      %run_scoped3A = tpu.sem_alloc : memref<!tpu.dma_semaphore, #tpu.memory_space<semaphore_mem>>
      %dma_start3A_661 = arith.constant 0 : i32
      %dma_start3A_662 = arith.constant 0 : i32
      %dma_start3A_663 = tpu.memref_slice %arg5[%add3A, %dma_start3A_661, %dma_start3A_662] : memref<32x80x128xi32, #tpu.memory_space<hbm>> -> memref<1x80x128xi32, #tpu.memory_space<hbm>>
      %dma_start3A_664 = tpu.memref_squeeze %dma_start3A_663 : memref<1x80x128xi32, #tpu.memory_space<hbm>> -> memref<80x128xi32, #tpu.memory_space<hbm>>
      %dma_start3A_665 = arith.constant 0 : i32
      %dma_start3A_666 = arith.constant 0 : i32
      %dma_start3A_667 = tpu.memref_slice %arg5[%add3A, %dma_start3A_665, %dma_start3A_666] : memref<32x80x128xi32, #tpu.memory_space<hbm>> -> memref<1x80x128xi32, #tpu.memory_space<hbm>>
      %dma_start3A_668 = tpu.memref_squeeze %dma_start3A_667 : memref<1x80x128xi32, #tpu.memory_space<hbm>> -> memref<80x128xi32, #tpu.memory_space<hbm>>
      tpu.enqueue_dma source(%arg8 : memref<80x128xi32, #tpu.memory_space<vmem>>) target(%dma_start3A_668 : memref<80x128xi32, #tpu.memory_space<hbm>>) target_semaphore(%run_scoped3A : memref<!tpu.dma_semaphore, #tpu.memory_space<semaphore_mem>>)
      %dma_wait3A_669 = arith.constant 0 : i32
      %dma_wait3A_670 = arith.constant 0 : i32
      %dma_wait3A_671 = tpu.memref_slice %arg5[%add3A, %dma_wait3A_669, %dma_wait3A_670] : memref<32x80x128xi32, #tpu.memory_space<hbm>> -> memref<1x80x128xi32, #tpu.memory_space<hbm>>
      %dma_wait3A_672 = tpu.memref_squeeze %dma_wait3A_671 : memref<1x80x128xi32, #tpu.memory_space<hbm>> -> memref<80x128xi32, #tpu.memory_space<hbm>>
      %dma_wait3A_673 = arith.constant 0 : i32
      %dma_wait3A_674 = arith.constant 0 : i32
      %dma_wait3A_675 = tpu.memref_slice %arg5[%add3A, %dma_wait3A_673, %dma_wait3A_674] : memref<32x80x128xi32, #tpu.memory_space<hbm>> -> memref<1x80x128xi32, #tpu.memory_space<hbm>>
      %dma_wait3A_676 = tpu.memref_squeeze %dma_wait3A_675 : memref<1x80x128xi32, #tpu.memory_space<hbm>> -> memref<80x128xi32, #tpu.memory_space<hbm>>
      tpu.wait_dma2 semaphore(%run_scoped3A : memref<!tpu.dma_semaphore, #tpu.memory_space<semaphore_mem>>) src(%arg8 : memref<80x128xi32, #tpu.memory_space<vmem>>) dst(%dma_wait3A_676 : memref<80x128xi32, #tpu.memory_space<hbm>>)
      tpu.yield
    }) : () -> ()
    %sub3A_134 = arith.constant 80 : i32
    %sub3A_135 = arith.constant 0 : i32
    %sub3A_136 = arith.subi %sub3A_134, %sub3A_135 : i32
    %sub3A_137 = arith.constant 1 : i32
    %sub3A_138 = arith.constant 1 : i32
    %sub3A_139 = arith.subi %sub3A_137, %sub3A_138 : i32
    %add3A_140 = arith.addi %sub3A_136, %sub3A_139 : i32
    %div3A_141 = arith.constant 1 : i32
    %div3A_142 = arith.divsi %add3A_140, %div3A_141 : i32
    %while3A_143 = arith.constant 1 : i32
    %while3A_144 = arith.constant 0 : i32
    %while3A_145 = arith.constant 0 : i32
    %while3A_146 = arith.subi %div3A_142, %while3A_145 : i32
    %while3A_147 = arith.addi %while3A_145, %while3A_146 : i32
    %while3A_148 = arith.constant 1 : i32
    %while3A_149 = arith.divsi %while3A_146, %while3A_148 : i32
    %while3A_150 = arith.muli %while3A_149, %while3A_148 : i32
    %while3A_151 = arith.addi %while3A_145, %while3A_150 : i32
    %while3A_152 = arith.constant 1 : i32
    scf.for %while3A_661 = %while3A_145 to %while3A_151 step %while3A_152  : i32 {
      %mul3A_662 = arith.muli %while3A_661, %while3A_143 : i32
      %add3A_663 = arith.addi %while3A_144, %mul3A_662 : i32
      %dma_start3A_664 = arith.constant 0 : i32
      %dma_start3A_665 = tpu.memref_slice %arg8[%add3A_663, %dma_start3A_664] : memref<80x128xi32, #tpu.memory_space<vmem>> -> memref<1x128xi32, #tpu.memory_space<vmem>>
      %dma_start3A_666 = tpu.memref_squeeze %dma_start3A_665 : memref<1x128xi32, #tpu.memory_space<vmem>> -> memref<128xi32, #tpu.memory_space<vmem>>
      %dma_start3A_667 = arith.constant 0 : i32
      %dma_start3A_668 = tpu.memref_slice %arg12[%dma_start3A_667] : memref<1048576xi32, #tpu.memory_space<vmem_shared>> -> memref<1048576xi32, #tpu.memory_space<vmem_shared>>
      tpu.enqueue_indirect_dma source(%arg11 : memref<128xi32, #tpu.memory_space<vmem>>) target(%dma_start3A_668 : memref<1048576xi32, #tpu.memory_space<vmem_shared>>) offsets(%dma_start3A_666 : memref<128xi32, #tpu.memory_space<vmem>>) semaphore(%arg13 : memref<!tpu.dma_semaphore, #tpu.memory_space<semaphore_mem>>) {add = true}
    }
    %while3A_153 = arith.constant 1 : i32
    scf.for %while3A_661 = %while3A_151 to %while3A_147 step %while3A_153  : i32 {
      %mul3A_662 = arith.muli %while3A_661, %while3A_143 : i32
      %add3A_663 = arith.addi %while3A_144, %mul3A_662 : i32
      %dma_start3A_664 = arith.constant 0 : i32
      %dma_start3A_665 = tpu.memref_slice %arg8[%add3A_663, %dma_start3A_664] : memref<80x128xi32, #tpu.memory_space<vmem>> -> memref<1x128xi32, #tpu.memory_space<vmem>>
      %dma_start3A_666 = tpu.memref_squeeze %dma_start3A_665 : memref<1x128xi32, #tpu.memory_space<vmem>> -> memref<128xi32, #tpu.memory_space<vmem>>
      %dma_start3A_667 = arith.constant 0 : i32
      %dma_start3A_668 = tpu.memref_slice %arg12[%dma_start3A_667] : memref<1048576xi32, #tpu.memory_space<vmem_shared>> -> memref<1048576xi32, #tpu.memory_space<vmem_shared>>
      tpu.enqueue_indirect_dma source(%arg11 : memref<128xi32, #tpu.memory_space<vmem>>) target(%dma_start3A_668 : memref<1048576xi32, #tpu.memory_space<vmem_shared>>) offsets(%dma_start3A_666 : memref<128xi32, #tpu.memory_space<vmem>>) semaphore(%arg13 : memref<!tpu.dma_semaphore, #tpu.memory_space<semaphore_mem>>) {add = true}
    }
    %dma_start3A = arith.constant 0 : i32
    %dma_start3A_154 = arith.constant 0 : i32
    %dma_start3A_155 = arith.constant 0 : i32
    %dma_start3A_156 = arith.constant 0 : i32
    %dma_start3A_157 = tpu.memref_slice %arg9[%dma_start3A_154, %dma_start3A_155, %dma_start3A_156] : memref<8x128x32xf32, #tpu.memory_space<vmem>> -> memref<1x128x32xf32, #tpu.memory_space<vmem>>
    %dma_start3A_158 = tpu.memref_squeeze %dma_start3A_157 : memref<1x128x32xf32, #tpu.memory_space<vmem>> -> memref<128x32xf32, #tpu.memory_space<vmem>>
    %dma_start3A_159 = arith.constant 0 : i32
    %dma_start3A_160 = tpu.memref_slice %arg8[%dma_start3A, %dma_start3A_159] : memref<80x128xi32, #tpu.memory_space<vmem>> -> memref<1x128xi32, #tpu.memory_space<vmem>>
    %dma_start3A_161 = tpu.memref_squeeze %dma_start3A_160 : memref<1x128xi32, #tpu.memory_space<vmem>> -> memref<128xi32, #tpu.memory_space<vmem>>
    %dma_start3A_162 = arith.constant 0 : i32
    %dma_start3A_163 = arith.constant 0 : i32
    %dma_start3A_164 = tpu.memref_slice %arg3[%dma_start3A_162, %dma_start3A_163] : memref<1000000x32xf32, #tpu.memory_space<hbm>> -> memref<1000000x32xf32, #tpu.memory_space<hbm>>
    tpu.enqueue_indirect_dma source(%dma_start3A_164 : memref<1000000x32xf32, #tpu.memory_space<hbm>>) target(%dma_start3A_158 : memref<128x32xf32, #tpu.memory_space<vmem>>) offsets(%dma_start3A_161 : memref<128xi32, #tpu.memory_space<vmem>>) semaphore(%arg14 : memref<!tpu.dma_semaphore, #tpu.memory_space<semaphore_mem>>)
    %dma_start3A_165 = arith.constant 1 : i32
    %dma_start3A_166 = arith.constant 1 : i32
    %dma_start3A_167 = arith.constant 0 : i32
    %dma_start3A_168 = arith.constant 0 : i32
    %dma_start3A_169 = tpu.memref_slice %arg9[%dma_start3A_166, %dma_start3A_167, %dma_start3A_168] : memref<8x128x32xf32, #tpu.memory_space<vmem>> -> memref<1x128x32xf32, #tpu.memory_space<vmem>>
    %dma_start3A_170 = tpu.memref_squeeze %dma_start3A_169 : memref<1x128x32xf32, #tpu.memory_space<vmem>> -> memref<128x32xf32, #tpu.memory_space<vmem>>
    %dma_start3A_171 = arith.constant 0 : i32
    %dma_start3A_172 = tpu.memref_slice %arg8[%dma_start3A_165, %dma_start3A_171] : memref<80x128xi32, #tpu.memory_space<vmem>> -> memref<1x128xi32, #tpu.memory_space<vmem>>
    %dma_start3A_173 = tpu.memref_squeeze %dma_start3A_172 : memref<1x128xi32, #tpu.memory_space<vmem>> -> memref<128xi32, #tpu.memory_space<vmem>>
    %dma_start3A_174 = arith.constant 0 : i32
    %dma_start3A_175 = arith.constant 0 : i32
    %dma_start3A_176 = tpu.memref_slice %arg3[%dma_start3A_174, %dma_start3A_175] : memref<1000000x32xf32, #tpu.memory_space<hbm>> -> memref<1000000x32xf32, #tpu.memory_space<hbm>>
    tpu.enqueue_indirect_dma source(%dma_start3A_176 : memref<1000000x32xf32, #tpu.memory_space<hbm>>) target(%dma_start3A_170 : memref<128x32xf32, #tpu.memory_space<vmem>>) offsets(%dma_start3A_173 : memref<128xi32, #tpu.memory_space<vmem>>) semaphore(%arg15 : memref<!tpu.dma_semaphore, #tpu.memory_space<semaphore_mem>>)
    %dma_start3A_177 = arith.constant 2 : i32
    %dma_start3A_178 = arith.constant 2 : i32
    %dma_start3A_179 = arith.constant 0 : i32
    %dma_start3A_180 = arith.constant 0 : i32
    %dma_start3A_181 = tpu.memref_slice %arg9[%dma_start3A_178, %dma_start3A_179, %dma_start3A_180] : memref<8x128x32xf32, #tpu.memory_space<vmem>> -> memref<1x128x32xf32, #tpu.memory_space<vmem>>
    %dma_start3A_182 = tpu.memref_squeeze %dma_start3A_181 : memref<1x128x32xf32, #tpu.memory_space<vmem>> -> memref<128x32xf32, #tpu.memory_space<vmem>>
    %dma_start3A_183 = arith.constant 0 : i32
    %dma_start3A_184 = tpu.memref_slice %arg8[%dma_start3A_177, %dma_start3A_183] : memref<80x128xi32, #tpu.memory_space<vmem>> -> memref<1x128xi32, #tpu.memory_space<vmem>>
    %dma_start3A_185 = tpu.memref_squeeze %dma_start3A_184 : memref<1x128xi32, #tpu.memory_space<vmem>> -> memref<128xi32, #tpu.memory_space<vmem>>
    %dma_start3A_186 = arith.constant 0 : i32
    %dma_start3A_187 = arith.constant 0 : i32
    %dma_start3A_188 = tpu.memref_slice %arg3[%dma_start3A_186, %dma_start3A_187] : memref<1000000x32xf32, #tpu.memory_space<hbm>> -> memref<1000000x32xf32, #tpu.memory_space<hbm>>
    tpu.enqueue_indirect_dma source(%dma_start3A_188 : memref<1000000x32xf32, #tpu.memory_space<hbm>>) target(%dma_start3A_182 : memref<128x32xf32, #tpu.memory_space<vmem>>) offsets(%dma_start3A_185 : memref<128xi32, #tpu.memory_space<vmem>>) semaphore(%arg16 : memref<!tpu.dma_semaphore, #tpu.memory_space<semaphore_mem>>)
    %dma_start3A_189 = arith.constant 3 : i32
    %dma_start3A_190 = arith.constant 3 : i32
    %dma_start3A_191 = arith.constant 0 : i32
    %dma_start3A_192 = arith.constant 0 : i32
    %dma_start3A_193 = tpu.memref_slice %arg9[%dma_start3A_190, %dma_start3A_191, %dma_start3A_192] : memref<8x128x32xf32, #tpu.memory_space<vmem>> -> memref<1x128x32xf32, #tpu.memory_space<vmem>>
    %dma_start3A_194 = tpu.memref_squeeze %dma_start3A_193 : memref<1x128x32xf32, #tpu.memory_space<vmem>> -> memref<128x32xf32, #tpu.memory_space<vmem>>
    %dma_start3A_195 = arith.constant 0 : i32
    %dma_start3A_196 = tpu.memref_slice %arg8[%dma_start3A_189, %dma_start3A_195] : memref<80x128xi32, #tpu.memory_space<vmem>> -> memref<1x128xi32, #tpu.memory_space<vmem>>
    %dma_start3A_197 = tpu.memref_squeeze %dma_start3A_196 : memref<1x128xi32, #tpu.memory_space<vmem>> -> memref<128xi32, #tpu.memory_space<vmem>>
    %dma_start3A_198 = arith.constant 0 : i32
    %dma_start3A_199 = arith.constant 0 : i32
    %dma_start3A_200 = tpu.memref_slice %arg3[%dma_start3A_198, %dma_start3A_199] : memref<1000000x32xf32, #tpu.memory_space<hbm>> -> memref<1000000x32xf32, #tpu.memory_space<hbm>>
    tpu.enqueue_indirect_dma source(%dma_start3A_200 : memref<1000000x32xf32, #tpu.memory_space<hbm>>) target(%dma_start3A_194 : memref<128x32xf32, #tpu.memory_space<vmem>>) offsets(%dma_start3A_197 : memref<128xi32, #tpu.memory_space<vmem>>) semaphore(%arg17 : memref<!tpu.dma_semaphore, #tpu.memory_space<semaphore_mem>>)
    %dma_start3A_201 = arith.constant 4 : i32
    %dma_start3A_202 = arith.constant 4 : i32
    %dma_start3A_203 = arith.constant 0 : i32
    %dma_start3A_204 = arith.constant 0 : i32
    %dma_start3A_205 = tpu.memref_slice %arg9[%dma_start3A_202, %dma_start3A_203, %dma_start3A_204] : memref<8x128x32xf32, #tpu.memory_space<vmem>> -> memref<1x128x32xf32, #tpu.memory_space<vmem>>
    %dma_start3A_206 = tpu.memref_squeeze %dma_start3A_205 : memref<1x128x32xf32, #tpu.memory_space<vmem>> -> memref<128x32xf32, #tpu.memory_space<vmem>>
    %dma_start3A_207 = arith.constant 0 : i32
    %dma_start3A_208 = tpu.memref_slice %arg8[%dma_start3A_201, %dma_start3A_207] : memref<80x128xi32, #tpu.memory_space<vmem>> -> memref<1x128xi32, #tpu.memory_space<vmem>>
    %dma_start3A_209 = tpu.memref_squeeze %dma_start3A_208 : memref<1x128xi32, #tpu.memory_space<vmem>> -> memref<128xi32, #tpu.memory_space<vmem>>
    %dma_start3A_210 = arith.constant 0 : i32
    %dma_start3A_211 = arith.constant 0 : i32
    %dma_start3A_212 = tpu.memref_slice %arg3[%dma_start3A_210, %dma_start3A_211] : memref<1000000x32xf32, #tpu.memory_space<hbm>> -> memref<1000000x32xf32, #tpu.memory_space<hbm>>
    tpu.enqueue_indirect_dma source(%dma_start3A_212 : memref<1000000x32xf32, #tpu.memory_space<hbm>>) target(%dma_start3A_206 : memref<128x32xf32, #tpu.memory_space<vmem>>) offsets(%dma_start3A_209 : memref<128xi32, #tpu.memory_space<vmem>>) semaphore(%arg18 : memref<!tpu.dma_semaphore, #tpu.memory_space<semaphore_mem>>)
    %dma_start3A_213 = arith.constant 5 : i32
    %dma_start3A_214 = arith.constant 5 : i32
    %dma_start3A_215 = arith.constant 0 : i32
    %dma_start3A_216 = arith.constant 0 : i32
    %dma_start3A_217 = tpu.memref_slice %arg9[%dma_start3A_214, %dma_start3A_215, %dma_start3A_216] : memref<8x128x32xf32, #tpu.memory_space<vmem>> -> memref<1x128x32xf32, #tpu.memory_space<vmem>>
    %dma_start3A_218 = tpu.memref_squeeze %dma_start3A_217 : memref<1x128x32xf32, #tpu.memory_space<vmem>> -> memref<128x32xf32, #tpu.memory_space<vmem>>
    %dma_start3A_219 = arith.constant 0 : i32
    %dma_start3A_220 = tpu.memref_slice %arg8[%dma_start3A_213, %dma_start3A_219] : memref<80x128xi32, #tpu.memory_space<vmem>> -> memref<1x128xi32, #tpu.memory_space<vmem>>
    %dma_start3A_221 = tpu.memref_squeeze %dma_start3A_220 : memref<1x128xi32, #tpu.memory_space<vmem>> -> memref<128xi32, #tpu.memory_space<vmem>>
    %dma_start3A_222 = arith.constant 0 : i32
    %dma_start3A_223 = arith.constant 0 : i32
    %dma_start3A_224 = tpu.memref_slice %arg3[%dma_start3A_222, %dma_start3A_223] : memref<1000000x32xf32, #tpu.memory_space<hbm>> -> memref<1000000x32xf32, #tpu.memory_space<hbm>>
    tpu.enqueue_indirect_dma source(%dma_start3A_224 : memref<1000000x32xf32, #tpu.memory_space<hbm>>) target(%dma_start3A_218 : memref<128x32xf32, #tpu.memory_space<vmem>>) offsets(%dma_start3A_221 : memref<128xi32, #tpu.memory_space<vmem>>) semaphore(%arg19 : memref<!tpu.dma_semaphore, #tpu.memory_space<semaphore_mem>>)
    %dma_start3A_225 = arith.constant 6 : i32
    %dma_start3A_226 = arith.constant 6 : i32
    %dma_start3A_227 = arith.constant 0 : i32
    %dma_start3A_228 = arith.constant 0 : i32
    %dma_start3A_229 = tpu.memref_slice %arg9[%dma_start3A_226, %dma_start3A_227, %dma_start3A_228] : memref<8x128x32xf32, #tpu.memory_space<vmem>> -> memref<1x128x32xf32, #tpu.memory_space<vmem>>
    %dma_start3A_230 = tpu.memref_squeeze %dma_start3A_229 : memref<1x128x32xf32, #tpu.memory_space<vmem>> -> memref<128x32xf32, #tpu.memory_space<vmem>>
    %dma_start3A_231 = arith.constant 0 : i32
    %dma_start3A_232 = tpu.memref_slice %arg8[%dma_start3A_225, %dma_start3A_231] : memref<80x128xi32, #tpu.memory_space<vmem>> -> memref<1x128xi32, #tpu.memory_space<vmem>>
    %dma_start3A_233 = tpu.memref_squeeze %dma_start3A_232 : memref<1x128xi32, #tpu.memory_space<vmem>> -> memref<128xi32, #tpu.memory_space<vmem>>
    %dma_start3A_234 = arith.constant 0 : i32
    %dma_start3A_235 = arith.constant 0 : i32
    %dma_start3A_236 = tpu.memref_slice %arg3[%dma_start3A_234, %dma_start3A_235] : memref<1000000x32xf32, #tpu.memory_space<hbm>> -> memref<1000000x32xf32, #tpu.memory_space<hbm>>
    tpu.enqueue_indirect_dma source(%dma_start3A_236 : memref<1000000x32xf32, #tpu.memory_space<hbm>>) target(%dma_start3A_230 : memref<128x32xf32, #tpu.memory_space<vmem>>) offsets(%dma_start3A_233 : memref<128xi32, #tpu.memory_space<vmem>>) semaphore(%arg20 : memref<!tpu.dma_semaphore, #tpu.memory_space<semaphore_mem>>)
    %dma_start3A_237 = arith.constant 7 : i32
    %dma_start3A_238 = arith.constant 7 : i32
    %dma_start3A_239 = arith.constant 0 : i32
    %dma_start3A_240 = arith.constant 0 : i32
    %dma_start3A_241 = tpu.memref_slice %arg9[%dma_start3A_238, %dma_start3A_239, %dma_start3A_240] : memref<8x128x32xf32, #tpu.memory_space<vmem>> -> memref<1x128x32xf32, #tpu.memory_space<vmem>>
    %dma_start3A_242 = tpu.memref_squeeze %dma_start3A_241 : memref<1x128x32xf32, #tpu.memory_space<vmem>> -> memref<128x32xf32, #tpu.memory_space<vmem>>
    %dma_start3A_243 = arith.constant 0 : i32
    %dma_start3A_244 = tpu.memref_slice %arg8[%dma_start3A_237, %dma_start3A_243] : memref<80x128xi32, #tpu.memory_space<vmem>> -> memref<1x128xi32, #tpu.memory_space<vmem>>
    %dma_start3A_245 = tpu.memref_squeeze %dma_start3A_244 : memref<1x128xi32, #tpu.memory_space<vmem>> -> memref<128xi32, #tpu.memory_space<vmem>>
    %dma_start3A_246 = arith.constant 0 : i32
    %dma_start3A_247 = arith.constant 0 : i32
    %dma_start3A_248 = tpu.memref_slice %arg3[%dma_start3A_246, %dma_start3A_247] : memref<1000000x32xf32, #tpu.memory_space<hbm>> -> memref<1000000x32xf32, #tpu.memory_space<hbm>>
    tpu.enqueue_indirect_dma source(%dma_start3A_248 : memref<1000000x32xf32, #tpu.memory_space<hbm>>) target(%dma_start3A_242 : memref<128x32xf32, #tpu.memory_space<vmem>>) offsets(%dma_start3A_245 : memref<128xi32, #tpu.memory_space<vmem>>) semaphore(%arg21 : memref<!tpu.dma_semaphore, #tpu.memory_space<semaphore_mem>>)
    %sub3A_249 = arith.constant 72 : i32
    %sub3A_250 = arith.constant 0 : i32
    %sub3A_251 = arith.subi %sub3A_249, %sub3A_250 : i32
    %sub3A_252 = arith.constant 8 : i32
    %sub3A_253 = arith.constant 1 : i32
    %sub3A_254 = arith.subi %sub3A_252, %sub3A_253 : i32
    %add3A_255 = arith.addi %sub3A_251, %sub3A_254 : i32
    %div3A_256 = arith.constant 8 : i32
    %div3A_257 = arith.divsi %add3A_255, %div3A_256 : i32
    %while3A_258 = arith.constant 8 : i32
    %while3A_259 = arith.constant 0 : i32
    %while3A_260 = arith.constant 0 : i32
    %while3A_261 = arith.subi %div3A_257, %while3A_260 : i32
    %while3A_262 = arith.addi %while3A_260, %while3A_261 : i32
    %while3A_263 = arith.constant 1 : i32
    %while3A_264 = arith.divsi %while3A_261, %while3A_263 : i32
    %while3A_265 = arith.muli %while3A_264, %while3A_263 : i32
    %while3A_266 = arith.addi %while3A_260, %while3A_265 : i32
    %while3A_267 = arith.constant 1 : i32
    scf.for %while3A_661 = %while3A_260 to %while3A_266 step %while3A_267  : i32 {
      %mul3A_662 = arith.muli %while3A_661, %while3A_258 : i32
      %add3A_663 = arith.addi %while3A_259, %mul3A_662 : i32
      %add3A_664 = arith.constant 0 : i32
      %add3A_665 = arith.addi %add3A_663, %add3A_664 : i32
      %dma_wait3A_666 = arith.constant 0 : i32
      %dma_wait3A_667 = arith.constant 0 : i32
      %dma_wait3A_668 = arith.constant 0 : i32
      %dma_wait3A_669 = tpu.memref_slice %arg9[%dma_wait3A_666, %dma_wait3A_667, %dma_wait3A_668] : memref<8x128x32xf32, #tpu.memory_space<vmem>> -> memref<1x128x32xf32, #tpu.memory_space<vmem>>
      %dma_wait3A_670 = tpu.memref_squeeze %dma_wait3A_669 : memref<1x128x32xf32, #tpu.memory_space<vmem>> -> memref<128x32xf32, #tpu.memory_space<vmem>>
      %dma_wait3A_671 = arith.constant 0 : i32
      %dma_wait3A_672 = tpu.memref_slice %arg8[%add3A_665, %dma_wait3A_671] : memref<80x128xi32, #tpu.memory_space<vmem>> -> memref<1x128xi32, #tpu.memory_space<vmem>>
      %dma_wait3A_673 = tpu.memref_squeeze %dma_wait3A_672 : memref<1x128xi32, #tpu.memory_space<vmem>> -> memref<128xi32, #tpu.memory_space<vmem>>
      %dma_wait3A_674 = arith.constant 0 : i32
      %dma_wait3A_675 = arith.constant 0 : i32
      %dma_wait3A_676 = tpu.memref_slice %arg3[%dma_wait3A_674, %dma_wait3A_675] : memref<1000000x32xf32, #tpu.memory_space<hbm>> -> memref<1000000x32xf32, #tpu.memory_space<hbm>>
      tpu.wait_indirect_dma semaphore(%arg14 : memref<!tpu.dma_semaphore, #tpu.memory_space<semaphore_mem>>) src(%dma_wait3A_676 : memref<1000000x32xf32, #tpu.memory_space<hbm>>) dst(%dma_wait3A_670 : memref<128x32xf32, #tpu.memory_space<vmem>>)
      %mul3A_677 = arith.constant 128 : i32
      %mul3A_678 = arith.muli %add3A_665, %mul3A_677 : i32
      %add3A_679 = arith.addi %mul3A_2, %mul3A_678 : i32
      %dma_start3A_680 = arith.constant 0 : i32
      %dma_start3A_681 = arith.constant 0 : i32
      %dma_start3A_682 = arith.constant 0 : i32
      %dma_start3A_683 = tpu.memref_slice %arg9[%dma_start3A_680, %dma_start3A_681, %dma_start3A_682] : memref<8x128x32xf32, #tpu.memory_space<vmem>> -> memref<1x128x32xf32, #tpu.memory_space<vmem>>
      %dma_start3A_684 = tpu.memref_squeeze %dma_start3A_683 : memref<1x128x32xf32, #tpu.memory_space<vmem>> -> memref<128x32xf32, #tpu.memory_space<vmem>>
      %dma_start3A_685 = arith.constant 0 : i32
      %dma_start3A_686 = tpu.memref_slice %arg4[%add3A_679, %dma_start3A_685] : memref<327680x32xf32, #tpu.memory_space<hbm>> -> memref<128x32xf32, #tpu.memory_space<hbm>>
      %dma_start3A_687 = arith.constant 0 : i32
      %dma_start3A_688 = tpu.memref_slice %arg4[%add3A_679, %dma_start3A_687] : memref<327680x32xf32, #tpu.memory_space<hbm>> -> memref<128x32xf32, #tpu.memory_space<hbm>>
      %dma_start3A_689 = arith.constant 0 : i32
      %dma_start3A_690 = arith.constant 0 : i32
      %dma_start3A_691 = tpu.memref_slice %arg9[%dma_start3A_680, %dma_start3A_689, %dma_start3A_690] : memref<8x128x32xf32, #tpu.memory_space<vmem>> -> memref<1x128x32xf32, #tpu.memory_space<vmem>>
      %dma_start3A_692 = tpu.memref_squeeze %dma_start3A_691 : memref<1x128x32xf32, #tpu.memory_space<vmem>> -> memref<128x32xf32, #tpu.memory_space<vmem>>
      tpu.enqueue_dma source(%dma_start3A_692 : memref<128x32xf32, #tpu.memory_space<vmem>>) target(%dma_start3A_688 : memref<128x32xf32, #tpu.memory_space<hbm>>) target_semaphore(%arg22 : memref<!tpu.dma_semaphore, #tpu.memory_space<semaphore_mem>>)
      %add3A_693 = arith.constant 1 : i32
      %add3A_694 = arith.addi %add3A_663, %add3A_693 : i32
      %dma_wait3A_695 = arith.constant 1 : i32
      %dma_wait3A_696 = arith.constant 0 : i32
      %dma_wait3A_697 = arith.constant 0 : i32
      %dma_wait3A_698 = tpu.memref_slice %arg9[%dma_wait3A_695, %dma_wait3A_696, %dma_wait3A_697] : memref<8x128x32xf32, #tpu.memory_space<vmem>> -> memref<1x128x32xf32, #tpu.memory_space<vmem>>
      %dma_wait3A_699 = tpu.memref_squeeze %dma_wait3A_698 : memref<1x128x32xf32, #tpu.memory_space<vmem>> -> memref<128x32xf32, #tpu.memory_space<vmem>>
      %dma_wait3A_700 = arith.constant 0 : i32
      %dma_wait3A_701 = tpu.memref_slice %arg8[%add3A_694, %dma_wait3A_700] : memref<80x128xi32, #tpu.memory_space<vmem>> -> memref<1x128xi32, #tpu.memory_space<vmem>>
      %dma_wait3A_702 = tpu.memref_squeeze %dma_wait3A_701 : memref<1x128xi32, #tpu.memory_space<vmem>> -> memref<128xi32, #tpu.memory_space<vmem>>
      %dma_wait3A_703 = arith.constant 0 : i32
      %dma_wait3A_704 = arith.constant 0 : i32
      %dma_wait3A_705 = tpu.memref_slice %arg3[%dma_wait3A_703, %dma_wait3A_704] : memref<1000000x32xf32, #tpu.memory_space<hbm>> -> memref<1000000x32xf32, #tpu.memory_space<hbm>>
      tpu.wait_indirect_dma semaphore(%arg15 : memref<!tpu.dma_semaphore, #tpu.memory_space<semaphore_mem>>) src(%dma_wait3A_705 : memref<1000000x32xf32, #tpu.memory_space<hbm>>) dst(%dma_wait3A_699 : memref<128x32xf32, #tpu.memory_space<vmem>>)
      %mul3A_706 = arith.constant 128 : i32
      %mul3A_707 = arith.muli %add3A_694, %mul3A_706 : i32
      %add3A_708 = arith.addi %mul3A_2, %mul3A_707 : i32
      %dma_start3A_709 = arith.constant 1 : i32
      %dma_start3A_710 = arith.constant 0 : i32
      %dma_start3A_711 = arith.constant 0 : i32
      %dma_start3A_712 = tpu.memref_slice %arg9[%dma_start3A_709, %dma_start3A_710, %dma_start3A_711] : memref<8x128x32xf32, #tpu.memory_space<vmem>> -> memref<1x128x32xf32, #tpu.memory_space<vmem>>
      %dma_start3A_713 = tpu.memref_squeeze %dma_start3A_712 : memref<1x128x32xf32, #tpu.memory_space<vmem>> -> memref<128x32xf32, #tpu.memory_space<vmem>>
      %dma_start3A_714 = arith.constant 0 : i32
      %dma_start3A_715 = tpu.memref_slice %arg4[%add3A_708, %dma_start3A_714] : memref<327680x32xf32, #tpu.memory_space<hbm>> -> memref<128x32xf32, #tpu.memory_space<hbm>>
      %dma_start3A_716 = arith.constant 0 : i32
      %dma_start3A_717 = tpu.memref_slice %arg4[%add3A_708, %dma_start3A_716] : memref<327680x32xf32, #tpu.memory_space<hbm>> -> memref<128x32xf32, #tpu.memory_space<hbm>>
      %dma_start3A_718 = arith.constant 0 : i32
      %dma_start3A_719 = arith.constant 0 : i32
      %dma_start3A_720 = tpu.memref_slice %arg9[%dma_start3A_709, %dma_start3A_718, %dma_start3A_719] : memref<8x128x32xf32, #tpu.memory_space<vmem>> -> memref<1x128x32xf32, #tpu.memory_space<vmem>>
      %dma_start3A_721 = tpu.memref_squeeze %dma_start3A_720 : memref<1x128x32xf32, #tpu.memory_space<vmem>> -> memref<128x32xf32, #tpu.memory_space<vmem>>
      tpu.enqueue_dma source(%dma_start3A_721 : memref<128x32xf32, #tpu.memory_space<vmem>>) target(%dma_start3A_717 : memref<128x32xf32, #tpu.memory_space<hbm>>) target_semaphore(%arg23 : memref<!tpu.dma_semaphore, #tpu.memory_space<semaphore_mem>>)
      %add3A_722 = arith.constant 2 : i32
      %add3A_723 = arith.addi %add3A_663, %add3A_722 : i32
      %dma_wait3A_724 = arith.constant 2 : i32
      %dma_wait3A_725 = arith.constant 0 : i32
      %dma_wait3A_726 = arith.constant 0 : i32
      %dma_wait3A_727 = tpu.memref_slice %arg9[%dma_wait3A_724, %dma_wait3A_725, %dma_wait3A_726] : memref<8x128x32xf32, #tpu.memory_space<vmem>> -> memref<1x128x32xf32, #tpu.memory_space<vmem>>
      %dma_wait3A_728 = tpu.memref_squeeze %dma_wait3A_727 : memref<1x128x32xf32, #tpu.memory_space<vmem>> -> memref<128x32xf32, #tpu.memory_space<vmem>>
      %dma_wait3A_729 = arith.constant 0 : i32
      %dma_wait3A_730 = tpu.memref_slice %arg8[%add3A_723, %dma_wait3A_729] : memref<80x128xi32, #tpu.memory_space<vmem>> -> memref<1x128xi32, #tpu.memory_space<vmem>>
      %dma_wait3A_731 = tpu.memref_squeeze %dma_wait3A_730 : memref<1x128xi32, #tpu.memory_space<vmem>> -> memref<128xi32, #tpu.memory_space<vmem>>
      %dma_wait3A_732 = arith.constant 0 : i32
      %dma_wait3A_733 = arith.constant 0 : i32
      %dma_wait3A_734 = tpu.memref_slice %arg3[%dma_wait3A_732, %dma_wait3A_733] : memref<1000000x32xf32, #tpu.memory_space<hbm>> -> memref<1000000x32xf32, #tpu.memory_space<hbm>>
      tpu.wait_indirect_dma semaphore(%arg16 : memref<!tpu.dma_semaphore, #tpu.memory_space<semaphore_mem>>) src(%dma_wait3A_734 : memref<1000000x32xf32, #tpu.memory_space<hbm>>) dst(%dma_wait3A_728 : memref<128x32xf32, #tpu.memory_space<vmem>>)
      %mul3A_735 = arith.constant 128 : i32
      %mul3A_736 = arith.muli %add3A_723, %mul3A_735 : i32
      %add3A_737 = arith.addi %mul3A_2, %mul3A_736 : i32
      %dma_start3A_738 = arith.constant 2 : i32
      %dma_start3A_739 = arith.constant 0 : i32
      %dma_start3A_740 = arith.constant 0 : i32
      %dma_start3A_741 = tpu.memref_slice %arg9[%dma_start3A_738, %dma_start3A_739, %dma_start3A_740] : memref<8x128x32xf32, #tpu.memory_space<vmem>> -> memref<1x128x32xf32, #tpu.memory_space<vmem>>
      %dma_start3A_742 = tpu.memref_squeeze %dma_start3A_741 : memref<1x128x32xf32, #tpu.memory_space<vmem>> -> memref<128x32xf32, #tpu.memory_space<vmem>>
      %dma_start3A_743 = arith.constant 0 : i32
      %dma_start3A_744 = tpu.memref_slice %arg4[%add3A_737, %dma_start3A_743] : memref<327680x32xf32, #tpu.memory_space<hbm>> -> memref<128x32xf32, #tpu.memory_space<hbm>>
      %dma_start3A_745 = arith.constant 0 : i32
      %dma_start3A_746 = tpu.memref_slice %arg4[%add3A_737, %dma_start3A_745] : memref<327680x32xf32, #tpu.memory_space<hbm>> -> memref<128x32xf32, #tpu.memory_space<hbm>>
      %dma_start3A_747 = arith.constant 0 : i32
      %dma_start3A_748 = arith.constant 0 : i32
      %dma_start3A_749 = tpu.memref_slice %arg9[%dma_start3A_738, %dma_start3A_747, %dma_start3A_748] : memref<8x128x32xf32, #tpu.memory_space<vmem>> -> memref<1x128x32xf32, #tpu.memory_space<vmem>>
      %dma_start3A_750 = tpu.memref_squeeze %dma_start3A_749 : memref<1x128x32xf32, #tpu.memory_space<vmem>> -> memref<128x32xf32, #tpu.memory_space<vmem>>
      tpu.enqueue_dma source(%dma_start3A_750 : memref<128x32xf32, #tpu.memory_space<vmem>>) target(%dma_start3A_746 : memref<128x32xf32, #tpu.memory_space<hbm>>) target_semaphore(%arg24 : memref<!tpu.dma_semaphore, #tpu.memory_space<semaphore_mem>>)
      %add3A_751 = arith.constant 3 : i32
      %add3A_752 = arith.addi %add3A_663, %add3A_751 : i32
      %dma_wait3A_753 = arith.constant 3 : i32
      %dma_wait3A_754 = arith.constant 0 : i32
      %dma_wait3A_755 = arith.constant 0 : i32
      %dma_wait3A_756 = tpu.memref_slice %arg9[%dma_wait3A_753, %dma_wait3A_754, %dma_wait3A_755] : memref<8x128x32xf32, #tpu.memory_space<vmem>> -> memref<1x128x32xf32, #tpu.memory_space<vmem>>
      %dma_wait3A_757 = tpu.memref_squeeze %dma_wait3A_756 : memref<1x128x32xf32, #tpu.memory_space<vmem>> -> memref<128x32xf32, #tpu.memory_space<vmem>>
      %dma_wait3A_758 = arith.constant 0 : i32
      %dma_wait3A_759 = tpu.memref_slice %arg8[%add3A_752, %dma_wait3A_758] : memref<80x128xi32, #tpu.memory_space<vmem>> -> memref<1x128xi32, #tpu.memory_space<vmem>>
      %dma_wait3A_760 = tpu.memref_squeeze %dma_wait3A_759 : memref<1x128xi32, #tpu.memory_space<vmem>> -> memref<128xi32, #tpu.memory_space<vmem>>
      %dma_wait3A_761 = arith.constant 0 : i32
      %dma_wait3A_762 = arith.constant 0 : i32
      %dma_wait3A_763 = tpu.memref_slice %arg3[%dma_wait3A_761, %dma_wait3A_762] : memref<1000000x32xf32, #tpu.memory_space<hbm>> -> memref<1000000x32xf32, #tpu.memory_space<hbm>>
      tpu.wait_indirect_dma semaphore(%arg17 : memref<!tpu.dma_semaphore, #tpu.memory_space<semaphore_mem>>) src(%dma_wait3A_763 : memref<1000000x32xf32, #tpu.memory_space<hbm>>) dst(%dma_wait3A_757 : memref<128x32xf32, #tpu.memory_space<vmem>>)
      %mul3A_764 = arith.constant 128 : i32
      %mul3A_765 = arith.muli %add3A_752, %mul3A_764 : i32
      %add3A_766 = arith.addi %mul3A_2, %mul3A_765 : i32
      %dma_start3A_767 = arith.constant 3 : i32
      %dma_start3A_768 = arith.constant 0 : i32
      %dma_start3A_769 = arith.constant 0 : i32
      %dma_start3A_770 = tpu.memref_slice %arg9[%dma_start3A_767, %dma_start3A_768, %dma_start3A_769] : memref<8x128x32xf32, #tpu.memory_space<vmem>> -> memref<1x128x32xf32, #tpu.memory_space<vmem>>
      %dma_start3A_771 = tpu.memref_squeeze %dma_start3A_770 : memref<1x128x32xf32, #tpu.memory_space<vmem>> -> memref<128x32xf32, #tpu.memory_space<vmem>>
      %dma_start3A_772 = arith.constant 0 : i32
      %dma_start3A_773 = tpu.memref_slice %arg4[%add3A_766, %dma_start3A_772] : memref<327680x32xf32, #tpu.memory_space<hbm>> -> memref<128x32xf32, #tpu.memory_space<hbm>>
      %dma_start3A_774 = arith.constant 0 : i32
      %dma_start3A_775 = tpu.memref_slice %arg4[%add3A_766, %dma_start3A_774] : memref<327680x32xf32, #tpu.memory_space<hbm>> -> memref<128x32xf32, #tpu.memory_space<hbm>>
      %dma_start3A_776 = arith.constant 0 : i32
      %dma_start3A_777 = arith.constant 0 : i32
      %dma_start3A_778 = tpu.memref_slice %arg9[%dma_start3A_767, %dma_start3A_776, %dma_start3A_777] : memref<8x128x32xf32, #tpu.memory_space<vmem>> -> memref<1x128x32xf32, #tpu.memory_space<vmem>>
      %dma_start3A_779 = tpu.memref_squeeze %dma_start3A_778 : memref<1x128x32xf32, #tpu.memory_space<vmem>> -> memref<128x32xf32, #tpu.memory_space<vmem>>
      tpu.enqueue_dma source(%dma_start3A_779 : memref<128x32xf32, #tpu.memory_space<vmem>>) target(%dma_start3A_775 : memref<128x32xf32, #tpu.memory_space<hbm>>) target_semaphore(%arg25 : memref<!tpu.dma_semaphore, #tpu.memory_space<semaphore_mem>>)
      %add3A_780 = arith.constant 4 : i32
      %add3A_781 = arith.addi %add3A_663, %add3A_780 : i32
      %dma_wait3A_782 = arith.constant 4 : i32
      %dma_wait3A_783 = arith.constant 0 : i32
      %dma_wait3A_784 = arith.constant 0 : i32
      %dma_wait3A_785 = tpu.memref_slice %arg9[%dma_wait3A_782, %dma_wait3A_783, %dma_wait3A_784] : memref<8x128x32xf32, #tpu.memory_space<vmem>> -> memref<1x128x32xf32, #tpu.memory_space<vmem>>
      %dma_wait3A_786 = tpu.memref_squeeze %dma_wait3A_785 : memref<1x128x32xf32, #tpu.memory_space<vmem>> -> memref<128x32xf32, #tpu.memory_space<vmem>>
      %dma_wait3A_787 = arith.constant 0 : i32
      %dma_wait3A_788 = tpu.memref_slice %arg8[%add3A_781, %dma_wait3A_787] : memref<80x128xi32, #tpu.memory_space<vmem>> -> memref<1x128xi32, #tpu.memory_space<vmem>>
      %dma_wait3A_789 = tpu.memref_squeeze %dma_wait3A_788 : memref<1x128xi32, #tpu.memory_space<vmem>> -> memref<128xi32, #tpu.memory_space<vmem>>
      %dma_wait3A_790 = arith.constant 0 : i32
      %dma_wait3A_791 = arith.constant 0 : i32
      %dma_wait3A_792 = tpu.memref_slice %arg3[%dma_wait3A_790, %dma_wait3A_791] : memref<1000000x32xf32, #tpu.memory_space<hbm>> -> memref<1000000x32xf32, #tpu.memory_space<hbm>>
      tpu.wait_indirect_dma semaphore(%arg18 : memref<!tpu.dma_semaphore, #tpu.memory_space<semaphore_mem>>) src(%dma_wait3A_792 : memref<1000000x32xf32, #tpu.memory_space<hbm>>) dst(%dma_wait3A_786 : memref<128x32xf32, #tpu.memory_space<vmem>>)
      %mul3A_793 = arith.constant 128 : i32
      %mul3A_794 = arith.muli %add3A_781, %mul3A_793 : i32
      %add3A_795 = arith.addi %mul3A_2, %mul3A_794 : i32
      %dma_start3A_796 = arith.constant 4 : i32
      %dma_start3A_797 = arith.constant 0 : i32
      %dma_start3A_798 = arith.constant 0 : i32
      %dma_start3A_799 = tpu.memref_slice %arg9[%dma_start3A_796, %dma_start3A_797, %dma_start3A_798] : memref<8x128x32xf32, #tpu.memory_space<vmem>> -> memref<1x128x32xf32, #tpu.memory_space<vmem>>
      %dma_start3A_800 = tpu.memref_squeeze %dma_start3A_799 : memref<1x128x32xf32, #tpu.memory_space<vmem>> -> memref<128x32xf32, #tpu.memory_space<vmem>>
      %dma_start3A_801 = arith.constant 0 : i32
      %dma_start3A_802 = tpu.memref_slice %arg4[%add3A_795, %dma_start3A_801] : memref<327680x32xf32, #tpu.memory_space<hbm>> -> memref<128x32xf32, #tpu.memory_space<hbm>>
      %dma_start3A_803 = arith.constant 0 : i32
      %dma_start3A_804 = tpu.memref_slice %arg4[%add3A_795, %dma_start3A_803] : memref<327680x32xf32, #tpu.memory_space<hbm>> -> memref<128x32xf32, #tpu.memory_space<hbm>>
      %dma_start3A_805 = arith.constant 0 : i32
      %dma_start3A_806 = arith.constant 0 : i32
      %dma_start3A_807 = tpu.memref_slice %arg9[%dma_start3A_796, %dma_start3A_805, %dma_start3A_806] : memref<8x128x32xf32, #tpu.memory_space<vmem>> -> memref<1x128x32xf32, #tpu.memory_space<vmem>>
      %dma_start3A_808 = tpu.memref_squeeze %dma_start3A_807 : memref<1x128x32xf32, #tpu.memory_space<vmem>> -> memref<128x32xf32, #tpu.memory_space<vmem>>
      tpu.enqueue_dma source(%dma_start3A_808 : memref<128x32xf32, #tpu.memory_space<vmem>>) target(%dma_start3A_804 : memref<128x32xf32, #tpu.memory_space<hbm>>) target_semaphore(%arg26 : memref<!tpu.dma_semaphore, #tpu.memory_space<semaphore_mem>>)
      %add3A_809 = arith.constant 5 : i32
      %add3A_810 = arith.addi %add3A_663, %add3A_809 : i32
      %dma_wait3A_811 = arith.constant 5 : i32
      %dma_wait3A_812 = arith.constant 0 : i32
      %dma_wait3A_813 = arith.constant 0 : i32
      %dma_wait3A_814 = tpu.memref_slice %arg9[%dma_wait3A_811, %dma_wait3A_812, %dma_wait3A_813] : memref<8x128x32xf32, #tpu.memory_space<vmem>> -> memref<1x128x32xf32, #tpu.memory_space<vmem>>
      %dma_wait3A_815 = tpu.memref_squeeze %dma_wait3A_814 : memref<1x128x32xf32, #tpu.memory_space<vmem>> -> memref<128x32xf32, #tpu.memory_space<vmem>>
      %dma_wait3A_816 = arith.constant 0 : i32
      %dma_wait3A_817 = tpu.memref_slice %arg8[%add3A_810, %dma_wait3A_816] : memref<80x128xi32, #tpu.memory_space<vmem>> -> memref<1x128xi32, #tpu.memory_space<vmem>>
      %dma_wait3A_818 = tpu.memref_squeeze %dma_wait3A_817 : memref<1x128xi32, #tpu.memory_space<vmem>> -> memref<128xi32, #tpu.memory_space<vmem>>
      %dma_wait3A_819 = arith.constant 0 : i32
      %dma_wait3A_820 = arith.constant 0 : i32
      %dma_wait3A_821 = tpu.memref_slice %arg3[%dma_wait3A_819, %dma_wait3A_820] : memref<1000000x32xf32, #tpu.memory_space<hbm>> -> memref<1000000x32xf32, #tpu.memory_space<hbm>>
      tpu.wait_indirect_dma semaphore(%arg19 : memref<!tpu.dma_semaphore, #tpu.memory_space<semaphore_mem>>) src(%dma_wait3A_821 : memref<1000000x32xf32, #tpu.memory_space<hbm>>) dst(%dma_wait3A_815 : memref<128x32xf32, #tpu.memory_space<vmem>>)
      %mul3A_822 = arith.constant 128 : i32
      %mul3A_823 = arith.muli %add3A_810, %mul3A_822 : i32
      %add3A_824 = arith.addi %mul3A_2, %mul3A_823 : i32
      %dma_start3A_825 = arith.constant 5 : i32
      %dma_start3A_826 = arith.constant 0 : i32
      %dma_start3A_827 = arith.constant 0 : i32
      %dma_start3A_828 = tpu.memref_slice %arg9[%dma_start3A_825, %dma_start3A_826, %dma_start3A_827] : memref<8x128x32xf32, #tpu.memory_space<vmem>> -> memref<1x128x32xf32, #tpu.memory_space<vmem>>
      %dma_start3A_829 = tpu.memref_squeeze %dma_start3A_828 : memref<1x128x32xf32, #tpu.memory_space<vmem>> -> memref<128x32xf32, #tpu.memory_space<vmem>>
      %dma_start3A_830 = arith.constant 0 : i32
      %dma_start3A_831 = tpu.memref_slice %arg4[%add3A_824, %dma_start3A_830] : memref<327680x32xf32, #tpu.memory_space<hbm>> -> memref<128x32xf32, #tpu.memory_space<hbm>>
      %dma_start3A_832 = arith.constant 0 : i32
      %dma_start3A_833 = tpu.memref_slice %arg4[%add3A_824, %dma_start3A_832] : memref<327680x32xf32, #tpu.memory_space<hbm>> -> memref<128x32xf32, #tpu.memory_space<hbm>>
      %dma_start3A_834 = arith.constant 0 : i32
      %dma_start3A_835 = arith.constant 0 : i32
      %dma_start3A_836 = tpu.memref_slice %arg9[%dma_start3A_825, %dma_start3A_834, %dma_start3A_835] : memref<8x128x32xf32, #tpu.memory_space<vmem>> -> memref<1x128x32xf32, #tpu.memory_space<vmem>>
      %dma_start3A_837 = tpu.memref_squeeze %dma_start3A_836 : memref<1x128x32xf32, #tpu.memory_space<vmem>> -> memref<128x32xf32, #tpu.memory_space<vmem>>
      tpu.enqueue_dma source(%dma_start3A_837 : memref<128x32xf32, #tpu.memory_space<vmem>>) target(%dma_start3A_833 : memref<128x32xf32, #tpu.memory_space<hbm>>) target_semaphore(%arg27 : memref<!tpu.dma_semaphore, #tpu.memory_space<semaphore_mem>>)
      %add3A_838 = arith.constant 6 : i32
      %add3A_839 = arith.addi %add3A_663, %add3A_838 : i32
      %dma_wait3A_840 = arith.constant 6 : i32
      %dma_wait3A_841 = arith.constant 0 : i32
      %dma_wait3A_842 = arith.constant 0 : i32
      %dma_wait3A_843 = tpu.memref_slice %arg9[%dma_wait3A_840, %dma_wait3A_841, %dma_wait3A_842] : memref<8x128x32xf32, #tpu.memory_space<vmem>> -> memref<1x128x32xf32, #tpu.memory_space<vmem>>
      %dma_wait3A_844 = tpu.memref_squeeze %dma_wait3A_843 : memref<1x128x32xf32, #tpu.memory_space<vmem>> -> memref<128x32xf32, #tpu.memory_space<vmem>>
      %dma_wait3A_845 = arith.constant 0 : i32
      %dma_wait3A_846 = tpu.memref_slice %arg8[%add3A_839, %dma_wait3A_845] : memref<80x128xi32, #tpu.memory_space<vmem>> -> memref<1x128xi32, #tpu.memory_space<vmem>>
      %dma_wait3A_847 = tpu.memref_squeeze %dma_wait3A_846 : memref<1x128xi32, #tpu.memory_space<vmem>> -> memref<128xi32, #tpu.memory_space<vmem>>
      %dma_wait3A_848 = arith.constant 0 : i32
      %dma_wait3A_849 = arith.constant 0 : i32
      %dma_wait3A_850 = tpu.memref_slice %arg3[%dma_wait3A_848, %dma_wait3A_849] : memref<1000000x32xf32, #tpu.memory_space<hbm>> -> memref<1000000x32xf32, #tpu.memory_space<hbm>>
      tpu.wait_indirect_dma semaphore(%arg20 : memref<!tpu.dma_semaphore, #tpu.memory_space<semaphore_mem>>) src(%dma_wait3A_850 : memref<1000000x32xf32, #tpu.memory_space<hbm>>) dst(%dma_wait3A_844 : memref<128x32xf32, #tpu.memory_space<vmem>>)
      %mul3A_851 = arith.constant 128 : i32
      %mul3A_852 = arith.muli %add3A_839, %mul3A_851 : i32
      %add3A_853 = arith.addi %mul3A_2, %mul3A_852 : i32
      %dma_start3A_854 = arith.constant 6 : i32
      %dma_start3A_855 = arith.constant 0 : i32
      %dma_start3A_856 = arith.constant 0 : i32
      %dma_start3A_857 = tpu.memref_slice %arg9[%dma_start3A_854, %dma_start3A_855, %dma_start3A_856] : memref<8x128x32xf32, #tpu.memory_space<vmem>> -> memref<1x128x32xf32, #tpu.memory_space<vmem>>
      %dma_start3A_858 = tpu.memref_squeeze %dma_start3A_857 : memref<1x128x32xf32, #tpu.memory_space<vmem>> -> memref<128x32xf32, #tpu.memory_space<vmem>>
      %dma_start3A_859 = arith.constant 0 : i32
      %dma_start3A_860 = tpu.memref_slice %arg4[%add3A_853, %dma_start3A_859] : memref<327680x32xf32, #tpu.memory_space<hbm>> -> memref<128x32xf32, #tpu.memory_space<hbm>>
      %dma_start3A_861 = arith.constant 0 : i32
      %dma_start3A_862 = tpu.memref_slice %arg4[%add3A_853, %dma_start3A_861] : memref<327680x32xf32, #tpu.memory_space<hbm>> -> memref<128x32xf32, #tpu.memory_space<hbm>>
      %dma_start3A_863 = arith.constant 0 : i32
      %dma_start3A_864 = arith.constant 0 : i32
      %dma_start3A_865 = tpu.memref_slice %arg9[%dma_start3A_854, %dma_start3A_863, %dma_start3A_864] : memref<8x128x32xf32, #tpu.memory_space<vmem>> -> memref<1x128x32xf32, #tpu.memory_space<vmem>>
      %dma_start3A_866 = tpu.memref_squeeze %dma_start3A_865 : memref<1x128x32xf32, #tpu.memory_space<vmem>> -> memref<128x32xf32, #tpu.memory_space<vmem>>
      tpu.enqueue_dma source(%dma_start3A_866 : memref<128x32xf32, #tpu.memory_space<vmem>>) target(%dma_start3A_862 : memref<128x32xf32, #tpu.memory_space<hbm>>) target_semaphore(%arg28 : memref<!tpu.dma_semaphore, #tpu.memory_space<semaphore_mem>>)
      %add3A_867 = arith.constant 7 : i32
      %add3A_868 = arith.addi %add3A_663, %add3A_867 : i32
      %dma_wait3A_869 = arith.constant 7 : i32
      %dma_wait3A_870 = arith.constant 0 : i32
      %dma_wait3A_871 = arith.constant 0 : i32
      %dma_wait3A_872 = tpu.memref_slice %arg9[%dma_wait3A_869, %dma_wait3A_870, %dma_wait3A_871] : memref<8x128x32xf32, #tpu.memory_space<vmem>> -> memref<1x128x32xf32, #tpu.memory_space<vmem>>
      %dma_wait3A_873 = tpu.memref_squeeze %dma_wait3A_872 : memref<1x128x32xf32, #tpu.memory_space<vmem>> -> memref<128x32xf32, #tpu.memory_space<vmem>>
      %dma_wait3A_874 = arith.constant 0 : i32
      %dma_wait3A_875 = tpu.memref_slice %arg8[%add3A_868, %dma_wait3A_874] : memref<80x128xi32, #tpu.memory_space<vmem>> -> memref<1x128xi32, #tpu.memory_space<vmem>>
      %dma_wait3A_876 = tpu.memref_squeeze %dma_wait3A_875 : memref<1x128xi32, #tpu.memory_space<vmem>> -> memref<128xi32, #tpu.memory_space<vmem>>
      %dma_wait3A_877 = arith.constant 0 : i32
      %dma_wait3A_878 = arith.constant 0 : i32
      %dma_wait3A_879 = tpu.memref_slice %arg3[%dma_wait3A_877, %dma_wait3A_878] : memref<1000000x32xf32, #tpu.memory_space<hbm>> -> memref<1000000x32xf32, #tpu.memory_space<hbm>>
      tpu.wait_indirect_dma semaphore(%arg21 : memref<!tpu.dma_semaphore, #tpu.memory_space<semaphore_mem>>) src(%dma_wait3A_879 : memref<1000000x32xf32, #tpu.memory_space<hbm>>) dst(%dma_wait3A_873 : memref<128x32xf32, #tpu.memory_space<vmem>>)
      %mul3A_880 = arith.constant 128 : i32
      %mul3A_881 = arith.muli %add3A_868, %mul3A_880 : i32
      %add3A_882 = arith.addi %mul3A_2, %mul3A_881 : i32
      %dma_start3A_883 = arith.constant 7 : i32
      %dma_start3A_884 = arith.constant 0 : i32
      %dma_start3A_885 = arith.constant 0 : i32
      %dma_start3A_886 = tpu.memref_slice %arg9[%dma_start3A_883, %dma_start3A_884, %dma_start3A_885] : memref<8x128x32xf32, #tpu.memory_space<vmem>> -> memref<1x128x32xf32, #tpu.memory_space<vmem>>
      %dma_start3A_887 = tpu.memref_squeeze %dma_start3A_886 : memref<1x128x32xf32, #tpu.memory_space<vmem>> -> memref<128x32xf32, #tpu.memory_space<vmem>>
      %dma_start3A_888 = arith.constant 0 : i32
      %dma_start3A_889 = tpu.memref_slice %arg4[%add3A_882, %dma_start3A_888] : memref<327680x32xf32, #tpu.memory_space<hbm>> -> memref<128x32xf32, #tpu.memory_space<hbm>>
      %dma_start3A_890 = arith.constant 0 : i32
      %dma_start3A_891 = tpu.memref_slice %arg4[%add3A_882, %dma_start3A_890] : memref<327680x32xf32, #tpu.memory_space<hbm>> -> memref<128x32xf32, #tpu.memory_space<hbm>>
      %dma_start3A_892 = arith.constant 0 : i32
      %dma_start3A_893 = arith.constant 0 : i32
      %dma_start3A_894 = tpu.memref_slice %arg9[%dma_start3A_883, %dma_start3A_892, %dma_start3A_893] : memref<8x128x32xf32, #tpu.memory_space<vmem>> -> memref<1x128x32xf32, #tpu.memory_space<vmem>>
      %dma_start3A_895 = tpu.memref_squeeze %dma_start3A_894 : memref<1x128x32xf32, #tpu.memory_space<vmem>> -> memref<128x32xf32, #tpu.memory_space<vmem>>
      tpu.enqueue_dma source(%dma_start3A_895 : memref<128x32xf32, #tpu.memory_space<vmem>>) target(%dma_start3A_891 : memref<128x32xf32, #tpu.memory_space<hbm>>) target_semaphore(%arg29 : memref<!tpu.dma_semaphore, #tpu.memory_space<semaphore_mem>>)
      %add3A_896 = arith.constant 8 : i32
      %add3A_897 = arith.addi %add3A_663, %add3A_896 : i32
      %add3A_898 = arith.constant 0 : i32
      %add3A_899 = arith.addi %add3A_897, %add3A_898 : i32
      %sub3A_900 = arith.constant 8 : i32
      %sub3A_901 = arith.subi %add3A_899, %sub3A_900 : i32
      %mul3A_902 = arith.constant 128 : i32
      %mul3A_903 = arith.muli %sub3A_901, %mul3A_902 : i32
      %add3A_904 = arith.addi %mul3A_2, %mul3A_903 : i32
      %dma_wait3A_905 = arith.constant 0 : i32
      %dma_wait3A_906 = arith.constant 0 : i32
      %dma_wait3A_907 = arith.constant 0 : i32
      %dma_wait3A_908 = tpu.memref_slice %arg9[%dma_wait3A_905, %dma_wait3A_906, %dma_wait3A_907] : memref<8x128x32xf32, #tpu.memory_space<vmem>> -> memref<1x128x32xf32, #tpu.memory_space<vmem>>
      %dma_wait3A_909 = tpu.memref_squeeze %dma_wait3A_908 : memref<1x128x32xf32, #tpu.memory_space<vmem>> -> memref<128x32xf32, #tpu.memory_space<vmem>>
      %dma_wait3A_910 = arith.constant 0 : i32
      %dma_wait3A_911 = tpu.memref_slice %arg4[%add3A_904, %dma_wait3A_910] : memref<327680x32xf32, #tpu.memory_space<hbm>> -> memref<128x32xf32, #tpu.memory_space<hbm>>
      %dma_wait3A_912 = arith.constant 0 : i32
      %dma_wait3A_913 = tpu.memref_slice %arg4[%add3A_904, %dma_wait3A_912] : memref<327680x32xf32, #tpu.memory_space<hbm>> -> memref<128x32xf32, #tpu.memory_space<hbm>>
      %dma_wait3A_914 = arith.constant 0 : i32
      %dma_wait3A_915 = arith.constant 0 : i32
      %dma_wait3A_916 = tpu.memref_slice %arg9[%dma_wait3A_905, %dma_wait3A_914, %dma_wait3A_915] : memref<8x128x32xf32, #tpu.memory_space<vmem>> -> memref<1x128x32xf32, #tpu.memory_space<vmem>>
      %dma_wait3A_917 = tpu.memref_squeeze %dma_wait3A_916 : memref<1x128x32xf32, #tpu.memory_space<vmem>> -> memref<128x32xf32, #tpu.memory_space<vmem>>
      tpu.wait_dma2 semaphore(%arg22 : memref<!tpu.dma_semaphore, #tpu.memory_space<semaphore_mem>>) src(%dma_wait3A_917 : memref<128x32xf32, #tpu.memory_space<vmem>>) dst(%dma_wait3A_913 : memref<128x32xf32, #tpu.memory_space<hbm>>)
      %dma_start3A_918 = arith.constant 0 : i32
      %dma_start3A_919 = arith.constant 0 : i32
      %dma_start3A_920 = arith.constant 0 : i32
      %dma_start3A_921 = tpu.memref_slice %arg9[%dma_start3A_918, %dma_start3A_919, %dma_start3A_920] : memref<8x128x32xf32, #tpu.memory_space<vmem>> -> memref<1x128x32xf32, #tpu.memory_space<vmem>>
      %dma_start3A_922 = tpu.memref_squeeze %dma_start3A_921 : memref<1x128x32xf32, #tpu.memory_space<vmem>> -> memref<128x32xf32, #tpu.memory_space<vmem>>
      %dma_start3A_923 = arith.constant 0 : i32
      %dma_start3A_924 = tpu.memref_slice %arg8[%add3A_899, %dma_start3A_923] : memref<80x128xi32, #tpu.memory_space<vmem>> -> memref<1x128xi32, #tpu.memory_space<vmem>>
      %dma_start3A_925 = tpu.memref_squeeze %dma_start3A_924 : memref<1x128xi32, #tpu.memory_space<vmem>> -> memref<128xi32, #tpu.memory_space<vmem>>
      %dma_start3A_926 = arith.constant 0 : i32
      %dma_start3A_927 = arith.constant 0 : i32
      %dma_start3A_928 = tpu.memref_slice %arg3[%dma_start3A_926, %dma_start3A_927] : memref<1000000x32xf32, #tpu.memory_space<hbm>> -> memref<1000000x32xf32, #tpu.memory_space<hbm>>
      tpu.enqueue_indirect_dma source(%dma_start3A_928 : memref<1000000x32xf32, #tpu.memory_space<hbm>>) target(%dma_start3A_922 : memref<128x32xf32, #tpu.memory_space<vmem>>) offsets(%dma_start3A_925 : memref<128xi32, #tpu.memory_space<vmem>>) semaphore(%arg14 : memref<!tpu.dma_semaphore, #tpu.memory_space<semaphore_mem>>)
      %add3A_929 = arith.constant 8 : i32
      %add3A_930 = arith.addi %add3A_663, %add3A_929 : i32
      %add3A_931 = arith.constant 1 : i32
      %add3A_932 = arith.addi %add3A_930, %add3A_931 : i32
      %sub3A_933 = arith.constant 8 : i32
      %sub3A_934 = arith.subi %add3A_932, %sub3A_933 : i32
      %mul3A_935 = arith.constant 128 : i32
      %mul3A_936 = arith.muli %sub3A_934, %mul3A_935 : i32
      %add3A_937 = arith.addi %mul3A_2, %mul3A_936 : i32
      %dma_wait3A_938 = arith.constant 1 : i32
      %dma_wait3A_939 = arith.constant 0 : i32
      %dma_wait3A_940 = arith.constant 0 : i32
      %dma_wait3A_941 = tpu.memref_slice %arg9[%dma_wait3A_938, %dma_wait3A_939, %dma_wait3A_940] : memref<8x128x32xf32, #tpu.memory_space<vmem>> -> memref<1x128x32xf32, #tpu.memory_space<vmem>>
      %dma_wait3A_942 = tpu.memref_squeeze %dma_wait3A_941 : memref<1x128x32xf32, #tpu.memory_space<vmem>> -> memref<128x32xf32, #tpu.memory_space<vmem>>
      %dma_wait3A_943 = arith.constant 0 : i32
      %dma_wait3A_944 = tpu.memref_slice %arg4[%add3A_937, %dma_wait3A_943] : memref<327680x32xf32, #tpu.memory_space<hbm>> -> memref<128x32xf32, #tpu.memory_space<hbm>>
      %dma_wait3A_945 = arith.constant 0 : i32
      %dma_wait3A_946 = tpu.memref_slice %arg4[%add3A_937, %dma_wait3A_945] : memref<327680x32xf32, #tpu.memory_space<hbm>> -> memref<128x32xf32, #tpu.memory_space<hbm>>
      %dma_wait3A_947 = arith.constant 0 : i32
      %dma_wait3A_948 = arith.constant 0 : i32
      %dma_wait3A_949 = tpu.memref_slice %arg9[%dma_wait3A_938, %dma_wait3A_947, %dma_wait3A_948] : memref<8x128x32xf32, #tpu.memory_space<vmem>> -> memref<1x128x32xf32, #tpu.memory_space<vmem>>
      %dma_wait3A_950 = tpu.memref_squeeze %dma_wait3A_949 : memref<1x128x32xf32, #tpu.memory_space<vmem>> -> memref<128x32xf32, #tpu.memory_space<vmem>>
      tpu.wait_dma2 semaphore(%arg23 : memref<!tpu.dma_semaphore, #tpu.memory_space<semaphore_mem>>) src(%dma_wait3A_950 : memref<128x32xf32, #tpu.memory_space<vmem>>) dst(%dma_wait3A_946 : memref<128x32xf32, #tpu.memory_space<hbm>>)
      %dma_start3A_951 = arith.constant 1 : i32
      %dma_start3A_952 = arith.constant 0 : i32
      %dma_start3A_953 = arith.constant 0 : i32
      %dma_start3A_954 = tpu.memref_slice %arg9[%dma_start3A_951, %dma_start3A_952, %dma_start3A_953] : memref<8x128x32xf32, #tpu.memory_space<vmem>> -> memref<1x128x32xf32, #tpu.memory_space<vmem>>
      %dma_start3A_955 = tpu.memref_squeeze %dma_start3A_954 : memref<1x128x32xf32, #tpu.memory_space<vmem>> -> memref<128x32xf32, #tpu.memory_space<vmem>>
      %dma_start3A_956 = arith.constant 0 : i32
      %dma_start3A_957 = tpu.memref_slice %arg8[%add3A_932, %dma_start3A_956] : memref<80x128xi32, #tpu.memory_space<vmem>> -> memref<1x128xi32, #tpu.memory_space<vmem>>
      %dma_start3A_958 = tpu.memref_squeeze %dma_start3A_957 : memref<1x128xi32, #tpu.memory_space<vmem>> -> memref<128xi32, #tpu.memory_space<vmem>>
      %dma_start3A_959 = arith.constant 0 : i32
      %dma_start3A_960 = arith.constant 0 : i32
      %dma_start3A_961 = tpu.memref_slice %arg3[%dma_start3A_959, %dma_start3A_960] : memref<1000000x32xf32, #tpu.memory_space<hbm>> -> memref<1000000x32xf32, #tpu.memory_space<hbm>>
      tpu.enqueue_indirect_dma source(%dma_start3A_961 : memref<1000000x32xf32, #tpu.memory_space<hbm>>) target(%dma_start3A_955 : memref<128x32xf32, #tpu.memory_space<vmem>>) offsets(%dma_start3A_958 : memref<128xi32, #tpu.memory_space<vmem>>) semaphore(%arg15 : memref<!tpu.dma_semaphore, #tpu.memory_space<semaphore_mem>>)
      %add3A_962 = arith.constant 8 : i32
      %add3A_963 = arith.addi %add3A_663, %add3A_962 : i32
      %add3A_964 = arith.constant 2 : i32
      %add3A_965 = arith.addi %add3A_963, %add3A_964 : i32
      %sub3A_966 = arith.constant 8 : i32
      %sub3A_967 = arith.subi %add3A_965, %sub3A_966 : i32
      %mul3A_968 = arith.constant 128 : i32
      %mul3A_969 = arith.muli %sub3A_967, %mul3A_968 : i32
      %add3A_970 = arith.addi %mul3A_2, %mul3A_969 : i32
      %dma_wait3A_971 = arith.constant 2 : i32
      %dma_wait3A_972 = arith.constant 0 : i32
      %dma_wait3A_973 = arith.constant 0 : i32
      %dma_wait3A_974 = tpu.memref_slice %arg9[%dma_wait3A_971, %dma_wait3A_972, %dma_wait3A_973] : memref<8x128x32xf32, #tpu.memory_space<vmem>> -> memref<1x128x32xf32, #tpu.memory_space<vmem>>
      %dma_wait3A_975 = tpu.memref_squeeze %dma_wait3A_974 : memref<1x128x32xf32, #tpu.memory_space<vmem>> -> memref<128x32xf32, #tpu.memory_space<vmem>>
      %dma_wait3A_976 = arith.constant 0 : i32
      %dma_wait3A_977 = tpu.memref_slice %arg4[%add3A_970, %dma_wait3A_976] : memref<327680x32xf32, #tpu.memory_space<hbm>> -> memref<128x32xf32, #tpu.memory_space<hbm>>
      %dma_wait3A_978 = arith.constant 0 : i32
      %dma_wait3A_979 = tpu.memref_slice %arg4[%add3A_970, %dma_wait3A_978] : memref<327680x32xf32, #tpu.memory_space<hbm>> -> memref<128x32xf32, #tpu.memory_space<hbm>>
      %dma_wait3A_980 = arith.constant 0 : i32
      %dma_wait3A_981 = arith.constant 0 : i32
      %dma_wait3A_982 = tpu.memref_slice %arg9[%dma_wait3A_971, %dma_wait3A_980, %dma_wait3A_981] : memref<8x128x32xf32, #tpu.memory_space<vmem>> -> memref<1x128x32xf32, #tpu.memory_space<vmem>>
      %dma_wait3A_983 = tpu.memref_squeeze %dma_wait3A_982 : memref<1x128x32xf32, #tpu.memory_space<vmem>> -> memref<128x32xf32, #tpu.memory_space<vmem>>
      tpu.wait_dma2 semaphore(%arg24 : memref<!tpu.dma_semaphore, #tpu.memory_space<semaphore_mem>>) src(%dma_wait3A_983 : memref<128x32xf32, #tpu.memory_space<vmem>>) dst(%dma_wait3A_979 : memref<128x32xf32, #tpu.memory_space<hbm>>)
      %dma_start3A_984 = arith.constant 2 : i32
      %dma_start3A_985 = arith.constant 0 : i32
      %dma_start3A_986 = arith.constant 0 : i32
      %dma_start3A_987 = tpu.memref_slice %arg9[%dma_start3A_984, %dma_start3A_985, %dma_start3A_986] : memref<8x128x32xf32, #tpu.memory_space<vmem>> -> memref<1x128x32xf32, #tpu.memory_space<vmem>>
      %dma_start3A_988 = tpu.memref_squeeze %dma_start3A_987 : memref<1x128x32xf32, #tpu.memory_space<vmem>> -> memref<128x32xf32, #tpu.memory_space<vmem>>
      %dma_start3A_989 = arith.constant 0 : i32
      %dma_start3A_990 = tpu.memref_slice %arg8[%add3A_965, %dma_start3A_989] : memref<80x128xi32, #tpu.memory_space<vmem>> -> memref<1x128xi32, #tpu.memory_space<vmem>>
      %dma_start3A_991 = tpu.memref_squeeze %dma_start3A_990 : memref<1x128xi32, #tpu.memory_space<vmem>> -> memref<128xi32, #tpu.memory_space<vmem>>
      %dma_start3A_992 = arith.constant 0 : i32
      %dma_start3A_993 = arith.constant 0 : i32
      %dma_start3A_994 = tpu.memref_slice %arg3[%dma_start3A_992, %dma_start3A_993] : memref<1000000x32xf32, #tpu.memory_space<hbm>> -> memref<1000000x32xf32, #tpu.memory_space<hbm>>
      tpu.enqueue_indirect_dma source(%dma_start3A_994 : memref<1000000x32xf32, #tpu.memory_space<hbm>>) target(%dma_start3A_988 : memref<128x32xf32, #tpu.memory_space<vmem>>) offsets(%dma_start3A_991 : memref<128xi32, #tpu.memory_space<vmem>>) semaphore(%arg16 : memref<!tpu.dma_semaphore, #tpu.memory_space<semaphore_mem>>)
      %add3A_995 = arith.constant 8 : i32
      %add3A_996 = arith.addi %add3A_663, %add3A_995 : i32
      %add3A_997 = arith.constant 3 : i32
      %add3A_998 = arith.addi %add3A_996, %add3A_997 : i32
      %sub3A_999 = arith.constant 8 : i32
      %sub3A_1000 = arith.subi %add3A_998, %sub3A_999 : i32
      %mul3A_1001 = arith.constant 128 : i32
      %mul3A_1002 = arith.muli %sub3A_1000, %mul3A_1001 : i32
      %add3A_1003 = arith.addi %mul3A_2, %mul3A_1002 : i32
      %dma_wait3A_1004 = arith.constant 3 : i32
      %dma_wait3A_1005 = arith.constant 0 : i32
      %dma_wait3A_1006 = arith.constant 0 : i32
      %dma_wait3A_1007 = tpu.memref_slice %arg9[%dma_wait3A_1004, %dma_wait3A_1005, %dma_wait3A_1006] : memref<8x128x32xf32, #tpu.memory_space<vmem>> -> memref<1x128x32xf32, #tpu.memory_space<vmem>>
      %dma_wait3A_1008 = tpu.memref_squeeze %dma_wait3A_1007 : memref<1x128x32xf32, #tpu.memory_space<vmem>> -> memref<128x32xf32, #tpu.memory_space<vmem>>
      %dma_wait3A_1009 = arith.constant 0 : i32
      %dma_wait3A_1010 = tpu.memref_slice %arg4[%add3A_1003, %dma_wait3A_1009] : memref<327680x32xf32, #tpu.memory_space<hbm>> -> memref<128x32xf32, #tpu.memory_space<hbm>>
      %dma_wait3A_1011 = arith.constant 0 : i32
      %dma_wait3A_1012 = tpu.memref_slice %arg4[%add3A_1003, %dma_wait3A_1011] : memref<327680x32xf32, #tpu.memory_space<hbm>> -> memref<128x32xf32, #tpu.memory_space<hbm>>
      %dma_wait3A_1013 = arith.constant 0 : i32
      %dma_wait3A_1014 = arith.constant 0 : i32
      %dma_wait3A_1015 = tpu.memref_slice %arg9[%dma_wait3A_1004, %dma_wait3A_1013, %dma_wait3A_1014] : memref<8x128x32xf32, #tpu.memory_space<vmem>> -> memref<1x128x32xf32, #tpu.memory_space<vmem>>
      %dma_wait3A_1016 = tpu.memref_squeeze %dma_wait3A_1015 : memref<1x128x32xf32, #tpu.memory_space<vmem>> -> memref<128x32xf32, #tpu.memory_space<vmem>>
      tpu.wait_dma2 semaphore(%arg25 : memref<!tpu.dma_semaphore, #tpu.memory_space<semaphore_mem>>) src(%dma_wait3A_1016 : memref<128x32xf32, #tpu.memory_space<vmem>>) dst(%dma_wait3A_1012 : memref<128x32xf32, #tpu.memory_space<hbm>>)
      %dma_start3A_1017 = arith.constant 3 : i32
      %dma_start3A_1018 = arith.constant 0 : i32
      %dma_start3A_1019 = arith.constant 0 : i32
      %dma_start3A_1020 = tpu.memref_slice %arg9[%dma_start3A_1017, %dma_start3A_1018, %dma_start3A_1019] : memref<8x128x32xf32, #tpu.memory_space<vmem>> -> memref<1x128x32xf32, #tpu.memory_space<vmem>>
      %dma_start3A_1021 = tpu.memref_squeeze %dma_start3A_1020 : memref<1x128x32xf32, #tpu.memory_space<vmem>> -> memref<128x32xf32, #tpu.memory_space<vmem>>
      %dma_start3A_1022 = arith.constant 0 : i32
      %dma_start3A_1023 = tpu.memref_slice %arg8[%add3A_998, %dma_start3A_1022] : memref<80x128xi32, #tpu.memory_space<vmem>> -> memref<1x128xi32, #tpu.memory_space<vmem>>
      %dma_start3A_1024 = tpu.memref_squeeze %dma_start3A_1023 : memref<1x128xi32, #tpu.memory_space<vmem>> -> memref<128xi32, #tpu.memory_space<vmem>>
      %dma_start3A_1025 = arith.constant 0 : i32
      %dma_start3A_1026 = arith.constant 0 : i32
      %dma_start3A_1027 = tpu.memref_slice %arg3[%dma_start3A_1025, %dma_start3A_1026] : memref<1000000x32xf32, #tpu.memory_space<hbm>> -> memref<1000000x32xf32, #tpu.memory_space<hbm>>
      tpu.enqueue_indirect_dma source(%dma_start3A_1027 : memref<1000000x32xf32, #tpu.memory_space<hbm>>) target(%dma_start3A_1021 : memref<128x32xf32, #tpu.memory_space<vmem>>) offsets(%dma_start3A_1024 : memref<128xi32, #tpu.memory_space<vmem>>) semaphore(%arg17 : memref<!tpu.dma_semaphore, #tpu.memory_space<semaphore_mem>>)
      %add3A_1028 = arith.constant 8 : i32
      %add3A_1029 = arith.addi %add3A_663, %add3A_1028 : i32
      %add3A_1030 = arith.constant 4 : i32
      %add3A_1031 = arith.addi %add3A_1029, %add3A_1030 : i32
      %sub3A_1032 = arith.constant 8 : i32
      %sub3A_1033 = arith.subi %add3A_1031, %sub3A_1032 : i32
      %mul3A_1034 = arith.constant 128 : i32
      %mul3A_1035 = arith.muli %sub3A_1033, %mul3A_1034 : i32
      %add3A_1036 = arith.addi %mul3A_2, %mul3A_1035 : i32
      %dma_wait3A_1037 = arith.constant 4 : i32
      %dma_wait3A_1038 = arith.constant 0 : i32
      %dma_wait3A_1039 = arith.constant 0 : i32
      %dma_wait3A_1040 = tpu.memref_slice %arg9[%dma_wait3A_1037, %dma_wait3A_1038, %dma_wait3A_1039] : memref<8x128x32xf32, #tpu.memory_space<vmem>> -> memref<1x128x32xf32, #tpu.memory_space<vmem>>
      %dma_wait3A_1041 = tpu.memref_squeeze %dma_wait3A_1040 : memref<1x128x32xf32, #tpu.memory_space<vmem>> -> memref<128x32xf32, #tpu.memory_space<vmem>>
      %dma_wait3A_1042 = arith.constant 0 : i32
      %dma_wait3A_1043 = tpu.memref_slice %arg4[%add3A_1036, %dma_wait3A_1042] : memref<327680x32xf32, #tpu.memory_space<hbm>> -> memref<128x32xf32, #tpu.memory_space<hbm>>
      %dma_wait3A_1044 = arith.constant 0 : i32
      %dma_wait3A_1045 = tpu.memref_slice %arg4[%add3A_1036, %dma_wait3A_1044] : memref<327680x32xf32, #tpu.memory_space<hbm>> -> memref<128x32xf32, #tpu.memory_space<hbm>>
      %dma_wait3A_1046 = arith.constant 0 : i32
      %dma_wait3A_1047 = arith.constant 0 : i32
      %dma_wait3A_1048 = tpu.memref_slice %arg9[%dma_wait3A_1037, %dma_wait3A_1046, %dma_wait3A_1047] : memref<8x128x32xf32, #tpu.memory_space<vmem>> -> memref<1x128x32xf32, #tpu.memory_space<vmem>>
      %dma_wait3A_1049 = tpu.memref_squeeze %dma_wait3A_1048 : memref<1x128x32xf32, #tpu.memory_space<vmem>> -> memref<128x32xf32, #tpu.memory_space<vmem>>
      tpu.wait_dma2 semaphore(%arg26 : memref<!tpu.dma_semaphore, #tpu.memory_space<semaphore_mem>>) src(%dma_wait3A_1049 : memref<128x32xf32, #tpu.memory_space<vmem>>) dst(%dma_wait3A_1045 : memref<128x32xf32, #tpu.memory_space<hbm>>)
      %dma_start3A_1050 = arith.constant 4 : i32
      %dma_start3A_1051 = arith.constant 0 : i32
      %dma_start3A_1052 = arith.constant 0 : i32
      %dma_start3A_1053 = tpu.memref_slice %arg9[%dma_start3A_1050, %dma_start3A_1051, %dma_start3A_1052] : memref<8x128x32xf32, #tpu.memory_space<vmem>> -> memref<1x128x32xf32, #tpu.memory_space<vmem>>
      %dma_start3A_1054 = tpu.memref_squeeze %dma_start3A_1053 : memref<1x128x32xf32, #tpu.memory_space<vmem>> -> memref<128x32xf32, #tpu.memory_space<vmem>>
      %dma_start3A_1055 = arith.constant 0 : i32
      %dma_start3A_1056 = tpu.memref_slice %arg8[%add3A_1031, %dma_start3A_1055] : memref<80x128xi32, #tpu.memory_space<vmem>> -> memref<1x128xi32, #tpu.memory_space<vmem>>
      %dma_start3A_1057 = tpu.memref_squeeze %dma_start3A_1056 : memref<1x128xi32, #tpu.memory_space<vmem>> -> memref<128xi32, #tpu.memory_space<vmem>>
      %dma_start3A_1058 = arith.constant 0 : i32
      %dma_start3A_1059 = arith.constant 0 : i32
      %dma_start3A_1060 = tpu.memref_slice %arg3[%dma_start3A_1058, %dma_start3A_1059] : memref<1000000x32xf32, #tpu.memory_space<hbm>> -> memref<1000000x32xf32, #tpu.memory_space<hbm>>
      tpu.enqueue_indirect_dma source(%dma_start3A_1060 : memref<1000000x32xf32, #tpu.memory_space<hbm>>) target(%dma_start3A_1054 : memref<128x32xf32, #tpu.memory_space<vmem>>) offsets(%dma_start3A_1057 : memref<128xi32, #tpu.memory_space<vmem>>) semaphore(%arg18 : memref<!tpu.dma_semaphore, #tpu.memory_space<semaphore_mem>>)
      %add3A_1061 = arith.constant 8 : i32
      %add3A_1062 = arith.addi %add3A_663, %add3A_1061 : i32
      %add3A_1063 = arith.constant 5 : i32
      %add3A_1064 = arith.addi %add3A_1062, %add3A_1063 : i32
      %sub3A_1065 = arith.constant 8 : i32
      %sub3A_1066 = arith.subi %add3A_1064, %sub3A_1065 : i32
      %mul3A_1067 = arith.constant 128 : i32
      %mul3A_1068 = arith.muli %sub3A_1066, %mul3A_1067 : i32
      %add3A_1069 = arith.addi %mul3A_2, %mul3A_1068 : i32
      %dma_wait3A_1070 = arith.constant 5 : i32
      %dma_wait3A_1071 = arith.constant 0 : i32
      %dma_wait3A_1072 = arith.constant 0 : i32
      %dma_wait3A_1073 = tpu.memref_slice %arg9[%dma_wait3A_1070, %dma_wait3A_1071, %dma_wait3A_1072] : memref<8x128x32xf32, #tpu.memory_space<vmem>> -> memref<1x128x32xf32, #tpu.memory_space<vmem>>
      %dma_wait3A_1074 = tpu.memref_squeeze %dma_wait3A_1073 : memref<1x128x32xf32, #tpu.memory_space<vmem>> -> memref<128x32xf32, #tpu.memory_space<vmem>>
      %dma_wait3A_1075 = arith.constant 0 : i32
      %dma_wait3A_1076 = tpu.memref_slice %arg4[%add3A_1069, %dma_wait3A_1075] : memref<327680x32xf32, #tpu.memory_space<hbm>> -> memref<128x32xf32, #tpu.memory_space<hbm>>
      %dma_wait3A_1077 = arith.constant 0 : i32
      %dma_wait3A_1078 = tpu.memref_slice %arg4[%add3A_1069, %dma_wait3A_1077] : memref<327680x32xf32, #tpu.memory_space<hbm>> -> memref<128x32xf32, #tpu.memory_space<hbm>>
      %dma_wait3A_1079 = arith.constant 0 : i32
      %dma_wait3A_1080 = arith.constant 0 : i32
      %dma_wait3A_1081 = tpu.memref_slice %arg9[%dma_wait3A_1070, %dma_wait3A_1079, %dma_wait3A_1080] : memref<8x128x32xf32, #tpu.memory_space<vmem>> -> memref<1x128x32xf32, #tpu.memory_space<vmem>>
      %dma_wait3A_1082 = tpu.memref_squeeze %dma_wait3A_1081 : memref<1x128x32xf32, #tpu.memory_space<vmem>> -> memref<128x32xf32, #tpu.memory_space<vmem>>
      tpu.wait_dma2 semaphore(%arg27 : memref<!tpu.dma_semaphore, #tpu.memory_space<semaphore_mem>>) src(%dma_wait3A_1082 : memref<128x32xf32, #tpu.memory_space<vmem>>) dst(%dma_wait3A_1078 : memref<128x32xf32, #tpu.memory_space<hbm>>)
      %dma_start3A_1083 = arith.constant 5 : i32
      %dma_start3A_1084 = arith.constant 0 : i32
      %dma_start3A_1085 = arith.constant 0 : i32
      %dma_start3A_1086 = tpu.memref_slice %arg9[%dma_start3A_1083, %dma_start3A_1084, %dma_start3A_1085] : memref<8x128x32xf32, #tpu.memory_space<vmem>> -> memref<1x128x32xf32, #tpu.memory_space<vmem>>
      %dma_start3A_1087 = tpu.memref_squeeze %dma_start3A_1086 : memref<1x128x32xf32, #tpu.memory_space<vmem>> -> memref<128x32xf32, #tpu.memory_space<vmem>>
      %dma_start3A_1088 = arith.constant 0 : i32
      %dma_start3A_1089 = tpu.memref_slice %arg8[%add3A_1064, %dma_start3A_1088] : memref<80x128xi32, #tpu.memory_space<vmem>> -> memref<1x128xi32, #tpu.memory_space<vmem>>
      %dma_start3A_1090 = tpu.memref_squeeze %dma_start3A_1089 : memref<1x128xi32, #tpu.memory_space<vmem>> -> memref<128xi32, #tpu.memory_space<vmem>>
      %dma_start3A_1091 = arith.constant 0 : i32
      %dma_start3A_1092 = arith.constant 0 : i32
      %dma_start3A_1093 = tpu.memref_slice %arg3[%dma_start3A_1091, %dma_start3A_1092] : memref<1000000x32xf32, #tpu.memory_space<hbm>> -> memref<1000000x32xf32, #tpu.memory_space<hbm>>
      tpu.enqueue_indirect_dma source(%dma_start3A_1093 : memref<1000000x32xf32, #tpu.memory_space<hbm>>) target(%dma_start3A_1087 : memref<128x32xf32, #tpu.memory_space<vmem>>) offsets(%dma_start3A_1090 : memref<128xi32, #tpu.memory_space<vmem>>) semaphore(%arg19 : memref<!tpu.dma_semaphore, #tpu.memory_space<semaphore_mem>>)
      %add3A_1094 = arith.constant 8 : i32
      %add3A_1095 = arith.addi %add3A_663, %add3A_1094 : i32
      %add3A_1096 = arith.constant 6 : i32
      %add3A_1097 = arith.addi %add3A_1095, %add3A_1096 : i32
      %sub3A_1098 = arith.constant 8 : i32
      %sub3A_1099 = arith.subi %add3A_1097, %sub3A_1098 : i32
      %mul3A_1100 = arith.constant 128 : i32
      %mul3A_1101 = arith.muli %sub3A_1099, %mul3A_1100 : i32
      %add3A_1102 = arith.addi %mul3A_2, %mul3A_1101 : i32
      %dma_wait3A_1103 = arith.constant 6 : i32
      %dma_wait3A_1104 = arith.constant 0 : i32
      %dma_wait3A_1105 = arith.constant 0 : i32
      %dma_wait3A_1106 = tpu.memref_slice %arg9[%dma_wait3A_1103, %dma_wait3A_1104, %dma_wait3A_1105] : memref<8x128x32xf32, #tpu.memory_space<vmem>> -> memref<1x128x32xf32, #tpu.memory_space<vmem>>
      %dma_wait3A_1107 = tpu.memref_squeeze %dma_wait3A_1106 : memref<1x128x32xf32, #tpu.memory_space<vmem>> -> memref<128x32xf32, #tpu.memory_space<vmem>>
      %dma_wait3A_1108 = arith.constant 0 : i32
      %dma_wait3A_1109 = tpu.memref_slice %arg4[%add3A_1102, %dma_wait3A_1108] : memref<327680x32xf32, #tpu.memory_space<hbm>> -> memref<128x32xf32, #tpu.memory_space<hbm>>
      %dma_wait3A_1110 = arith.constant 0 : i32
      %dma_wait3A_1111 = tpu.memref_slice %arg4[%add3A_1102, %dma_wait3A_1110] : memref<327680x32xf32, #tpu.memory_space<hbm>> -> memref<128x32xf32, #tpu.memory_space<hbm>>
      %dma_wait3A_1112 = arith.constant 0 : i32
      %dma_wait3A_1113 = arith.constant 0 : i32
      %dma_wait3A_1114 = tpu.memref_slice %arg9[%dma_wait3A_1103, %dma_wait3A_1112, %dma_wait3A_1113] : memref<8x128x32xf32, #tpu.memory_space<vmem>> -> memref<1x128x32xf32, #tpu.memory_space<vmem>>
      %dma_wait3A_1115 = tpu.memref_squeeze %dma_wait3A_1114 : memref<1x128x32xf32, #tpu.memory_space<vmem>> -> memref<128x32xf32, #tpu.memory_space<vmem>>
      tpu.wait_dma2 semaphore(%arg28 : memref<!tpu.dma_semaphore, #tpu.memory_space<semaphore_mem>>) src(%dma_wait3A_1115 : memref<128x32xf32, #tpu.memory_space<vmem>>) dst(%dma_wait3A_1111 : memref<128x32xf32, #tpu.memory_space<hbm>>)
      %dma_start3A_1116 = arith.constant 6 : i32
      %dma_start3A_1117 = arith.constant 0 : i32
      %dma_start3A_1118 = arith.constant 0 : i32
      %dma_start3A_1119 = tpu.memref_slice %arg9[%dma_start3A_1116, %dma_start3A_1117, %dma_start3A_1118] : memref<8x128x32xf32, #tpu.memory_space<vmem>> -> memref<1x128x32xf32, #tpu.memory_space<vmem>>
      %dma_start3A_1120 = tpu.memref_squeeze %dma_start3A_1119 : memref<1x128x32xf32, #tpu.memory_space<vmem>> -> memref<128x32xf32, #tpu.memory_space<vmem>>
      %dma_start3A_1121 = arith.constant 0 : i32
      %dma_start3A_1122 = tpu.memref_slice %arg8[%add3A_1097, %dma_start3A_1121] : memref<80x128xi32, #tpu.memory_space<vmem>> -> memref<1x128xi32, #tpu.memory_space<vmem>>
      %dma_start3A_1123 = tpu.memref_squeeze %dma_start3A_1122 : memref<1x128xi32, #tpu.memory_space<vmem>> -> memref<128xi32, #tpu.memory_space<vmem>>
      %dma_start3A_1124 = arith.constant 0 : i32
      %dma_start3A_1125 = arith.constant 0 : i32
      %dma_start3A_1126 = tpu.memref_slice %arg3[%dma_start3A_1124, %dma_start3A_1125] : memref<1000000x32xf32, #tpu.memory_space<hbm>> -> memref<1000000x32xf32, #tpu.memory_space<hbm>>
      tpu.enqueue_indirect_dma source(%dma_start3A_1126 : memref<1000000x32xf32, #tpu.memory_space<hbm>>) target(%dma_start3A_1120 : memref<128x32xf32, #tpu.memory_space<vmem>>) offsets(%dma_start3A_1123 : memref<128xi32, #tpu.memory_space<vmem>>) semaphore(%arg20 : memref<!tpu.dma_semaphore, #tpu.memory_space<semaphore_mem>>)
      %add3A_1127 = arith.constant 8 : i32
      %add3A_1128 = arith.addi %add3A_663, %add3A_1127 : i32
      %add3A_1129 = arith.constant 7 : i32
      %add3A_1130 = arith.addi %add3A_1128, %add3A_1129 : i32
      %sub3A_1131 = arith.constant 8 : i32
      %sub3A_1132 = arith.subi %add3A_1130, %sub3A_1131 : i32
      %mul3A_1133 = arith.constant 128 : i32
      %mul3A_1134 = arith.muli %sub3A_1132, %mul3A_1133 : i32
      %add3A_1135 = arith.addi %mul3A_2, %mul3A_1134 : i32
      %dma_wait3A_1136 = arith.constant 7 : i32
      %dma_wait3A_1137 = arith.constant 0 : i32
      %dma_wait3A_1138 = arith.constant 0 : i32
      %dma_wait3A_1139 = tpu.memref_slice %arg9[%dma_wait3A_1136, %dma_wait3A_1137, %dma_wait3A_1138] : memref<8x128x32xf32, #tpu.memory_space<vmem>> -> memref<1x128x32xf32, #tpu.memory_space<vmem>>
      %dma_wait3A_1140 = tpu.memref_squeeze %dma_wait3A_1139 : memref<1x128x32xf32, #tpu.memory_space<vmem>> -> memref<128x32xf32, #tpu.memory_space<vmem>>
      %dma_wait3A_1141 = arith.constant 0 : i32
      %dma_wait3A_1142 = tpu.memref_slice %arg4[%add3A_1135, %dma_wait3A_1141] : memref<327680x32xf32, #tpu.memory_space<hbm>> -> memref<128x32xf32, #tpu.memory_space<hbm>>
      %dma_wait3A_1143 = arith.constant 0 : i32
      %dma_wait3A_1144 = tpu.memref_slice %arg4[%add3A_1135, %dma_wait3A_1143] : memref<327680x32xf32, #tpu.memory_space<hbm>> -> memref<128x32xf32, #tpu.memory_space<hbm>>
      %dma_wait3A_1145 = arith.constant 0 : i32
      %dma_wait3A_1146 = arith.constant 0 : i32
      %dma_wait3A_1147 = tpu.memref_slice %arg9[%dma_wait3A_1136, %dma_wait3A_1145, %dma_wait3A_1146] : memref<8x128x32xf32, #tpu.memory_space<vmem>> -> memref<1x128x32xf32, #tpu.memory_space<vmem>>
      %dma_wait3A_1148 = tpu.memref_squeeze %dma_wait3A_1147 : memref<1x128x32xf32, #tpu.memory_space<vmem>> -> memref<128x32xf32, #tpu.memory_space<vmem>>
      tpu.wait_dma2 semaphore(%arg29 : memref<!tpu.dma_semaphore, #tpu.memory_space<semaphore_mem>>) src(%dma_wait3A_1148 : memref<128x32xf32, #tpu.memory_space<vmem>>) dst(%dma_wait3A_1144 : memref<128x32xf32, #tpu.memory_space<hbm>>)
      %dma_start3A_1149 = arith.constant 7 : i32
      %dma_start3A_1150 = arith.constant 0 : i32
      %dma_start3A_1151 = arith.constant 0 : i32
      %dma_start3A_1152 = tpu.memref_slice %arg9[%dma_start3A_1149, %dma_start3A_1150, %dma_start3A_1151] : memref<8x128x32xf32, #tpu.memory_space<vmem>> -> memref<1x128x32xf32, #tpu.memory_space<vmem>>
      %dma_start3A_1153 = tpu.memref_squeeze %dma_start3A_1152 : memref<1x128x32xf32, #tpu.memory_space<vmem>> -> memref<128x32xf32, #tpu.memory_space<vmem>>
      %dma_start3A_1154 = arith.constant 0 : i32
      %dma_start3A_1155 = tpu.memref_slice %arg8[%add3A_1130, %dma_start3A_1154] : memref<80x128xi32, #tpu.memory_space<vmem>> -> memref<1x128xi32, #tpu.memory_space<vmem>>
      %dma_start3A_1156 = tpu.memref_squeeze %dma_start3A_1155 : memref<1x128xi32, #tpu.memory_space<vmem>> -> memref<128xi32, #tpu.memory_space<vmem>>
      %dma_start3A_1157 = arith.constant 0 : i32
      %dma_start3A_1158 = arith.constant 0 : i32
      %dma_start3A_1159 = tpu.memref_slice %arg3[%dma_start3A_1157, %dma_start3A_1158] : memref<1000000x32xf32, #tpu.memory_space<hbm>> -> memref<1000000x32xf32, #tpu.memory_space<hbm>>
      tpu.enqueue_indirect_dma source(%dma_start3A_1159 : memref<1000000x32xf32, #tpu.memory_space<hbm>>) target(%dma_start3A_1153 : memref<128x32xf32, #tpu.memory_space<vmem>>) offsets(%dma_start3A_1156 : memref<128xi32, #tpu.memory_space<vmem>>) semaphore(%arg21 : memref<!tpu.dma_semaphore, #tpu.memory_space<semaphore_mem>>)
    }
    %while3A_268 = arith.constant 1 : i32
    scf.for %while3A_661 = %while3A_266 to %while3A_262 step %while3A_268  : i32 {
      %mul3A_662 = arith.muli %while3A_661, %while3A_258 : i32
      %add3A_663 = arith.addi %while3A_259, %mul3A_662 : i32
      %add3A_664 = arith.constant 0 : i32
      %add3A_665 = arith.addi %add3A_663, %add3A_664 : i32
      %dma_wait3A_666 = arith.constant 0 : i32
      %dma_wait3A_667 = arith.constant 0 : i32
      %dma_wait3A_668 = arith.constant 0 : i32
      %dma_wait3A_669 = tpu.memref_slice %arg9[%dma_wait3A_666, %dma_wait3A_667, %dma_wait3A_668] : memref<8x128x32xf32, #tpu.memory_space<vmem>> -> memref<1x128x32xf32, #tpu.memory_space<vmem>>
      %dma_wait3A_670 = tpu.memref_squeeze %dma_wait3A_669 : memref<1x128x32xf32, #tpu.memory_space<vmem>> -> memref<128x32xf32, #tpu.memory_space<vmem>>
      %dma_wait3A_671 = arith.constant 0 : i32
      %dma_wait3A_672 = tpu.memref_slice %arg8[%add3A_665, %dma_wait3A_671] : memref<80x128xi32, #tpu.memory_space<vmem>> -> memref<1x128xi32, #tpu.memory_space<vmem>>
      %dma_wait3A_673 = tpu.memref_squeeze %dma_wait3A_672 : memref<1x128xi32, #tpu.memory_space<vmem>> -> memref<128xi32, #tpu.memory_space<vmem>>
      %dma_wait3A_674 = arith.constant 0 : i32
      %dma_wait3A_675 = arith.constant 0 : i32
      %dma_wait3A_676 = tpu.memref_slice %arg3[%dma_wait3A_674, %dma_wait3A_675] : memref<1000000x32xf32, #tpu.memory_space<hbm>> -> memref<1000000x32xf32, #tpu.memory_space<hbm>>
      tpu.wait_indirect_dma semaphore(%arg14 : memref<!tpu.dma_semaphore, #tpu.memory_space<semaphore_mem>>) src(%dma_wait3A_676 : memref<1000000x32xf32, #tpu.memory_space<hbm>>) dst(%dma_wait3A_670 : memref<128x32xf32, #tpu.memory_space<vmem>>)
      %mul3A_677 = arith.constant 128 : i32
      %mul3A_678 = arith.muli %add3A_665, %mul3A_677 : i32
      %add3A_679 = arith.addi %mul3A_2, %mul3A_678 : i32
      %dma_start3A_680 = arith.constant 0 : i32
      %dma_start3A_681 = arith.constant 0 : i32
      %dma_start3A_682 = arith.constant 0 : i32
      %dma_start3A_683 = tpu.memref_slice %arg9[%dma_start3A_680, %dma_start3A_681, %dma_start3A_682] : memref<8x128x32xf32, #tpu.memory_space<vmem>> -> memref<1x128x32xf32, #tpu.memory_space<vmem>>
      %dma_start3A_684 = tpu.memref_squeeze %dma_start3A_683 : memref<1x128x32xf32, #tpu.memory_space<vmem>> -> memref<128x32xf32, #tpu.memory_space<vmem>>
      %dma_start3A_685 = arith.constant 0 : i32
      %dma_start3A_686 = tpu.memref_slice %arg4[%add3A_679, %dma_start3A_685] : memref<327680x32xf32, #tpu.memory_space<hbm>> -> memref<128x32xf32, #tpu.memory_space<hbm>>
      %dma_start3A_687 = arith.constant 0 : i32
      %dma_start3A_688 = tpu.memref_slice %arg4[%add3A_679, %dma_start3A_687] : memref<327680x32xf32, #tpu.memory_space<hbm>> -> memref<128x32xf32, #tpu.memory_space<hbm>>
      %dma_start3A_689 = arith.constant 0 : i32
      %dma_start3A_690 = arith.constant 0 : i32
      %dma_start3A_691 = tpu.memref_slice %arg9[%dma_start3A_680, %dma_start3A_689, %dma_start3A_690] : memref<8x128x32xf32, #tpu.memory_space<vmem>> -> memref<1x128x32xf32, #tpu.memory_space<vmem>>
      %dma_start3A_692 = tpu.memref_squeeze %dma_start3A_691 : memref<1x128x32xf32, #tpu.memory_space<vmem>> -> memref<128x32xf32, #tpu.memory_space<vmem>>
      tpu.enqueue_dma source(%dma_start3A_692 : memref<128x32xf32, #tpu.memory_space<vmem>>) target(%dma_start3A_688 : memref<128x32xf32, #tpu.memory_space<hbm>>) target_semaphore(%arg22 : memref<!tpu.dma_semaphore, #tpu.memory_space<semaphore_mem>>)
      %add3A_693 = arith.constant 1 : i32
      %add3A_694 = arith.addi %add3A_663, %add3A_693 : i32
      %dma_wait3A_695 = arith.constant 1 : i32
      %dma_wait3A_696 = arith.constant 0 : i32
      %dma_wait3A_697 = arith.constant 0 : i32
      %dma_wait3A_698 = tpu.memref_slice %arg9[%dma_wait3A_695, %dma_wait3A_696, %dma_wait3A_697] : memref<8x128x32xf32, #tpu.memory_space<vmem>> -> memref<1x128x32xf32, #tpu.memory_space<vmem>>
      %dma_wait3A_699 = tpu.memref_squeeze %dma_wait3A_698 : memref<1x128x32xf32, #tpu.memory_space<vmem>> -> memref<128x32xf32, #tpu.memory_space<vmem>>
      %dma_wait3A_700 = arith.constant 0 : i32
      %dma_wait3A_701 = tpu.memref_slice %arg8[%add3A_694, %dma_wait3A_700] : memref<80x128xi32, #tpu.memory_space<vmem>> -> memref<1x128xi32, #tpu.memory_space<vmem>>
      %dma_wait3A_702 = tpu.memref_squeeze %dma_wait3A_701 : memref<1x128xi32, #tpu.memory_space<vmem>> -> memref<128xi32, #tpu.memory_space<vmem>>
      %dma_wait3A_703 = arith.constant 0 : i32
      %dma_wait3A_704 = arith.constant 0 : i32
      %dma_wait3A_705 = tpu.memref_slice %arg3[%dma_wait3A_703, %dma_wait3A_704] : memref<1000000x32xf32, #tpu.memory_space<hbm>> -> memref<1000000x32xf32, #tpu.memory_space<hbm>>
      tpu.wait_indirect_dma semaphore(%arg15 : memref<!tpu.dma_semaphore, #tpu.memory_space<semaphore_mem>>) src(%dma_wait3A_705 : memref<1000000x32xf32, #tpu.memory_space<hbm>>) dst(%dma_wait3A_699 : memref<128x32xf32, #tpu.memory_space<vmem>>)
      %mul3A_706 = arith.constant 128 : i32
      %mul3A_707 = arith.muli %add3A_694, %mul3A_706 : i32
      %add3A_708 = arith.addi %mul3A_2, %mul3A_707 : i32
      %dma_start3A_709 = arith.constant 1 : i32
      %dma_start3A_710 = arith.constant 0 : i32
      %dma_start3A_711 = arith.constant 0 : i32
      %dma_start3A_712 = tpu.memref_slice %arg9[%dma_start3A_709, %dma_start3A_710, %dma_start3A_711] : memref<8x128x32xf32, #tpu.memory_space<vmem>> -> memref<1x128x32xf32, #tpu.memory_space<vmem>>
      %dma_start3A_713 = tpu.memref_squeeze %dma_start3A_712 : memref<1x128x32xf32, #tpu.memory_space<vmem>> -> memref<128x32xf32, #tpu.memory_space<vmem>>
      %dma_start3A_714 = arith.constant 0 : i32
      %dma_start3A_715 = tpu.memref_slice %arg4[%add3A_708, %dma_start3A_714] : memref<327680x32xf32, #tpu.memory_space<hbm>> -> memref<128x32xf32, #tpu.memory_space<hbm>>
      %dma_start3A_716 = arith.constant 0 : i32
      %dma_start3A_717 = tpu.memref_slice %arg4[%add3A_708, %dma_start3A_716] : memref<327680x32xf32, #tpu.memory_space<hbm>> -> memref<128x32xf32, #tpu.memory_space<hbm>>
      %dma_start3A_718 = arith.constant 0 : i32
      %dma_start3A_719 = arith.constant 0 : i32
      %dma_start3A_720 = tpu.memref_slice %arg9[%dma_start3A_709, %dma_start3A_718, %dma_start3A_719] : memref<8x128x32xf32, #tpu.memory_space<vmem>> -> memref<1x128x32xf32, #tpu.memory_space<vmem>>
      %dma_start3A_721 = tpu.memref_squeeze %dma_start3A_720 : memref<1x128x32xf32, #tpu.memory_space<vmem>> -> memref<128x32xf32, #tpu.memory_space<vmem>>
      tpu.enqueue_dma source(%dma_start3A_721 : memref<128x32xf32, #tpu.memory_space<vmem>>) target(%dma_start3A_717 : memref<128x32xf32, #tpu.memory_space<hbm>>) target_semaphore(%arg23 : memref<!tpu.dma_semaphore, #tpu.memory_space<semaphore_mem>>)
      %add3A_722 = arith.constant 2 : i32
      %add3A_723 = arith.addi %add3A_663, %add3A_722 : i32
      %dma_wait3A_724 = arith.constant 2 : i32
      %dma_wait3A_725 = arith.constant 0 : i32
      %dma_wait3A_726 = arith.constant 0 : i32
      %dma_wait3A_727 = tpu.memref_slice %arg9[%dma_wait3A_724, %dma_wait3A_725, %dma_wait3A_726] : memref<8x128x32xf32, #tpu.memory_space<vmem>> -> memref<1x128x32xf32, #tpu.memory_space<vmem>>
      %dma_wait3A_728 = tpu.memref_squeeze %dma_wait3A_727 : memref<1x128x32xf32, #tpu.memory_space<vmem>> -> memref<128x32xf32, #tpu.memory_space<vmem>>
      %dma_wait3A_729 = arith.constant 0 : i32
      %dma_wait3A_730 = tpu.memref_slice %arg8[%add3A_723, %dma_wait3A_729] : memref<80x128xi32, #tpu.memory_space<vmem>> -> memref<1x128xi32, #tpu.memory_space<vmem>>
      %dma_wait3A_731 = tpu.memref_squeeze %dma_wait3A_730 : memref<1x128xi32, #tpu.memory_space<vmem>> -> memref<128xi32, #tpu.memory_space<vmem>>
      %dma_wait3A_732 = arith.constant 0 : i32
      %dma_wait3A_733 = arith.constant 0 : i32
      %dma_wait3A_734 = tpu.memref_slice %arg3[%dma_wait3A_732, %dma_wait3A_733] : memref<1000000x32xf32, #tpu.memory_space<hbm>> -> memref<1000000x32xf32, #tpu.memory_space<hbm>>
      tpu.wait_indirect_dma semaphore(%arg16 : memref<!tpu.dma_semaphore, #tpu.memory_space<semaphore_mem>>) src(%dma_wait3A_734 : memref<1000000x32xf32, #tpu.memory_space<hbm>>) dst(%dma_wait3A_728 : memref<128x32xf32, #tpu.memory_space<vmem>>)
      %mul3A_735 = arith.constant 128 : i32
      %mul3A_736 = arith.muli %add3A_723, %mul3A_735 : i32
      %add3A_737 = arith.addi %mul3A_2, %mul3A_736 : i32
      %dma_start3A_738 = arith.constant 2 : i32
      %dma_start3A_739 = arith.constant 0 : i32
      %dma_start3A_740 = arith.constant 0 : i32
      %dma_start3A_741 = tpu.memref_slice %arg9[%dma_start3A_738, %dma_start3A_739, %dma_start3A_740] : memref<8x128x32xf32, #tpu.memory_space<vmem>> -> memref<1x128x32xf32, #tpu.memory_space<vmem>>
      %dma_start3A_742 = tpu.memref_squeeze %dma_start3A_741 : memref<1x128x32xf32, #tpu.memory_space<vmem>> -> memref<128x32xf32, #tpu.memory_space<vmem>>
      %dma_start3A_743 = arith.constant 0 : i32
      %dma_start3A_744 = tpu.memref_slice %arg4[%add3A_737, %dma_start3A_743] : memref<327680x32xf32, #tpu.memory_space<hbm>> -> memref<128x32xf32, #tpu.memory_space<hbm>>
      %dma_start3A_745 = arith.constant 0 : i32
      %dma_start3A_746 = tpu.memref_slice %arg4[%add3A_737, %dma_start3A_745] : memref<327680x32xf32, #tpu.memory_space<hbm>> -> memref<128x32xf32, #tpu.memory_space<hbm>>
      %dma_start3A_747 = arith.constant 0 : i32
      %dma_start3A_748 = arith.constant 0 : i32
      %dma_start3A_749 = tpu.memref_slice %arg9[%dma_start3A_738, %dma_start3A_747, %dma_start3A_748] : memref<8x128x32xf32, #tpu.memory_space<vmem>> -> memref<1x128x32xf32, #tpu.memory_space<vmem>>
      %dma_start3A_750 = tpu.memref_squeeze %dma_start3A_749 : memref<1x128x32xf32, #tpu.memory_space<vmem>> -> memref<128x32xf32, #tpu.memory_space<vmem>>
      tpu.enqueue_dma source(%dma_start3A_750 : memref<128x32xf32, #tpu.memory_space<vmem>>) target(%dma_start3A_746 : memref<128x32xf32, #tpu.memory_space<hbm>>) target_semaphore(%arg24 : memref<!tpu.dma_semaphore, #tpu.memory_space<semaphore_mem>>)
      %add3A_751 = arith.constant 3 : i32
      %add3A_752 = arith.addi %add3A_663, %add3A_751 : i32
      %dma_wait3A_753 = arith.constant 3 : i32
      %dma_wait3A_754 = arith.constant 0 : i32
      %dma_wait3A_755 = arith.constant 0 : i32
      %dma_wait3A_756 = tpu.memref_slice %arg9[%dma_wait3A_753, %dma_wait3A_754, %dma_wait3A_755] : memref<8x128x32xf32, #tpu.memory_space<vmem>> -> memref<1x128x32xf32, #tpu.memory_space<vmem>>
      %dma_wait3A_757 = tpu.memref_squeeze %dma_wait3A_756 : memref<1x128x32xf32, #tpu.memory_space<vmem>> -> memref<128x32xf32, #tpu.memory_space<vmem>>
      %dma_wait3A_758 = arith.constant 0 : i32
      %dma_wait3A_759 = tpu.memref_slice %arg8[%add3A_752, %dma_wait3A_758] : memref<80x128xi32, #tpu.memory_space<vmem>> -> memref<1x128xi32, #tpu.memory_space<vmem>>
      %dma_wait3A_760 = tpu.memref_squeeze %dma_wait3A_759 : memref<1x128xi32, #tpu.memory_space<vmem>> -> memref<128xi32, #tpu.memory_space<vmem>>
      %dma_wait3A_761 = arith.constant 0 : i32
      %dma_wait3A_762 = arith.constant 0 : i32
      %dma_wait3A_763 = tpu.memref_slice %arg3[%dma_wait3A_761, %dma_wait3A_762] : memref<1000000x32xf32, #tpu.memory_space<hbm>> -> memref<1000000x32xf32, #tpu.memory_space<hbm>>
      tpu.wait_indirect_dma semaphore(%arg17 : memref<!tpu.dma_semaphore, #tpu.memory_space<semaphore_mem>>) src(%dma_wait3A_763 : memref<1000000x32xf32, #tpu.memory_space<hbm>>) dst(%dma_wait3A_757 : memref<128x32xf32, #tpu.memory_space<vmem>>)
      %mul3A_764 = arith.constant 128 : i32
      %mul3A_765 = arith.muli %add3A_752, %mul3A_764 : i32
      %add3A_766 = arith.addi %mul3A_2, %mul3A_765 : i32
      %dma_start3A_767 = arith.constant 3 : i32
      %dma_start3A_768 = arith.constant 0 : i32
      %dma_start3A_769 = arith.constant 0 : i32
      %dma_start3A_770 = tpu.memref_slice %arg9[%dma_start3A_767, %dma_start3A_768, %dma_start3A_769] : memref<8x128x32xf32, #tpu.memory_space<vmem>> -> memref<1x128x32xf32, #tpu.memory_space<vmem>>
      %dma_start3A_771 = tpu.memref_squeeze %dma_start3A_770 : memref<1x128x32xf32, #tpu.memory_space<vmem>> -> memref<128x32xf32, #tpu.memory_space<vmem>>
      %dma_start3A_772 = arith.constant 0 : i32
      %dma_start3A_773 = tpu.memref_slice %arg4[%add3A_766, %dma_start3A_772] : memref<327680x32xf32, #tpu.memory_space<hbm>> -> memref<128x32xf32, #tpu.memory_space<hbm>>
      %dma_start3A_774 = arith.constant 0 : i32
      %dma_start3A_775 = tpu.memref_slice %arg4[%add3A_766, %dma_start3A_774] : memref<327680x32xf32, #tpu.memory_space<hbm>> -> memref<128x32xf32, #tpu.memory_space<hbm>>
      %dma_start3A_776 = arith.constant 0 : i32
      %dma_start3A_777 = arith.constant 0 : i32
      %dma_start3A_778 = tpu.memref_slice %arg9[%dma_start3A_767, %dma_start3A_776, %dma_start3A_777] : memref<8x128x32xf32, #tpu.memory_space<vmem>> -> memref<1x128x32xf32, #tpu.memory_space<vmem>>
      %dma_start3A_779 = tpu.memref_squeeze %dma_start3A_778 : memref<1x128x32xf32, #tpu.memory_space<vmem>> -> memref<128x32xf32, #tpu.memory_space<vmem>>
      tpu.enqueue_dma source(%dma_start3A_779 : memref<128x32xf32, #tpu.memory_space<vmem>>) target(%dma_start3A_775 : memref<128x32xf32, #tpu.memory_space<hbm>>) target_semaphore(%arg25 : memref<!tpu.dma_semaphore, #tpu.memory_space<semaphore_mem>>)
      %add3A_780 = arith.constant 4 : i32
      %add3A_781 = arith.addi %add3A_663, %add3A_780 : i32
      %dma_wait3A_782 = arith.constant 4 : i32
      %dma_wait3A_783 = arith.constant 0 : i32
      %dma_wait3A_784 = arith.constant 0 : i32
      %dma_wait3A_785 = tpu.memref_slice %arg9[%dma_wait3A_782, %dma_wait3A_783, %dma_wait3A_784] : memref<8x128x32xf32, #tpu.memory_space<vmem>> -> memref<1x128x32xf32, #tpu.memory_space<vmem>>
      %dma_wait3A_786 = tpu.memref_squeeze %dma_wait3A_785 : memref<1x128x32xf32, #tpu.memory_space<vmem>> -> memref<128x32xf32, #tpu.memory_space<vmem>>
      %dma_wait3A_787 = arith.constant 0 : i32
      %dma_wait3A_788 = tpu.memref_slice %arg8[%add3A_781, %dma_wait3A_787] : memref<80x128xi32, #tpu.memory_space<vmem>> -> memref<1x128xi32, #tpu.memory_space<vmem>>
      %dma_wait3A_789 = tpu.memref_squeeze %dma_wait3A_788 : memref<1x128xi32, #tpu.memory_space<vmem>> -> memref<128xi32, #tpu.memory_space<vmem>>
      %dma_wait3A_790 = arith.constant 0 : i32
      %dma_wait3A_791 = arith.constant 0 : i32
      %dma_wait3A_792 = tpu.memref_slice %arg3[%dma_wait3A_790, %dma_wait3A_791] : memref<1000000x32xf32, #tpu.memory_space<hbm>> -> memref<1000000x32xf32, #tpu.memory_space<hbm>>
      tpu.wait_indirect_dma semaphore(%arg18 : memref<!tpu.dma_semaphore, #tpu.memory_space<semaphore_mem>>) src(%dma_wait3A_792 : memref<1000000x32xf32, #tpu.memory_space<hbm>>) dst(%dma_wait3A_786 : memref<128x32xf32, #tpu.memory_space<vmem>>)
      %mul3A_793 = arith.constant 128 : i32
      %mul3A_794 = arith.muli %add3A_781, %mul3A_793 : i32
      %add3A_795 = arith.addi %mul3A_2, %mul3A_794 : i32
      %dma_start3A_796 = arith.constant 4 : i32
      %dma_start3A_797 = arith.constant 0 : i32
      %dma_start3A_798 = arith.constant 0 : i32
      %dma_start3A_799 = tpu.memref_slice %arg9[%dma_start3A_796, %dma_start3A_797, %dma_start3A_798] : memref<8x128x32xf32, #tpu.memory_space<vmem>> -> memref<1x128x32xf32, #tpu.memory_space<vmem>>
      %dma_start3A_800 = tpu.memref_squeeze %dma_start3A_799 : memref<1x128x32xf32, #tpu.memory_space<vmem>> -> memref<128x32xf32, #tpu.memory_space<vmem>>
      %dma_start3A_801 = arith.constant 0 : i32
      %dma_start3A_802 = tpu.memref_slice %arg4[%add3A_795, %dma_start3A_801] : memref<327680x32xf32, #tpu.memory_space<hbm>> -> memref<128x32xf32, #tpu.memory_space<hbm>>
      %dma_start3A_803 = arith.constant 0 : i32
      %dma_start3A_804 = tpu.memref_slice %arg4[%add3A_795, %dma_start3A_803] : memref<327680x32xf32, #tpu.memory_space<hbm>> -> memref<128x32xf32, #tpu.memory_space<hbm>>
      %dma_start3A_805 = arith.constant 0 : i32
      %dma_start3A_806 = arith.constant 0 : i32
      %dma_start3A_807 = tpu.memref_slice %arg9[%dma_start3A_796, %dma_start3A_805, %dma_start3A_806] : memref<8x128x32xf32, #tpu.memory_space<vmem>> -> memref<1x128x32xf32, #tpu.memory_space<vmem>>
      %dma_start3A_808 = tpu.memref_squeeze %dma_start3A_807 : memref<1x128x32xf32, #tpu.memory_space<vmem>> -> memref<128x32xf32, #tpu.memory_space<vmem>>
      tpu.enqueue_dma source(%dma_start3A_808 : memref<128x32xf32, #tpu.memory_space<vmem>>) target(%dma_start3A_804 : memref<128x32xf32, #tpu.memory_space<hbm>>) target_semaphore(%arg26 : memref<!tpu.dma_semaphore, #tpu.memory_space<semaphore_mem>>)
      %add3A_809 = arith.constant 5 : i32
      %add3A_810 = arith.addi %add3A_663, %add3A_809 : i32
      %dma_wait3A_811 = arith.constant 5 : i32
      %dma_wait3A_812 = arith.constant 0 : i32
      %dma_wait3A_813 = arith.constant 0 : i32
      %dma_wait3A_814 = tpu.memref_slice %arg9[%dma_wait3A_811, %dma_wait3A_812, %dma_wait3A_813] : memref<8x128x32xf32, #tpu.memory_space<vmem>> -> memref<1x128x32xf32, #tpu.memory_space<vmem>>
      %dma_wait3A_815 = tpu.memref_squeeze %dma_wait3A_814 : memref<1x128x32xf32, #tpu.memory_space<vmem>> -> memref<128x32xf32, #tpu.memory_space<vmem>>
      %dma_wait3A_816 = arith.constant 0 : i32
      %dma_wait3A_817 = tpu.memref_slice %arg8[%add3A_810, %dma_wait3A_816] : memref<80x128xi32, #tpu.memory_space<vmem>> -> memref<1x128xi32, #tpu.memory_space<vmem>>
      %dma_wait3A_818 = tpu.memref_squeeze %dma_wait3A_817 : memref<1x128xi32, #tpu.memory_space<vmem>> -> memref<128xi32, #tpu.memory_space<vmem>>
      %dma_wait3A_819 = arith.constant 0 : i32
      %dma_wait3A_820 = arith.constant 0 : i32
      %dma_wait3A_821 = tpu.memref_slice %arg3[%dma_wait3A_819, %dma_wait3A_820] : memref<1000000x32xf32, #tpu.memory_space<hbm>> -> memref<1000000x32xf32, #tpu.memory_space<hbm>>
      tpu.wait_indirect_dma semaphore(%arg19 : memref<!tpu.dma_semaphore, #tpu.memory_space<semaphore_mem>>) src(%dma_wait3A_821 : memref<1000000x32xf32, #tpu.memory_space<hbm>>) dst(%dma_wait3A_815 : memref<128x32xf32, #tpu.memory_space<vmem>>)
      %mul3A_822 = arith.constant 128 : i32
      %mul3A_823 = arith.muli %add3A_810, %mul3A_822 : i32
      %add3A_824 = arith.addi %mul3A_2, %mul3A_823 : i32
      %dma_start3A_825 = arith.constant 5 : i32
      %dma_start3A_826 = arith.constant 0 : i32
      %dma_start3A_827 = arith.constant 0 : i32
      %dma_start3A_828 = tpu.memref_slice %arg9[%dma_start3A_825, %dma_start3A_826, %dma_start3A_827] : memref<8x128x32xf32, #tpu.memory_space<vmem>> -> memref<1x128x32xf32, #tpu.memory_space<vmem>>
      %dma_start3A_829 = tpu.memref_squeeze %dma_start3A_828 : memref<1x128x32xf32, #tpu.memory_space<vmem>> -> memref<128x32xf32, #tpu.memory_space<vmem>>
      %dma_start3A_830 = arith.constant 0 : i32
      %dma_start3A_831 = tpu.memref_slice %arg4[%add3A_824, %dma_start3A_830] : memref<327680x32xf32, #tpu.memory_space<hbm>> -> memref<128x32xf32, #tpu.memory_space<hbm>>
      %dma_start3A_832 = arith.constant 0 : i32
      %dma_start3A_833 = tpu.memref_slice %arg4[%add3A_824, %dma_start3A_832] : memref<327680x32xf32, #tpu.memory_space<hbm>> -> memref<128x32xf32, #tpu.memory_space<hbm>>
      %dma_start3A_834 = arith.constant 0 : i32
      %dma_start3A_835 = arith.constant 0 : i32
      %dma_start3A_836 = tpu.memref_slice %arg9[%dma_start3A_825, %dma_start3A_834, %dma_start3A_835] : memref<8x128x32xf32, #tpu.memory_space<vmem>> -> memref<1x128x32xf32, #tpu.memory_space<vmem>>
      %dma_start3A_837 = tpu.memref_squeeze %dma_start3A_836 : memref<1x128x32xf32, #tpu.memory_space<vmem>> -> memref<128x32xf32, #tpu.memory_space<vmem>>
      tpu.enqueue_dma source(%dma_start3A_837 : memref<128x32xf32, #tpu.memory_space<vmem>>) target(%dma_start3A_833 : memref<128x32xf32, #tpu.memory_space<hbm>>) target_semaphore(%arg27 : memref<!tpu.dma_semaphore, #tpu.memory_space<semaphore_mem>>)
      %add3A_838 = arith.constant 6 : i32
      %add3A_839 = arith.addi %add3A_663, %add3A_838 : i32
      %dma_wait3A_840 = arith.constant 6 : i32
      %dma_wait3A_841 = arith.constant 0 : i32
      %dma_wait3A_842 = arith.constant 0 : i32
      %dma_wait3A_843 = tpu.memref_slice %arg9[%dma_wait3A_840, %dma_wait3A_841, %dma_wait3A_842] : memref<8x128x32xf32, #tpu.memory_space<vmem>> -> memref<1x128x32xf32, #tpu.memory_space<vmem>>
      %dma_wait3A_844 = tpu.memref_squeeze %dma_wait3A_843 : memref<1x128x32xf32, #tpu.memory_space<vmem>> -> memref<128x32xf32, #tpu.memory_space<vmem>>
      %dma_wait3A_845 = arith.constant 0 : i32
      %dma_wait3A_846 = tpu.memref_slice %arg8[%add3A_839, %dma_wait3A_845] : memref<80x128xi32, #tpu.memory_space<vmem>> -> memref<1x128xi32, #tpu.memory_space<vmem>>
      %dma_wait3A_847 = tpu.memref_squeeze %dma_wait3A_846 : memref<1x128xi32, #tpu.memory_space<vmem>> -> memref<128xi32, #tpu.memory_space<vmem>>
      %dma_wait3A_848 = arith.constant 0 : i32
      %dma_wait3A_849 = arith.constant 0 : i32
      %dma_wait3A_850 = tpu.memref_slice %arg3[%dma_wait3A_848, %dma_wait3A_849] : memref<1000000x32xf32, #tpu.memory_space<hbm>> -> memref<1000000x32xf32, #tpu.memory_space<hbm>>
      tpu.wait_indirect_dma semaphore(%arg20 : memref<!tpu.dma_semaphore, #tpu.memory_space<semaphore_mem>>) src(%dma_wait3A_850 : memref<1000000x32xf32, #tpu.memory_space<hbm>>) dst(%dma_wait3A_844 : memref<128x32xf32, #tpu.memory_space<vmem>>)
      %mul3A_851 = arith.constant 128 : i32
      %mul3A_852 = arith.muli %add3A_839, %mul3A_851 : i32
      %add3A_853 = arith.addi %mul3A_2, %mul3A_852 : i32
      %dma_start3A_854 = arith.constant 6 : i32
      %dma_start3A_855 = arith.constant 0 : i32
      %dma_start3A_856 = arith.constant 0 : i32
      %dma_start3A_857 = tpu.memref_slice %arg9[%dma_start3A_854, %dma_start3A_855, %dma_start3A_856] : memref<8x128x32xf32, #tpu.memory_space<vmem>> -> memref<1x128x32xf32, #tpu.memory_space<vmem>>
      %dma_start3A_858 = tpu.memref_squeeze %dma_start3A_857 : memref<1x128x32xf32, #tpu.memory_space<vmem>> -> memref<128x32xf32, #tpu.memory_space<vmem>>
      %dma_start3A_859 = arith.constant 0 : i32
      %dma_start3A_860 = tpu.memref_slice %arg4[%add3A_853, %dma_start3A_859] : memref<327680x32xf32, #tpu.memory_space<hbm>> -> memref<128x32xf32, #tpu.memory_space<hbm>>
      %dma_start3A_861 = arith.constant 0 : i32
      %dma_start3A_862 = tpu.memref_slice %arg4[%add3A_853, %dma_start3A_861] : memref<327680x32xf32, #tpu.memory_space<hbm>> -> memref<128x32xf32, #tpu.memory_space<hbm>>
      %dma_start3A_863 = arith.constant 0 : i32
      %dma_start3A_864 = arith.constant 0 : i32
      %dma_start3A_865 = tpu.memref_slice %arg9[%dma_start3A_854, %dma_start3A_863, %dma_start3A_864] : memref<8x128x32xf32, #tpu.memory_space<vmem>> -> memref<1x128x32xf32, #tpu.memory_space<vmem>>
      %dma_start3A_866 = tpu.memref_squeeze %dma_start3A_865 : memref<1x128x32xf32, #tpu.memory_space<vmem>> -> memref<128x32xf32, #tpu.memory_space<vmem>>
      tpu.enqueue_dma source(%dma_start3A_866 : memref<128x32xf32, #tpu.memory_space<vmem>>) target(%dma_start3A_862 : memref<128x32xf32, #tpu.memory_space<hbm>>) target_semaphore(%arg28 : memref<!tpu.dma_semaphore, #tpu.memory_space<semaphore_mem>>)
      %add3A_867 = arith.constant 7 : i32
      %add3A_868 = arith.addi %add3A_663, %add3A_867 : i32
      %dma_wait3A_869 = arith.constant 7 : i32
      %dma_wait3A_870 = arith.constant 0 : i32
      %dma_wait3A_871 = arith.constant 0 : i32
      %dma_wait3A_872 = tpu.memref_slice %arg9[%dma_wait3A_869, %dma_wait3A_870, %dma_wait3A_871] : memref<8x128x32xf32, #tpu.memory_space<vmem>> -> memref<1x128x32xf32, #tpu.memory_space<vmem>>
      %dma_wait3A_873 = tpu.memref_squeeze %dma_wait3A_872 : memref<1x128x32xf32, #tpu.memory_space<vmem>> -> memref<128x32xf32, #tpu.memory_space<vmem>>
      %dma_wait3A_874 = arith.constant 0 : i32
      %dma_wait3A_875 = tpu.memref_slice %arg8[%add3A_868, %dma_wait3A_874] : memref<80x128xi32, #tpu.memory_space<vmem>> -> memref<1x128xi32, #tpu.memory_space<vmem>>
      %dma_wait3A_876 = tpu.memref_squeeze %dma_wait3A_875 : memref<1x128xi32, #tpu.memory_space<vmem>> -> memref<128xi32, #tpu.memory_space<vmem>>
      %dma_wait3A_877 = arith.constant 0 : i32
      %dma_wait3A_878 = arith.constant 0 : i32
      %dma_wait3A_879 = tpu.memref_slice %arg3[%dma_wait3A_877, %dma_wait3A_878] : memref<1000000x32xf32, #tpu.memory_space<hbm>> -> memref<1000000x32xf32, #tpu.memory_space<hbm>>
      tpu.wait_indirect_dma semaphore(%arg21 : memref<!tpu.dma_semaphore, #tpu.memory_space<semaphore_mem>>) src(%dma_wait3A_879 : memref<1000000x32xf32, #tpu.memory_space<hbm>>) dst(%dma_wait3A_873 : memref<128x32xf32, #tpu.memory_space<vmem>>)
      %mul3A_880 = arith.constant 128 : i32
      %mul3A_881 = arith.muli %add3A_868, %mul3A_880 : i32
      %add3A_882 = arith.addi %mul3A_2, %mul3A_881 : i32
      %dma_start3A_883 = arith.constant 7 : i32
      %dma_start3A_884 = arith.constant 0 : i32
      %dma_start3A_885 = arith.constant 0 : i32
      %dma_start3A_886 = tpu.memref_slice %arg9[%dma_start3A_883, %dma_start3A_884, %dma_start3A_885] : memref<8x128x32xf32, #tpu.memory_space<vmem>> -> memref<1x128x32xf32, #tpu.memory_space<vmem>>
      %dma_start3A_887 = tpu.memref_squeeze %dma_start3A_886 : memref<1x128x32xf32, #tpu.memory_space<vmem>> -> memref<128x32xf32, #tpu.memory_space<vmem>>
      %dma_start3A_888 = arith.constant 0 : i32
      %dma_start3A_889 = tpu.memref_slice %arg4[%add3A_882, %dma_start3A_888] : memref<327680x32xf32, #tpu.memory_space<hbm>> -> memref<128x32xf32, #tpu.memory_space<hbm>>
      %dma_start3A_890 = arith.constant 0 : i32
      %dma_start3A_891 = tpu.memref_slice %arg4[%add3A_882, %dma_start3A_890] : memref<327680x32xf32, #tpu.memory_space<hbm>> -> memref<128x32xf32, #tpu.memory_space<hbm>>
      %dma_start3A_892 = arith.constant 0 : i32
      %dma_start3A_893 = arith.constant 0 : i32
      %dma_start3A_894 = tpu.memref_slice %arg9[%dma_start3A_883, %dma_start3A_892, %dma_start3A_893] : memref<8x128x32xf32, #tpu.memory_space<vmem>> -> memref<1x128x32xf32, #tpu.memory_space<vmem>>
      %dma_start3A_895 = tpu.memref_squeeze %dma_start3A_894 : memref<1x128x32xf32, #tpu.memory_space<vmem>> -> memref<128x32xf32, #tpu.memory_space<vmem>>
      tpu.enqueue_dma source(%dma_start3A_895 : memref<128x32xf32, #tpu.memory_space<vmem>>) target(%dma_start3A_891 : memref<128x32xf32, #tpu.memory_space<hbm>>) target_semaphore(%arg29 : memref<!tpu.dma_semaphore, #tpu.memory_space<semaphore_mem>>)
      %add3A_896 = arith.constant 8 : i32
      %add3A_897 = arith.addi %add3A_663, %add3A_896 : i32
      %add3A_898 = arith.constant 0 : i32
      %add3A_899 = arith.addi %add3A_897, %add3A_898 : i32
      %sub3A_900 = arith.constant 8 : i32
      %sub3A_901 = arith.subi %add3A_899, %sub3A_900 : i32
      %mul3A_902 = arith.constant 128 : i32
      %mul3A_903 = arith.muli %sub3A_901, %mul3A_902 : i32
      %add3A_904 = arith.addi %mul3A_2, %mul3A_903 : i32
      %dma_wait3A_905 = arith.constant 0 : i32
      %dma_wait3A_906 = arith.constant 0 : i32
      %dma_wait3A_907 = arith.constant 0 : i32
      %dma_wait3A_908 = tpu.memref_slice %arg9[%dma_wait3A_905, %dma_wait3A_906, %dma_wait3A_907] : memref<8x128x32xf32, #tpu.memory_space<vmem>> -> memref<1x128x32xf32, #tpu.memory_space<vmem>>
      %dma_wait3A_909 = tpu.memref_squeeze %dma_wait3A_908 : memref<1x128x32xf32, #tpu.memory_space<vmem>> -> memref<128x32xf32, #tpu.memory_space<vmem>>
      %dma_wait3A_910 = arith.constant 0 : i32
      %dma_wait3A_911 = tpu.memref_slice %arg4[%add3A_904, %dma_wait3A_910] : memref<327680x32xf32, #tpu.memory_space<hbm>> -> memref<128x32xf32, #tpu.memory_space<hbm>>
      %dma_wait3A_912 = arith.constant 0 : i32
      %dma_wait3A_913 = tpu.memref_slice %arg4[%add3A_904, %dma_wait3A_912] : memref<327680x32xf32, #tpu.memory_space<hbm>> -> memref<128x32xf32, #tpu.memory_space<hbm>>
      %dma_wait3A_914 = arith.constant 0 : i32
      %dma_wait3A_915 = arith.constant 0 : i32
      %dma_wait3A_916 = tpu.memref_slice %arg9[%dma_wait3A_905, %dma_wait3A_914, %dma_wait3A_915] : memref<8x128x32xf32, #tpu.memory_space<vmem>> -> memref<1x128x32xf32, #tpu.memory_space<vmem>>
      %dma_wait3A_917 = tpu.memref_squeeze %dma_wait3A_916 : memref<1x128x32xf32, #tpu.memory_space<vmem>> -> memref<128x32xf32, #tpu.memory_space<vmem>>
      tpu.wait_dma2 semaphore(%arg22 : memref<!tpu.dma_semaphore, #tpu.memory_space<semaphore_mem>>) src(%dma_wait3A_917 : memref<128x32xf32, #tpu.memory_space<vmem>>) dst(%dma_wait3A_913 : memref<128x32xf32, #tpu.memory_space<hbm>>)
      %dma_start3A_918 = arith.constant 0 : i32
      %dma_start3A_919 = arith.constant 0 : i32
      %dma_start3A_920 = arith.constant 0 : i32
      %dma_start3A_921 = tpu.memref_slice %arg9[%dma_start3A_918, %dma_start3A_919, %dma_start3A_920] : memref<8x128x32xf32, #tpu.memory_space<vmem>> -> memref<1x128x32xf32, #tpu.memory_space<vmem>>
      %dma_start3A_922 = tpu.memref_squeeze %dma_start3A_921 : memref<1x128x32xf32, #tpu.memory_space<vmem>> -> memref<128x32xf32, #tpu.memory_space<vmem>>
      %dma_start3A_923 = arith.constant 0 : i32
      %dma_start3A_924 = tpu.memref_slice %arg8[%add3A_899, %dma_start3A_923] : memref<80x128xi32, #tpu.memory_space<vmem>> -> memref<1x128xi32, #tpu.memory_space<vmem>>
      %dma_start3A_925 = tpu.memref_squeeze %dma_start3A_924 : memref<1x128xi32, #tpu.memory_space<vmem>> -> memref<128xi32, #tpu.memory_space<vmem>>
      %dma_start3A_926 = arith.constant 0 : i32
      %dma_start3A_927 = arith.constant 0 : i32
      %dma_start3A_928 = tpu.memref_slice %arg3[%dma_start3A_926, %dma_start3A_927] : memref<1000000x32xf32, #tpu.memory_space<hbm>> -> memref<1000000x32xf32, #tpu.memory_space<hbm>>
      tpu.enqueue_indirect_dma source(%dma_start3A_928 : memref<1000000x32xf32, #tpu.memory_space<hbm>>) target(%dma_start3A_922 : memref<128x32xf32, #tpu.memory_space<vmem>>) offsets(%dma_start3A_925 : memref<128xi32, #tpu.memory_space<vmem>>) semaphore(%arg14 : memref<!tpu.dma_semaphore, #tpu.memory_space<semaphore_mem>>)
      %add3A_929 = arith.constant 8 : i32
      %add3A_930 = arith.addi %add3A_663, %add3A_929 : i32
      %add3A_931 = arith.constant 1 : i32
      %add3A_932 = arith.addi %add3A_930, %add3A_931 : i32
      %sub3A_933 = arith.constant 8 : i32
      %sub3A_934 = arith.subi %add3A_932, %sub3A_933 : i32
      %mul3A_935 = arith.constant 128 : i32
      %mul3A_936 = arith.muli %sub3A_934, %mul3A_935 : i32
      %add3A_937 = arith.addi %mul3A_2, %mul3A_936 : i32
      %dma_wait3A_938 = arith.constant 1 : i32
      %dma_wait3A_939 = arith.constant 0 : i32
      %dma_wait3A_940 = arith.constant 0 : i32
      %dma_wait3A_941 = tpu.memref_slice %arg9[%dma_wait3A_938, %dma_wait3A_939, %dma_wait3A_940] : memref<8x128x32xf32, #tpu.memory_space<vmem>> -> memref<1x128x32xf32, #tpu.memory_space<vmem>>
      %dma_wait3A_942 = tpu.memref_squeeze %dma_wait3A_941 : memref<1x128x32xf32, #tpu.memory_space<vmem>> -> memref<128x32xf32, #tpu.memory_space<vmem>>
      %dma_wait3A_943 = arith.constant 0 : i32
      %dma_wait3A_944 = tpu.memref_slice %arg4[%add3A_937, %dma_wait3A_943] : memref<327680x32xf32, #tpu.memory_space<hbm>> -> memref<128x32xf32, #tpu.memory_space<hbm>>
      %dma_wait3A_945 = arith.constant 0 : i32
      %dma_wait3A_946 = tpu.memref_slice %arg4[%add3A_937, %dma_wait3A_945] : memref<327680x32xf32, #tpu.memory_space<hbm>> -> memref<128x32xf32, #tpu.memory_space<hbm>>
      %dma_wait3A_947 = arith.constant 0 : i32
      %dma_wait3A_948 = arith.constant 0 : i32
      %dma_wait3A_949 = tpu.memref_slice %arg9[%dma_wait3A_938, %dma_wait3A_947, %dma_wait3A_948] : memref<8x128x32xf32, #tpu.memory_space<vmem>> -> memref<1x128x32xf32, #tpu.memory_space<vmem>>
      %dma_wait3A_950 = tpu.memref_squeeze %dma_wait3A_949 : memref<1x128x32xf32, #tpu.memory_space<vmem>> -> memref<128x32xf32, #tpu.memory_space<vmem>>
      tpu.wait_dma2 semaphore(%arg23 : memref<!tpu.dma_semaphore, #tpu.memory_space<semaphore_mem>>) src(%dma_wait3A_950 : memref<128x32xf32, #tpu.memory_space<vmem>>) dst(%dma_wait3A_946 : memref<128x32xf32, #tpu.memory_space<hbm>>)
      %dma_start3A_951 = arith.constant 1 : i32
      %dma_start3A_952 = arith.constant 0 : i32
      %dma_start3A_953 = arith.constant 0 : i32
      %dma_start3A_954 = tpu.memref_slice %arg9[%dma_start3A_951, %dma_start3A_952, %dma_start3A_953] : memref<8x128x32xf32, #tpu.memory_space<vmem>> -> memref<1x128x32xf32, #tpu.memory_space<vmem>>
      %dma_start3A_955 = tpu.memref_squeeze %dma_start3A_954 : memref<1x128x32xf32, #tpu.memory_space<vmem>> -> memref<128x32xf32, #tpu.memory_space<vmem>>
      %dma_start3A_956 = arith.constant 0 : i32
      %dma_start3A_957 = tpu.memref_slice %arg8[%add3A_932, %dma_start3A_956] : memref<80x128xi32, #tpu.memory_space<vmem>> -> memref<1x128xi32, #tpu.memory_space<vmem>>
      %dma_start3A_958 = tpu.memref_squeeze %dma_start3A_957 : memref<1x128xi32, #tpu.memory_space<vmem>> -> memref<128xi32, #tpu.memory_space<vmem>>
      %dma_start3A_959 = arith.constant 0 : i32
      %dma_start3A_960 = arith.constant 0 : i32
      %dma_start3A_961 = tpu.memref_slice %arg3[%dma_start3A_959, %dma_start3A_960] : memref<1000000x32xf32, #tpu.memory_space<hbm>> -> memref<1000000x32xf32, #tpu.memory_space<hbm>>
      tpu.enqueue_indirect_dma source(%dma_start3A_961 : memref<1000000x32xf32, #tpu.memory_space<hbm>>) target(%dma_start3A_955 : memref<128x32xf32, #tpu.memory_space<vmem>>) offsets(%dma_start3A_958 : memref<128xi32, #tpu.memory_space<vmem>>) semaphore(%arg15 : memref<!tpu.dma_semaphore, #tpu.memory_space<semaphore_mem>>)
      %add3A_962 = arith.constant 8 : i32
      %add3A_963 = arith.addi %add3A_663, %add3A_962 : i32
      %add3A_964 = arith.constant 2 : i32
      %add3A_965 = arith.addi %add3A_963, %add3A_964 : i32
      %sub3A_966 = arith.constant 8 : i32
      %sub3A_967 = arith.subi %add3A_965, %sub3A_966 : i32
      %mul3A_968 = arith.constant 128 : i32
      %mul3A_969 = arith.muli %sub3A_967, %mul3A_968 : i32
      %add3A_970 = arith.addi %mul3A_2, %mul3A_969 : i32
      %dma_wait3A_971 = arith.constant 2 : i32
      %dma_wait3A_972 = arith.constant 0 : i32
      %dma_wait3A_973 = arith.constant 0 : i32
      %dma_wait3A_974 = tpu.memref_slice %arg9[%dma_wait3A_971, %dma_wait3A_972, %dma_wait3A_973] : memref<8x128x32xf32, #tpu.memory_space<vmem>> -> memref<1x128x32xf32, #tpu.memory_space<vmem>>
      %dma_wait3A_975 = tpu.memref_squeeze %dma_wait3A_974 : memref<1x128x32xf32, #tpu.memory_space<vmem>> -> memref<128x32xf32, #tpu.memory_space<vmem>>
      %dma_wait3A_976 = arith.constant 0 : i32
      %dma_wait3A_977 = tpu.memref_slice %arg4[%add3A_970, %dma_wait3A_976] : memref<327680x32xf32, #tpu.memory_space<hbm>> -> memref<128x32xf32, #tpu.memory_space<hbm>>
      %dma_wait3A_978 = arith.constant 0 : i32
      %dma_wait3A_979 = tpu.memref_slice %arg4[%add3A_970, %dma_wait3A_978] : memref<327680x32xf32, #tpu.memory_space<hbm>> -> memref<128x32xf32, #tpu.memory_space<hbm>>
      %dma_wait3A_980 = arith.constant 0 : i32
      %dma_wait3A_981 = arith.constant 0 : i32
      %dma_wait3A_982 = tpu.memref_slice %arg9[%dma_wait3A_971, %dma_wait3A_980, %dma_wait3A_981] : memref<8x128x32xf32, #tpu.memory_space<vmem>> -> memref<1x128x32xf32, #tpu.memory_space<vmem>>
      %dma_wait3A_983 = tpu.memref_squeeze %dma_wait3A_982 : memref<1x128x32xf32, #tpu.memory_space<vmem>> -> memref<128x32xf32, #tpu.memory_space<vmem>>
      tpu.wait_dma2 semaphore(%arg24 : memref<!tpu.dma_semaphore, #tpu.memory_space<semaphore_mem>>) src(%dma_wait3A_983 : memref<128x32xf32, #tpu.memory_space<vmem>>) dst(%dma_wait3A_979 : memref<128x32xf32, #tpu.memory_space<hbm>>)
      %dma_start3A_984 = arith.constant 2 : i32
      %dma_start3A_985 = arith.constant 0 : i32
      %dma_start3A_986 = arith.constant 0 : i32
      %dma_start3A_987 = tpu.memref_slice %arg9[%dma_start3A_984, %dma_start3A_985, %dma_start3A_986] : memref<8x128x32xf32, #tpu.memory_space<vmem>> -> memref<1x128x32xf32, #tpu.memory_space<vmem>>
      %dma_start3A_988 = tpu.memref_squeeze %dma_start3A_987 : memref<1x128x32xf32, #tpu.memory_space<vmem>> -> memref<128x32xf32, #tpu.memory_space<vmem>>
      %dma_start3A_989 = arith.constant 0 : i32
      %dma_start3A_990 = tpu.memref_slice %arg8[%add3A_965, %dma_start3A_989] : memref<80x128xi32, #tpu.memory_space<vmem>> -> memref<1x128xi32, #tpu.memory_space<vmem>>
      %dma_start3A_991 = tpu.memref_squeeze %dma_start3A_990 : memref<1x128xi32, #tpu.memory_space<vmem>> -> memref<128xi32, #tpu.memory_space<vmem>>
      %dma_start3A_992 = arith.constant 0 : i32
      %dma_start3A_993 = arith.constant 0 : i32
      %dma_start3A_994 = tpu.memref_slice %arg3[%dma_start3A_992, %dma_start3A_993] : memref<1000000x32xf32, #tpu.memory_space<hbm>> -> memref<1000000x32xf32, #tpu.memory_space<hbm>>
      tpu.enqueue_indirect_dma source(%dma_start3A_994 : memref<1000000x32xf32, #tpu.memory_space<hbm>>) target(%dma_start3A_988 : memref<128x32xf32, #tpu.memory_space<vmem>>) offsets(%dma_start3A_991 : memref<128xi32, #tpu.memory_space<vmem>>) semaphore(%arg16 : memref<!tpu.dma_semaphore, #tpu.memory_space<semaphore_mem>>)
      %add3A_995 = arith.constant 8 : i32
      %add3A_996 = arith.addi %add3A_663, %add3A_995 : i32
      %add3A_997 = arith.constant 3 : i32
      %add3A_998 = arith.addi %add3A_996, %add3A_997 : i32
      %sub3A_999 = arith.constant 8 : i32
      %sub3A_1000 = arith.subi %add3A_998, %sub3A_999 : i32
      %mul3A_1001 = arith.constant 128 : i32
      %mul3A_1002 = arith.muli %sub3A_1000, %mul3A_1001 : i32
      %add3A_1003 = arith.addi %mul3A_2, %mul3A_1002 : i32
      %dma_wait3A_1004 = arith.constant 3 : i32
      %dma_wait3A_1005 = arith.constant 0 : i32
      %dma_wait3A_1006 = arith.constant 0 : i32
      %dma_wait3A_1007 = tpu.memref_slice %arg9[%dma_wait3A_1004, %dma_wait3A_1005, %dma_wait3A_1006] : memref<8x128x32xf32, #tpu.memory_space<vmem>> -> memref<1x128x32xf32, #tpu.memory_space<vmem>>
      %dma_wait3A_1008 = tpu.memref_squeeze %dma_wait3A_1007 : memref<1x128x32xf32, #tpu.memory_space<vmem>> -> memref<128x32xf32, #tpu.memory_space<vmem>>
      %dma_wait3A_1009 = arith.constant 0 : i32
      %dma_wait3A_1010 = tpu.memref_slice %arg4[%add3A_1003, %dma_wait3A_1009] : memref<327680x32xf32, #tpu.memory_space<hbm>> -> memref<128x32xf32, #tpu.memory_space<hbm>>
      %dma_wait3A_1011 = arith.constant 0 : i32
      %dma_wait3A_1012 = tpu.memref_slice %arg4[%add3A_1003, %dma_wait3A_1011] : memref<327680x32xf32, #tpu.memory_space<hbm>> -> memref<128x32xf32, #tpu.memory_space<hbm>>
      %dma_wait3A_1013 = arith.constant 0 : i32
      %dma_wait3A_1014 = arith.constant 0 : i32
      %dma_wait3A_1015 = tpu.memref_slice %arg9[%dma_wait3A_1004, %dma_wait3A_1013, %dma_wait3A_1014] : memref<8x128x32xf32, #tpu.memory_space<vmem>> -> memref<1x128x32xf32, #tpu.memory_space<vmem>>
      %dma_wait3A_1016 = tpu.memref_squeeze %dma_wait3A_1015 : memref<1x128x32xf32, #tpu.memory_space<vmem>> -> memref<128x32xf32, #tpu.memory_space<vmem>>
      tpu.wait_dma2 semaphore(%arg25 : memref<!tpu.dma_semaphore, #tpu.memory_space<semaphore_mem>>) src(%dma_wait3A_1016 : memref<128x32xf32, #tpu.memory_space<vmem>>) dst(%dma_wait3A_1012 : memref<128x32xf32, #tpu.memory_space<hbm>>)
      %dma_start3A_1017 = arith.constant 3 : i32
      %dma_start3A_1018 = arith.constant 0 : i32
      %dma_start3A_1019 = arith.constant 0 : i32
      %dma_start3A_1020 = tpu.memref_slice %arg9[%dma_start3A_1017, %dma_start3A_1018, %dma_start3A_1019] : memref<8x128x32xf32, #tpu.memory_space<vmem>> -> memref<1x128x32xf32, #tpu.memory_space<vmem>>
      %dma_start3A_1021 = tpu.memref_squeeze %dma_start3A_1020 : memref<1x128x32xf32, #tpu.memory_space<vmem>> -> memref<128x32xf32, #tpu.memory_space<vmem>>
      %dma_start3A_1022 = arith.constant 0 : i32
      %dma_start3A_1023 = tpu.memref_slice %arg8[%add3A_998, %dma_start3A_1022] : memref<80x128xi32, #tpu.memory_space<vmem>> -> memref<1x128xi32, #tpu.memory_space<vmem>>
      %dma_start3A_1024 = tpu.memref_squeeze %dma_start3A_1023 : memref<1x128xi32, #tpu.memory_space<vmem>> -> memref<128xi32, #tpu.memory_space<vmem>>
      %dma_start3A_1025 = arith.constant 0 : i32
      %dma_start3A_1026 = arith.constant 0 : i32
      %dma_start3A_1027 = tpu.memref_slice %arg3[%dma_start3A_1025, %dma_start3A_1026] : memref<1000000x32xf32, #tpu.memory_space<hbm>> -> memref<1000000x32xf32, #tpu.memory_space<hbm>>
      tpu.enqueue_indirect_dma source(%dma_start3A_1027 : memref<1000000x32xf32, #tpu.memory_space<hbm>>) target(%dma_start3A_1021 : memref<128x32xf32, #tpu.memory_space<vmem>>) offsets(%dma_start3A_1024 : memref<128xi32, #tpu.memory_space<vmem>>) semaphore(%arg17 : memref<!tpu.dma_semaphore, #tpu.memory_space<semaphore_mem>>)
      %add3A_1028 = arith.constant 8 : i32
      %add3A_1029 = arith.addi %add3A_663, %add3A_1028 : i32
      %add3A_1030 = arith.constant 4 : i32
      %add3A_1031 = arith.addi %add3A_1029, %add3A_1030 : i32
      %sub3A_1032 = arith.constant 8 : i32
      %sub3A_1033 = arith.subi %add3A_1031, %sub3A_1032 : i32
      %mul3A_1034 = arith.constant 128 : i32
      %mul3A_1035 = arith.muli %sub3A_1033, %mul3A_1034 : i32
      %add3A_1036 = arith.addi %mul3A_2, %mul3A_1035 : i32
      %dma_wait3A_1037 = arith.constant 4 : i32
      %dma_wait3A_1038 = arith.constant 0 : i32
      %dma_wait3A_1039 = arith.constant 0 : i32
      %dma_wait3A_1040 = tpu.memref_slice %arg9[%dma_wait3A_1037, %dma_wait3A_1038, %dma_wait3A_1039] : memref<8x128x32xf32, #tpu.memory_space<vmem>> -> memref<1x128x32xf32, #tpu.memory_space<vmem>>
      %dma_wait3A_1041 = tpu.memref_squeeze %dma_wait3A_1040 : memref<1x128x32xf32, #tpu.memory_space<vmem>> -> memref<128x32xf32, #tpu.memory_space<vmem>>
      %dma_wait3A_1042 = arith.constant 0 : i32
      %dma_wait3A_1043 = tpu.memref_slice %arg4[%add3A_1036, %dma_wait3A_1042] : memref<327680x32xf32, #tpu.memory_space<hbm>> -> memref<128x32xf32, #tpu.memory_space<hbm>>
      %dma_wait3A_1044 = arith.constant 0 : i32
      %dma_wait3A_1045 = tpu.memref_slice %arg4[%add3A_1036, %dma_wait3A_1044] : memref<327680x32xf32, #tpu.memory_space<hbm>> -> memref<128x32xf32, #tpu.memory_space<hbm>>
      %dma_wait3A_1046 = arith.constant 0 : i32
      %dma_wait3A_1047 = arith.constant 0 : i32
      %dma_wait3A_1048 = tpu.memref_slice %arg9[%dma_wait3A_1037, %dma_wait3A_1046, %dma_wait3A_1047] : memref<8x128x32xf32, #tpu.memory_space<vmem>> -> memref<1x128x32xf32, #tpu.memory_space<vmem>>
      %dma_wait3A_1049 = tpu.memref_squeeze %dma_wait3A_1048 : memref<1x128x32xf32, #tpu.memory_space<vmem>> -> memref<128x32xf32, #tpu.memory_space<vmem>>
      tpu.wait_dma2 semaphore(%arg26 : memref<!tpu.dma_semaphore, #tpu.memory_space<semaphore_mem>>) src(%dma_wait3A_1049 : memref<128x32xf32, #tpu.memory_space<vmem>>) dst(%dma_wait3A_1045 : memref<128x32xf32, #tpu.memory_space<hbm>>)
      %dma_start3A_1050 = arith.constant 4 : i32
      %dma_start3A_1051 = arith.constant 0 : i32
      %dma_start3A_1052 = arith.constant 0 : i32
      %dma_start3A_1053 = tpu.memref_slice %arg9[%dma_start3A_1050, %dma_start3A_1051, %dma_start3A_1052] : memref<8x128x32xf32, #tpu.memory_space<vmem>> -> memref<1x128x32xf32, #tpu.memory_space<vmem>>
      %dma_start3A_1054 = tpu.memref_squeeze %dma_start3A_1053 : memref<1x128x32xf32, #tpu.memory_space<vmem>> -> memref<128x32xf32, #tpu.memory_space<vmem>>
      %dma_start3A_1055 = arith.constant 0 : i32
      %dma_start3A_1056 = tpu.memref_slice %arg8[%add3A_1031, %dma_start3A_1055] : memref<80x128xi32, #tpu.memory_space<vmem>> -> memref<1x128xi32, #tpu.memory_space<vmem>>
      %dma_start3A_1057 = tpu.memref_squeeze %dma_start3A_1056 : memref<1x128xi32, #tpu.memory_space<vmem>> -> memref<128xi32, #tpu.memory_space<vmem>>
      %dma_start3A_1058 = arith.constant 0 : i32
      %dma_start3A_1059 = arith.constant 0 : i32
      %dma_start3A_1060 = tpu.memref_slice %arg3[%dma_start3A_1058, %dma_start3A_1059] : memref<1000000x32xf32, #tpu.memory_space<hbm>> -> memref<1000000x32xf32, #tpu.memory_space<hbm>>
      tpu.enqueue_indirect_dma source(%dma_start3A_1060 : memref<1000000x32xf32, #tpu.memory_space<hbm>>) target(%dma_start3A_1054 : memref<128x32xf32, #tpu.memory_space<vmem>>) offsets(%dma_start3A_1057 : memref<128xi32, #tpu.memory_space<vmem>>) semaphore(%arg18 : memref<!tpu.dma_semaphore, #tpu.memory_space<semaphore_mem>>)
      %add3A_1061 = arith.constant 8 : i32
      %add3A_1062 = arith.addi %add3A_663, %add3A_1061 : i32
      %add3A_1063 = arith.constant 5 : i32
      %add3A_1064 = arith.addi %add3A_1062, %add3A_1063 : i32
      %sub3A_1065 = arith.constant 8 : i32
      %sub3A_1066 = arith.subi %add3A_1064, %sub3A_1065 : i32
      %mul3A_1067 = arith.constant 128 : i32
      %mul3A_1068 = arith.muli %sub3A_1066, %mul3A_1067 : i32
      %add3A_1069 = arith.addi %mul3A_2, %mul3A_1068 : i32
      %dma_wait3A_1070 = arith.constant 5 : i32
      %dma_wait3A_1071 = arith.constant 0 : i32
      %dma_wait3A_1072 = arith.constant 0 : i32
      %dma_wait3A_1073 = tpu.memref_slice %arg9[%dma_wait3A_1070, %dma_wait3A_1071, %dma_wait3A_1072] : memref<8x128x32xf32, #tpu.memory_space<vmem>> -> memref<1x128x32xf32, #tpu.memory_space<vmem>>
      %dma_wait3A_1074 = tpu.memref_squeeze %dma_wait3A_1073 : memref<1x128x32xf32, #tpu.memory_space<vmem>> -> memref<128x32xf32, #tpu.memory_space<vmem>>
      %dma_wait3A_1075 = arith.constant 0 : i32
      %dma_wait3A_1076 = tpu.memref_slice %arg4[%add3A_1069, %dma_wait3A_1075] : memref<327680x32xf32, #tpu.memory_space<hbm>> -> memref<128x32xf32, #tpu.memory_space<hbm>>
      %dma_wait3A_1077 = arith.constant 0 : i32
      %dma_wait3A_1078 = tpu.memref_slice %arg4[%add3A_1069, %dma_wait3A_1077] : memref<327680x32xf32, #tpu.memory_space<hbm>> -> memref<128x32xf32, #tpu.memory_space<hbm>>
      %dma_wait3A_1079 = arith.constant 0 : i32
      %dma_wait3A_1080 = arith.constant 0 : i32
      %dma_wait3A_1081 = tpu.memref_slice %arg9[%dma_wait3A_1070, %dma_wait3A_1079, %dma_wait3A_1080] : memref<8x128x32xf32, #tpu.memory_space<vmem>> -> memref<1x128x32xf32, #tpu.memory_space<vmem>>
      %dma_wait3A_1082 = tpu.memref_squeeze %dma_wait3A_1081 : memref<1x128x32xf32, #tpu.memory_space<vmem>> -> memref<128x32xf32, #tpu.memory_space<vmem>>
      tpu.wait_dma2 semaphore(%arg27 : memref<!tpu.dma_semaphore, #tpu.memory_space<semaphore_mem>>) src(%dma_wait3A_1082 : memref<128x32xf32, #tpu.memory_space<vmem>>) dst(%dma_wait3A_1078 : memref<128x32xf32, #tpu.memory_space<hbm>>)
      %dma_start3A_1083 = arith.constant 5 : i32
      %dma_start3A_1084 = arith.constant 0 : i32
      %dma_start3A_1085 = arith.constant 0 : i32
      %dma_start3A_1086 = tpu.memref_slice %arg9[%dma_start3A_1083, %dma_start3A_1084, %dma_start3A_1085] : memref<8x128x32xf32, #tpu.memory_space<vmem>> -> memref<1x128x32xf32, #tpu.memory_space<vmem>>
      %dma_start3A_1087 = tpu.memref_squeeze %dma_start3A_1086 : memref<1x128x32xf32, #tpu.memory_space<vmem>> -> memref<128x32xf32, #tpu.memory_space<vmem>>
      %dma_start3A_1088 = arith.constant 0 : i32
      %dma_start3A_1089 = tpu.memref_slice %arg8[%add3A_1064, %dma_start3A_1088] : memref<80x128xi32, #tpu.memory_space<vmem>> -> memref<1x128xi32, #tpu.memory_space<vmem>>
      %dma_start3A_1090 = tpu.memref_squeeze %dma_start3A_1089 : memref<1x128xi32, #tpu.memory_space<vmem>> -> memref<128xi32, #tpu.memory_space<vmem>>
      %dma_start3A_1091 = arith.constant 0 : i32
      %dma_start3A_1092 = arith.constant 0 : i32
      %dma_start3A_1093 = tpu.memref_slice %arg3[%dma_start3A_1091, %dma_start3A_1092] : memref<1000000x32xf32, #tpu.memory_space<hbm>> -> memref<1000000x32xf32, #tpu.memory_space<hbm>>
      tpu.enqueue_indirect_dma source(%dma_start3A_1093 : memref<1000000x32xf32, #tpu.memory_space<hbm>>) target(%dma_start3A_1087 : memref<128x32xf32, #tpu.memory_space<vmem>>) offsets(%dma_start3A_1090 : memref<128xi32, #tpu.memory_space<vmem>>) semaphore(%arg19 : memref<!tpu.dma_semaphore, #tpu.memory_space<semaphore_mem>>)
      %add3A_1094 = arith.constant 8 : i32
      %add3A_1095 = arith.addi %add3A_663, %add3A_1094 : i32
      %add3A_1096 = arith.constant 6 : i32
      %add3A_1097 = arith.addi %add3A_1095, %add3A_1096 : i32
      %sub3A_1098 = arith.constant 8 : i32
      %sub3A_1099 = arith.subi %add3A_1097, %sub3A_1098 : i32
      %mul3A_1100 = arith.constant 128 : i32
      %mul3A_1101 = arith.muli %sub3A_1099, %mul3A_1100 : i32
      %add3A_1102 = arith.addi %mul3A_2, %mul3A_1101 : i32
      %dma_wait3A_1103 = arith.constant 6 : i32
      %dma_wait3A_1104 = arith.constant 0 : i32
      %dma_wait3A_1105 = arith.constant 0 : i32
      %dma_wait3A_1106 = tpu.memref_slice %arg9[%dma_wait3A_1103, %dma_wait3A_1104, %dma_wait3A_1105] : memref<8x128x32xf32, #tpu.memory_space<vmem>> -> memref<1x128x32xf32, #tpu.memory_space<vmem>>
      %dma_wait3A_1107 = tpu.memref_squeeze %dma_wait3A_1106 : memref<1x128x32xf32, #tpu.memory_space<vmem>> -> memref<128x32xf32, #tpu.memory_space<vmem>>
      %dma_wait3A_1108 = arith.constant 0 : i32
      %dma_wait3A_1109 = tpu.memref_slice %arg4[%add3A_1102, %dma_wait3A_1108] : memref<327680x32xf32, #tpu.memory_space<hbm>> -> memref<128x32xf32, #tpu.memory_space<hbm>>
      %dma_wait3A_1110 = arith.constant 0 : i32
      %dma_wait3A_1111 = tpu.memref_slice %arg4[%add3A_1102, %dma_wait3A_1110] : memref<327680x32xf32, #tpu.memory_space<hbm>> -> memref<128x32xf32, #tpu.memory_space<hbm>>
      %dma_wait3A_1112 = arith.constant 0 : i32
      %dma_wait3A_1113 = arith.constant 0 : i32
      %dma_wait3A_1114 = tpu.memref_slice %arg9[%dma_wait3A_1103, %dma_wait3A_1112, %dma_wait3A_1113] : memref<8x128x32xf32, #tpu.memory_space<vmem>> -> memref<1x128x32xf32, #tpu.memory_space<vmem>>
      %dma_wait3A_1115 = tpu.memref_squeeze %dma_wait3A_1114 : memref<1x128x32xf32, #tpu.memory_space<vmem>> -> memref<128x32xf32, #tpu.memory_space<vmem>>
      tpu.wait_dma2 semaphore(%arg28 : memref<!tpu.dma_semaphore, #tpu.memory_space<semaphore_mem>>) src(%dma_wait3A_1115 : memref<128x32xf32, #tpu.memory_space<vmem>>) dst(%dma_wait3A_1111 : memref<128x32xf32, #tpu.memory_space<hbm>>)
      %dma_start3A_1116 = arith.constant 6 : i32
      %dma_start3A_1117 = arith.constant 0 : i32
      %dma_start3A_1118 = arith.constant 0 : i32
      %dma_start3A_1119 = tpu.memref_slice %arg9[%dma_start3A_1116, %dma_start3A_1117, %dma_start3A_1118] : memref<8x128x32xf32, #tpu.memory_space<vmem>> -> memref<1x128x32xf32, #tpu.memory_space<vmem>>
      %dma_start3A_1120 = tpu.memref_squeeze %dma_start3A_1119 : memref<1x128x32xf32, #tpu.memory_space<vmem>> -> memref<128x32xf32, #tpu.memory_space<vmem>>
      %dma_start3A_1121 = arith.constant 0 : i32
      %dma_start3A_1122 = tpu.memref_slice %arg8[%add3A_1097, %dma_start3A_1121] : memref<80x128xi32, #tpu.memory_space<vmem>> -> memref<1x128xi32, #tpu.memory_space<vmem>>
      %dma_start3A_1123 = tpu.memref_squeeze %dma_start3A_1122 : memref<1x128xi32, #tpu.memory_space<vmem>> -> memref<128xi32, #tpu.memory_space<vmem>>
      %dma_start3A_1124 = arith.constant 0 : i32
      %dma_start3A_1125 = arith.constant 0 : i32
      %dma_start3A_1126 = tpu.memref_slice %arg3[%dma_start3A_1124, %dma_start3A_1125] : memref<1000000x32xf32, #tpu.memory_space<hbm>> -> memref<1000000x32xf32, #tpu.memory_space<hbm>>
      tpu.enqueue_indirect_dma source(%dma_start3A_1126 : memref<1000000x32xf32, #tpu.memory_space<hbm>>) target(%dma_start3A_1120 : memref<128x32xf32, #tpu.memory_space<vmem>>) offsets(%dma_start3A_1123 : memref<128xi32, #tpu.memory_space<vmem>>) semaphore(%arg20 : memref<!tpu.dma_semaphore, #tpu.memory_space<semaphore_mem>>)
      %add3A_1127 = arith.constant 8 : i32
      %add3A_1128 = arith.addi %add3A_663, %add3A_1127 : i32
      %add3A_1129 = arith.constant 7 : i32
      %add3A_1130 = arith.addi %add3A_1128, %add3A_1129 : i32
      %sub3A_1131 = arith.constant 8 : i32
      %sub3A_1132 = arith.subi %add3A_1130, %sub3A_1131 : i32
      %mul3A_1133 = arith.constant 128 : i32
      %mul3A_1134 = arith.muli %sub3A_1132, %mul3A_1133 : i32
      %add3A_1135 = arith.addi %mul3A_2, %mul3A_1134 : i32
      %dma_wait3A_1136 = arith.constant 7 : i32
      %dma_wait3A_1137 = arith.constant 0 : i32
      %dma_wait3A_1138 = arith.constant 0 : i32
      %dma_wait3A_1139 = tpu.memref_slice %arg9[%dma_wait3A_1136, %dma_wait3A_1137, %dma_wait3A_1138] : memref<8x128x32xf32, #tpu.memory_space<vmem>> -> memref<1x128x32xf32, #tpu.memory_space<vmem>>
      %dma_wait3A_1140 = tpu.memref_squeeze %dma_wait3A_1139 : memref<1x128x32xf32, #tpu.memory_space<vmem>> -> memref<128x32xf32, #tpu.memory_space<vmem>>
      %dma_wait3A_1141 = arith.constant 0 : i32
      %dma_wait3A_1142 = tpu.memref_slice %arg4[%add3A_1135, %dma_wait3A_1141] : memref<327680x32xf32, #tpu.memory_space<hbm>> -> memref<128x32xf32, #tpu.memory_space<hbm>>
      %dma_wait3A_1143 = arith.constant 0 : i32
      %dma_wait3A_1144 = tpu.memref_slice %arg4[%add3A_1135, %dma_wait3A_1143] : memref<327680x32xf32, #tpu.memory_space<hbm>> -> memref<128x32xf32, #tpu.memory_space<hbm>>
      %dma_wait3A_1145 = arith.constant 0 : i32
      %dma_wait3A_1146 = arith.constant 0 : i32
      %dma_wait3A_1147 = tpu.memref_slice %arg9[%dma_wait3A_1136, %dma_wait3A_1145, %dma_wait3A_1146] : memref<8x128x32xf32, #tpu.memory_space<vmem>> -> memref<1x128x32xf32, #tpu.memory_space<vmem>>
      %dma_wait3A_1148 = tpu.memref_squeeze %dma_wait3A_1147 : memref<1x128x32xf32, #tpu.memory_space<vmem>> -> memref<128x32xf32, #tpu.memory_space<vmem>>
      tpu.wait_dma2 semaphore(%arg29 : memref<!tpu.dma_semaphore, #tpu.memory_space<semaphore_mem>>) src(%dma_wait3A_1148 : memref<128x32xf32, #tpu.memory_space<vmem>>) dst(%dma_wait3A_1144 : memref<128x32xf32, #tpu.memory_space<hbm>>)
      %dma_start3A_1149 = arith.constant 7 : i32
      %dma_start3A_1150 = arith.constant 0 : i32
      %dma_start3A_1151 = arith.constant 0 : i32
      %dma_start3A_1152 = tpu.memref_slice %arg9[%dma_start3A_1149, %dma_start3A_1150, %dma_start3A_1151] : memref<8x128x32xf32, #tpu.memory_space<vmem>> -> memref<1x128x32xf32, #tpu.memory_space<vmem>>
      %dma_start3A_1153 = tpu.memref_squeeze %dma_start3A_1152 : memref<1x128x32xf32, #tpu.memory_space<vmem>> -> memref<128x32xf32, #tpu.memory_space<vmem>>
      %dma_start3A_1154 = arith.constant 0 : i32
      %dma_start3A_1155 = tpu.memref_slice %arg8[%add3A_1130, %dma_start3A_1154] : memref<80x128xi32, #tpu.memory_space<vmem>> -> memref<1x128xi32, #tpu.memory_space<vmem>>
      %dma_start3A_1156 = tpu.memref_squeeze %dma_start3A_1155 : memref<1x128xi32, #tpu.memory_space<vmem>> -> memref<128xi32, #tpu.memory_space<vmem>>
      %dma_start3A_1157 = arith.constant 0 : i32
      %dma_start3A_1158 = arith.constant 0 : i32
      %dma_start3A_1159 = tpu.memref_slice %arg3[%dma_start3A_1157, %dma_start3A_1158] : memref<1000000x32xf32, #tpu.memory_space<hbm>> -> memref<1000000x32xf32, #tpu.memory_space<hbm>>
      tpu.enqueue_indirect_dma source(%dma_start3A_1159 : memref<1000000x32xf32, #tpu.memory_space<hbm>>) target(%dma_start3A_1153 : memref<128x32xf32, #tpu.memory_space<vmem>>) offsets(%dma_start3A_1156 : memref<128xi32, #tpu.memory_space<vmem>>) semaphore(%arg21 : memref<!tpu.dma_semaphore, #tpu.memory_space<semaphore_mem>>)
    }
    %dma_wait3A = arith.constant 72 : i32
    %dma_wait3A_269 = arith.constant 0 : i32
    %dma_wait3A_270 = arith.constant 0 : i32
    %dma_wait3A_271 = arith.constant 0 : i32
    %dma_wait3A_272 = tpu.memref_slice %arg9[%dma_wait3A_269, %dma_wait3A_270, %dma_wait3A_271] : memref<8x128x32xf32, #tpu.memory_space<vmem>> -> memref<1x128x32xf32, #tpu.memory_space<vmem>>
    %dma_wait3A_273 = tpu.memref_squeeze %dma_wait3A_272 : memref<1x128x32xf32, #tpu.memory_space<vmem>> -> memref<128x32xf32, #tpu.memory_space<vmem>>
    %dma_wait3A_274 = arith.constant 0 : i32
    %dma_wait3A_275 = tpu.memref_slice %arg8[%dma_wait3A, %dma_wait3A_274] : memref<80x128xi32, #tpu.memory_space<vmem>> -> memref<1x128xi32, #tpu.memory_space<vmem>>
    %dma_wait3A_276 = tpu.memref_squeeze %dma_wait3A_275 : memref<1x128xi32, #tpu.memory_space<vmem>> -> memref<128xi32, #tpu.memory_space<vmem>>
    %dma_wait3A_277 = arith.constant 0 : i32
    %dma_wait3A_278 = arith.constant 0 : i32
    %dma_wait3A_279 = tpu.memref_slice %arg3[%dma_wait3A_277, %dma_wait3A_278] : memref<1000000x32xf32, #tpu.memory_space<hbm>> -> memref<1000000x32xf32, #tpu.memory_space<hbm>>
    tpu.wait_indirect_dma semaphore(%arg14 : memref<!tpu.dma_semaphore, #tpu.memory_space<semaphore_mem>>) src(%dma_wait3A_279 : memref<1000000x32xf32, #tpu.memory_space<hbm>>) dst(%dma_wait3A_273 : memref<128x32xf32, #tpu.memory_space<vmem>>)
    %mul3A_280 = arith.constant 72 : i32
    %mul3A_281 = arith.constant 128 : i32
    %mul3A_282 = arith.muli %mul3A_280, %mul3A_281 : i32
    %add3A_283 = arith.addi %mul3A_2, %mul3A_282 : i32
    %dma_start3A_284 = arith.constant 0 : i32
    %dma_start3A_285 = arith.constant 0 : i32
    %dma_start3A_286 = arith.constant 0 : i32
    %dma_start3A_287 = tpu.memref_slice %arg9[%dma_start3A_284, %dma_start3A_285, %dma_start3A_286] : memref<8x128x32xf32, #tpu.memory_space<vmem>> -> memref<1x128x32xf32, #tpu.memory_space<vmem>>
    %dma_start3A_288 = tpu.memref_squeeze %dma_start3A_287 : memref<1x128x32xf32, #tpu.memory_space<vmem>> -> memref<128x32xf32, #tpu.memory_space<vmem>>
    %dma_start3A_289 = arith.constant 0 : i32
    %dma_start3A_290 = tpu.memref_slice %arg4[%add3A_283, %dma_start3A_289] : memref<327680x32xf32, #tpu.memory_space<hbm>> -> memref<128x32xf32, #tpu.memory_space<hbm>>
    %dma_start3A_291 = arith.constant 0 : i32
    %dma_start3A_292 = tpu.memref_slice %arg4[%add3A_283, %dma_start3A_291] : memref<327680x32xf32, #tpu.memory_space<hbm>> -> memref<128x32xf32, #tpu.memory_space<hbm>>
    %dma_start3A_293 = arith.constant 0 : i32
    %dma_start3A_294 = arith.constant 0 : i32
    %dma_start3A_295 = tpu.memref_slice %arg9[%dma_start3A_284, %dma_start3A_293, %dma_start3A_294] : memref<8x128x32xf32, #tpu.memory_space<vmem>> -> memref<1x128x32xf32, #tpu.memory_space<vmem>>
    %dma_start3A_296 = tpu.memref_squeeze %dma_start3A_295 : memref<1x128x32xf32, #tpu.memory_space<vmem>> -> memref<128x32xf32, #tpu.memory_space<vmem>>
    tpu.enqueue_dma source(%dma_start3A_296 : memref<128x32xf32, #tpu.memory_space<vmem>>) target(%dma_start3A_292 : memref<128x32xf32, #tpu.memory_space<hbm>>) target_semaphore(%arg22 : memref<!tpu.dma_semaphore, #tpu.memory_space<semaphore_mem>>)
    %dma_wait3A_297 = arith.constant 73 : i32
    %dma_wait3A_298 = arith.constant 1 : i32
    %dma_wait3A_299 = arith.constant 0 : i32
    %dma_wait3A_300 = arith.constant 0 : i32
    %dma_wait3A_301 = tpu.memref_slice %arg9[%dma_wait3A_298, %dma_wait3A_299, %dma_wait3A_300] : memref<8x128x32xf32, #tpu.memory_space<vmem>> -> memref<1x128x32xf32, #tpu.memory_space<vmem>>
    %dma_wait3A_302 = tpu.memref_squeeze %dma_wait3A_301 : memref<1x128x32xf32, #tpu.memory_space<vmem>> -> memref<128x32xf32, #tpu.memory_space<vmem>>
    %dma_wait3A_303 = arith.constant 0 : i32
    %dma_wait3A_304 = tpu.memref_slice %arg8[%dma_wait3A_297, %dma_wait3A_303] : memref<80x128xi32, #tpu.memory_space<vmem>> -> memref<1x128xi32, #tpu.memory_space<vmem>>
    %dma_wait3A_305 = tpu.memref_squeeze %dma_wait3A_304 : memref<1x128xi32, #tpu.memory_space<vmem>> -> memref<128xi32, #tpu.memory_space<vmem>>
    %dma_wait3A_306 = arith.constant 0 : i32
    %dma_wait3A_307 = arith.constant 0 : i32
    %dma_wait3A_308 = tpu.memref_slice %arg3[%dma_wait3A_306, %dma_wait3A_307] : memref<1000000x32xf32, #tpu.memory_space<hbm>> -> memref<1000000x32xf32, #tpu.memory_space<hbm>>
    tpu.wait_indirect_dma semaphore(%arg15 : memref<!tpu.dma_semaphore, #tpu.memory_space<semaphore_mem>>) src(%dma_wait3A_308 : memref<1000000x32xf32, #tpu.memory_space<hbm>>) dst(%dma_wait3A_302 : memref<128x32xf32, #tpu.memory_space<vmem>>)
    %mul3A_309 = arith.constant 73 : i32
    %mul3A_310 = arith.constant 128 : i32
    %mul3A_311 = arith.muli %mul3A_309, %mul3A_310 : i32
    %add3A_312 = arith.addi %mul3A_2, %mul3A_311 : i32
    %dma_start3A_313 = arith.constant 1 : i32
    %dma_start3A_314 = arith.constant 0 : i32
    %dma_start3A_315 = arith.constant 0 : i32
    %dma_start3A_316 = tpu.memref_slice %arg9[%dma_start3A_313, %dma_start3A_314, %dma_start3A_315] : memref<8x128x32xf32, #tpu.memory_space<vmem>> -> memref<1x128x32xf32, #tpu.memory_space<vmem>>
    %dma_start3A_317 = tpu.memref_squeeze %dma_start3A_316 : memref<1x128x32xf32, #tpu.memory_space<vmem>> -> memref<128x32xf32, #tpu.memory_space<vmem>>
    %dma_start3A_318 = arith.constant 0 : i32
    %dma_start3A_319 = tpu.memref_slice %arg4[%add3A_312, %dma_start3A_318] : memref<327680x32xf32, #tpu.memory_space<hbm>> -> memref<128x32xf32, #tpu.memory_space<hbm>>
    %dma_start3A_320 = arith.constant 0 : i32
    %dma_start3A_321 = tpu.memref_slice %arg4[%add3A_312, %dma_start3A_320] : memref<327680x32xf32, #tpu.memory_space<hbm>> -> memref<128x32xf32, #tpu.memory_space<hbm>>
    %dma_start3A_322 = arith.constant 0 : i32
    %dma_start3A_323 = arith.constant 0 : i32
    %dma_start3A_324 = tpu.memref_slice %arg9[%dma_start3A_313, %dma_start3A_322, %dma_start3A_323] : memref<8x128x32xf32, #tpu.memory_space<vmem>> -> memref<1x128x32xf32, #tpu.memory_space<vmem>>
    %dma_start3A_325 = tpu.memref_squeeze %dma_start3A_324 : memref<1x128x32xf32, #tpu.memory_space<vmem>> -> memref<128x32xf32, #tpu.memory_space<vmem>>
    tpu.enqueue_dma source(%dma_start3A_325 : memref<128x32xf32, #tpu.memory_space<vmem>>) target(%dma_start3A_321 : memref<128x32xf32, #tpu.memory_space<hbm>>) target_semaphore(%arg23 : memref<!tpu.dma_semaphore, #tpu.memory_space<semaphore_mem>>)
    %dma_wait3A_326 = arith.constant 74 : i32
    %dma_wait3A_327 = arith.constant 2 : i32
    %dma_wait3A_328 = arith.constant 0 : i32
    %dma_wait3A_329 = arith.constant 0 : i32
    %dma_wait3A_330 = tpu.memref_slice %arg9[%dma_wait3A_327, %dma_wait3A_328, %dma_wait3A_329] : memref<8x128x32xf32, #tpu.memory_space<vmem>> -> memref<1x128x32xf32, #tpu.memory_space<vmem>>
    %dma_wait3A_331 = tpu.memref_squeeze %dma_wait3A_330 : memref<1x128x32xf32, #tpu.memory_space<vmem>> -> memref<128x32xf32, #tpu.memory_space<vmem>>
    %dma_wait3A_332 = arith.constant 0 : i32
    %dma_wait3A_333 = tpu.memref_slice %arg8[%dma_wait3A_326, %dma_wait3A_332] : memref<80x128xi32, #tpu.memory_space<vmem>> -> memref<1x128xi32, #tpu.memory_space<vmem>>
    %dma_wait3A_334 = tpu.memref_squeeze %dma_wait3A_333 : memref<1x128xi32, #tpu.memory_space<vmem>> -> memref<128xi32, #tpu.memory_space<vmem>>
    %dma_wait3A_335 = arith.constant 0 : i32
    %dma_wait3A_336 = arith.constant 0 : i32
    %dma_wait3A_337 = tpu.memref_slice %arg3[%dma_wait3A_335, %dma_wait3A_336] : memref<1000000x32xf32, #tpu.memory_space<hbm>> -> memref<1000000x32xf32, #tpu.memory_space<hbm>>
    tpu.wait_indirect_dma semaphore(%arg16 : memref<!tpu.dma_semaphore, #tpu.memory_space<semaphore_mem>>) src(%dma_wait3A_337 : memref<1000000x32xf32, #tpu.memory_space<hbm>>) dst(%dma_wait3A_331 : memref<128x32xf32, #tpu.memory_space<vmem>>)
    %mul3A_338 = arith.constant 74 : i32
    %mul3A_339 = arith.constant 128 : i32
    %mul3A_340 = arith.muli %mul3A_338, %mul3A_339 : i32
    %add3A_341 = arith.addi %mul3A_2, %mul3A_340 : i32
    %dma_start3A_342 = arith.constant 2 : i32
    %dma_start3A_343 = arith.constant 0 : i32
    %dma_start3A_344 = arith.constant 0 : i32
    %dma_start3A_345 = tpu.memref_slice %arg9[%dma_start3A_342, %dma_start3A_343, %dma_start3A_344] : memref<8x128x32xf32, #tpu.memory_space<vmem>> -> memref<1x128x32xf32, #tpu.memory_space<vmem>>
    %dma_start3A_346 = tpu.memref_squeeze %dma_start3A_345 : memref<1x128x32xf32, #tpu.memory_space<vmem>> -> memref<128x32xf32, #tpu.memory_space<vmem>>
    %dma_start3A_347 = arith.constant 0 : i32
    %dma_start3A_348 = tpu.memref_slice %arg4[%add3A_341, %dma_start3A_347] : memref<327680x32xf32, #tpu.memory_space<hbm>> -> memref<128x32xf32, #tpu.memory_space<hbm>>
    %dma_start3A_349 = arith.constant 0 : i32
    %dma_start3A_350 = tpu.memref_slice %arg4[%add3A_341, %dma_start3A_349] : memref<327680x32xf32, #tpu.memory_space<hbm>> -> memref<128x32xf32, #tpu.memory_space<hbm>>
    %dma_start3A_351 = arith.constant 0 : i32
    %dma_start3A_352 = arith.constant 0 : i32
    %dma_start3A_353 = tpu.memref_slice %arg9[%dma_start3A_342, %dma_start3A_351, %dma_start3A_352] : memref<8x128x32xf32, #tpu.memory_space<vmem>> -> memref<1x128x32xf32, #tpu.memory_space<vmem>>
    %dma_start3A_354 = tpu.memref_squeeze %dma_start3A_353 : memref<1x128x32xf32, #tpu.memory_space<vmem>> -> memref<128x32xf32, #tpu.memory_space<vmem>>
    tpu.enqueue_dma source(%dma_start3A_354 : memref<128x32xf32, #tpu.memory_space<vmem>>) target(%dma_start3A_350 : memref<128x32xf32, #tpu.memory_space<hbm>>) target_semaphore(%arg24 : memref<!tpu.dma_semaphore, #tpu.memory_space<semaphore_mem>>)
    %dma_wait3A_355 = arith.constant 75 : i32
    %dma_wait3A_356 = arith.constant 3 : i32
    %dma_wait3A_357 = arith.constant 0 : i32
    %dma_wait3A_358 = arith.constant 0 : i32
    %dma_wait3A_359 = tpu.memref_slice %arg9[%dma_wait3A_356, %dma_wait3A_357, %dma_wait3A_358] : memref<8x128x32xf32, #tpu.memory_space<vmem>> -> memref<1x128x32xf32, #tpu.memory_space<vmem>>
    %dma_wait3A_360 = tpu.memref_squeeze %dma_wait3A_359 : memref<1x128x32xf32, #tpu.memory_space<vmem>> -> memref<128x32xf32, #tpu.memory_space<vmem>>
    %dma_wait3A_361 = arith.constant 0 : i32
    %dma_wait3A_362 = tpu.memref_slice %arg8[%dma_wait3A_355, %dma_wait3A_361] : memref<80x128xi32, #tpu.memory_space<vmem>> -> memref<1x128xi32, #tpu.memory_space<vmem>>
    %dma_wait3A_363 = tpu.memref_squeeze %dma_wait3A_362 : memref<1x128xi32, #tpu.memory_space<vmem>> -> memref<128xi32, #tpu.memory_space<vmem>>
    %dma_wait3A_364 = arith.constant 0 : i32
    %dma_wait3A_365 = arith.constant 0 : i32
    %dma_wait3A_366 = tpu.memref_slice %arg3[%dma_wait3A_364, %dma_wait3A_365] : memref<1000000x32xf32, #tpu.memory_space<hbm>> -> memref<1000000x32xf32, #tpu.memory_space<hbm>>
    tpu.wait_indirect_dma semaphore(%arg17 : memref<!tpu.dma_semaphore, #tpu.memory_space<semaphore_mem>>) src(%dma_wait3A_366 : memref<1000000x32xf32, #tpu.memory_space<hbm>>) dst(%dma_wait3A_360 : memref<128x32xf32, #tpu.memory_space<vmem>>)
    %mul3A_367 = arith.constant 75 : i32
    %mul3A_368 = arith.constant 128 : i32
    %mul3A_369 = arith.muli %mul3A_367, %mul3A_368 : i32
    %add3A_370 = arith.addi %mul3A_2, %mul3A_369 : i32
    %dma_start3A_371 = arith.constant 3 : i32
    %dma_start3A_372 = arith.constant 0 : i32
    %dma_start3A_373 = arith.constant 0 : i32
    %dma_start3A_374 = tpu.memref_slice %arg9[%dma_start3A_371, %dma_start3A_372, %dma_start3A_373] : memref<8x128x32xf32, #tpu.memory_space<vmem>> -> memref<1x128x32xf32, #tpu.memory_space<vmem>>
    %dma_start3A_375 = tpu.memref_squeeze %dma_start3A_374 : memref<1x128x32xf32, #tpu.memory_space<vmem>> -> memref<128x32xf32, #tpu.memory_space<vmem>>
    %dma_start3A_376 = arith.constant 0 : i32
    %dma_start3A_377 = tpu.memref_slice %arg4[%add3A_370, %dma_start3A_376] : memref<327680x32xf32, #tpu.memory_space<hbm>> -> memref<128x32xf32, #tpu.memory_space<hbm>>
    %dma_start3A_378 = arith.constant 0 : i32
    %dma_start3A_379 = tpu.memref_slice %arg4[%add3A_370, %dma_start3A_378] : memref<327680x32xf32, #tpu.memory_space<hbm>> -> memref<128x32xf32, #tpu.memory_space<hbm>>
    %dma_start3A_380 = arith.constant 0 : i32
    %dma_start3A_381 = arith.constant 0 : i32
    %dma_start3A_382 = tpu.memref_slice %arg9[%dma_start3A_371, %dma_start3A_380, %dma_start3A_381] : memref<8x128x32xf32, #tpu.memory_space<vmem>> -> memref<1x128x32xf32, #tpu.memory_space<vmem>>
    %dma_start3A_383 = tpu.memref_squeeze %dma_start3A_382 : memref<1x128x32xf32, #tpu.memory_space<vmem>> -> memref<128x32xf32, #tpu.memory_space<vmem>>
    tpu.enqueue_dma source(%dma_start3A_383 : memref<128x32xf32, #tpu.memory_space<vmem>>) target(%dma_start3A_379 : memref<128x32xf32, #tpu.memory_space<hbm>>) target_semaphore(%arg25 : memref<!tpu.dma_semaphore, #tpu.memory_space<semaphore_mem>>)
    %dma_wait3A_384 = arith.constant 76 : i32
    %dma_wait3A_385 = arith.constant 4 : i32
    %dma_wait3A_386 = arith.constant 0 : i32
    %dma_wait3A_387 = arith.constant 0 : i32
    %dma_wait3A_388 = tpu.memref_slice %arg9[%dma_wait3A_385, %dma_wait3A_386, %dma_wait3A_387] : memref<8x128x32xf32, #tpu.memory_space<vmem>> -> memref<1x128x32xf32, #tpu.memory_space<vmem>>
    %dma_wait3A_389 = tpu.memref_squeeze %dma_wait3A_388 : memref<1x128x32xf32, #tpu.memory_space<vmem>> -> memref<128x32xf32, #tpu.memory_space<vmem>>
    %dma_wait3A_390 = arith.constant 0 : i32
    %dma_wait3A_391 = tpu.memref_slice %arg8[%dma_wait3A_384, %dma_wait3A_390] : memref<80x128xi32, #tpu.memory_space<vmem>> -> memref<1x128xi32, #tpu.memory_space<vmem>>
    %dma_wait3A_392 = tpu.memref_squeeze %dma_wait3A_391 : memref<1x128xi32, #tpu.memory_space<vmem>> -> memref<128xi32, #tpu.memory_space<vmem>>
    %dma_wait3A_393 = arith.constant 0 : i32
    %dma_wait3A_394 = arith.constant 0 : i32
    %dma_wait3A_395 = tpu.memref_slice %arg3[%dma_wait3A_393, %dma_wait3A_394] : memref<1000000x32xf32, #tpu.memory_space<hbm>> -> memref<1000000x32xf32, #tpu.memory_space<hbm>>
    tpu.wait_indirect_dma semaphore(%arg18 : memref<!tpu.dma_semaphore, #tpu.memory_space<semaphore_mem>>) src(%dma_wait3A_395 : memref<1000000x32xf32, #tpu.memory_space<hbm>>) dst(%dma_wait3A_389 : memref<128x32xf32, #tpu.memory_space<vmem>>)
    %mul3A_396 = arith.constant 76 : i32
    %mul3A_397 = arith.constant 128 : i32
    %mul3A_398 = arith.muli %mul3A_396, %mul3A_397 : i32
    %add3A_399 = arith.addi %mul3A_2, %mul3A_398 : i32
    %dma_start3A_400 = arith.constant 4 : i32
    %dma_start3A_401 = arith.constant 0 : i32
    %dma_start3A_402 = arith.constant 0 : i32
    %dma_start3A_403 = tpu.memref_slice %arg9[%dma_start3A_400, %dma_start3A_401, %dma_start3A_402] : memref<8x128x32xf32, #tpu.memory_space<vmem>> -> memref<1x128x32xf32, #tpu.memory_space<vmem>>
    %dma_start3A_404 = tpu.memref_squeeze %dma_start3A_403 : memref<1x128x32xf32, #tpu.memory_space<vmem>> -> memref<128x32xf32, #tpu.memory_space<vmem>>
    %dma_start3A_405 = arith.constant 0 : i32
    %dma_start3A_406 = tpu.memref_slice %arg4[%add3A_399, %dma_start3A_405] : memref<327680x32xf32, #tpu.memory_space<hbm>> -> memref<128x32xf32, #tpu.memory_space<hbm>>
    %dma_start3A_407 = arith.constant 0 : i32
    %dma_start3A_408 = tpu.memref_slice %arg4[%add3A_399, %dma_start3A_407] : memref<327680x32xf32, #tpu.memory_space<hbm>> -> memref<128x32xf32, #tpu.memory_space<hbm>>
    %dma_start3A_409 = arith.constant 0 : i32
    %dma_start3A_410 = arith.constant 0 : i32
    %dma_start3A_411 = tpu.memref_slice %arg9[%dma_start3A_400, %dma_start3A_409, %dma_start3A_410] : memref<8x128x32xf32, #tpu.memory_space<vmem>> -> memref<1x128x32xf32, #tpu.memory_space<vmem>>
    %dma_start3A_412 = tpu.memref_squeeze %dma_start3A_411 : memref<1x128x32xf32, #tpu.memory_space<vmem>> -> memref<128x32xf32, #tpu.memory_space<vmem>>
    tpu.enqueue_dma source(%dma_start3A_412 : memref<128x32xf32, #tpu.memory_space<vmem>>) target(%dma_start3A_408 : memref<128x32xf32, #tpu.memory_space<hbm>>) target_semaphore(%arg26 : memref<!tpu.dma_semaphore, #tpu.memory_space<semaphore_mem>>)
    %dma_wait3A_413 = arith.constant 77 : i32
    %dma_wait3A_414 = arith.constant 5 : i32
    %dma_wait3A_415 = arith.constant 0 : i32
    %dma_wait3A_416 = arith.constant 0 : i32
    %dma_wait3A_417 = tpu.memref_slice %arg9[%dma_wait3A_414, %dma_wait3A_415, %dma_wait3A_416] : memref<8x128x32xf32, #tpu.memory_space<vmem>> -> memref<1x128x32xf32, #tpu.memory_space<vmem>>
    %dma_wait3A_418 = tpu.memref_squeeze %dma_wait3A_417 : memref<1x128x32xf32, #tpu.memory_space<vmem>> -> memref<128x32xf32, #tpu.memory_space<vmem>>
    %dma_wait3A_419 = arith.constant 0 : i32
    %dma_wait3A_420 = tpu.memref_slice %arg8[%dma_wait3A_413, %dma_wait3A_419] : memref<80x128xi32, #tpu.memory_space<vmem>> -> memref<1x128xi32, #tpu.memory_space<vmem>>
    %dma_wait3A_421 = tpu.memref_squeeze %dma_wait3A_420 : memref<1x128xi32, #tpu.memory_space<vmem>> -> memref<128xi32, #tpu.memory_space<vmem>>
    %dma_wait3A_422 = arith.constant 0 : i32
    %dma_wait3A_423 = arith.constant 0 : i32
    %dma_wait3A_424 = tpu.memref_slice %arg3[%dma_wait3A_422, %dma_wait3A_423] : memref<1000000x32xf32, #tpu.memory_space<hbm>> -> memref<1000000x32xf32, #tpu.memory_space<hbm>>
    tpu.wait_indirect_dma semaphore(%arg19 : memref<!tpu.dma_semaphore, #tpu.memory_space<semaphore_mem>>) src(%dma_wait3A_424 : memref<1000000x32xf32, #tpu.memory_space<hbm>>) dst(%dma_wait3A_418 : memref<128x32xf32, #tpu.memory_space<vmem>>)
    %mul3A_425 = arith.constant 77 : i32
    %mul3A_426 = arith.constant 128 : i32
    %mul3A_427 = arith.muli %mul3A_425, %mul3A_426 : i32
    %add3A_428 = arith.addi %mul3A_2, %mul3A_427 : i32
    %dma_start3A_429 = arith.constant 5 : i32
    %dma_start3A_430 = arith.constant 0 : i32
    %dma_start3A_431 = arith.constant 0 : i32
    %dma_start3A_432 = tpu.memref_slice %arg9[%dma_start3A_429, %dma_start3A_430, %dma_start3A_431] : memref<8x128x32xf32, #tpu.memory_space<vmem>> -> memref<1x128x32xf32, #tpu.memory_space<vmem>>
    %dma_start3A_433 = tpu.memref_squeeze %dma_start3A_432 : memref<1x128x32xf32, #tpu.memory_space<vmem>> -> memref<128x32xf32, #tpu.memory_space<vmem>>
    %dma_start3A_434 = arith.constant 0 : i32
    %dma_start3A_435 = tpu.memref_slice %arg4[%add3A_428, %dma_start3A_434] : memref<327680x32xf32, #tpu.memory_space<hbm>> -> memref<128x32xf32, #tpu.memory_space<hbm>>
    %dma_start3A_436 = arith.constant 0 : i32
    %dma_start3A_437 = tpu.memref_slice %arg4[%add3A_428, %dma_start3A_436] : memref<327680x32xf32, #tpu.memory_space<hbm>> -> memref<128x32xf32, #tpu.memory_space<hbm>>
    %dma_start3A_438 = arith.constant 0 : i32
    %dma_start3A_439 = arith.constant 0 : i32
    %dma_start3A_440 = tpu.memref_slice %arg9[%dma_start3A_429, %dma_start3A_438, %dma_start3A_439] : memref<8x128x32xf32, #tpu.memory_space<vmem>> -> memref<1x128x32xf32, #tpu.memory_space<vmem>>
    %dma_start3A_441 = tpu.memref_squeeze %dma_start3A_440 : memref<1x128x32xf32, #tpu.memory_space<vmem>> -> memref<128x32xf32, #tpu.memory_space<vmem>>
    tpu.enqueue_dma source(%dma_start3A_441 : memref<128x32xf32, #tpu.memory_space<vmem>>) target(%dma_start3A_437 : memref<128x32xf32, #tpu.memory_space<hbm>>) target_semaphore(%arg27 : memref<!tpu.dma_semaphore, #tpu.memory_space<semaphore_mem>>)
    %dma_wait3A_442 = arith.constant 78 : i32
    %dma_wait3A_443 = arith.constant 6 : i32
    %dma_wait3A_444 = arith.constant 0 : i32
    %dma_wait3A_445 = arith.constant 0 : i32
    %dma_wait3A_446 = tpu.memref_slice %arg9[%dma_wait3A_443, %dma_wait3A_444, %dma_wait3A_445] : memref<8x128x32xf32, #tpu.memory_space<vmem>> -> memref<1x128x32xf32, #tpu.memory_space<vmem>>
    %dma_wait3A_447 = tpu.memref_squeeze %dma_wait3A_446 : memref<1x128x32xf32, #tpu.memory_space<vmem>> -> memref<128x32xf32, #tpu.memory_space<vmem>>
    %dma_wait3A_448 = arith.constant 0 : i32
    %dma_wait3A_449 = tpu.memref_slice %arg8[%dma_wait3A_442, %dma_wait3A_448] : memref<80x128xi32, #tpu.memory_space<vmem>> -> memref<1x128xi32, #tpu.memory_space<vmem>>
    %dma_wait3A_450 = tpu.memref_squeeze %dma_wait3A_449 : memref<1x128xi32, #tpu.memory_space<vmem>> -> memref<128xi32, #tpu.memory_space<vmem>>
    %dma_wait3A_451 = arith.constant 0 : i32
    %dma_wait3A_452 = arith.constant 0 : i32
    %dma_wait3A_453 = tpu.memref_slice %arg3[%dma_wait3A_451, %dma_wait3A_452] : memref<1000000x32xf32, #tpu.memory_space<hbm>> -> memref<1000000x32xf32, #tpu.memory_space<hbm>>
    tpu.wait_indirect_dma semaphore(%arg20 : memref<!tpu.dma_semaphore, #tpu.memory_space<semaphore_mem>>) src(%dma_wait3A_453 : memref<1000000x32xf32, #tpu.memory_space<hbm>>) dst(%dma_wait3A_447 : memref<128x32xf32, #tpu.memory_space<vmem>>)
    %mul3A_454 = arith.constant 78 : i32
    %mul3A_455 = arith.constant 128 : i32
    %mul3A_456 = arith.muli %mul3A_454, %mul3A_455 : i32
    %add3A_457 = arith.addi %mul3A_2, %mul3A_456 : i32
    %dma_start3A_458 = arith.constant 6 : i32
    %dma_start3A_459 = arith.constant 0 : i32
    %dma_start3A_460 = arith.constant 0 : i32
    %dma_start3A_461 = tpu.memref_slice %arg9[%dma_start3A_458, %dma_start3A_459, %dma_start3A_460] : memref<8x128x32xf32, #tpu.memory_space<vmem>> -> memref<1x128x32xf32, #tpu.memory_space<vmem>>
    %dma_start3A_462 = tpu.memref_squeeze %dma_start3A_461 : memref<1x128x32xf32, #tpu.memory_space<vmem>> -> memref<128x32xf32, #tpu.memory_space<vmem>>
    %dma_start3A_463 = arith.constant 0 : i32
    %dma_start3A_464 = tpu.memref_slice %arg4[%add3A_457, %dma_start3A_463] : memref<327680x32xf32, #tpu.memory_space<hbm>> -> memref<128x32xf32, #tpu.memory_space<hbm>>
    %dma_start3A_465 = arith.constant 0 : i32
    %dma_start3A_466 = tpu.memref_slice %arg4[%add3A_457, %dma_start3A_465] : memref<327680x32xf32, #tpu.memory_space<hbm>> -> memref<128x32xf32, #tpu.memory_space<hbm>>
    %dma_start3A_467 = arith.constant 0 : i32
    %dma_start3A_468 = arith.constant 0 : i32
    %dma_start3A_469 = tpu.memref_slice %arg9[%dma_start3A_458, %dma_start3A_467, %dma_start3A_468] : memref<8x128x32xf32, #tpu.memory_space<vmem>> -> memref<1x128x32xf32, #tpu.memory_space<vmem>>
    %dma_start3A_470 = tpu.memref_squeeze %dma_start3A_469 : memref<1x128x32xf32, #tpu.memory_space<vmem>> -> memref<128x32xf32, #tpu.memory_space<vmem>>
    tpu.enqueue_dma source(%dma_start3A_470 : memref<128x32xf32, #tpu.memory_space<vmem>>) target(%dma_start3A_466 : memref<128x32xf32, #tpu.memory_space<hbm>>) target_semaphore(%arg28 : memref<!tpu.dma_semaphore, #tpu.memory_space<semaphore_mem>>)
    %dma_wait3A_471 = arith.constant 79 : i32
    %dma_wait3A_472 = arith.constant 7 : i32
    %dma_wait3A_473 = arith.constant 0 : i32
    %dma_wait3A_474 = arith.constant 0 : i32
    %dma_wait3A_475 = tpu.memref_slice %arg9[%dma_wait3A_472, %dma_wait3A_473, %dma_wait3A_474] : memref<8x128x32xf32, #tpu.memory_space<vmem>> -> memref<1x128x32xf32, #tpu.memory_space<vmem>>
    %dma_wait3A_476 = tpu.memref_squeeze %dma_wait3A_475 : memref<1x128x32xf32, #tpu.memory_space<vmem>> -> memref<128x32xf32, #tpu.memory_space<vmem>>
    %dma_wait3A_477 = arith.constant 0 : i32
    %dma_wait3A_478 = tpu.memref_slice %arg8[%dma_wait3A_471, %dma_wait3A_477] : memref<80x128xi32, #tpu.memory_space<vmem>> -> memref<1x128xi32, #tpu.memory_space<vmem>>
    %dma_wait3A_479 = tpu.memref_squeeze %dma_wait3A_478 : memref<1x128xi32, #tpu.memory_space<vmem>> -> memref<128xi32, #tpu.memory_space<vmem>>
    %dma_wait3A_480 = arith.constant 0 : i32
    %dma_wait3A_481 = arith.constant 0 : i32
    %dma_wait3A_482 = tpu.memref_slice %arg3[%dma_wait3A_480, %dma_wait3A_481] : memref<1000000x32xf32, #tpu.memory_space<hbm>> -> memref<1000000x32xf32, #tpu.memory_space<hbm>>
    tpu.wait_indirect_dma semaphore(%arg21 : memref<!tpu.dma_semaphore, #tpu.memory_space<semaphore_mem>>) src(%dma_wait3A_482 : memref<1000000x32xf32, #tpu.memory_space<hbm>>) dst(%dma_wait3A_476 : memref<128x32xf32, #tpu.memory_space<vmem>>)
    %mul3A_483 = arith.constant 79 : i32
    %mul3A_484 = arith.constant 128 : i32
    %mul3A_485 = arith.muli %mul3A_483, %mul3A_484 : i32
    %add3A_486 = arith.addi %mul3A_2, %mul3A_485 : i32
    %dma_start3A_487 = arith.constant 7 : i32
    %dma_start3A_488 = arith.constant 0 : i32
    %dma_start3A_489 = arith.constant 0 : i32
    %dma_start3A_490 = tpu.memref_slice %arg9[%dma_start3A_487, %dma_start3A_488, %dma_start3A_489] : memref<8x128x32xf32, #tpu.memory_space<vmem>> -> memref<1x128x32xf32, #tpu.memory_space<vmem>>
    %dma_start3A_491 = tpu.memref_squeeze %dma_start3A_490 : memref<1x128x32xf32, #tpu.memory_space<vmem>> -> memref<128x32xf32, #tpu.memory_space<vmem>>
    %dma_start3A_492 = arith.constant 0 : i32
    %dma_start3A_493 = tpu.memref_slice %arg4[%add3A_486, %dma_start3A_492] : memref<327680x32xf32, #tpu.memory_space<hbm>> -> memref<128x32xf32, #tpu.memory_space<hbm>>
    %dma_start3A_494 = arith.constant 0 : i32
    %dma_start3A_495 = tpu.memref_slice %arg4[%add3A_486, %dma_start3A_494] : memref<327680x32xf32, #tpu.memory_space<hbm>> -> memref<128x32xf32, #tpu.memory_space<hbm>>
    %dma_start3A_496 = arith.constant 0 : i32
    %dma_start3A_497 = arith.constant 0 : i32
    %dma_start3A_498 = tpu.memref_slice %arg9[%dma_start3A_487, %dma_start3A_496, %dma_start3A_497] : memref<8x128x32xf32, #tpu.memory_space<vmem>> -> memref<1x128x32xf32, #tpu.memory_space<vmem>>
    %dma_start3A_499 = tpu.memref_squeeze %dma_start3A_498 : memref<1x128x32xf32, #tpu.memory_space<vmem>> -> memref<128x32xf32, #tpu.memory_space<vmem>>
    tpu.enqueue_dma source(%dma_start3A_499 : memref<128x32xf32, #tpu.memory_space<vmem>>) target(%dma_start3A_495 : memref<128x32xf32, #tpu.memory_space<hbm>>) target_semaphore(%arg29 : memref<!tpu.dma_semaphore, #tpu.memory_space<semaphore_mem>>)
    %mul3A_500 = arith.constant 72 : i32
    %mul3A_501 = arith.constant 128 : i32
    %mul3A_502 = arith.muli %mul3A_500, %mul3A_501 : i32
    %add3A_503 = arith.addi %mul3A_2, %mul3A_502 : i32
    %dma_wait3A_504 = arith.constant 0 : i32
    %dma_wait3A_505 = arith.constant 0 : i32
    %dma_wait3A_506 = arith.constant 0 : i32
    %dma_wait3A_507 = tpu.memref_slice %arg9[%dma_wait3A_504, %dma_wait3A_505, %dma_wait3A_506] : memref<8x128x32xf32, #tpu.memory_space<vmem>> -> memref<1x128x32xf32, #tpu.memory_space<vmem>>
    %dma_wait3A_508 = tpu.memref_squeeze %dma_wait3A_507 : memref<1x128x32xf32, #tpu.memory_space<vmem>> -> memref<128x32xf32, #tpu.memory_space<vmem>>
    %dma_wait3A_509 = arith.constant 0 : i32
    %dma_wait3A_510 = tpu.memref_slice %arg4[%add3A_503, %dma_wait3A_509] : memref<327680x32xf32, #tpu.memory_space<hbm>> -> memref<128x32xf32, #tpu.memory_space<hbm>>
    %dma_wait3A_511 = arith.constant 0 : i32
    %dma_wait3A_512 = tpu.memref_slice %arg4[%add3A_503, %dma_wait3A_511] : memref<327680x32xf32, #tpu.memory_space<hbm>> -> memref<128x32xf32, #tpu.memory_space<hbm>>
    %dma_wait3A_513 = arith.constant 0 : i32
    %dma_wait3A_514 = arith.constant 0 : i32
    %dma_wait3A_515 = tpu.memref_slice %arg9[%dma_wait3A_504, %dma_wait3A_513, %dma_wait3A_514] : memref<8x128x32xf32, #tpu.memory_space<vmem>> -> memref<1x128x32xf32, #tpu.memory_space<vmem>>
    %dma_wait3A_516 = tpu.memref_squeeze %dma_wait3A_515 : memref<1x128x32xf32, #tpu.memory_space<vmem>> -> memref<128x32xf32, #tpu.memory_space<vmem>>
    tpu.wait_dma2 semaphore(%arg22 : memref<!tpu.dma_semaphore, #tpu.memory_space<semaphore_mem>>) src(%dma_wait3A_516 : memref<128x32xf32, #tpu.memory_space<vmem>>) dst(%dma_wait3A_512 : memref<128x32xf32, #tpu.memory_space<hbm>>)
    %mul3A_517 = arith.constant 73 : i32
    %mul3A_518 = arith.constant 128 : i32
    %mul3A_519 = arith.muli %mul3A_517, %mul3A_518 : i32
    %add3A_520 = arith.addi %mul3A_2, %mul3A_519 : i32
    %dma_wait3A_521 = arith.constant 1 : i32
    %dma_wait3A_522 = arith.constant 0 : i32
    %dma_wait3A_523 = arith.constant 0 : i32
    %dma_wait3A_524 = tpu.memref_slice %arg9[%dma_wait3A_521, %dma_wait3A_522, %dma_wait3A_523] : memref<8x128x32xf32, #tpu.memory_space<vmem>> -> memref<1x128x32xf32, #tpu.memory_space<vmem>>
    %dma_wait3A_525 = tpu.memref_squeeze %dma_wait3A_524 : memref<1x128x32xf32, #tpu.memory_space<vmem>> -> memref<128x32xf32, #tpu.memory_space<vmem>>
    %dma_wait3A_526 = arith.constant 0 : i32
    %dma_wait3A_527 = tpu.memref_slice %arg4[%add3A_520, %dma_wait3A_526] : memref<327680x32xf32, #tpu.memory_space<hbm>> -> memref<128x32xf32, #tpu.memory_space<hbm>>
    %dma_wait3A_528 = arith.constant 0 : i32
    %dma_wait3A_529 = tpu.memref_slice %arg4[%add3A_520, %dma_wait3A_528] : memref<327680x32xf32, #tpu.memory_space<hbm>> -> memref<128x32xf32, #tpu.memory_space<hbm>>
    %dma_wait3A_530 = arith.constant 0 : i32
    %dma_wait3A_531 = arith.constant 0 : i32
    %dma_wait3A_532 = tpu.memref_slice %arg9[%dma_wait3A_521, %dma_wait3A_530, %dma_wait3A_531] : memref<8x128x32xf32, #tpu.memory_space<vmem>> -> memref<1x128x32xf32, #tpu.memory_space<vmem>>
    %dma_wait3A_533 = tpu.memref_squeeze %dma_wait3A_532 : memref<1x128x32xf32, #tpu.memory_space<vmem>> -> memref<128x32xf32, #tpu.memory_space<vmem>>
    tpu.wait_dma2 semaphore(%arg23 : memref<!tpu.dma_semaphore, #tpu.memory_space<semaphore_mem>>) src(%dma_wait3A_533 : memref<128x32xf32, #tpu.memory_space<vmem>>) dst(%dma_wait3A_529 : memref<128x32xf32, #tpu.memory_space<hbm>>)
    %mul3A_534 = arith.constant 74 : i32
    %mul3A_535 = arith.constant 128 : i32
    %mul3A_536 = arith.muli %mul3A_534, %mul3A_535 : i32
    %add3A_537 = arith.addi %mul3A_2, %mul3A_536 : i32
    %dma_wait3A_538 = arith.constant 2 : i32
    %dma_wait3A_539 = arith.constant 0 : i32
    %dma_wait3A_540 = arith.constant 0 : i32
    %dma_wait3A_541 = tpu.memref_slice %arg9[%dma_wait3A_538, %dma_wait3A_539, %dma_wait3A_540] : memref<8x128x32xf32, #tpu.memory_space<vmem>> -> memref<1x128x32xf32, #tpu.memory_space<vmem>>
    %dma_wait3A_542 = tpu.memref_squeeze %dma_wait3A_541 : memref<1x128x32xf32, #tpu.memory_space<vmem>> -> memref<128x32xf32, #tpu.memory_space<vmem>>
    %dma_wait3A_543 = arith.constant 0 : i32
    %dma_wait3A_544 = tpu.memref_slice %arg4[%add3A_537, %dma_wait3A_543] : memref<327680x32xf32, #tpu.memory_space<hbm>> -> memref<128x32xf32, #tpu.memory_space<hbm>>
    %dma_wait3A_545 = arith.constant 0 : i32
    %dma_wait3A_546 = tpu.memref_slice %arg4[%add3A_537, %dma_wait3A_545] : memref<327680x32xf32, #tpu.memory_space<hbm>> -> memref<128x32xf32, #tpu.memory_space<hbm>>
    %dma_wait3A_547 = arith.constant 0 : i32
    %dma_wait3A_548 = arith.constant 0 : i32
    %dma_wait3A_549 = tpu.memref_slice %arg9[%dma_wait3A_538, %dma_wait3A_547, %dma_wait3A_548] : memref<8x128x32xf32, #tpu.memory_space<vmem>> -> memref<1x128x32xf32, #tpu.memory_space<vmem>>
    %dma_wait3A_550 = tpu.memref_squeeze %dma_wait3A_549 : memref<1x128x32xf32, #tpu.memory_space<vmem>> -> memref<128x32xf32, #tpu.memory_space<vmem>>
    tpu.wait_dma2 semaphore(%arg24 : memref<!tpu.dma_semaphore, #tpu.memory_space<semaphore_mem>>) src(%dma_wait3A_550 : memref<128x32xf32, #tpu.memory_space<vmem>>) dst(%dma_wait3A_546 : memref<128x32xf32, #tpu.memory_space<hbm>>)
    %mul3A_551 = arith.constant 75 : i32
    %mul3A_552 = arith.constant 128 : i32
    %mul3A_553 = arith.muli %mul3A_551, %mul3A_552 : i32
    %add3A_554 = arith.addi %mul3A_2, %mul3A_553 : i32
    %dma_wait3A_555 = arith.constant 3 : i32
    %dma_wait3A_556 = arith.constant 0 : i32
    %dma_wait3A_557 = arith.constant 0 : i32
    %dma_wait3A_558 = tpu.memref_slice %arg9[%dma_wait3A_555, %dma_wait3A_556, %dma_wait3A_557] : memref<8x128x32xf32, #tpu.memory_space<vmem>> -> memref<1x128x32xf32, #tpu.memory_space<vmem>>
    %dma_wait3A_559 = tpu.memref_squeeze %dma_wait3A_558 : memref<1x128x32xf32, #tpu.memory_space<vmem>> -> memref<128x32xf32, #tpu.memory_space<vmem>>
    %dma_wait3A_560 = arith.constant 0 : i32
    %dma_wait3A_561 = tpu.memref_slice %arg4[%add3A_554, %dma_wait3A_560] : memref<327680x32xf32, #tpu.memory_space<hbm>> -> memref<128x32xf32, #tpu.memory_space<hbm>>
    %dma_wait3A_562 = arith.constant 0 : i32
    %dma_wait3A_563 = tpu.memref_slice %arg4[%add3A_554, %dma_wait3A_562] : memref<327680x32xf32, #tpu.memory_space<hbm>> -> memref<128x32xf32, #tpu.memory_space<hbm>>
    %dma_wait3A_564 = arith.constant 0 : i32
    %dma_wait3A_565 = arith.constant 0 : i32
    %dma_wait3A_566 = tpu.memref_slice %arg9[%dma_wait3A_555, %dma_wait3A_564, %dma_wait3A_565] : memref<8x128x32xf32, #tpu.memory_space<vmem>> -> memref<1x128x32xf32, #tpu.memory_space<vmem>>
    %dma_wait3A_567 = tpu.memref_squeeze %dma_wait3A_566 : memref<1x128x32xf32, #tpu.memory_space<vmem>> -> memref<128x32xf32, #tpu.memory_space<vmem>>
    tpu.wait_dma2 semaphore(%arg25 : memref<!tpu.dma_semaphore, #tpu.memory_space<semaphore_mem>>) src(%dma_wait3A_567 : memref<128x32xf32, #tpu.memory_space<vmem>>) dst(%dma_wait3A_563 : memref<128x32xf32, #tpu.memory_space<hbm>>)
    %mul3A_568 = arith.constant 76 : i32
    %mul3A_569 = arith.constant 128 : i32
    %mul3A_570 = arith.muli %mul3A_568, %mul3A_569 : i32
    %add3A_571 = arith.addi %mul3A_2, %mul3A_570 : i32
    %dma_wait3A_572 = arith.constant 4 : i32
    %dma_wait3A_573 = arith.constant 0 : i32
    %dma_wait3A_574 = arith.constant 0 : i32
    %dma_wait3A_575 = tpu.memref_slice %arg9[%dma_wait3A_572, %dma_wait3A_573, %dma_wait3A_574] : memref<8x128x32xf32, #tpu.memory_space<vmem>> -> memref<1x128x32xf32, #tpu.memory_space<vmem>>
    %dma_wait3A_576 = tpu.memref_squeeze %dma_wait3A_575 : memref<1x128x32xf32, #tpu.memory_space<vmem>> -> memref<128x32xf32, #tpu.memory_space<vmem>>
    %dma_wait3A_577 = arith.constant 0 : i32
    %dma_wait3A_578 = tpu.memref_slice %arg4[%add3A_571, %dma_wait3A_577] : memref<327680x32xf32, #tpu.memory_space<hbm>> -> memref<128x32xf32, #tpu.memory_space<hbm>>
    %dma_wait3A_579 = arith.constant 0 : i32
    %dma_wait3A_580 = tpu.memref_slice %arg4[%add3A_571, %dma_wait3A_579] : memref<327680x32xf32, #tpu.memory_space<hbm>> -> memref<128x32xf32, #tpu.memory_space<hbm>>
    %dma_wait3A_581 = arith.constant 0 : i32
    %dma_wait3A_582 = arith.constant 0 : i32
    %dma_wait3A_583 = tpu.memref_slice %arg9[%dma_wait3A_572, %dma_wait3A_581, %dma_wait3A_582] : memref<8x128x32xf32, #tpu.memory_space<vmem>> -> memref<1x128x32xf32, #tpu.memory_space<vmem>>
    %dma_wait3A_584 = tpu.memref_squeeze %dma_wait3A_583 : memref<1x128x32xf32, #tpu.memory_space<vmem>> -> memref<128x32xf32, #tpu.memory_space<vmem>>
    tpu.wait_dma2 semaphore(%arg26 : memref<!tpu.dma_semaphore, #tpu.memory_space<semaphore_mem>>) src(%dma_wait3A_584 : memref<128x32xf32, #tpu.memory_space<vmem>>) dst(%dma_wait3A_580 : memref<128x32xf32, #tpu.memory_space<hbm>>)
    %mul3A_585 = arith.constant 77 : i32
    %mul3A_586 = arith.constant 128 : i32
    %mul3A_587 = arith.muli %mul3A_585, %mul3A_586 : i32
    %add3A_588 = arith.addi %mul3A_2, %mul3A_587 : i32
    %dma_wait3A_589 = arith.constant 5 : i32
    %dma_wait3A_590 = arith.constant 0 : i32
    %dma_wait3A_591 = arith.constant 0 : i32
    %dma_wait3A_592 = tpu.memref_slice %arg9[%dma_wait3A_589, %dma_wait3A_590, %dma_wait3A_591] : memref<8x128x32xf32, #tpu.memory_space<vmem>> -> memref<1x128x32xf32, #tpu.memory_space<vmem>>
    %dma_wait3A_593 = tpu.memref_squeeze %dma_wait3A_592 : memref<1x128x32xf32, #tpu.memory_space<vmem>> -> memref<128x32xf32, #tpu.memory_space<vmem>>
    %dma_wait3A_594 = arith.constant 0 : i32
    %dma_wait3A_595 = tpu.memref_slice %arg4[%add3A_588, %dma_wait3A_594] : memref<327680x32xf32, #tpu.memory_space<hbm>> -> memref<128x32xf32, #tpu.memory_space<hbm>>
    %dma_wait3A_596 = arith.constant 0 : i32
    %dma_wait3A_597 = tpu.memref_slice %arg4[%add3A_588, %dma_wait3A_596] : memref<327680x32xf32, #tpu.memory_space<hbm>> -> memref<128x32xf32, #tpu.memory_space<hbm>>
    %dma_wait3A_598 = arith.constant 0 : i32
    %dma_wait3A_599 = arith.constant 0 : i32
    %dma_wait3A_600 = tpu.memref_slice %arg9[%dma_wait3A_589, %dma_wait3A_598, %dma_wait3A_599] : memref<8x128x32xf32, #tpu.memory_space<vmem>> -> memref<1x128x32xf32, #tpu.memory_space<vmem>>
    %dma_wait3A_601 = tpu.memref_squeeze %dma_wait3A_600 : memref<1x128x32xf32, #tpu.memory_space<vmem>> -> memref<128x32xf32, #tpu.memory_space<vmem>>
    tpu.wait_dma2 semaphore(%arg27 : memref<!tpu.dma_semaphore, #tpu.memory_space<semaphore_mem>>) src(%dma_wait3A_601 : memref<128x32xf32, #tpu.memory_space<vmem>>) dst(%dma_wait3A_597 : memref<128x32xf32, #tpu.memory_space<hbm>>)
    %mul3A_602 = arith.constant 78 : i32
    %mul3A_603 = arith.constant 128 : i32
    %mul3A_604 = arith.muli %mul3A_602, %mul3A_603 : i32
    %add3A_605 = arith.addi %mul3A_2, %mul3A_604 : i32
    %dma_wait3A_606 = arith.constant 6 : i32
    %dma_wait3A_607 = arith.constant 0 : i32
    %dma_wait3A_608 = arith.constant 0 : i32
    %dma_wait3A_609 = tpu.memref_slice %arg9[%dma_wait3A_606, %dma_wait3A_607, %dma_wait3A_608] : memref<8x128x32xf32, #tpu.memory_space<vmem>> -> memref<1x128x32xf32, #tpu.memory_space<vmem>>
    %dma_wait3A_610 = tpu.memref_squeeze %dma_wait3A_609 : memref<1x128x32xf32, #tpu.memory_space<vmem>> -> memref<128x32xf32, #tpu.memory_space<vmem>>
    %dma_wait3A_611 = arith.constant 0 : i32
    %dma_wait3A_612 = tpu.memref_slice %arg4[%add3A_605, %dma_wait3A_611] : memref<327680x32xf32, #tpu.memory_space<hbm>> -> memref<128x32xf32, #tpu.memory_space<hbm>>
    %dma_wait3A_613 = arith.constant 0 : i32
    %dma_wait3A_614 = tpu.memref_slice %arg4[%add3A_605, %dma_wait3A_613] : memref<327680x32xf32, #tpu.memory_space<hbm>> -> memref<128x32xf32, #tpu.memory_space<hbm>>
    %dma_wait3A_615 = arith.constant 0 : i32
    %dma_wait3A_616 = arith.constant 0 : i32
    %dma_wait3A_617 = tpu.memref_slice %arg9[%dma_wait3A_606, %dma_wait3A_615, %dma_wait3A_616] : memref<8x128x32xf32, #tpu.memory_space<vmem>> -> memref<1x128x32xf32, #tpu.memory_space<vmem>>
    %dma_wait3A_618 = tpu.memref_squeeze %dma_wait3A_617 : memref<1x128x32xf32, #tpu.memory_space<vmem>> -> memref<128x32xf32, #tpu.memory_space<vmem>>
    tpu.wait_dma2 semaphore(%arg28 : memref<!tpu.dma_semaphore, #tpu.memory_space<semaphore_mem>>) src(%dma_wait3A_618 : memref<128x32xf32, #tpu.memory_space<vmem>>) dst(%dma_wait3A_614 : memref<128x32xf32, #tpu.memory_space<hbm>>)
    %mul3A_619 = arith.constant 79 : i32
    %mul3A_620 = arith.constant 128 : i32
    %mul3A_621 = arith.muli %mul3A_619, %mul3A_620 : i32
    %add3A_622 = arith.addi %mul3A_2, %mul3A_621 : i32
    %dma_wait3A_623 = arith.constant 7 : i32
    %dma_wait3A_624 = arith.constant 0 : i32
    %dma_wait3A_625 = arith.constant 0 : i32
    %dma_wait3A_626 = tpu.memref_slice %arg9[%dma_wait3A_623, %dma_wait3A_624, %dma_wait3A_625] : memref<8x128x32xf32, #tpu.memory_space<vmem>> -> memref<1x128x32xf32, #tpu.memory_space<vmem>>
    %dma_wait3A_627 = tpu.memref_squeeze %dma_wait3A_626 : memref<1x128x32xf32, #tpu.memory_space<vmem>> -> memref<128x32xf32, #tpu.memory_space<vmem>>
    %dma_wait3A_628 = arith.constant 0 : i32
    %dma_wait3A_629 = tpu.memref_slice %arg4[%add3A_622, %dma_wait3A_628] : memref<327680x32xf32, #tpu.memory_space<hbm>> -> memref<128x32xf32, #tpu.memory_space<hbm>>
    %dma_wait3A_630 = arith.constant 0 : i32
    %dma_wait3A_631 = tpu.memref_slice %arg4[%add3A_622, %dma_wait3A_630] : memref<327680x32xf32, #tpu.memory_space<hbm>> -> memref<128x32xf32, #tpu.memory_space<hbm>>
    %dma_wait3A_632 = arith.constant 0 : i32
    %dma_wait3A_633 = arith.constant 0 : i32
    %dma_wait3A_634 = tpu.memref_slice %arg9[%dma_wait3A_623, %dma_wait3A_632, %dma_wait3A_633] : memref<8x128x32xf32, #tpu.memory_space<vmem>> -> memref<1x128x32xf32, #tpu.memory_space<vmem>>
    %dma_wait3A_635 = tpu.memref_squeeze %dma_wait3A_634 : memref<1x128x32xf32, #tpu.memory_space<vmem>> -> memref<128x32xf32, #tpu.memory_space<vmem>>
    tpu.wait_dma2 semaphore(%arg29 : memref<!tpu.dma_semaphore, #tpu.memory_space<semaphore_mem>>) src(%dma_wait3A_635 : memref<128x32xf32, #tpu.memory_space<vmem>>) dst(%dma_wait3A_631 : memref<128x32xf32, #tpu.memory_space<hbm>>)
    %sub3A_636 = arith.constant 80 : i32
    %sub3A_637 = arith.constant 0 : i32
    %sub3A_638 = arith.subi %sub3A_636, %sub3A_637 : i32
    %sub3A_639 = arith.constant 1 : i32
    %sub3A_640 = arith.constant 1 : i32
    %sub3A_641 = arith.subi %sub3A_639, %sub3A_640 : i32
    %add3A_642 = arith.addi %sub3A_638, %sub3A_641 : i32
    %div3A_643 = arith.constant 1 : i32
    %div3A_644 = arith.divsi %add3A_642, %div3A_643 : i32
    %while3A_645 = arith.constant 1 : i32
    %while3A_646 = arith.constant 0 : i32
    %while3A_647 = arith.constant 0 : i32
    %while3A_648 = arith.subi %div3A_644, %while3A_647 : i32
    %while3A_649 = arith.addi %while3A_647, %while3A_648 : i32
    %while3A_650 = arith.constant 1 : i32
    %while3A_651 = arith.divsi %while3A_648, %while3A_650 : i32
    %while3A_652 = arith.muli %while3A_651, %while3A_650 : i32
    %while3A_653 = arith.addi %while3A_647, %while3A_652 : i32
    %while3A_654 = arith.constant 1 : i32
    scf.for %while3A_661 = %while3A_647 to %while3A_653 step %while3A_654  : i32 {
      %mul3A_662 = arith.muli %while3A_661, %while3A_645 : i32
      %add3A_663 = arith.addi %while3A_646, %mul3A_662 : i32
      %dma_wait3A_664 = arith.constant 0 : i32
      %dma_wait3A_665 = tpu.memref_slice %arg8[%add3A_663, %dma_wait3A_664] : memref<80x128xi32, #tpu.memory_space<vmem>> -> memref<1x128xi32, #tpu.memory_space<vmem>>
      %dma_wait3A_666 = tpu.memref_squeeze %dma_wait3A_665 : memref<1x128xi32, #tpu.memory_space<vmem>> -> memref<128xi32, #tpu.memory_space<vmem>>
      %dma_wait3A_667 = arith.constant 0 : i32
      %dma_wait3A_668 = tpu.memref_slice %arg12[%dma_wait3A_667] : memref<1048576xi32, #tpu.memory_space<vmem_shared>> -> memref<1048576xi32, #tpu.memory_space<vmem_shared>>
      tpu.wait_indirect_dma semaphore(%arg13 : memref<!tpu.dma_semaphore, #tpu.memory_space<semaphore_mem>>) src(%arg11 : memref<128xi32, #tpu.memory_space<vmem>>) dst(%dma_wait3A_668 : memref<1048576xi32, #tpu.memory_space<vmem_shared>>)
    }
    %while3A_655 = arith.constant 1 : i32
    scf.for %while3A_661 = %while3A_653 to %while3A_649 step %while3A_655  : i32 {
      %mul3A_662 = arith.muli %while3A_661, %while3A_645 : i32
      %add3A_663 = arith.addi %while3A_646, %mul3A_662 : i32
      %dma_wait3A_664 = arith.constant 0 : i32
      %dma_wait3A_665 = tpu.memref_slice %arg8[%add3A_663, %dma_wait3A_664] : memref<80x128xi32, #tpu.memory_space<vmem>> -> memref<1x128xi32, #tpu.memory_space<vmem>>
      %dma_wait3A_666 = tpu.memref_squeeze %dma_wait3A_665 : memref<1x128xi32, #tpu.memory_space<vmem>> -> memref<128xi32, #tpu.memory_space<vmem>>
      %dma_wait3A_667 = arith.constant 0 : i32
      %dma_wait3A_668 = tpu.memref_slice %arg12[%dma_wait3A_667] : memref<1048576xi32, #tpu.memory_space<vmem_shared>> -> memref<1048576xi32, #tpu.memory_space<vmem_shared>>
      tpu.wait_indirect_dma semaphore(%arg13 : memref<!tpu.dma_semaphore, #tpu.memory_space<semaphore_mem>>) src(%arg11 : memref<128xi32, #tpu.memory_space<vmem>>) dst(%dma_wait3A_668 : memref<1048576xi32, #tpu.memory_space<vmem_shared>>)
    }
    %barrier3A_656 = arith.constant 0 : index
    tpu.barrier barrier_id(%barrier3A_656)
    %mul3A_657 = arith.constant 65536 : i32
    %mul3A_658 = arith.muli %arg1, %mul3A_657 : i32
    %mul3A_659 = arith.constant 65536 : i32
    %mul3A_660 = arith.muli %arg1, %mul3A_659 : i32
    "tpu.region"() ({
      %run_scoped3A = tpu.sem_alloc : memref<!tpu.dma_semaphore, #tpu.memory_space<semaphore_mem>>
      %dma_start3A_661 = arith.constant 0 : i32
      %dma_start3A_662 = tpu.memref_slice %arg6[%arg0, %dma_start3A_661] : memref<2x1048576xi32, #tpu.memory_space<hbm>> -> memref<1x1048576xi32, #tpu.memory_space<hbm>>
      %dma_start3A_663 = tpu.memref_squeeze %dma_start3A_662 : memref<1x1048576xi32, #tpu.memory_space<hbm>> -> memref<1048576xi32, #tpu.memory_space<hbm>>
      %dma_start3A_664 = tpu.memref_slice %dma_start3A_663[%mul3A_660] : memref<1048576xi32, #tpu.memory_space<hbm>> -> memref<65536xi32, #tpu.memory_space<hbm>>
      %dma_start3A_665 = tpu.memref_slice %arg12[%mul3A_658] : memref<1048576xi32, #tpu.memory_space<vmem_shared>> -> memref<65536xi32, #tpu.memory_space<vmem_shared>>
      tpu.enqueue_dma source(%dma_start3A_665 : memref<65536xi32, #tpu.memory_space<vmem_shared>>) target(%dma_start3A_664 : memref<65536xi32, #tpu.memory_space<hbm>>) target_semaphore(%run_scoped3A : memref<!tpu.dma_semaphore, #tpu.memory_space<semaphore_mem>>)
      %dma_wait3A_666 = arith.constant 0 : i32
      %dma_wait3A_667 = tpu.memref_slice %arg6[%arg0, %dma_wait3A_666] : memref<2x1048576xi32, #tpu.memory_space<hbm>> -> memref<1x1048576xi32, #tpu.memory_space<hbm>>
      %dma_wait3A_668 = tpu.memref_squeeze %dma_wait3A_667 : memref<1x1048576xi32, #tpu.memory_space<hbm>> -> memref<1048576xi32, #tpu.memory_space<hbm>>
      %dma_wait3A_669 = tpu.memref_slice %dma_wait3A_668[%mul3A_660] : memref<1048576xi32, #tpu.memory_space<hbm>> -> memref<65536xi32, #tpu.memory_space<hbm>>
      %dma_wait3A_670 = tpu.memref_slice %arg12[%mul3A_658] : memref<1048576xi32, #tpu.memory_space<vmem_shared>> -> memref<65536xi32, #tpu.memory_space<vmem_shared>>
      tpu.wait_dma2 semaphore(%run_scoped3A : memref<!tpu.dma_semaphore, #tpu.memory_space<semaphore_mem>>) src(%dma_wait3A_670 : memref<65536xi32, #tpu.memory_space<vmem_shared>>) dst(%dma_wait3A_669 : memref<65536xi32, #tpu.memory_space<hbm>>)
      tpu.yield
    }) : () -> ()
    return
  }
}

#map = affine_map<(d0, d1) -> (0, 0)>
#map1 = affine_map<(d0, d1) -> (0)>
module attributes {stable_mosaic.version = 14 : i64} {
  func.func @_sc_meta_body(%arg0: i32, %arg1: i32, %arg2: memref<2x1048576xi32, #tpu.memory_space<hbm>>, %arg3: memref<1000000xi32, #tpu.memory_space<hbm>>, %arg4: memref<1000000xi32, #tpu.memory_space<hbm>>, %arg5: memref<1000000xi32, #tpu.memory_space<hbm>>, %arg6: memref<1000000xi32, #tpu.memory_space<hbm>>, %arg7: memref<4000xi32, #tpu.memory_space<vmem>>, %arg8: memref<4000xi32, #tpu.memory_space<vmem>>, %arg9: memref<4000xi32, #tpu.memory_space<vmem>>, %arg10: memref<4000xi32, #tpu.memory_space<vmem>>, %arg11: memref<4000xi32, #tpu.memory_space<vmem>>, %arg12: memref<4000xi32, #tpu.memory_space<vmem>>) attributes {dimension_semantics = [#tpu.dimension_semantics<core_parallel>, #tpu.dimension_semantics<subcore_parallel>], iteration_bounds = array<i64: 2, 16>, scalar_prefetch = 0 : i64, scratch_operands = 6 : i64, tpu.core_type = #tpu.core_type<sc_vector_subcore>, window_params = [{transform_indices = #map}, {transform_indices = #map1}, {transform_indices = #map1}, {transform_indices = #map1}, {transform_indices = #map1}]} {
    %mul3A = arith.constant 2 : i32
    %mul3A_0 = arith.muli %arg1, %mul3A : i32
    %add3A = arith.addi %mul3A_0, %arg0 : i32
    %lt3A = arith.constant 25 : i32
    %lt3A_1 = arith.cmpi slt, %add3A, %lt3A : i32
    %convert_element_type3A = arith.extui %lt3A_1 : i1 to i32
    %cond3A = arith.constant 0 : i32
    %cond3A_2 = arith.cmpi ne, %convert_element_type3A, %cond3A : i32
    scf.if %cond3A_2 {
      %sub3A = arith.constant 10 : i32
      %sub3A_3 = arith.constant 0 : i32
      %sub3A_4 = arith.subi %sub3A, %sub3A_3 : i32
      %sub3A_5 = arith.constant 1 : i32
      %sub3A_6 = arith.constant 1 : i32
      %sub3A_7 = arith.subi %sub3A_5, %sub3A_6 : i32
      %add3A_8 = arith.addi %sub3A_4, %sub3A_7 : i32
      %div3A = arith.constant 1 : i32
      %div3A_9 = arith.divsi %add3A_8, %div3A : i32
      %while3A = arith.constant 1 : i32
      %while3A_10 = arith.constant 0 : i32
      %while3A_11 = arith.constant 0 : i32
      %while3A_12 = arith.subi %div3A_9, %while3A_11 : i32
      %while3A_13 = arith.addi %while3A_11, %while3A_12 : i32
      %while3A_14 = arith.constant 1 : i32
      %while3A_15 = arith.divsi %while3A_12, %while3A_14 : i32
      %while3A_16 = arith.muli %while3A_15, %while3A_14 : i32
      %while3A_17 = arith.addi %while3A_11, %while3A_16 : i32
      %while3A_18 = arith.constant 1 : i32
      scf.for %while3A_20 = %while3A_11 to %while3A_17 step %while3A_18  : i32 {
        %mul3A_21 = arith.muli %while3A_20, %while3A : i32
        %add3A_22 = arith.addi %while3A_10, %mul3A_21 : i32
        %mul3A_23 = arith.constant 40000 : i32
        %mul3A_24 = arith.muli %add3A, %mul3A_23 : i32
        %mul3A_25 = arith.constant 4000 : i32
        %mul3A_26 = arith.muli %add3A_22, %mul3A_25 : i32
        %add3A_27 = arith.addi %mul3A_24, %mul3A_26 : i32
        %run_scoped3A = arith.constant 0 : i32
        "tpu.region"() ({
          %run_scoped3A_49 = tpu.sem_alloc : memref<!tpu.dma_semaphore, #tpu.memory_space<semaphore_mem>>
          %dma_start3A = arith.constant 0 : i32
          %dma_start3A_50 = tpu.memref_slice %arg2[%run_scoped3A, %dma_start3A] : memref<2x1048576xi32, #tpu.memory_space<hbm>> -> memref<1x1048576xi32, #tpu.memory_space<hbm>>
          %dma_start3A_51 = tpu.memref_squeeze %dma_start3A_50 : memref<1x1048576xi32, #tpu.memory_space<hbm>> -> memref<1048576xi32, #tpu.memory_space<hbm>>
          %dma_start3A_52 = tpu.memref_slice %dma_start3A_51[%add3A_27] : memref<1048576xi32, #tpu.memory_space<hbm>> -> memref<4000xi32, #tpu.memory_space<hbm>>
          %dma_start3A_53 = arith.constant 0 : i32
          %dma_start3A_54 = tpu.memref_slice %arg2[%run_scoped3A, %dma_start3A_53] : memref<2x1048576xi32, #tpu.memory_space<hbm>> -> memref<1x1048576xi32, #tpu.memory_space<hbm>>
          %dma_start3A_55 = tpu.memref_squeeze %dma_start3A_54 : memref<1x1048576xi32, #tpu.memory_space<hbm>> -> memref<1048576xi32, #tpu.memory_space<hbm>>
          %dma_start3A_56 = tpu.memref_slice %dma_start3A_55[%add3A_27] : memref<1048576xi32, #tpu.memory_space<hbm>> -> memref<4000xi32, #tpu.memory_space<hbm>>
          tpu.enqueue_dma source(%dma_start3A_56 : memref<4000xi32, #tpu.memory_space<hbm>>) target(%arg7 : memref<4000xi32, #tpu.memory_space<vmem>>) target_semaphore(%run_scoped3A_49 : memref<!tpu.dma_semaphore, #tpu.memory_space<semaphore_mem>>)
          %dma_wait3A = arith.constant 0 : i32
          %dma_wait3A_57 = tpu.memref_slice %arg2[%run_scoped3A, %dma_wait3A] : memref<2x1048576xi32, #tpu.memory_space<hbm>> -> memref<1x1048576xi32, #tpu.memory_space<hbm>>
          %dma_wait3A_58 = tpu.memref_squeeze %dma_wait3A_57 : memref<1x1048576xi32, #tpu.memory_space<hbm>> -> memref<1048576xi32, #tpu.memory_space<hbm>>
          %dma_wait3A_59 = tpu.memref_slice %dma_wait3A_58[%add3A_27] : memref<1048576xi32, #tpu.memory_space<hbm>> -> memref<4000xi32, #tpu.memory_space<hbm>>
          %dma_wait3A_60 = arith.constant 0 : i32
          %dma_wait3A_61 = tpu.memref_slice %arg2[%run_scoped3A, %dma_wait3A_60] : memref<2x1048576xi32, #tpu.memory_space<hbm>> -> memref<1x1048576xi32, #tpu.memory_space<hbm>>
          %dma_wait3A_62 = tpu.memref_squeeze %dma_wait3A_61 : memref<1x1048576xi32, #tpu.memory_space<hbm>> -> memref<1048576xi32, #tpu.memory_space<hbm>>
          %dma_wait3A_63 = tpu.memref_slice %dma_wait3A_62[%add3A_27] : memref<1048576xi32, #tpu.memory_space<hbm>> -> memref<4000xi32, #tpu.memory_space<hbm>>
          tpu.wait_dma2 semaphore(%run_scoped3A_49 : memref<!tpu.dma_semaphore, #tpu.memory_space<semaphore_mem>>) src(%dma_wait3A_63 : memref<4000xi32, #tpu.memory_space<hbm>>) dst(%arg7 : memref<4000xi32, #tpu.memory_space<vmem>>)
          tpu.yield
        }) : () -> ()
        %run_scoped3A_28 = arith.constant 1 : i32
        "tpu.region"() ({
          %run_scoped3A_49 = tpu.sem_alloc : memref<!tpu.dma_semaphore, #tpu.memory_space<semaphore_mem>>
          %dma_start3A = arith.constant 0 : i32
          %dma_start3A_50 = tpu.memref_slice %arg2[%run_scoped3A_28, %dma_start3A] : memref<2x1048576xi32, #tpu.memory_space<hbm>> -> memref<1x1048576xi32, #tpu.memory_space<hbm>>
          %dma_start3A_51 = tpu.memref_squeeze %dma_start3A_50 : memref<1x1048576xi32, #tpu.memory_space<hbm>> -> memref<1048576xi32, #tpu.memory_space<hbm>>
          %dma_start3A_52 = tpu.memref_slice %dma_start3A_51[%add3A_27] : memref<1048576xi32, #tpu.memory_space<hbm>> -> memref<4000xi32, #tpu.memory_space<hbm>>
          %dma_start3A_53 = arith.constant 0 : i32
          %dma_start3A_54 = tpu.memref_slice %arg2[%run_scoped3A_28, %dma_start3A_53] : memref<2x1048576xi32, #tpu.memory_space<hbm>> -> memref<1x1048576xi32, #tpu.memory_space<hbm>>
          %dma_start3A_55 = tpu.memref_squeeze %dma_start3A_54 : memref<1x1048576xi32, #tpu.memory_space<hbm>> -> memref<1048576xi32, #tpu.memory_space<hbm>>
          %dma_start3A_56 = tpu.memref_slice %dma_start3A_55[%add3A_27] : memref<1048576xi32, #tpu.memory_space<hbm>> -> memref<4000xi32, #tpu.memory_space<hbm>>
          tpu.enqueue_dma source(%dma_start3A_56 : memref<4000xi32, #tpu.memory_space<hbm>>) target(%arg8 : memref<4000xi32, #tpu.memory_space<vmem>>) target_semaphore(%run_scoped3A_49 : memref<!tpu.dma_semaphore, #tpu.memory_space<semaphore_mem>>)
          %dma_wait3A = arith.constant 0 : i32
          %dma_wait3A_57 = tpu.memref_slice %arg2[%run_scoped3A_28, %dma_wait3A] : memref<2x1048576xi32, #tpu.memory_space<hbm>> -> memref<1x1048576xi32, #tpu.memory_space<hbm>>
          %dma_wait3A_58 = tpu.memref_squeeze %dma_wait3A_57 : memref<1x1048576xi32, #tpu.memory_space<hbm>> -> memref<1048576xi32, #tpu.memory_space<hbm>>
          %dma_wait3A_59 = tpu.memref_slice %dma_wait3A_58[%add3A_27] : memref<1048576xi32, #tpu.memory_space<hbm>> -> memref<4000xi32, #tpu.memory_space<hbm>>
          %dma_wait3A_60 = arith.constant 0 : i32
          %dma_wait3A_61 = tpu.memref_slice %arg2[%run_scoped3A_28, %dma_wait3A_60] : memref<2x1048576xi32, #tpu.memory_space<hbm>> -> memref<1x1048576xi32, #tpu.memory_space<hbm>>
          %dma_wait3A_62 = tpu.memref_squeeze %dma_wait3A_61 : memref<1x1048576xi32, #tpu.memory_space<hbm>> -> memref<1048576xi32, #tpu.memory_space<hbm>>
          %dma_wait3A_63 = tpu.memref_slice %dma_wait3A_62[%add3A_27] : memref<1048576xi32, #tpu.memory_space<hbm>> -> memref<4000xi32, #tpu.memory_space<hbm>>
          tpu.wait_dma2 semaphore(%run_scoped3A_49 : memref<!tpu.dma_semaphore, #tpu.memory_space<semaphore_mem>>) src(%dma_wait3A_63 : memref<4000xi32, #tpu.memory_space<hbm>>) dst(%arg8 : memref<4000xi32, #tpu.memory_space<vmem>>)
          tpu.yield
        }) : () -> ()
        "tpu.region"() ({
          %run_scoped3A_49 = tpu.sem_alloc : memref<!tpu.dma_semaphore, #tpu.memory_space<semaphore_mem>>
          %dma_start3A = tpu.memref_slice %arg3[%add3A_27] : memref<1000000xi32, #tpu.memory_space<hbm>> -> memref<4000xi32, #tpu.memory_space<hbm>>
          %dma_start3A_50 = tpu.memref_slice %arg3[%add3A_27] : memref<1000000xi32, #tpu.memory_space<hbm>> -> memref<4000xi32, #tpu.memory_space<hbm>>
          tpu.enqueue_dma source(%dma_start3A_50 : memref<4000xi32, #tpu.memory_space<hbm>>) target(%arg9 : memref<4000xi32, #tpu.memory_space<vmem>>) target_semaphore(%run_scoped3A_49 : memref<!tpu.dma_semaphore, #tpu.memory_space<semaphore_mem>>)
          %dma_wait3A = tpu.memref_slice %arg3[%add3A_27] : memref<1000000xi32, #tpu.memory_space<hbm>> -> memref<4000xi32, #tpu.memory_space<hbm>>
          %dma_wait3A_51 = tpu.memref_slice %arg3[%add3A_27] : memref<1000000xi32, #tpu.memory_space<hbm>> -> memref<4000xi32, #tpu.memory_space<hbm>>
          tpu.wait_dma2 semaphore(%run_scoped3A_49 : memref<!tpu.dma_semaphore, #tpu.memory_space<semaphore_mem>>) src(%dma_wait3A_51 : memref<4000xi32, #tpu.memory_space<hbm>>) dst(%arg9 : memref<4000xi32, #tpu.memory_space<vmem>>)
          tpu.yield
        }) : () -> ()
        "tpu.region"() ({
          %run_scoped3A_49 = tpu.sem_alloc : memref<!tpu.dma_semaphore, #tpu.memory_space<semaphore_mem>>
          %dma_start3A = tpu.memref_slice %arg4[%add3A_27] : memref<1000000xi32, #tpu.memory_space<hbm>> -> memref<4000xi32, #tpu.memory_space<hbm>>
          %dma_start3A_50 = tpu.memref_slice %arg4[%add3A_27] : memref<1000000xi32, #tpu.memory_space<hbm>> -> memref<4000xi32, #tpu.memory_space<hbm>>
          tpu.enqueue_dma source(%dma_start3A_50 : memref<4000xi32, #tpu.memory_space<hbm>>) target(%arg10 : memref<4000xi32, #tpu.memory_space<vmem>>) target_semaphore(%run_scoped3A_49 : memref<!tpu.dma_semaphore, #tpu.memory_space<semaphore_mem>>)
          %dma_wait3A = tpu.memref_slice %arg4[%add3A_27] : memref<1000000xi32, #tpu.memory_space<hbm>> -> memref<4000xi32, #tpu.memory_space<hbm>>
          %dma_wait3A_51 = tpu.memref_slice %arg4[%add3A_27] : memref<1000000xi32, #tpu.memory_space<hbm>> -> memref<4000xi32, #tpu.memory_space<hbm>>
          tpu.wait_dma2 semaphore(%run_scoped3A_49 : memref<!tpu.dma_semaphore, #tpu.memory_space<semaphore_mem>>) src(%dma_wait3A_51 : memref<4000xi32, #tpu.memory_space<hbm>>) dst(%arg10 : memref<4000xi32, #tpu.memory_space<vmem>>)
          tpu.yield
        }) : () -> ()
        %sub3A_29 = arith.constant 250 : i32
        %sub3A_30 = arith.constant 0 : i32
        %sub3A_31 = arith.subi %sub3A_29, %sub3A_30 : i32
        %sub3A_32 = arith.constant 1 : i32
        %sub3A_33 = arith.constant 1 : i32
        %sub3A_34 = arith.subi %sub3A_32, %sub3A_33 : i32
        %add3A_35 = arith.addi %sub3A_31, %sub3A_34 : i32
        %div3A_36 = arith.constant 1 : i32
        %div3A_37 = arith.divsi %add3A_35, %div3A_36 : i32
        %while3A_38 = arith.constant 1 : i32
        %while3A_39 = arith.constant 0 : i32
        %while3A_40 = arith.constant 0 : i32
        %while3A_41 = arith.subi %div3A_37, %while3A_40 : i32
        %while3A_42 = arith.addi %while3A_40, %while3A_41 : i32
        %while3A_43 = arith.constant 1 : i32
        %while3A_44 = arith.divsi %while3A_41, %while3A_43 : i32
        %while3A_45 = arith.muli %while3A_44, %while3A_43 : i32
        %while3A_46 = arith.addi %while3A_40, %while3A_45 : i32
        %while3A_47 = arith.constant 1 : i32
        scf.for %while3A_49 = %while3A_40 to %while3A_46 step %while3A_47  : i32 {
          %mul3A_50 = arith.muli %while3A_49, %while3A_38 : i32
          %add3A_51 = arith.addi %while3A_39, %mul3A_50 : i32
          %mul3A_52 = arith.constant 16 : i32
          %mul3A_53 = arith.muli %add3A_51, %mul3A_52 : i32
          %get3A = arith.index_cast %mul3A_53 : i32 to index
          %get3A_54 = tpu.vector_load %arg7[%get3A] {strides = array<i32>} : memref<4000xi32, #tpu.memory_space<vmem>>, vector<16xi32>,
          %mul3A_55 = arith.constant 16 : i32
          %mul3A_56 = arith.muli %add3A_51, %mul3A_55 : i32
          %get3A_57 = arith.index_cast %mul3A_56 : i32 to index
          %get3A_58 = tpu.vector_load %arg8[%get3A_57] {strides = array<i32>} : memref<4000xi32, #tpu.memory_space<vmem>>, vector<16xi32>,
          %add3A_59 = arith.addi %get3A_54, %get3A_58 : vector<16xi32>
          %ne3A = arith.constant 0 : i32
          %ne3A_60 = vector.broadcast %ne3A : i32 to vector<16xi32>
          %ne3A_61 = arith.cmpi ne, %add3A_59, %ne3A_60 : vector<16xi32>
          %broadcast_in_dim3A = arith.constant 1 : i32
          %broadcast_in_dim3A_62 = vector.broadcast %broadcast_in_dim3A : i32 to vector<16xi32>
          %broadcast_in_dim3A_63 = arith.constant 0 : i32
          %broadcast_in_dim3A_64 = vector.broadcast %broadcast_in_dim3A_63 : i32 to vector<16xi32>
          %mul3A_65 = arith.constant 16 : i32
          %mul3A_66 = arith.muli %add3A_51, %mul3A_65 : i32
          %get3A_67 = arith.index_cast %mul3A_66 : i32 to index
          %get3A_68 = tpu.vector_load %arg9[%get3A_67] {strides = array<i32>} : memref<4000xi32, #tpu.memory_space<vmem>>, vector<16xi32>,
          %select_n3A = arith.select %ne3A_61, %broadcast_in_dim3A_62, %get3A_68 : vector<16xi1>, vector<16xi32>
          %mul3A_69 = arith.constant 16 : i32
          %mul3A_70 = arith.muli %add3A_51, %mul3A_69 : i32
          %swap3A = arith.index_cast %mul3A_70 : i32 to index
          %swap3A_71 = tpu.vector_load %arg11[%swap3A] {strides = array<i32>} : memref<4000xi32, #tpu.memory_space<vmem>>, vector<16xi32>,
          tpu.vector_store %arg11[%swap3A], %select_n3A {strides = array<i32>} : memref<4000xi32, #tpu.memory_space<vmem>>, vector<16xi32>,
          %mul3A_72 = arith.constant 16 : i32
          %mul3A_73 = arith.muli %add3A_51, %mul3A_72 : i32
          %get3A_74 = arith.index_cast %mul3A_73 : i32 to index
          %get3A_75 = tpu.vector_load %arg10[%get3A_74] {strides = array<i32>} : memref<4000xi32, #tpu.memory_space<vmem>>, vector<16xi32>,
          %select_n3A_76 = arith.select %ne3A_61, %broadcast_in_dim3A_64, %get3A_75 : vector<16xi1>, vector<16xi32>
          %mul3A_77 = arith.constant 16 : i32
          %mul3A_78 = arith.muli %add3A_51, %mul3A_77 : i32
          %swap3A_79 = arith.index_cast %mul3A_78 : i32 to index
          %swap3A_80 = tpu.vector_load %arg12[%swap3A_79] {strides = array<i32>} : memref<4000xi32, #tpu.memory_space<vmem>>, vector<16xi32>,
          tpu.vector_store %arg12[%swap3A_79], %select_n3A_76 {strides = array<i32>} : memref<4000xi32, #tpu.memory_space<vmem>>, vector<16xi32>,
        }
        %while3A_48 = arith.constant 1 : i32
        scf.for %while3A_49 = %while3A_46 to %while3A_42 step %while3A_48  : i32 {
          %mul3A_50 = arith.muli %while3A_49, %while3A_38 : i32
          %add3A_51 = arith.addi %while3A_39, %mul3A_50 : i32
          %mul3A_52 = arith.constant 16 : i32
          %mul3A_53 = arith.muli %add3A_51, %mul3A_52 : i32
          %get3A = arith.index_cast %mul3A_53 : i32 to index
          %get3A_54 = tpu.vector_load %arg7[%get3A] {strides = array<i32>} : memref<4000xi32, #tpu.memory_space<vmem>>, vector<16xi32>,
          %mul3A_55 = arith.constant 16 : i32
          %mul3A_56 = arith.muli %add3A_51, %mul3A_55 : i32
          %get3A_57 = arith.index_cast %mul3A_56 : i32 to index
          %get3A_58 = tpu.vector_load %arg8[%get3A_57] {strides = array<i32>} : memref<4000xi32, #tpu.memory_space<vmem>>, vector<16xi32>,
          %add3A_59 = arith.addi %get3A_54, %get3A_58 : vector<16xi32>
          %ne3A = arith.constant 0 : i32
          %ne3A_60 = vector.broadcast %ne3A : i32 to vector<16xi32>
          %ne3A_61 = arith.cmpi ne, %add3A_59, %ne3A_60 : vector<16xi32>
          %broadcast_in_dim3A = arith.constant 1 : i32
          %broadcast_in_dim3A_62 = vector.broadcast %broadcast_in_dim3A : i32 to vector<16xi32>
          %broadcast_in_dim3A_63 = arith.constant 0 : i32
          %broadcast_in_dim3A_64 = vector.broadcast %broadcast_in_dim3A_63 : i32 to vector<16xi32>
          %mul3A_65 = arith.constant 16 : i32
          %mul3A_66 = arith.muli %add3A_51, %mul3A_65 : i32
          %get3A_67 = arith.index_cast %mul3A_66 : i32 to index
          %get3A_68 = tpu.vector_load %arg9[%get3A_67] {strides = array<i32>} : memref<4000xi32, #tpu.memory_space<vmem>>, vector<16xi32>,
          %select_n3A = arith.select %ne3A_61, %broadcast_in_dim3A_62, %get3A_68 : vector<16xi1>, vector<16xi32>
          %mul3A_69 = arith.constant 16 : i32
          %mul3A_70 = arith.muli %add3A_51, %mul3A_69 : i32
          %swap3A = arith.index_cast %mul3A_70 : i32 to index
          %swap3A_71 = tpu.vector_load %arg11[%swap3A] {strides = array<i32>} : memref<4000xi32, #tpu.memory_space<vmem>>, vector<16xi32>,
          tpu.vector_store %arg11[%swap3A], %select_n3A {strides = array<i32>} : memref<4000xi32, #tpu.memory_space<vmem>>, vector<16xi32>,
          %mul3A_72 = arith.constant 16 : i32
          %mul3A_73 = arith.muli %add3A_51, %mul3A_72 : i32
          %get3A_74 = arith.index_cast %mul3A_73 : i32 to index
          %get3A_75 = tpu.vector_load %arg10[%get3A_74] {strides = array<i32>} : memref<4000xi32, #tpu.memory_space<vmem>>, vector<16xi32>,
          %select_n3A_76 = arith.select %ne3A_61, %broadcast_in_dim3A_64, %get3A_75 : vector<16xi1>, vector<16xi32>
          %mul3A_77 = arith.constant 16 : i32
          %mul3A_78 = arith.muli %add3A_51, %mul3A_77 : i32
          %swap3A_79 = arith.index_cast %mul3A_78 : i32 to index
          %swap3A_80 = tpu.vector_load %arg12[%swap3A_79] {strides = array<i32>} : memref<4000xi32, #tpu.memory_space<vmem>>, vector<16xi32>,
          tpu.vector_store %arg12[%swap3A_79], %select_n3A_76 {strides = array<i32>} : memref<4000xi32, #tpu.memory_space<vmem>>, vector<16xi32>,
        }
        "tpu.region"() ({
          %run_scoped3A_49 = tpu.sem_alloc : memref<!tpu.dma_semaphore, #tpu.memory_space<semaphore_mem>>
          %dma_start3A = tpu.memref_slice %arg5[%add3A_27] : memref<1000000xi32, #tpu.memory_space<hbm>> -> memref<4000xi32, #tpu.memory_space<hbm>>
          %dma_start3A_50 = tpu.memref_slice %arg5[%add3A_27] : memref<1000000xi32, #tpu.memory_space<hbm>> -> memref<4000xi32, #tpu.memory_space<hbm>>
          tpu.enqueue_dma source(%arg11 : memref<4000xi32, #tpu.memory_space<vmem>>) target(%dma_start3A_50 : memref<4000xi32, #tpu.memory_space<hbm>>) target_semaphore(%run_scoped3A_49 : memref<!tpu.dma_semaphore, #tpu.memory_space<semaphore_mem>>)
          %dma_wait3A = tpu.memref_slice %arg5[%add3A_27] : memref<1000000xi32, #tpu.memory_space<hbm>> -> memref<4000xi32, #tpu.memory_space<hbm>>
          %dma_wait3A_51 = tpu.memref_slice %arg5[%add3A_27] : memref<1000000xi32, #tpu.memory_space<hbm>> -> memref<4000xi32, #tpu.memory_space<hbm>>
          tpu.wait_dma2 semaphore(%run_scoped3A_49 : memref<!tpu.dma_semaphore, #tpu.memory_space<semaphore_mem>>) src(%arg11 : memref<4000xi32, #tpu.memory_space<vmem>>) dst(%dma_wait3A_51 : memref<4000xi32, #tpu.memory_space<hbm>>)
          tpu.yield
        }) : () -> ()
        "tpu.region"() ({
          %run_scoped3A_49 = tpu.sem_alloc : memref<!tpu.dma_semaphore, #tpu.memory_space<semaphore_mem>>
          %dma_start3A = tpu.memref_slice %arg6[%add3A_27] : memref<1000000xi32, #tpu.memory_space<hbm>> -> memref<4000xi32, #tpu.memory_space<hbm>>
          %dma_start3A_50 = tpu.memref_slice %arg6[%add3A_27] : memref<1000000xi32, #tpu.memory_space<hbm>> -> memref<4000xi32, #tpu.memory_space<hbm>>
          tpu.enqueue_dma source(%arg12 : memref<4000xi32, #tpu.memory_space<vmem>>) target(%dma_start3A_50 : memref<4000xi32, #tpu.memory_space<hbm>>) target_semaphore(%run_scoped3A_49 : memref<!tpu.dma_semaphore, #tpu.memory_space<semaphore_mem>>)
          %dma_wait3A = tpu.memref_slice %arg6[%add3A_27] : memref<1000000xi32, #tpu.memory_space<hbm>> -> memref<4000xi32, #tpu.memory_space<hbm>>
          %dma_wait3A_51 = tpu.memref_slice %arg6[%add3A_27] : memref<1000000xi32, #tpu.memory_space<hbm>> -> memref<4000xi32, #tpu.memory_space<hbm>>
          tpu.wait_dma2 semaphore(%run_scoped3A_49 : memref<!tpu.dma_semaphore, #tpu.memory_space<semaphore_mem>>) src(%arg12 : memref<4000xi32, #tpu.memory_space<vmem>>) dst(%dma_wait3A_51 : memref<4000xi32, #tpu.memory_space<hbm>>)
          tpu.yield
        }) : () -> ()
      }
      %while3A_19 = arith.constant 1 : i32
      scf.for %while3A_20 = %while3A_17 to %while3A_13 step %while3A_19  : i32 {
        %mul3A_21 = arith.muli %while3A_20, %while3A : i32
        %add3A_22 = arith.addi %while3A_10, %mul3A_21 : i32
        %mul3A_23 = arith.constant 40000 : i32
        %mul3A_24 = arith.muli %add3A, %mul3A_23 : i32
        %mul3A_25 = arith.constant 4000 : i32
        %mul3A_26 = arith.muli %add3A_22, %mul3A_25 : i32
        %add3A_27 = arith.addi %mul3A_24, %mul3A_26 : i32
        %run_scoped3A = arith.constant 0 : i32
        "tpu.region"() ({
          %run_scoped3A_49 = tpu.sem_alloc : memref<!tpu.dma_semaphore, #tpu.memory_space<semaphore_mem>>
          %dma_start3A = arith.constant 0 : i32
          %dma_start3A_50 = tpu.memref_slice %arg2[%run_scoped3A, %dma_start3A] : memref<2x1048576xi32, #tpu.memory_space<hbm>> -> memref<1x1048576xi32, #tpu.memory_space<hbm>>
          %dma_start3A_51 = tpu.memref_squeeze %dma_start3A_50 : memref<1x1048576xi32, #tpu.memory_space<hbm>> -> memref<1048576xi32, #tpu.memory_space<hbm>>
          %dma_start3A_52 = tpu.memref_slice %dma_start3A_51[%add3A_27] : memref<1048576xi32, #tpu.memory_space<hbm>> -> memref<4000xi32, #tpu.memory_space<hbm>>
          %dma_start3A_53 = arith.constant 0 : i32
          %dma_start3A_54 = tpu.memref_slice %arg2[%run_scoped3A, %dma_start3A_53] : memref<2x1048576xi32, #tpu.memory_space<hbm>> -> memref<1x1048576xi32, #tpu.memory_space<hbm>>
          %dma_start3A_55 = tpu.memref_squeeze %dma_start3A_54 : memref<1x1048576xi32, #tpu.memory_space<hbm>> -> memref<1048576xi32, #tpu.memory_space<hbm>>
          %dma_start3A_56 = tpu.memref_slice %dma_start3A_55[%add3A_27] : memref<1048576xi32, #tpu.memory_space<hbm>> -> memref<4000xi32, #tpu.memory_space<hbm>>
          tpu.enqueue_dma source(%dma_start3A_56 : memref<4000xi32, #tpu.memory_space<hbm>>) target(%arg7 : memref<4000xi32, #tpu.memory_space<vmem>>) target_semaphore(%run_scoped3A_49 : memref<!tpu.dma_semaphore, #tpu.memory_space<semaphore_mem>>)
          %dma_wait3A = arith.constant 0 : i32
          %dma_wait3A_57 = tpu.memref_slice %arg2[%run_scoped3A, %dma_wait3A] : memref<2x1048576xi32, #tpu.memory_space<hbm>> -> memref<1x1048576xi32, #tpu.memory_space<hbm>>
          %dma_wait3A_58 = tpu.memref_squeeze %dma_wait3A_57 : memref<1x1048576xi32, #tpu.memory_space<hbm>> -> memref<1048576xi32, #tpu.memory_space<hbm>>
          %dma_wait3A_59 = tpu.memref_slice %dma_wait3A_58[%add3A_27] : memref<1048576xi32, #tpu.memory_space<hbm>> -> memref<4000xi32, #tpu.memory_space<hbm>>
          %dma_wait3A_60 = arith.constant 0 : i32
          %dma_wait3A_61 = tpu.memref_slice %arg2[%run_scoped3A, %dma_wait3A_60] : memref<2x1048576xi32, #tpu.memory_space<hbm>> -> memref<1x1048576xi32, #tpu.memory_space<hbm>>
          %dma_wait3A_62 = tpu.memref_squeeze %dma_wait3A_61 : memref<1x1048576xi32, #tpu.memory_space<hbm>> -> memref<1048576xi32, #tpu.memory_space<hbm>>
          %dma_wait3A_63 = tpu.memref_slice %dma_wait3A_62[%add3A_27] : memref<1048576xi32, #tpu.memory_space<hbm>> -> memref<4000xi32, #tpu.memory_space<hbm>>
          tpu.wait_dma2 semaphore(%run_scoped3A_49 : memref<!tpu.dma_semaphore, #tpu.memory_space<semaphore_mem>>) src(%dma_wait3A_63 : memref<4000xi32, #tpu.memory_space<hbm>>) dst(%arg7 : memref<4000xi32, #tpu.memory_space<vmem>>)
          tpu.yield
        }) : () -> ()
        %run_scoped3A_28 = arith.constant 1 : i32
        "tpu.region"() ({
          %run_scoped3A_49 = tpu.sem_alloc : memref<!tpu.dma_semaphore, #tpu.memory_space<semaphore_mem>>
          %dma_start3A = arith.constant 0 : i32
          %dma_start3A_50 = tpu.memref_slice %arg2[%run_scoped3A_28, %dma_start3A] : memref<2x1048576xi32, #tpu.memory_space<hbm>> -> memref<1x1048576xi32, #tpu.memory_space<hbm>>
          %dma_start3A_51 = tpu.memref_squeeze %dma_start3A_50 : memref<1x1048576xi32, #tpu.memory_space<hbm>> -> memref<1048576xi32, #tpu.memory_space<hbm>>
          %dma_start3A_52 = tpu.memref_slice %dma_start3A_51[%add3A_27] : memref<1048576xi32, #tpu.memory_space<hbm>> -> memref<4000xi32, #tpu.memory_space<hbm>>
          %dma_start3A_53 = arith.constant 0 : i32
          %dma_start3A_54 = tpu.memref_slice %arg2[%run_scoped3A_28, %dma_start3A_53] : memref<2x1048576xi32, #tpu.memory_space<hbm>> -> memref<1x1048576xi32, #tpu.memory_space<hbm>>
          %dma_start3A_55 = tpu.memref_squeeze %dma_start3A_54 : memref<1x1048576xi32, #tpu.memory_space<hbm>> -> memref<1048576xi32, #tpu.memory_space<hbm>>
          %dma_start3A_56 = tpu.memref_slice %dma_start3A_55[%add3A_27] : memref<1048576xi32, #tpu.memory_space<hbm>> -> memref<4000xi32, #tpu.memory_space<hbm>>
          tpu.enqueue_dma source(%dma_start3A_56 : memref<4000xi32, #tpu.memory_space<hbm>>) target(%arg8 : memref<4000xi32, #tpu.memory_space<vmem>>) target_semaphore(%run_scoped3A_49 : memref<!tpu.dma_semaphore, #tpu.memory_space<semaphore_mem>>)
          %dma_wait3A = arith.constant 0 : i32
          %dma_wait3A_57 = tpu.memref_slice %arg2[%run_scoped3A_28, %dma_wait3A] : memref<2x1048576xi32, #tpu.memory_space<hbm>> -> memref<1x1048576xi32, #tpu.memory_space<hbm>>
          %dma_wait3A_58 = tpu.memref_squeeze %dma_wait3A_57 : memref<1x1048576xi32, #tpu.memory_space<hbm>> -> memref<1048576xi32, #tpu.memory_space<hbm>>
          %dma_wait3A_59 = tpu.memref_slice %dma_wait3A_58[%add3A_27] : memref<1048576xi32, #tpu.memory_space<hbm>> -> memref<4000xi32, #tpu.memory_space<hbm>>
          %dma_wait3A_60 = arith.constant 0 : i32
          %dma_wait3A_61 = tpu.memref_slice %arg2[%run_scoped3A_28, %dma_wait3A_60] : memref<2x1048576xi32, #tpu.memory_space<hbm>> -> memref<1x1048576xi32, #tpu.memory_space<hbm>>
          %dma_wait3A_62 = tpu.memref_squeeze %dma_wait3A_61 : memref<1x1048576xi32, #tpu.memory_space<hbm>> -> memref<1048576xi32, #tpu.memory_space<hbm>>
          %dma_wait3A_63 = tpu.memref_slice %dma_wait3A_62[%add3A_27] : memref<1048576xi32, #tpu.memory_space<hbm>> -> memref<4000xi32, #tpu.memory_space<hbm>>
          tpu.wait_dma2 semaphore(%run_scoped3A_49 : memref<!tpu.dma_semaphore, #tpu.memory_space<semaphore_mem>>) src(%dma_wait3A_63 : memref<4000xi32, #tpu.memory_space<hbm>>) dst(%arg8 : memref<4000xi32, #tpu.memory_space<vmem>>)
          tpu.yield
        }) : () -> ()
        "tpu.region"() ({
          %run_scoped3A_49 = tpu.sem_alloc : memref<!tpu.dma_semaphore, #tpu.memory_space<semaphore_mem>>
          %dma_start3A = tpu.memref_slice %arg3[%add3A_27] : memref<1000000xi32, #tpu.memory_space<hbm>> -> memref<4000xi32, #tpu.memory_space<hbm>>
          %dma_start3A_50 = tpu.memref_slice %arg3[%add3A_27] : memref<1000000xi32, #tpu.memory_space<hbm>> -> memref<4000xi32, #tpu.memory_space<hbm>>
          tpu.enqueue_dma source(%dma_start3A_50 : memref<4000xi32, #tpu.memory_space<hbm>>) target(%arg9 : memref<4000xi32, #tpu.memory_space<vmem>>) target_semaphore(%run_scoped3A_49 : memref<!tpu.dma_semaphore, #tpu.memory_space<semaphore_mem>>)
          %dma_wait3A = tpu.memref_slice %arg3[%add3A_27] : memref<1000000xi32, #tpu.memory_space<hbm>> -> memref<4000xi32, #tpu.memory_space<hbm>>
          %dma_wait3A_51 = tpu.memref_slice %arg3[%add3A_27] : memref<1000000xi32, #tpu.memory_space<hbm>> -> memref<4000xi32, #tpu.memory_space<hbm>>
          tpu.wait_dma2 semaphore(%run_scoped3A_49 : memref<!tpu.dma_semaphore, #tpu.memory_space<semaphore_mem>>) src(%dma_wait3A_51 : memref<4000xi32, #tpu.memory_space<hbm>>) dst(%arg9 : memref<4000xi32, #tpu.memory_space<vmem>>)
          tpu.yield
        }) : () -> ()
        "tpu.region"() ({
          %run_scoped3A_49 = tpu.sem_alloc : memref<!tpu.dma_semaphore, #tpu.memory_space<semaphore_mem>>
          %dma_start3A = tpu.memref_slice %arg4[%add3A_27] : memref<1000000xi32, #tpu.memory_space<hbm>> -> memref<4000xi32, #tpu.memory_space<hbm>>
          %dma_start3A_50 = tpu.memref_slice %arg4[%add3A_27] : memref<1000000xi32, #tpu.memory_space<hbm>> -> memref<4000xi32, #tpu.memory_space<hbm>>
          tpu.enqueue_dma source(%dma_start3A_50 : memref<4000xi32, #tpu.memory_space<hbm>>) target(%arg10 : memref<4000xi32, #tpu.memory_space<vmem>>) target_semaphore(%run_scoped3A_49 : memref<!tpu.dma_semaphore, #tpu.memory_space<semaphore_mem>>)
          %dma_wait3A = tpu.memref_slice %arg4[%add3A_27] : memref<1000000xi32, #tpu.memory_space<hbm>> -> memref<4000xi32, #tpu.memory_space<hbm>>
          %dma_wait3A_51 = tpu.memref_slice %arg4[%add3A_27] : memref<1000000xi32, #tpu.memory_space<hbm>> -> memref<4000xi32, #tpu.memory_space<hbm>>
          tpu.wait_dma2 semaphore(%run_scoped3A_49 : memref<!tpu.dma_semaphore, #tpu.memory_space<semaphore_mem>>) src(%dma_wait3A_51 : memref<4000xi32, #tpu.memory_space<hbm>>) dst(%arg10 : memref<4000xi32, #tpu.memory_space<vmem>>)
          tpu.yield
        }) : () -> ()
        %sub3A_29 = arith.constant 250 : i32
        %sub3A_30 = arith.constant 0 : i32
        %sub3A_31 = arith.subi %sub3A_29, %sub3A_30 : i32
        %sub3A_32 = arith.constant 1 : i32
        %sub3A_33 = arith.constant 1 : i32
        %sub3A_34 = arith.subi %sub3A_32, %sub3A_33 : i32
        %add3A_35 = arith.addi %sub3A_31, %sub3A_34 : i32
        %div3A_36 = arith.constant 1 : i32
        %div3A_37 = arith.divsi %add3A_35, %div3A_36 : i32
        %while3A_38 = arith.constant 1 : i32
        %while3A_39 = arith.constant 0 : i32
        %while3A_40 = arith.constant 0 : i32
        %while3A_41 = arith.subi %div3A_37, %while3A_40 : i32
        %while3A_42 = arith.addi %while3A_40, %while3A_41 : i32
        %while3A_43 = arith.constant 1 : i32
        %while3A_44 = arith.divsi %while3A_41, %while3A_43 : i32
        %while3A_45 = arith.muli %while3A_44, %while3A_43 : i32
        %while3A_46 = arith.addi %while3A_40, %while3A_45 : i32
        %while3A_47 = arith.constant 1 : i32
        scf.for %while3A_49 = %while3A_40 to %while3A_46 step %while3A_47  : i32 {
          %mul3A_50 = arith.muli %while3A_49, %while3A_38 : i32
          %add3A_51 = arith.addi %while3A_39, %mul3A_50 : i32
          %mul3A_52 = arith.constant 16 : i32
          %mul3A_53 = arith.muli %add3A_51, %mul3A_52 : i32
          %get3A = arith.index_cast %mul3A_53 : i32 to index
          %get3A_54 = tpu.vector_load %arg7[%get3A] {strides = array<i32>} : memref<4000xi32, #tpu.memory_space<vmem>>, vector<16xi32>,
          %mul3A_55 = arith.constant 16 : i32
          %mul3A_56 = arith.muli %add3A_51, %mul3A_55 : i32
          %get3A_57 = arith.index_cast %mul3A_56 : i32 to index
          %get3A_58 = tpu.vector_load %arg8[%get3A_57] {strides = array<i32>} : memref<4000xi32, #tpu.memory_space<vmem>>, vector<16xi32>,
          %add3A_59 = arith.addi %get3A_54, %get3A_58 : vector<16xi32>
          %ne3A = arith.constant 0 : i32
          %ne3A_60 = vector.broadcast %ne3A : i32 to vector<16xi32>
          %ne3A_61 = arith.cmpi ne, %add3A_59, %ne3A_60 : vector<16xi32>
          %broadcast_in_dim3A = arith.constant 1 : i32
          %broadcast_in_dim3A_62 = vector.broadcast %broadcast_in_dim3A : i32 to vector<16xi32>
          %broadcast_in_dim3A_63 = arith.constant 0 : i32
          %broadcast_in_dim3A_64 = vector.broadcast %broadcast_in_dim3A_63 : i32 to vector<16xi32>
          %mul3A_65 = arith.constant 16 : i32
          %mul3A_66 = arith.muli %add3A_51, %mul3A_65 : i32
          %get3A_67 = arith.index_cast %mul3A_66 : i32 to index
          %get3A_68 = tpu.vector_load %arg9[%get3A_67] {strides = array<i32>} : memref<4000xi32, #tpu.memory_space<vmem>>, vector<16xi32>,
          %select_n3A = arith.select %ne3A_61, %broadcast_in_dim3A_62, %get3A_68 : vector<16xi1>, vector<16xi32>
          %mul3A_69 = arith.constant 16 : i32
          %mul3A_70 = arith.muli %add3A_51, %mul3A_69 : i32
          %swap3A = arith.index_cast %mul3A_70 : i32 to index
          %swap3A_71 = tpu.vector_load %arg11[%swap3A] {strides = array<i32>} : memref<4000xi32, #tpu.memory_space<vmem>>, vector<16xi32>,
          tpu.vector_store %arg11[%swap3A], %select_n3A {strides = array<i32>} : memref<4000xi32, #tpu.memory_space<vmem>>, vector<16xi32>,
          %mul3A_72 = arith.constant 16 : i32
          %mul3A_73 = arith.muli %add3A_51, %mul3A_72 : i32
          %get3A_74 = arith.index_cast %mul3A_73 : i32 to index
          %get3A_75 = tpu.vector_load %arg10[%get3A_74] {strides = array<i32>} : memref<4000xi32, #tpu.memory_space<vmem>>, vector<16xi32>,
          %select_n3A_76 = arith.select %ne3A_61, %broadcast_in_dim3A_64, %get3A_75 : vector<16xi1>, vector<16xi32>
          %mul3A_77 = arith.constant 16 : i32
          %mul3A_78 = arith.muli %add3A_51, %mul3A_77 : i32
          %swap3A_79 = arith.index_cast %mul3A_78 : i32 to index
          %swap3A_80 = tpu.vector_load %arg12[%swap3A_79] {strides = array<i32>} : memref<4000xi32, #tpu.memory_space<vmem>>, vector<16xi32>,
          tpu.vector_store %arg12[%swap3A_79], %select_n3A_76 {strides = array<i32>} : memref<4000xi32, #tpu.memory_space<vmem>>, vector<16xi32>,
        }
        %while3A_48 = arith.constant 1 : i32
        scf.for %while3A_49 = %while3A_46 to %while3A_42 step %while3A_48  : i32 {
          %mul3A_50 = arith.muli %while3A_49, %while3A_38 : i32
          %add3A_51 = arith.addi %while3A_39, %mul3A_50 : i32
          %mul3A_52 = arith.constant 16 : i32
          %mul3A_53 = arith.muli %add3A_51, %mul3A_52 : i32
          %get3A = arith.index_cast %mul3A_53 : i32 to index
          %get3A_54 = tpu.vector_load %arg7[%get3A] {strides = array<i32>} : memref<4000xi32, #tpu.memory_space<vmem>>, vector<16xi32>,
          %mul3A_55 = arith.constant 16 : i32
          %mul3A_56 = arith.muli %add3A_51, %mul3A_55 : i32
          %get3A_57 = arith.index_cast %mul3A_56 : i32 to index
          %get3A_58 = tpu.vector_load %arg8[%get3A_57] {strides = array<i32>} : memref<4000xi32, #tpu.memory_space<vmem>>, vector<16xi32>,
          %add3A_59 = arith.addi %get3A_54, %get3A_58 : vector<16xi32>
          %ne3A = arith.constant 0 : i32
          %ne3A_60 = vector.broadcast %ne3A : i32 to vector<16xi32>
          %ne3A_61 = arith.cmpi ne, %add3A_59, %ne3A_60 : vector<16xi32>
          %broadcast_in_dim3A = arith.constant 1 : i32
          %broadcast_in_dim3A_62 = vector.broadcast %broadcast_in_dim3A : i32 to vector<16xi32>
          %broadcast_in_dim3A_63 = arith.constant 0 : i32
          %broadcast_in_dim3A_64 = vector.broadcast %broadcast_in_dim3A_63 : i32 to vector<16xi32>
          %mul3A_65 = arith.constant 16 : i32
          %mul3A_66 = arith.muli %add3A_51, %mul3A_65 : i32
          %get3A_67 = arith.index_cast %mul3A_66 : i32 to index
          %get3A_68 = tpu.vector_load %arg9[%get3A_67] {strides = array<i32>} : memref<4000xi32, #tpu.memory_space<vmem>>, vector<16xi32>,
          %select_n3A = arith.select %ne3A_61, %broadcast_in_dim3A_62, %get3A_68 : vector<16xi1>, vector<16xi32>
          %mul3A_69 = arith.constant 16 : i32
          %mul3A_70 = arith.muli %add3A_51, %mul3A_69 : i32
          %swap3A = arith.index_cast %mul3A_70 : i32 to index
          %swap3A_71 = tpu.vector_load %arg11[%swap3A] {strides = array<i32>} : memref<4000xi32, #tpu.memory_space<vmem>>, vector<16xi32>,
          tpu.vector_store %arg11[%swap3A], %select_n3A {strides = array<i32>} : memref<4000xi32, #tpu.memory_space<vmem>>, vector<16xi32>,
          %mul3A_72 = arith.constant 16 : i32
          %mul3A_73 = arith.muli %add3A_51, %mul3A_72 : i32
          %get3A_74 = arith.index_cast %mul3A_73 : i32 to index
          %get3A_75 = tpu.vector_load %arg10[%get3A_74] {strides = array<i32>} : memref<4000xi32, #tpu.memory_space<vmem>>, vector<16xi32>,
          %select_n3A_76 = arith.select %ne3A_61, %broadcast_in_dim3A_64, %get3A_75 : vector<16xi1>, vector<16xi32>
          %mul3A_77 = arith.constant 16 : i32
          %mul3A_78 = arith.muli %add3A_51, %mul3A_77 : i32
          %swap3A_79 = arith.index_cast %mul3A_78 : i32 to index
          %swap3A_80 = tpu.vector_load %arg12[%swap3A_79] {strides = array<i32>} : memref<4000xi32, #tpu.memory_space<vmem>>, vector<16xi32>,
          tpu.vector_store %arg12[%swap3A_79], %select_n3A_76 {strides = array<i32>} : memref<4000xi32, #tpu.memory_space<vmem>>, vector<16xi32>,
        }
        "tpu.region"() ({
          %run_scoped3A_49 = tpu.sem_alloc : memref<!tpu.dma_semaphore, #tpu.memory_space<semaphore_mem>>
          %dma_start3A = tpu.memref_slice %arg5[%add3A_27] : memref<1000000xi32, #tpu.memory_space<hbm>> -> memref<4000xi32, #tpu.memory_space<hbm>>
          %dma_start3A_50 = tpu.memref_slice %arg5[%add3A_27] : memref<1000000xi32, #tpu.memory_space<hbm>> -> memref<4000xi32, #tpu.memory_space<hbm>>
          tpu.enqueue_dma source(%arg11 : memref<4000xi32, #tpu.memory_space<vmem>>) target(%dma_start3A_50 : memref<4000xi32, #tpu.memory_space<hbm>>) target_semaphore(%run_scoped3A_49 : memref<!tpu.dma_semaphore, #tpu.memory_space<semaphore_mem>>)
          %dma_wait3A = tpu.memref_slice %arg5[%add3A_27] : memref<1000000xi32, #tpu.memory_space<hbm>> -> memref<4000xi32, #tpu.memory_space<hbm>>
          %dma_wait3A_51 = tpu.memref_slice %arg5[%add3A_27] : memref<1000000xi32, #tpu.memory_space<hbm>> -> memref<4000xi32, #tpu.memory_space<hbm>>
          tpu.wait_dma2 semaphore(%run_scoped3A_49 : memref<!tpu.dma_semaphore, #tpu.memory_space<semaphore_mem>>) src(%arg11 : memref<4000xi32, #tpu.memory_space<vmem>>) dst(%dma_wait3A_51 : memref<4000xi32, #tpu.memory_space<hbm>>)
          tpu.yield
        }) : () -> ()
        "tpu.region"() ({
          %run_scoped3A_49 = tpu.sem_alloc : memref<!tpu.dma_semaphore, #tpu.memory_space<semaphore_mem>>
          %dma_start3A = tpu.memref_slice %arg6[%add3A_27] : memref<1000000xi32, #tpu.memory_space<hbm>> -> memref<4000xi32, #tpu.memory_space<hbm>>
          %dma_start3A_50 = tpu.memref_slice %arg6[%add3A_27] : memref<1000000xi32, #tpu.memory_space<hbm>> -> memref<4000xi32, #tpu.memory_space<hbm>>
          tpu.enqueue_dma source(%arg12 : memref<4000xi32, #tpu.memory_space<vmem>>) target(%dma_start3A_50 : memref<4000xi32, #tpu.memory_space<hbm>>) target_semaphore(%run_scoped3A_49 : memref<!tpu.dma_semaphore, #tpu.memory_space<semaphore_mem>>)
          %dma_wait3A = tpu.memref_slice %arg6[%add3A_27] : memref<1000000xi32, #tpu.memory_space<hbm>> -> memref<4000xi32, #tpu.memory_space<hbm>>
          %dma_wait3A_51 = tpu.memref_slice %arg6[%add3A_27] : memref<1000000xi32, #tpu.memory_space<hbm>> -> memref<4000xi32, #tpu.memory_space<hbm>>
          tpu.wait_dma2 semaphore(%run_scoped3A_49 : memref<!tpu.dma_semaphore, #tpu.memory_space<semaphore_mem>>) src(%arg12 : memref<4000xi32, #tpu.memory_space<vmem>>) dst(%dma_wait3A_51 : memref<4000xi32, #tpu.memory_space<hbm>>)
          tpu.yield
        }) : () -> ()
      }
    } else {
    }
    return
  }
}

</mosaic_0001>

<sc_bundles>
// kernel: kernel.4.cloned.1.call-start
scs
__scs_entry_jumppad:
0x0: {  	(pc) =	sbr.rel $0x88, $3  }
0x1: {  	(tag) =	ssettag $0x0;
	lr =	simm.s32 $0x1  }
0x2: {  	[smem:$0x3F9D] =	sst lr;
	_ =	strace $0xD0000000  }
0x3: {  	_ = 	snop  }
0x4: {  	_ = 	snop  }
0x5: {  	_ = 	snop  }
0x6: {  	_ = 	snop  }
0x7: {  	_ = 	snop  }
__scs_overlays_trampoline_lowered:
0x8: {  	[smem:$0x3FAC] =	sst s0  }
0x9: {  	[smem:$0x3FAD] =	sst s1  }
0xa: {  	[smem:$0x3FAE] =	sst s2  }
0xb: {  	[smem:$0x3FAF] =	sst s3  }
0xc: {  	[smem:$0x3FB0] =	sst s4  }
0xd: {  	[smem:$0x3FB1] =	sst s5  }
0xe: {  	[smem:$0x3FB2] =	sst s6  }
0xf: {  	[smem:$0x3FB3] =	sst s7  }
0x10: {  	[smem:$0x3FB4] =	sst s8  }
0x11: {  	[smem:$0x3FB5] =	sst s9;
	s0 =	simm.s32 @!p0 $0x0  }
0x12: {  	s1 =	sld [smem:$0x3F9B];
	s0 =	simm.s32 @p0 $0x1  }
0x13: {  	[smem:$0x3FB6] =	sst s0;
	s0 =	simm.s32 @!p1 $0x0  }
0x14: {  	s2 =	sld [smem:$0x3F9A];
	s0 =	simm.s32 @p1 $0x1  }
0x15: {  	[smem:$0x3FB7] =	sst s0;
	s0 =	simm.s32 @!p2 $0x0  }
0x16: {  	s3 =	sld [smem:$0x3FDB];
	s0 =	simm.s32 @p2 $0x1  }
0x17: {  	s4 =	simm.s32 $0x1BF5;
	[smem:$0x3FB9] =	sst s0  }
0x18: {  	s0 =	sld [smem:$0x3F9C];
	_ =	swait.ge [sflag:s4], $0x0  }
0x19: {  	s7 =	sld [smem:$0x3F9D]  }
0x1a: {  	s8 =	sadd.s32 $0xFFFFE003, lr  }
0x1b: {  	s9 =	sadd.s32 $0xFFFFFEF7, lr;
	s5 =	simm.s32 $0xFFFFFFFF;
	p2 =	slt.u32 s8, $0xFFFFF086  }
0x1c: {  	p1 =	slt.u32 s9, $0xF7A;
	s5 =	simm.s32 @!p2 $0x0  }
0x1d: {  	s5 =	simm.s32 @p1 $0x1;
	p0 =	seq.s32 s7, s2  }
0x1e: {  	s7 =	smul.u32 @!p0 $0xF7A, s2;
	p2 =	seq.s32 @!p0 s5, $0x0  }
0x1f: {  	s9 =	smul.u32 $0xF7A, s1;
	s8 =	simm.s32 @!p0 $0x1BF5;
	p2 =	por !p2, p0  }
0x20: {  	[sflag:s8] =	ssyncset.s32 @!p0 $0xFFFFF086;
	s6 =	sadd.s32 @!p0 s3, s7;
	s7 =	simm.s32 @!p0 $0x108  }
0x21: {  	s3 =	sadd.s32 s3, s9;
	s6 =	sadd.s32 @!p0 $0x88, s6;
	s7 =	simm.s32 @p2 $0x1082  }
0x22: {  	[simem:s7], [sflag:s8] =	dma.local @!p0 [hbm:s6], $0xF7A  }
0x23: {  	s9 =	sor.u32 $0xD0000000, s2;
	s6 =	simm.s32 $0x108;
	_ =	swait.ge @!p0 [sflag:s8], $0x0  }
0x24: {  	s3 =	sadd.s32 $0x88, s3;
	s6 =	simm.s32 @!p1 $0x1082;
	[sflag:s4] =	ssyncset.s32 $0xFFFFF086  }
0x25: {  	[simem:s6], [sflag:s4] =	dma.local [hbm:s3], $0xF7A  }
0x26: {  	[smem:$0x3F9D] =	sst s1;
	(tag) =	ssettag s2;
	_ =	strace s9  }
0x27: {  	s1 =	sld [smem:$0x3FAD]  }
0x28: {  	s2 =	sld [smem:$0x3FAE]  }
0x29: {  	s4 =	sld [smem:$0x3FB0]  }
0x2a: {  	p0 =	seq.s32 s5, $0x0;
	s5 =	sld [smem:$0x3FB1]  }
0x2b: {  	s6 =	sld [smem:$0x3FB2]  }
0x2c: {  	s7 =	sld [smem:$0x3FB3]  }
0x2d: {  	s3 =	simm.s32 $0x108;
	s8 =	sld [smem:$0x3FB4]  }
0x2e: {  	s3 =	simm.s32 @!p0 $0x1082;
	s9 =	sld [smem:$0x3FB5]  }
0x2f: {  	lr =	sadd.s32 s0, s3;
	s0 =	sld [smem:$0x3FAC]  }
0x30: {  	s3 =	sld [smem:$0x3FAF]  }
0x31: {  	[smem:$0x3FB8] =	sst s10  }
0x32: {  	s10 =	sld [smem:$0x3FB6];
	_ =	sdelay $0x3  }
0x33: {  	p0 =	seq.s32 s10, $0x1;
	s10 =	sld [smem:$0x3FB8];
	_ =	sdelay $0x3  }
0x34: {  	[smem:$0x3FB8] =	sst s10  }
0x35: {  	s10 =	sld [smem:$0x3FB7];
	_ =	sdelay $0x3  }
0x36: {  	p1 =	seq.s32 s10, $0x1;
	s10 =	sld [smem:$0x3FB8];
	_ =	sdelay $0x3  }
0x37: {  	[smem:$0x3FB8] =	sst s10  }
0x38: {  	s10 =	sld [smem:$0x3FB9]  }
0x39: {  	_ = 	snop;
	(pc) =	sbr.ind lr, $3  }
0x3a: {  	_ = 	snop  }
0x3b: {  	_ = 	snop  }
0x3c: {  	p2 =	seq.s32 s10, $0x1;
	s10 =	sld [smem:$0x3FB8]  }
0x3d: {  	_ =	shalt  }
0x3e: {  	_ =	shalt  }
0x3f: {  	_ =	shalt  }
0x40: {  	_ =	shalt  }
0x41: {  	_ =	shalt  }
0x42: {  	_ =	shalt  }
0x43: {  	_ =	shalt  }
0x44: {  	_ =	shalt  }
0x45: {  	_ =	shalt  }
0x46: {  	_ =	shalt  }
0x47: {  	_ =	shalt  }
0x48: {  	_ =	shalt  }
0x49: {  	_ =	shalt  }
0x4a: {  	_ =	shalt  }
0x4b: {  	_ =	shalt  }
0x4c: {  	_ =	shalt  }
0x4d: {  	_ =	shalt  }
0x4e: {  	_ =	shalt  }
0x4f: {  	_ =	shalt  }
0x50: {  	_ =	shalt  }
0x51: {  	_ =	shalt  }
0x52: {  	_ =	shalt  }
0x53: {  	_ =	shalt  }
0x54: {  	_ =	shalt  }
0x55: {  	_ =	shalt  }
0x56: {  	_ =	shalt  }
0x57: {  	_ =	shalt  }
0x58: {  	_ =	shalt  }
0x59: {  	_ =	shalt  }
0x5a: {  	_ =	shalt  }
0x5b: {  	_ =	shalt  }
0x5c: {  	_ =	shalt  }
0x5d: {  	_ =	shalt  }
0x5e: {  	_ =	shalt  }
0x5f: {  	_ =	shalt  }
0x60: {  	_ =	shalt  }
0x61: {  	_ =	shalt  }
0x62: {  	_ =	shalt  }
0x63: {  	_ =	shalt  }
0x64: {  	_ =	shalt  }
0x65: {  	_ =	shalt  }
0x66: {  	_ =	shalt  }
0x67: {  	_ =	shalt  }
0x68: {  	_ =	shalt  }
0x69: {  	_ =	shalt  }
0x6a: {  	_ =	shalt  }
0x6b: {  	_ =	shalt  }
0x6c: {  	_ =	shalt  }
0x6d: {  	_ =	shalt  }
0x6e: {  	_ =	shalt  }
0x6f: {  	_ =	shalt  }
0x70: {  	_ =	shalt  }
0x71: {  	_ =	shalt  }
0x72: {  	_ =	shalt  }
0x73: {  	_ =	shalt  }
0x74: {  	_ =	shalt  }
0x75: {  	_ =	shalt  }
0x76: {  	_ =	shalt  }
0x77: {  	_ =	shalt  }
0x78: {  	_ =	shalt  }
0x79: {  	_ =	shalt  }
0x7a: {  	_ =	shalt  }
0x7b: {  	_ =	shalt  }
0x7c: {  	_ =	shalt  }
0x7d: {  	_ =	shalt  }
0x7e: {  	_ =	shalt  }
0x7f: {  	_ =	shalt  }
0x80: {  	_ =	shalt  }
0x81: {  	_ =	shalt  }
0x82: {  	_ =	shalt  }
0x83: {  	_ =	shalt  }
0x84: {  	_ =	shalt  }
0x85: {  	_ =	shalt  }
0x86: {  	_ =	shalt  }
0x87: {  	_ =	shalt  }
.Lfunc_end0:
.L_simem_size_0:
called_computation.1_lowered:
.L_overlay_start_0:
0x88: {  	s2 =	sld [smem:$0x3FD9]  }
0x89: {  	s3 =	sld [smem:$0x3FFE];
	_ =	sdelay $0x1  }
0x8a: {  	s1 =	srdreg.scid  }
0x8b: {  	s0 =	sand.u32 $0x1, s1  }
0x8c: {  	s14 =	sshll.u32 s0, $0xA;
	s2 =	sadd.s32 s3, s2  }
0x8d: {  	s2 =	sadd.s32 s2, s14  }
0x8e: {  	[smem:$0x3FC4] =	sst s2  }
0x8f: {  	_ = 	snop  }
0x90: {  	s2 =	sld [smem:$0x3FD0];
	_ =	sdelay $0x2  }
0x91: {  	s15 =	simm.s32 $0xB;
	s4 =	simm.s32 $0x10  }
0x92: {  	[smem:s4], [sflag:s15] =	dma.local [hbm:s2], $0x1  }
0x93: {  	_ =	swait.eq [sflag:s15], $0x1  }
0x94: {  	[sflag:s15] =	ssyncset.done $0x0  }
0x95: {  	s16 =	sld [smem:$0x10];
	[sflag:s15] =	ssyncadd.s32 $0xFFFFFFFF  }
0x96: {  	s17 =	sld [smem:$0x12];
	(tm) =	ssettm $0x1  }
0x97: {  	s18 =	sld [smem:$0x3FFB];
	_ =	sdelay $0x3  }
0x98: {  	_ =	strace s18  }
0x99: {  	s4 =	sld [smem:$0x3FFC];
	_ =	sdelay $0x3  }
0x9a: {  	_ =	strace s4  }
0x9b: {  	s4 =	sld [smem:$0x3FFD];
	_ =	sdelay $0x3  }
0x9c: {  	_ =	strace s4  }
0x9d: {  	_ =	strace $0x8FFFFFFF  }
0x9e: {  	s19 =	sld [smem:$0x3FDB];
	_ =	sdelay $0x1  }
0x9f: {  	s5 =	simm.s32 $_scs_section_size  }
0xa0: {  	s6 =	simm.s32 $_size__tile_overlayer_lowered;
	s7 =	simm.s32 $_tile_overlayer_lowered  }
0xa1: {  	s22 =	simm.s32 $0x1BFF;
	s21 =	sshll.u32 s7, $0x1;
	s4 =	sadd.s32 s5, s19  }
0xa2: {  	s8 =	simm.s32 $0x0;
	s20 =	sshll.u32 s6, $0x1;
	s6 =	sadd.s32 s21, s4  }
0xa3: {  	[timem:s8], [sflag:s22] =	dma.local [hbm:s6], s20  }
0xa4: {  	_ =	swait.ge [sflag:s22], s20  }
0xa5: {  	s5 =	ssub.s32 $0x0, s20;
	[sflag:s22] =	ssyncset.done $0x0  }
0xa6: {  	[sflag:s22] =	ssyncadd.s32 s5;
	_ =	sdelay $0x1  }
0xa7: {  	s23 =	simm.s32 $0x1B8B  }
0xa8: {  	_ =	swait.ge [sflag:s23], $0x1  }
0xa9: {  	[sflag:s23] =	ssyncset.done $0x0  }
0xaa: {  	s25 =	simm.s32 $0x1B8E;
	s24 =	sld [smem:$0x3FFE];
	[sflag:s23] =	ssyncadd.s32 $0xFFFFFFFF  }
0xab: {  	s26 =	simm.s32 $execute0_lowered;
	[smem:$0x3FD2] =	sst s25  }
0xac: {  	s6 =	sshll.u32 s26, $0x1;
	_ =	strace $0x80000046;
	[dreg:$0x1] =	wrdreg $0xFFFFFFFF  }
0xad: {  	s28 =	simm.s32 $_size_execute0_lowered;
	s4 =	sadd.s32 s4, s6;
	[dreg:$0x0] =	wrdreg $0x0  }
0xae: {  	s6 =	sshll.u32 s28, $0x1;
	[dreg:$0x2] =	wrdreg s4  }
0xaf: {  	[dreg:$0x3] =	wrdreg s6  }
0xb0: {  	[dreg:$0x4] =	wrdreg $0xC0  }
0xb1: {  	_ =	task [dreg:s8], $0x5FFFF  }
0xb2: {  	[dreg:$0x1] =	wrdreg $0xFFFFFFFF  }
0xb3: {  	[dreg:$0x0] =	wrdreg $0x60  }
0xb4: {  	[dreg:$0x2] =	wrdreg s17  }
0xb5: {  	[dreg:$0x3] =	wrdreg s24  }
0xb6: {  	[dreg:$0x4] =	wrdreg s16  }
0xb7: {  	[dreg:$0x5] =	wrdreg $0xF0800  }
0xb8: {  	[dreg:$0x6] =	wrdreg $0x9  }
0xb9: {  	_ =	task.clear_ibuf [dreg:s8], $0x7FFFF;
	_ =	strace $0x90000046  }
0xba: {  	s29 =	simm.s32 $0x9;
	_ =	strace $0x80000048  }
0xbb: {  	_ =	swait.ge [sflag:s29], $0x1  }
0xbc: {  	[sflag:s29] =	ssyncadd.s32 $0xFFFFFFFF  }
0xbd: {  	_ =	strace $0x90000048  }
0xbe: {  	_ =	sfence  }
0xbf: {  	s30 =	sld [smem:$0x0];
	_ =	sdelay $0x2  }
0xc0: {  	s31 =	sshll.u32 s1, $0xD;
	s1 =	sshrl.u32 s1, $0x2  }
0xc1: {  	s3 =	sand.u32 $0x4000, s31;
	s1 =	sadd.s32 s1, s30  }
0xc2: {  	s0 =	sor.u32 s3, s0;
	s1 =	sshll.u32 s1, $0x11  }
0xc3: {  	s0 =	sor.u32 s1, s0  }
0xc4: {  	s0 =	sadd.s32 $0x8F2B, s0  }
0xc5: {  	[sflag:s0] =	ssyncadd.remote.s32 $0x1  }
0xc6: {  	_ =	sfence.sel $0xFFFF  }
0xc7: {  	[dreg:$0x0] =	wrdreg $0xFFFFFFFF;
	(pc) =	sbr.abs _section_cstart, $3  }
0xc8: {  	[dreg:$0x1] =	wrdreg $0xFFFFFFFF  }
0xc9: {  	_ =	task.clear_ibuf [dreg:s8], $0x2FFFF;
	_ =	strace $0x9FFFFFFF  }
0xca: {  	(tm) =	ssettm $0x7FFFFFFF  }
0xcb: {  	_ =	shalt  }
tec
execute0_lowered:
.L_overlay_start_1:
0x0: {  	(tag) =	ssettag $0x1  }
0x1: {  	s0 =	rddreg [dreg:$0x0]  }
0x2: {  	s1 =	rddreg [dreg:$0x1]  }
0x3: {  	s2 =	rddreg [dreg:$0x2]  }
0x4: {  	s3 =	srdreg.scid;
	s12 =	stileid.u32  }
0x5: {  	s13 =	rddreg [dreg:$0x3];
	s30 =	simm.s32 $0x12;
	s29 =	simm.s32 $0x80  }
0x6: {  	s28 =	simm.s32 $0xB;
	s5 =	sand.u32 $0x1, s3;
	s4 =	sshll.u32 s12, $0x1  }
0x7: {  	s3 =	simm.s32 $0x0;
	s17 =	sshll.u32 s12, $0x10;
	s11 =	smul.u32 $0xA0000, s12  }
0x8: {  	s21 =	smul.u32 $0x5000, s12;
	s6 =	sor.u32 s5, s4;
	[smem:$0x7FF] =	sst s3  }
0x9: {  	s4 =	sadd.s32 $0xF44000, s1;
	s8 =	sshll.u32 s5, $0x11;
	s31 =	sadd.s32 s17, s13  }
0xa: {  	_ =	strace $0x80000047;
	s19 =	sadd.s32 $0x2000, s31;
	[dreg:$0xe] =	wrdreg s31  }
0xb: {  	s9 =	ssub.s32 $0x2, s5;
	s20 =	sadd.s32 $0x4000, s31;
	[dreg:$0xf] =	wrdreg s19  }
0xc: {  	s18 =	smul.u32 $0x50000, s5;
	s22 =	sadd.s32 $0x8000, s31;
	[dreg:$0x10] =	wrdreg s20  }
0xd: {  	s5 =	smul.u32 $0x2800, s5;
	s23 =	sadd.s32 $0xA000, s31;
	[dreg:$0x12] =	wrdreg s22  }
0xe: {  	s7 =	smul.u32 $0x2800, s6;
	s24 =	sadd.s32 $0xC000, s31;
	[dreg:$0x13] =	wrdreg s23  }
0xf: {  	s16 =	sshrl.u32 s9, $0x1;
	s25 =	sadd.s32 $0xE000, s31;
	[dreg:$0x14] =	wrdreg s24  }
0x10: {  	s6 =	smul.u32 $0x50000, s6;
	[dreg:$0x15] =	wrdreg s25;
	s5 =	sadd.s32 s5, s21  }
0x11: {  	s25 =	sshll.u32 s12, $0xD;
	s7 =	sshrl.u32 s7, $0x3;
	s5 =	sshll.u32 s5, $0x2  }
0x12: {  	s10 =	sadd.s32 s7, s1;
	s1 =	sadd.s32 s8, s1;
	s0 =	sadd.s32 s0, s7  }
0x13: {  	s8 =	ssub.s32 s9, s16;
	s9 =	sadd.s32 $0x6000, s31;
	[dreg:$0xd] =	wrdreg s0  }
0x14: {  	s5 =	sadd.s32 s5, s2;
	[dreg:$0x11] =	wrdreg s9;
	s26 =	sadd.s32 $0x1C00, s10  }
0x15: {  	s12 =	simm.s32 $0x3;
	s9 =	sadd.s32 $0xE00, s5;
	[dreg:$0x16] =	wrdreg s26  }
0x16: {  	s6 =	sshrl.u32 s6, $0x3;
	s10 =	sadd.s32 $0xC00, s5;
	[dreg:$0x6] =	wrdreg s9  }
0x17: {  	s7 =	simm.s32 $0x9000;
	s13 =	sadd.s32 $0xA00, s5;
	[dreg:$0x7] =	wrdreg s10  }
0x18: {  	s0 =	sadd.s32 s18, s11;
	s15 =	sadd.s32 $0x800, s5;
	[dreg:$0x8] =	wrdreg s13  }
0x19: {  	s17 =	sadd.s32 $0x600, s5;
	s19 =	sadd.s32 $0x400, s5;
	[dreg:$0x9] =	wrdreg s15  }
0x1a: {  	s23 =	sadd.s32 $0xBC00, s1;
	s24 =	sadd.s32 $0x200, s5;
	[dreg:$0xa] =	wrdreg s17  }
0x1b: {  	s1 =	simm.s32 $0x6000;
	s5 =	simm.s32 $0x8000;
	[dreg:$0xb] =	wrdreg s19  }
0x1c: {  	s0 =	sshrl.u32 s0, $0x3;
	[dreg:$0xc] =	wrdreg s24;
	s26 =	smax.u32 s8, $0x1  }
0x1d: {  	s0 =	sadd.s32 s0, s2;
	s2 =	sadd.s32 s2, s6;
	[dreg:$0x1f] =	wrdreg s26  }
0x1e: {  	s8 =	simm.s32 $0xA000;
	[dreg:$0x5] =	wrdreg s0;
	s6 =	sadd.s32 $0x9000, s2  }
0x1f: {  	s9 =	simm.s32 $0xB000;
	s11 =	sadd.s32 $0x9200, s2;
	[dreg:$0x17] =	wrdreg s6  }
0x20: {  	s10 =	simm.s32 $0xC000;
	s14 =	sadd.s32 $0x9400, s2;
	[dreg:$0x18] =	wrdreg s11  }
0x21: {  	s13 =	simm.s32 $0x4;
	s16 =	sadd.s32 $0x9600, s2;
	[dreg:$0x19] =	wrdreg s14  }
0x22: {  	s15 =	simm.s32 $0x6;
	s18 =	sadd.s32 $0x9800, s2;
	[dreg:$0x1a] =	wrdreg s16  }
0x23: {  	s17 =	simm.s32 $0x8;
	s20 =	sadd.s32 $0x9A00, s2;
	[dreg:$0x1b] =	wrdreg s18  }
0x24: {  	s19 =	simm.s32 $0xA;
	s21 =	sadd.s32 $0x9C00, s2;
	[dreg:$0x1c] =	wrdreg s20  }
0x25: {  	s24 =	simm.s32 $0x10;
	s22 =	sadd.s32 $0x9E00, s2;
	[dreg:$0x1d] =	wrdreg s21  }
0x26: {  	s26 =	simm.s32 $0x1;
	s0 =	sadd.s32 s25, s23;
	[dreg:$0x1e] =	wrdreg s22  }
0x27: {  	s23 =	simm.s32 $0xF;
	s25 =	simm.s32 $0x0;
	[smem:$0x7FD] =	sst s0  }
0x28: {  	s0 =	simm.s32 $0x7000;
	s11 =	simm.s32 $0x2;
	s14 =	simm.s32 $0x5  }
0x29: {  	s16 =	simm.s32 $0x7;
	s18 =	simm.s32 $0x9;
	s20 =	simm.s32 $0xC  }
0x2a: {  	v0 =	vimm.s32 $0x0;
	v1 =	vimm.s32 $0x1;
	s21 =	simm.s32 $0xD;
	s22 =	simm.s32 $0xE;
	s6 =	simm.s32 $0x11  }
.LBB2_1:
0x2b: {  	[smem:$0x7FC] =	sst s25  }
0x2c: {  	s2 =	rddreg [dreg:$0xd]  }
0x2d: {  	[tilespmem:s3], [sflag:$0x12] =	stream.linear.gather [hbm4b:s2+s3], $0x2800, $0x38;
	[tilespmem:$0x1F080] =	vst v63  }
0x2e: {  	_ =	swait.ge [sflag:s30], $0x2800  }
0x2f: {  	[sflag:s30] =	ssyncset.done $0x0  }
0x30: {  	s25 =	simm.s32 $0x0;
	s2 =	simm.s32 $0x40;
	[sflag:s30] =	ssyncadd.s32 $0xFFFFD800  }
.LBB2_2:
0x31: {  	p0 =	sne.s32 s2, $0x7FC0;
	[tilespmem:s25+$0xD000] =	vst v0;
	s25 =	smov.u32 s2;
	s2 =	sadd.s32 $0x40, s2  }
.Ltmp0:
0x32: {  	(pc) =	sbr.rel @p0 .LBB2_2-.Ltmp0, $2  }
0x33: {  	_ =	sdelay $0x2  }
0x34: {  	s25 =	sshra.s32 s25, $0x2  }
0x35: {  	[tilespmem:s25+$0xD000] =	vst v0  }
0x36: {  	[tilespmem:$0xF000] =	vst v1  }
0x37: {  	[tilespmem:$0xF010] =	vst v1  }
0x38: {  	[tilespmem:$0xF020] =	vst v1  }
0x39: {  	[tilespmem:$0xF030] =	vst v1  }
0x3a: {  	[tilespmem:$0xF040] =	vst v1  }
0x3b: {  	[tilespmem:$0xF050] =	vst v1  }
0x3c: {  	[tilespmem:$0xF060] =	vst v1  }
0x3d: {  	s25 =	simm.s32 $0xD000;
	[tilespmem:$0xF070] =	vst v1  }
0x3e: {  	[spmem:s31] =	stream.linear.scatter [tilespmem:s25], [sflag:$0x12], $0x2000, $0x38;
	[tilespmem:$0x1F080] =	vst v63  }
0x3f: {  	_ =	swait.ge [sflag:s30], $0x2000  }
0x40: {  	[sflag:s30] =	ssyncset.done $0x0  }
0x41: {  	s2 =	rddreg [dreg:$0xf];
	[sflag:s30] =	ssyncadd.s32 $0xFFFFE000  }
0x42: {  	[spmem:s2] =	stream.linear.scatter [tilespmem:s25], [sflag:$0x12], $0x2000, $0x38;
	[tilespmem:$0x1F080] =	vst v63  }
0x43: {  	_ =	swait.ge [sflag:s30], $0x2000  }
0x44: {  	[sflag:s30] =	ssyncset.done $0x0  }
0x45: {  	s2 =	rddreg [dreg:$0x10];
	[sflag:s30] =	ssyncadd.s32 $0xFFFFE000  }
0x46: {  	[spmem:s2] =	stream.linear.scatter [tilespmem:s25], [sflag:$0x12], $0x2000, $0x38;
	[tilespmem:$0x1F080] =	vst v63  }
0x47: {  	_ =	swait.ge [sflag:s30], $0x2000  }
0x48: {  	[sflag:s30] =	ssyncset.done $0x0  }
0x49: {  	s2 =	rddreg [dreg:$0x11];
	[sflag:s30] =	ssyncadd.s32 $0xFFFFE000  }
0x4a: {  	[spmem:s2] =	stream.linear.scatter [tilespmem:s25], [sflag:$0x12], $0x2000, $0x38;
	[tilespmem:$0x1F080] =	vst v63  }
0x4b: {  	_ =	swait.ge [sflag:s30], $0x2000  }
0x4c: {  	[sflag:s30] =	ssyncset.done $0x0  }
0x4d: {  	s2 =	rddreg [dreg:$0x12];
	[sflag:s30] =	ssyncadd.s32 $0xFFFFE000  }
0x4e: {  	[spmem:s2] =	stream.linear.scatter [tilespmem:s25], [sflag:$0x12], $0x2000, $0x38;
	[tilespmem:$0x1F080] =	vst v63  }
0x4f: {  	_ =	swait.ge [sflag:s30], $0x2000  }
0x50: {  	[sflag:s30] =	ssyncset.done $0x0  }
0x51: {  	s2 =	rddreg [dreg:$0x13];
	[sflag:s30] =	ssyncadd.s32 $0xFFFFE000  }
0x52: {  	[spmem:s2] =	stream.linear.scatter [tilespmem:s25], [sflag:$0x12], $0x2000, $0x38;
	[tilespmem:$0x1F080] =	vst v63  }
0x53: {  	_ =	swait.ge [sflag:s30], $0x2000  }
0x54: {  	[sflag:s30] =	ssyncset.done $0x0  }
0x55: {  	s2 =	rddreg [dreg:$0x14];
	[sflag:s30] =	ssyncadd.s32 $0xFFFFE000  }
0x56: {  	[spmem:s2] =	stream.linear.scatter [tilespmem:s25], [sflag:$0x12], $0x2000, $0x38;
	[tilespmem:$0x1F080] =	vst v63  }
0x57: {  	_ =	swait.ge [sflag:s30], $0x2000  }
0x58: {  	[sflag:s30] =	ssyncset.done $0x0  }
0x59: {  	s2 =	rddreg [dreg:$0x15];
	[sflag:s30] =	ssyncadd.s32 $0xFFFFE000  }
0x5a: {  	[spmem:s2] =	stream.linear.scatter [tilespmem:s25], [sflag:$0x12], $0x2000, $0x38;
	[tilespmem:$0x1F080] =	vst v63  }
0x5b: {  	_ =	swait.ge [sflag:s30], $0x2000  }
0x5c: {  	[sflag:s30] =	ssyncset.done $0x0  }
0x5d: {  	s31 =	simm.s32 $0x0;
	[sflag:s30] =	ssyncadd.s32 $0xFFFFE000  }
0x5e: {  	s2 =	simm.s32 $0x2800;
	s30 =	simm.s32 $0x0;
	[bflag:$0x0] =	sbarrier.arrive $0xFFFF  }
.LBB2_4:
0x5f: {  	v4 =	vmov s31;
	_ =	sdelay $0x3  }
0x60: {  	s25 =	simm.s32 $0x0  }
0x61: {  	v3 =	vld.idx.msk [tilespmem:v4+s25+$0x0 ss:$0x1], $0xffff;
	_ =	sdelay $0x4  }
0x62: {  	v2 =	vmov s2;
	v6 =	vand.u32 $0xFFFF, v3;
	v7 =	vshrl.u32 v3, $0x10  }
0x63: {  	v9 =	vmul.u32 $0x7F4A7C15, v3;
	v10 =	vmul.u32 $0x9E3779B9, v3;
	v8 =	vmul.u32 $0x7F4A, v6  }
0x64: {  	v5 =	vmul.u32 $0x999A, v7;
	v11 =	vmul.u32 $0x7C15, v6;
	v12 =	vmul.u32 $0x7C15, v7  }
0x65: {  	v13 =	vmul.u32 $0x7F4A, v7;
	v15 =	vshrl.u32 v9, $0x1;
	v14 =	vand.u32 $0xFFFE, v8  }
0x66: {  	v8 =	vshrl.u32 v8, $0x10;
	v11 =	vshrl.u32 v11, $0x10;
	v16 =	vand.u32 $0xFFFF, v12  }
0x67: {  	v10 =	vadd.s32 v10, v13;
	v12 =	vshrl.u32 v12, $0x10;
	v11 =	vadd.s32 v14, v11  }
0x68: {  	v8 =	vadd.s32 v8, v10;
	v10 =	vmul.u32 $0x999A, v6;
	v11 =	vadd.s32 v16, v11  }
0x69: {  	v12 =	vadd.s32 v12, v8;
	v8 =	vmul.u32 $0x1999, v6;
	v6 =	vshrl.u32 v11, $0x10  }
0x6a: {  	v11 =	vshrl.u32 v15, $0x1C;
	v10 =	vshrl.u32 v10, $0x10;
	v6 =	vadd.s32 v6, v12  }
0x6b: {  	v12 =	vand.u32 $0xFFFF, v8;
	v13 =	vshll.u32 v6, $0x3;
	v14 =	vshrl.u32 v6, $0x1D  }
0x6c: {  	v15 =	vadd.s32 v12, v10;
	v10 =	vor.u32 v11, v13;
	v6 =	vxor.u32 v6, v14  }
0x6d: {  	v11 =	vand.u32 $0xFFFE, v5;
	v9 =	vxor.u32 v9, v10;
	v10 =	vmul.u32 $0x1CE4E5B9, v6  }
0x6e: {  	[smem:$0x7FA] =	sst s30;
	v6 =	vadd.s32 v11, v15;
	v63 =	vand.u32 $0xFFFF, v9;
	v13 =	vmul.u32 $0xBF58476D, v9  }
0x6f: {  	[smem:$0x7FB] =	sst s2;
	s2 =	simm.s32 $0x40;
	v12 =	vshrl.u32 v9, $0x10;
	v14 =	vmul.u32 $0xE5B9, v63;
	v11 =	vmul.u32 $0x1CE4, v63  }
.LBB2_5:
0x70: {  	p0 =	sne.s32 s2, $0x1C0;
	v15 =	vmul.u32 $0xE5B9, v12;
	v12 =	vmul.u32 $0x1CE4, v12;
	v10 =	vadd.s32 v13, v10;
	s30 =	smov.u32 s2;
	s2 =	sadd.s32 $0x40, s2  }
0x71: {  	v13 =	vshrl.u32 v14, $0x10;
	v14 =	vand.u32 $0xFFFC, v11;
	v11 =	vshrl.u32 v11, $0x10  }
0x72: {  	v13 =	vadd.s32 v14, v13;
	v14 =	vand.u32 $0xFFFF, v15;
	v10 =	vadd.s32 v12, v10  }
0x73: {  	v12 =	vadd.s32 v14, v13;
	v13 =	vshrl.u32 v15, $0x10;
	v10 =	vadd.s32 v11, v10  }
0x74: {  	v9 =	vmul.u32 $0x1CE4E5B9, v9;
	v11 =	vshrl.u32 v12, $0x10;
	v10 =	vadd.s32 v13, v10  }
0x75: {  	v7 =	vmul.u32 $0x1999, v7;
	v8 =	vshrl.u32 v8, $0x10;
	v10 =	vadd.s32 v11, v10  }
0x76: {  	s30 =	sshra.s32 s30, $0x2;
	v9 =	vxor.u32 v9, v10;
	v11 =	vshrl.u32 v10, $0x2;
	v12 =	vshrl.u32 v10, $0x12  }
0x77: {  	v11 =	vand.u32 $0xFFFF, v11;
	v13 =	vmul.u32 $0xD624, v12;
	v14 =	vshrl.u32 v9, $0x12  }
0x78: {  	v12 =	vmul.u32 $0x53E2, v12;
	v15 =	vmul.u32 $0x53E2, v11;
	v16 =	vmul.u32 $0xD624, v14  }
0x79: {  	v11 =	vmul.u32 $0xD624, v11;
	v14 =	vmul.u32 $0x53E2, v14;
	v17 =	vand.u32 $0xFFFC, v13  }
0x7a: {  	v18 =	vand.u32 $0xFFFE, v15;
	v19 =	vand.u32 $0xFFFC, v16;
	v16 =	vshrl.u32 v16, $0x10  }
0x7b: {  	v11 =	vshrl.u32 v11, $0x10;
	v17 =	vadd.s32 v17, v18;
	v18 =	vshrl.u32 v9, $0x2  }
0x7c: {  	v13 =	vshrl.u32 v13, $0x10;
	v11 =	vadd.s32 v11, v17;
	v17 =	vand.u32 $0xFFFF, v18  }
0x7d: {  	v14 =	vadd.s32 v14, v16;
	v11 =	vshrl.u32 v11, $0x10;
	v18 =	vmul.u32 $0x53E2, v17  }
0x7e: {  	v15 =	vshrl.u32 v15, $0x10;
	v12 =	vadd.s32 v12, v13;
	v13 =	vmul.u32 $0xD624, v17  }
0x7f: {  	v12 =	vadd.s32 v15, v12;
	v15 =	vand.u32 $0xFFFE, v18;
	v16 =	vshrl.u32 v18, $0x10  }
0x80: {  	v11 =	vadd.s32 v11, v12;
	v12 =	vshrl.u32 v13, $0x10;
	v13 =	vadd.s32 v19, v15  }
0x81: {  	v11 =	vshrl.u32 v11, $0xA;
	v12 =	vadd.s32 v12, v13;
	v13 =	vadd.s32 v16, v14  }
0x82: {  	v7 =	vadd.s32 v7, v8;
	v8 =	vmul.u32 $0xFFFFCF2C, v11;
	v11 =	vshrl.u32 v12, $0x10  }
0x83: {  	v11 =	vadd.s32 v11, v13  }
0x84: {  	v8 =	vadd.s32 v10, v8;
	v10 =	vshrl.u32 v11, $0xA  }
0x85: {  	v10 =	vmul.u32 $0xFFFFCF2C, v10  }
0x86: {  	v8 =	vmul.u32 $0x12BC, v8  }
0x87: {  	v9 =	vadd.s32 v9, v10  }
0x88: {  	v8 =	vadd.s32 v8, v9  }
0x89: {  	v5 =	vshrl.u32 v5, $0x10;
	v9 =	vshrl.u32 v8, $0x2;
	v10 =	vshrl.u32 v8, $0x12  }
0x8a: {  	v9 =	vand.u32 $0xFFFF, v9;
	v11 =	vmul.u32 $0xD624, v10;
	v10 =	vmul.u32 $0x53E2, v10  }
0x8b: {  	v5 =	vadd.s32 v5, v7;
	v7 =	vmul.u32 $0xD624, v9;
	v9 =	vmul.u32 $0x53E2, v9  }
0x8c: {  	v6 =	vshrl.u32 v6, $0x10;
	v12 =	vand.u32 $0xFFFC, v11;
	v11 =	vshrl.u32 v11, $0x10  }
0x8d: {  	v5 =	vadd.s32 v6, v5;
	v6 =	vand.u32 $0xFFFE, v9;
	v10 =	vadd.s32 v10, v11  }
0x8e: {  	v5 =	vshrl.u32 v5, $0x3;
	v7 =	vshrl.u32 v7, $0x10;
	v6 =	vadd.s32 v12, v6  }
0x8f: {  	v5 =	vmul.u32 $0xFFFFFFB0, v5;
	v6 =	vadd.s32 v7, v6;
	v7 =	vshrl.u32 v9, $0x10  }
0x90: {  	v6 =	vshrl.u32 v6, $0x10;
	v7 =	vadd.s32 v7, v10  }
0x91: {  	v3 =	vadd.s32 v3, v5;
	v5 =	vadd.s32 v6, v7  }
0x92: {  	v3 =	vmul.u32 $0x30D4, v3;
	v5 =	vshrl.u32 v5, $0xA  }
0x93: {  	v5 =	vmul.u32 $0xFFFFCF2C, v5  }
0x94: {  	v3 =	vadd.s32 v3, v8  }
0x95: {  	v3 =	vadd.s32 v5, v3  }
0x96: {  	[tilespmem:v2+s25+$0x0 ss:$0x1] =	vst.idx.msk $0xffff, v3;
	s25 =	smov.u32 s30;
	_ =	sdelay $0x2  }
0x97: {  	v3 =	vld.idx.msk [tilespmem:v4+s25+$0x0 ss:$0x1], $0xffff;
	_ =	sdelay $0x5  }
0x98: {  	v6 =	vand.u32 $0xFFFF, v3;
	v7 =	vshrl.u32 v3, $0x10;
	v9 =	vmul.u32 $0x7F4A7C15, v3  }
0x99: {  	v10 =	vmul.u32 $0x9E3779B9, v3;
	v5 =	vmul.u32 $0x999A, v7;
	v8 =	vmul.u32 $0x7F4A, v6  }
0x9a: {  	v11 =	vmul.u32 $0x7C15, v6;
	v12 =	vmul.u32 $0x7C15, v7;
	v13 =	vmul.u32 $0x7F4A, v7  }
0x9b: {  	v15 =	vshrl.u32 v9, $0x1;
	v14 =	vand.u32 $0xFFFE, v8;
	v8 =	vshrl.u32 v8, $0x10  }
0x9c: {  	v11 =	vshrl.u32 v11, $0x10;
	v16 =	vand.u32 $0xFFFF, v12;
	v10 =	vadd.s32 v10, v13  }
0x9d: {  	v12 =	vshrl.u32 v12, $0x10;
	v11 =	vadd.s32 v14, v11;
	v8 =	vadd.s32 v8, v10  }
0x9e: {  	v10 =	vmul.u32 $0x999A, v6;
	v11 =	vadd.s32 v16, v11;
	v12 =	vadd.s32 v12, v8  }
0x9f: {  	v8 =	vmul.u32 $0x1999, v6;
	v6 =	vshrl.u32 v11, $0x10;
	v11 =	vshrl.u32 v15, $0x1C  }
0xa0: {  	v10 =	vshrl.u32 v10, $0x10;
	v6 =	vadd.s32 v6, v12  }
.Ltmp1:
0xa1: {  	v12 =	vand.u32 $0xFFFF, v8;
	v13 =	vshll.u32 v6, $0x3;
	v14 =	vshrl.u32 v6, $0x1D;
	(pc) =	sbr.rel @p0 .LBB2_5-.Ltmp1, $4  }
0xa2: {  	v15 =	vadd.s32 v12, v10;
	v10 =	vor.u32 v11, v13;
	v6 =	vxor.u32 v6, v14  }
0xa3: {  	v11 =	vand.u32 $0xFFFE, v5;
	v9 =	vxor.u32 v9, v10;
	v10 =	vmul.u32 $0x1CE4E5B9, v6  }
0xa4: {  	v16 =	vand.u32 $0xFFFF, v9;
	v12 =	vshrl.u32 v9, $0x10;
	v13 =	vmul.u32 $0xBF58476D, v9  }
0xa5: {  	v6 =	vadd.s32 v11, v15;
	v14 =	vmul.u32 $0xE5B9, v16;
	v11 =	vmul.u32 $0x1CE4, v16  }
0xa6: {  	v4 =	vmul.u32 $0xE5B9, v12;
	v37 =	vmul.u32 $0x1CE4, v12;
	v10 =	vadd.s32 v13, v10  }
0xa7: {  	v38 =	vshrl.u32 v14, $0x10;
	v39 =	vand.u32 $0xFFFC, v11;
	v40 =	vshrl.u32 v11, $0x10  }
0xa8: {  	v13 =	vadd.s32 v39, v38;
	v41 =	vand.u32 $0xFFFF, v4;
	v10 =	vadd.s32 v37, v10  }
0xa9: {  	v4 =	vshrl.u32 v4, $0x10;
	v42 =	vadd.s32 v41, v13;
	v10 =	vadd.s32 v40, v10  }
0xaa: {  	v43 =	vshrl.u32 v42, $0x10;
	v4 =	vadd.s32 v4, v10  }
0xab: {  	v9 =	vmul.u32 $0x1CE4E5B9, v9;
	v4 =	vadd.s32 v43, v4  }
0xac: {  	v44 =	vshrl.u32 v4, $0x2  }
0xad: {  	v9 =	vxor.u32 v9, v4;
	v11 =	vshrl.u32 v4, $0x12;
	v10 =	vand.u32 $0xFFFF, v44  }
0xae: {  	v45 =	vmul.u32 $0xD624, v11;
	v46 =	vshrl.u32 v9, $0x12;
	v11 =	vmul.u32 $0x53E2, v11  }
0xaf: {  	v48 =	vshrl.u32 v9, $0x2;
	v47 =	vmul.u32 $0x53E2, v10;
	v15 =	vmul.u32 $0xD624, v46  }
0xb0: {  	v10 =	vmul.u32 $0xD624, v10;
	v13 =	vmul.u32 $0x53E2, v46;
	v16 =	vand.u32 $0xFFFC, v45  }
0xb1: {  	v12 =	vshrl.u32 v45, $0x10;
	v17 =	vand.u32 $0xFFFE, v47;
	v18 =	vand.u32 $0xFFFC, v15  }
0xb2: {  	v15 =	vshrl.u32 v15, $0x10;
	v16 =	vadd.s32 v16, v17;
	v17 =	vand.u32 $0xFFFF, v48  }
0xb3: {  	v10 =	vshrl.u32 v10, $0x10;
	v14 =	vshrl.u32 v47, $0x10;
	v49 =	vmul.u32 $0x53E2, v17  }
0xb4: {  	v11 =	vadd.s32 v11, v12;
	v13 =	vadd.s32 v13, v15;
	v50 =	vmul.u32 $0xD624, v17  }
0xb5: {  	v11 =	vadd.s32 v14, v11;
	v10 =	vadd.s32 v10, v16;
	v51 =	vand.u32 $0xFFFE, v49  }
0xb6: {  	v10 =	vshrl.u32 v10, $0x10;
	v52 =	vshrl.u32 v50, $0x10;
	v12 =	vadd.s32 v18, v51  }
0xb7: {  	v53 =	vshrl.u32 v49, $0x10;
	v10 =	vadd.s32 v10, v11;
	v54 =	vadd.s32 v52, v12  }
0xb8: {  	v10 =	vshrl.u32 v10, $0xA;
	v55 =	vadd.s32 v53, v13;
	v11 =	vshrl.u32 v54, $0x10  }
0xb9: {  	v10 =	vmul.u32 $0xFFFFCF2C, v10;
	v11 =	vadd.s32 v11, v55  }
0xba: {  	v11 =	vshrl.u32 v11, $0xA  }
0xbb: {  	v7 =	vmul.u32 $0x1999, v7;
	v4 =	vadd.s32 v4, v10;
	v56 =	vmul.u32 $0xFFFFCF2C, v11  }
0xbc: {  	v8 =	vshrl.u32 v8, $0x10;
	v4 =	vmul.u32 $0x12BC, v4  }
0xbd: {  	v5 =	vshrl.u32 v5, $0x10;
	v7 =	vadd.s32 v7, v8;
	v9 =	vadd.s32 v9, v56  }
0xbe: {  	v6 =	vshrl.u32 v6, $0x10;
	v5 =	vadd.s32 v5, v7;
	v4 =	vadd.s32 v4, v9  }
0xbf: {  	v5 =	vadd.s32 v6, v5;
	v57 =	vshrl.u32 v4, $0x2  }
0xc0: {  	v5 =	vshrl.u32 v5, $0x3;
	v9 =	vshrl.u32 v4, $0x12;
	v8 =	vand.u32 $0xFFFF, v57  }
0xc1: {  	v58 =	vmul.u32 $0xD624, v9;
	v59 =	vmul.u32 $0xD624, v8;
	v8 =	vmul.u32 $0x53E2, v8  }
0xc2: {  	v5 =	vmul.u32 $0xFFFFFFB0, v5  }
0xc3: {  	s30 =	sld [smem:$0x7FA];
	v9 =	vmul.u32 $0x53E2, v9;
	v60 =	vand.u32 $0xFFFC, v58;
	v61 =	vand.u32 $0xFFFE, v8  }
0xc4: {  	v10 =	vshrl.u32 v58, $0x10;
	v7 =	vshrl.u32 v59, $0x10;
	v6 =	vadd.s32 v60, v61  }
0xc5: {  	v9 =	vadd.s32 v9, v10;
	v62 =	vshrl.u32 v8, $0x10;
	v6 =	vadd.s32 v7, v6  }
0xc6: {  	s30 =	sadd.s32 $0x1, s30;
	v7 =	vadd.s32 v62, v9;
	v6 =	vshrl.u32 v6, $0x10  }
0xc7: {  	p0 =	sne.s32 s30, $0x50;
	v3 =	vadd.s32 v3, v5;
	v63 =	vadd.s32 v6, v7  }
.Ltmp2:
0xc8: {  	v3 =	vmul.u32 $0x30D4, v3;
	v5 =	vshrl.u32 v63, $0xA;
	(pc) =	sbr.rel @p0 .LBB2_4-.Ltmp2, $4  }
0xc9: {  	s2 =	sld [smem:$0x7FB];
	v5 =	vmul.u32 $0xFFFFCF2C, v5  }
0xca: {  	v3 =	vadd.s32 v3, v4  }
0xcb: {  	v3 =	vadd.s32 v5, v3  }
0xcc: {  	s31 =	sadd.s32 $0x80, s31;
	s2 =	sadd.s32 $0x80, s2;
	[tilespmem:v2+s25+$0x0 ss:$0x1] =	vst.idx.msk $0xffff, v3  }
0xcd: {  	s2 =	simm.s32 $0x0;
	s25 =	rddreg [dreg:$0x16];
	s30 =	simm.s32 $0x2800  }
0xce: {  	[hbm4b:s25+s2] =	stream.linear.scatter [tilespmem:s30], [sflag:$0x12], $0x2800, $0x38;
	[tilespmem:$0x1F080] =	vst v63  }
0xcf: {  	s25 =	simm.s32 $0x12  }
0xd0: {  	_ =	swait.ge [sflag:s25], $0x2800  }
0xd1: {  	[sflag:s25] =	ssyncset.done $0x0  }
0xd2: {  	s31 =	simm.s32 $0xF000;
	[sflag:s25] =	ssyncadd.s32 $0xFFFFD800  }
0xd3: {  	s2 =	simm.s32 $0x200;
	s25 =	simm.s32 $0x2800;
	s30 =	rddreg [dreg:$0x3]  }
.LBB2_8:
0xd4: {  	[spmem:s30] =	stream.indirect.scatter.add.s32 [tilespmem:s31], [sflag:$0x1], $0x1, s25, s29, $0xb8;
	[tilespmem:$0x1F080] =	vst v63  }
0xd5: {  	s25 =	smov.u32 s2;
	p0 =	sne.s32 s2, $0x9E00  }
.Ltmp3:
0xd6: {  	s2 =	sadd.s32 $0x200, s2;
	(pc) =	sbr.rel @p0 .LBB2_8-.Ltmp3, $3  }
0xd7: {  	_ =	sdelay $0x1  }
0xd8: {  	s25 =	sshra.s32 s25, $0x2  }
0xd9: {  	s25 =	sadd.s32 $0x2800, s25  }
0xda: {  	[spmem:s30] =	stream.indirect.scatter.add.s32 [tilespmem:s31], [sflag:$0x1], $0x1, s25, s29, $0xb8;
	[tilespmem:$0x1F080] =	vst v63  }
0xdb: {  	s2 =	simm.s32 $0x2800;
	s31 =	simm.s32 $0x5000  }
0xdc: {  	[tilespmem:s31], [sflag:$0x2] =	stream.indirect.gather [hbm4b:s4+s29], $0x20, s2, s29, $0xb8;
	[tilespmem:$0x1F080] =	vst v63  }
0xdd: {  	s25 =	simm.s32 $0x2880  }
0xde: {  	[tilespmem:s1], [sflag:$0x3] =	stream.indirect.gather [hbm4b:s4+s29], $0x20, s25, s29, $0xb8;
	[tilespmem:$0x1F080] =	vst v63  }
0xdf: {  	s30 =	simm.s32 $0x2900  }
0xe0: {  	[tilespmem:s0], [sflag:$0x4] =	stream.indirect.gather [hbm4b:s4+s29], $0x20, s30, s29, $0xb8;
	[tilespmem:$0x1F080] =	vst v63  }
0xe1: {  	s25 =	simm.s32 $0x2980  }
0xe2: {  	[tilespmem:s5], [sflag:$0x5] =	stream.indirect.gather [hbm4b:s4+s29], $0x20, s25, s29, $0xb8;
	[tilespmem:$0x1F080] =	vst v63  }
0xe3: {  	s30 =	simm.s32 $0x2A00  }
0xe4: {  	[tilespmem:s7], [sflag:$0x6] =	stream.indirect.gather [hbm4b:s4+s29], $0x20, s30, s29, $0xb8;
	[tilespmem:$0x1F080] =	vst v63  }
0xe5: {  	s25 =	simm.s32 $0x2A80  }
0xe6: {  	[tilespmem:s8], [sflag:$0x7] =	stream.indirect.gather [hbm4b:s4+s29], $0x20, s25, s29, $0xb8;
	[tilespmem:$0x1F080] =	vst v63  }
0xe7: {  	s30 =	simm.s32 $0x2B00  }
0xe8: {  	[tilespmem:s9], [sflag:$0x8] =	stream.indirect.gather [hbm4b:s4+s29], $0x20, s30, s29, $0xb8;
	[tilespmem:$0x1F080] =	vst v63  }
0xe9: {  	s25 =	simm.s32 $0x2B80  }
0xea: {  	[tilespmem:s10], [sflag:$0x9] =	stream.indirect.gather [hbm4b:s4+s29], $0x20, s25, s29, $0xb8;
	[tilespmem:$0x1F080] =	vst v63  }
0xeb: {  	_ =	swait.ge [sflag:s11], $0x1000  }
0xec: {  	s30 =	rddreg [dreg:$0x5];
	[sflag:s11] =	ssyncset.done $0x0  }
0xed: {  	[sflag:s11] =	ssyncadd.s32 $0xFFFFF000;
	s2 =	sadd.s32 $0x0, s30  }
0xee: {  	[hbm4b:s2+s3] =	stream.linear.scatter [tilespmem:s31], [sflag:$0xA], $0x1000, $0x38;
	[tilespmem:$0x1F080] =	vst v63  }
0xef: {  	_ =	swait.ge [sflag:s12], $0x1000  }
0xf0: {  	s25 =	rddreg [dreg:$0xc];
	[sflag:s12] =	ssyncset.done $0x0  }
0xf1: {  	[sflag:s12] =	ssyncadd.s32 $0xFFFFF000;
	s2 =	sadd.s32 $0x0, s25  }
0xf2: {  	[hbm4b:s2+s3] =	stream.linear.scatter [tilespmem:s1], [sflag:$0xB], $0x1000, $0x38;
	[tilespmem:$0x1F080] =	vst v63  }
0xf3: {  	_ =	swait.ge [sflag:s13], $0x1000  }
0xf4: {  	s30 =	rddreg [dreg:$0xb];
	[sflag:s13] =	ssyncset.done $0x0  }
0xf5: {  	[sflag:s13] =	ssyncadd.s32 $0xFFFFF000;
	s2 =	sadd.s32 $0x0, s30  }
0xf6: {  	[hbm4b:s2+s3] =	stream.linear.scatter [tilespmem:s0], [sflag:$0xC], $0x1000, $0x38;
	[tilespmem:$0x1F080] =	vst v63  }
0xf7: {  	_ =	swait.ge [sflag:s14], $0x1000  }
0xf8: {  	s25 =	rddreg [dreg:$0xa];
	[sflag:s14] =	ssyncset.done $0x0  }
0xf9: {  	[sflag:s14] =	ssyncadd.s32 $0xFFFFF000;
	s2 =	sadd.s32 $0x0, s25  }
0xfa: {  	[hbm4b:s2+s3] =	stream.linear.scatter [tilespmem:s5], [sflag:$0xD], $0x1000, $0x38;
	[tilespmem:$0x1F080] =	vst v63  }
0xfb: {  	_ =	swait.ge [sflag:s15], $0x1000  }
0xfc: {  	s30 =	rddreg [dreg:$0x9];
	[sflag:s15] =	ssyncset.done $0x0  }
0xfd: {  	[sflag:s15] =	ssyncadd.s32 $0xFFFFF000;
	s2 =	sadd.s32 $0x0, s30  }
0xfe: {  	[hbm4b:s2+s3] =	stream.linear.scatter [tilespmem:s7], [sflag:$0xE], $0x1000, $0x38;
	[tilespmem:$0x1F080] =	vst v63  }
0xff: {  	_ =	swait.ge [sflag:s16], $0x1000  }
0x100: {  	s25 =	rddreg [dreg:$0x8];
	[sflag:s16] =	ssyncset.done $0x0  }
0x101: {  	[sflag:s16] =	ssyncadd.s32 $0xFFFFF000;
	s2 =	sadd.s32 $0x0, s25  }
0x102: {  	[hbm4b:s2+s3] =	stream.linear.scatter [tilespmem:s8], [sflag:$0xF], $0x1000, $0x38;
	[tilespmem:$0x1F080] =	vst v63  }
0x103: {  	_ =	swait.ge [sflag:s17], $0x1000  }
0x104: {  	s30 =	rddreg [dreg:$0x7];
	[sflag:s17] =	ssyncset.done $0x0  }
0x105: {  	[sflag:s17] =	ssyncadd.s32 $0xFFFFF000;
	s2 =	sadd.s32 $0x0, s30  }
0x106: {  	[hbm4b:s2+s3] =	stream.linear.scatter [tilespmem:s9], [sflag:$0x10], $0x1000, $0x38;
	[tilespmem:$0x1F080] =	vst v63  }
0x107: {  	_ =	swait.ge [sflag:s18], $0x1000  }
0x108: {  	s25 =	rddreg [dreg:$0x6];
	[sflag:s18] =	ssyncset.done $0x0  }
0x109: {  	[sflag:s18] =	ssyncadd.s32 $0xFFFFF000;
	s2 =	sadd.s32 $0x0, s25  }
0x10a: {  	[hbm4b:s2+s3] =	stream.linear.scatter [tilespmem:s10], [sflag:$0x11], $0x1000, $0x38;
	[tilespmem:$0x1F080] =	vst v63  }
0x10b: {  	_ =	swait.ge [sflag:s19], $0x1000  }
0x10c: {  	[sflag:s19] =	ssyncset.done $0x0  }
0x10d: {  	s30 =	simm.s32 $0x2C00;
	[sflag:s19] =	ssyncadd.s32 $0xFFFFF000  }
0x10e: {  	[tilespmem:s31], [sflag:$0x2] =	stream.indirect.gather [hbm4b:s4+s29], $0x20, s30, s29, $0xb8;
	[tilespmem:$0x1F080] =	vst v63  }
0x10f: {  	_ =	swait.ge [sflag:s28], $0x1000  }
0x110: {  	[sflag:s28] =	ssyncset.done $0x0  }
0x111: {  	s25 =	simm.s32 $0x2C80;
	[sflag:s28] =	ssyncadd.s32 $0xFFFFF000  }
0x112: {  	[tilespmem:s1], [sflag:$0x3] =	stream.indirect.gather [hbm4b:s4+s29], $0x20, s25, s29, $0xb8;
	[tilespmem:$0x1F080] =	vst v63  }
0x113: {  	_ =	swait.ge [sflag:s20], $0x1000  }
0x114: {  	[sflag:s20] =	ssyncset.done $0x0  }
0x115: {  	s30 =	simm.s32 $0x2D00;
	[sflag:s20] =	ssyncadd.s32 $0xFFFFF000  }
0x116: {  	[tilespmem:s0], [sflag:$0x4] =	stream.indirect.gather [hbm4b:s4+s29], $0x20, s30, s29, $0xb8;
	[tilespmem:$0x1F080] =	vst v63  }
0x117: {  	_ =	swait.ge [sflag:s21], $0x1000  }
0x118: {  	[sflag:s21] =	ssyncset.done $0x0  }
0x119: {  	s25 =	simm.s32 $0x2D80;
	[sflag:s21] =	ssyncadd.s32 $0xFFFFF000  }
0x11a: {  	[tilespmem:s5], [sflag:$0x5] =	stream.indirect.gather [hbm4b:s4+s29], $0x20, s25, s29, $0xb8;
	[tilespmem:$0x1F080] =	vst v63  }
0x11b: {  	_ =	swait.ge [sflag:s22], $0x1000  }
0x11c: {  	[sflag:s22] =	ssyncset.done $0x0  }
0x11d: {  	s30 =	simm.s32 $0x2E00;
	[sflag:s22] =	ssyncadd.s32 $0xFFFFF000  }
0x11e: {  	[tilespmem:s7], [sflag:$0x6] =	stream.indirect.gather [hbm4b:s4+s29], $0x20, s30, s29, $0xb8;
	[tilespmem:$0x1F080] =	vst v63  }
0x11f: {  	_ =	swait.ge [sflag:s23], $0x1000  }
0x120: {  	[sflag:s23] =	ssyncset.done $0x0  }
0x121: {  	s25 =	simm.s32 $0x2E80;
	[sflag:s23] =	ssyncadd.s32 $0xFFFFF000  }
0x122: {  	[tilespmem:s8], [sflag:$0x7] =	stream.indirect.gather [hbm4b:s4+s29], $0x20, s25, s29, $0xb8;
	[tilespmem:$0x1F080] =	vst v63  }
0x123: {  	_ =	swait.ge [sflag:s24], $0x1000  }
0x124: {  	[sflag:s24] =	ssyncset.done $0x0  }
0x125: {  	s30 =	simm.s32 $0x2F00;
	[sflag:s24] =	ssyncadd.s32 $0xFFFFF000  }
0x126: {  	[tilespmem:s9], [sflag:$0x8] =	stream.indirect.gather [hbm4b:s4+s29], $0x20, s30, s29, $0xb8;
	[tilespmem:$0x1F080] =	vst v63  }
0x127: {  	_ =	swait.ge [sflag:s6], $0x1000  }
0x128: {  	[sflag:s6] =	ssyncset.done $0x0  }
0x129: {  	s2 =	simm.s32 $0x1000;
	s25 =	simm.s32 $0x2F80;
	[sflag:s6] =	ssyncadd.s32 $0xFFFFF000  }
.LBB2_10:
0x12a: {  	[tilespmem:s10], [sflag:$0x9] =	stream.indirect.gather [hbm4b:s4+s29], $0x20, s25, s29, $0xb8;
	[tilespmem:$0x1F080] =	vst v63  }
0x12b: {  	_ =	swait.ge [sflag:s11], $0x1000  }
0x12c: {  	s25 =	smov.u32 s2;
	s30 =	rddreg [dreg:$0x5];
	[sflag:s11] =	ssyncset.done $0x0  }
0x12d: {  	[sflag:s11] =	ssyncadd.s32 $0xFFFFF000;
	s30 =	sadd.s32 s25, s30  }
0x12e: {  	[hbm4b:s30+s3] =	stream.linear.scatter [tilespmem:s31], [sflag:$0xA], $0x1000, $0x38;
	[tilespmem:$0x1F080] =	vst v63  }
0x12f: {  	_ =	swait.ge [sflag:s12], $0x1000  }
0x130: {  	s30 =	rddreg [dreg:$0xc];
	[sflag:s12] =	ssyncset.done $0x0  }
0x131: {  	[sflag:s12] =	ssyncadd.s32 $0xFFFFF000;
	s30 =	sadd.s32 s25, s30  }
0x132: {  	[hbm4b:s30+s3] =	stream.linear.scatter [tilespmem:s1], [sflag:$0xB], $0x1000, $0x38;
	[tilespmem:$0x1F080] =	vst v63  }
0x133: {  	_ =	swait.ge [sflag:s13], $0x1000  }
0x134: {  	s30 =	rddreg [dreg:$0xb];
	[sflag:s13] =	ssyncset.done $0x0  }
0x135: {  	[sflag:s13] =	ssyncadd.s32 $0xFFFFF000;
	s30 =	sadd.s32 s25, s30  }
0x136: {  	[hbm4b:s30+s3] =	stream.linear.scatter [tilespmem:s0], [sflag:$0xC], $0x1000, $0x38;
	[tilespmem:$0x1F080] =	vst v63  }
0x137: {  	_ =	swait.ge [sflag:s14], $0x1000  }
0x138: {  	s30 =	rddreg [dreg:$0xa];
	[sflag:s14] =	ssyncset.done $0x0  }
0x139: {  	[sflag:s14] =	ssyncadd.s32 $0xFFFFF000;
	s30 =	sadd.s32 s25, s30  }
0x13a: {  	[hbm4b:s30+s3] =	stream.linear.scatter [tilespmem:s5], [sflag:$0xD], $0x1000, $0x38;
	[tilespmem:$0x1F080] =	vst v63  }
0x13b: {  	_ =	swait.ge [sflag:s15], $0x1000  }
0x13c: {  	s30 =	rddreg [dreg:$0x9];
	[sflag:s15] =	ssyncset.done $0x0  }
0x13d: {  	[sflag:s15] =	ssyncadd.s32 $0xFFFFF000;
	s30 =	sadd.s32 s25, s30  }
0x13e: {  	[hbm4b:s30+s3] =	stream.linear.scatter [tilespmem:s7], [sflag:$0xE], $0x1000, $0x38;
	[tilespmem:$0x1F080] =	vst v63  }
0x13f: {  	_ =	swait.ge [sflag:s16], $0x1000  }
0x140: {  	s30 =	rddreg [dreg:$0x8];
	[sflag:s16] =	ssyncset.done $0x0  }
0x141: {  	[sflag:s16] =	ssyncadd.s32 $0xFFFFF000;
	s30 =	sadd.s32 s25, s30  }
0x142: {  	[hbm4b:s30+s3] =	stream.linear.scatter [tilespmem:s8], [sflag:$0xF], $0x1000, $0x38;
	[tilespmem:$0x1F080] =	vst v63  }
0x143: {  	_ =	swait.ge [sflag:s17], $0x1000  }
0x144: {  	s30 =	rddreg [dreg:$0x7];
	[sflag:s17] =	ssyncset.done $0x0  }
0x145: {  	[sflag:s17] =	ssyncadd.s32 $0xFFFFF000;
	s30 =	sadd.s32 s25, s30  }
0x146: {  	[hbm4b:s30+s3] =	stream.linear.scatter [tilespmem:s9], [sflag:$0x10], $0x1000, $0x38;
	[tilespmem:$0x1F080] =	vst v63  }
0x147: {  	_ =	swait.ge [sflag:s18], $0x1000  }
0x148: {  	s30 =	rddreg [dreg:$0x6];
	[sflag:s18] =	ssyncset.done $0x0  }
0x149: {  	[sflag:s18] =	ssyncadd.s32 $0xFFFFF000;
	s30 =	sadd.s32 s25, s30  }
0x14a: {  	[hbm4b:s30+s3] =	stream.linear.scatter [tilespmem:s10], [sflag:$0x11], $0x1000, $0x38;
	[tilespmem:$0x1F080] =	vst v63  }
0x14b: {  	_ =	swait.ge [sflag:s19], $0x1000  }
0x14c: {  	s25 =	sshra.s32 s25, $0x2;
	[sflag:s19] =	ssyncset.done $0x0  }
0x14d: {  	s30 =	sadd.s32 $0x2C00, s25;
	[sflag:s19] =	ssyncadd.s32 $0xFFFFF000  }
0x14e: {  	[tilespmem:s31], [sflag:$0x2] =	stream.indirect.gather [hbm4b:s4+s29], $0x20, s30, s29, $0xb8;
	[tilespmem:$0x1F080] =	vst v63  }
0x14f: {  	_ =	swait.ge [sflag:s28], $0x1000  }
0x150: {  	[sflag:s28] =	ssyncset.done $0x0  }
0x151: {  	s30 =	sadd.s32 $0x2C80, s25;
	[sflag:s28] =	ssyncadd.s32 $0xFFFFF000  }
0x152: {  	[tilespmem:s1], [sflag:$0x3] =	stream.indirect.gather [hbm4b:s4+s29], $0x20, s30, s29, $0xb8;
	[tilespmem:$0x1F080] =	vst v63  }
0x153: {  	_ =	swait.ge [sflag:s20], $0x1000  }
0x154: {  	[sflag:s20] =	ssyncset.done $0x0  }
0x155: {  	s30 =	sadd.s32 $0x2D00, s25;
	[sflag:s20] =	ssyncadd.s32 $0xFFFFF000  }
0x156: {  	[tilespmem:s0], [sflag:$0x4] =	stream.indirect.gather [hbm4b:s4+s29], $0x20, s30, s29, $0xb8;
	[tilespmem:$0x1F080] =	vst v63  }
0x157: {  	_ =	swait.ge [sflag:s21], $0x1000  }
0x158: {  	[sflag:s21] =	ssyncset.done $0x0  }
0x159: {  	s30 =	sadd.s32 $0x2D80, s25;
	[sflag:s21] =	ssyncadd.s32 $0xFFFFF000  }
0x15a: {  	[tilespmem:s5], [sflag:$0x5] =	stream.indirect.gather [hbm4b:s4+s29], $0x20, s30, s29, $0xb8;
	[tilespmem:$0x1F080] =	vst v63  }
0x15b: {  	_ =	swait.ge [sflag:s22], $0x1000  }
0x15c: {  	[sflag:s22] =	ssyncset.done $0x0  }
0x15d: {  	s30 =	sadd.s32 $0x2E00, s25;
	[sflag:s22] =	ssyncadd.s32 $0xFFFFF000  }
0x15e: {  	[tilespmem:s7], [sflag:$0x6] =	stream.indirect.gather [hbm4b:s4+s29], $0x20, s30, s29, $0xb8;
	[tilespmem:$0x1F080] =	vst v63  }
0x15f: {  	_ =	swait.ge [sflag:s23], $0x1000  }
0x160: {  	[sflag:s23] =	ssyncset.done $0x0  }
0x161: {  	s30 =	sadd.s32 $0x2E80, s25;
	[sflag:s23] =	ssyncadd.s32 $0xFFFFF000  }
0x162: {  	[tilespmem:s8], [sflag:$0x7] =	stream.indirect.gather [hbm4b:s4+s29], $0x20, s30, s29, $0xb8;
	[tilespmem:$0x1F080] =	vst v63  }
0x163: {  	_ =	swait.ge [sflag:s24], $0x1000  }
0x164: {  	p0 =	sne.s32 s2, $0x8000;
	[sflag:s24] =	ssyncset.done $0x0  }
.Ltmp4:
0x165: {  	s30 =	sadd.s32 $0x2F00, s25;
	[sflag:s24] =	ssyncadd.s32 $0xFFFFF000;
	(pc) =	sbr.rel @p0 .LBB2_10-.Ltmp4, $4  }
0x166: {  	[tilespmem:s9], [sflag:$0x8] =	stream.indirect.gather [hbm4b:s4+s29], $0x20, s30, s29, $0xb8;
	[tilespmem:$0x1F080] =	vst v63  }
0x167: {  	_ =	swait.ge [sflag:s6], $0x1000  }
0x168: {  	[sflag:s6] =	ssyncset.done $0x0  }
0x169: {  	s2 =	sadd.s32 $0x1000, s2;
	s25 =	sadd.s32 $0x2F80, s25;
	[sflag:s6] =	ssyncadd.s32 $0xFFFFF000  }
0x16a: {  	[tilespmem:s10], [sflag:$0x9] =	stream.indirect.gather [hbm4b:s4+s29], $0x20, s25, s29, $0xb8;
	[tilespmem:$0x1F080] =	vst v63  }
0x16b: {  	_ =	swait.ge [sflag:s11], $0x1000  }
0x16c: {  	[sflag:s11] =	ssyncset.done $0x0  }
0x16d: {  	s2 =	rddreg [dreg:$0x17];
	[sflag:s11] =	ssyncadd.s32 $0xFFFFF000  }
0x16e: {  	[hbm4b:s2+s3] =	stream.linear.scatter [tilespmem:s31], [sflag:$0xA], $0x1000, $0x38;
	[tilespmem:$0x1F080] =	vst v63  }
0x16f: {  	_ =	swait.ge [sflag:s12], $0x1000  }
0x170: {  	[sflag:s12] =	ssyncset.done $0x0  }
0x171: {  	s31 =	rddreg [dreg:$0x18];
	[sflag:s12] =	ssyncadd.s32 $0xFFFFF000  }
0x172: {  	[hbm4b:s31+s3] =	stream.linear.scatter [tilespmem:s1], [sflag:$0xB], $0x1000, $0x38;
	[tilespmem:$0x1F080] =	vst v63  }
0x173: {  	_ =	swait.ge [sflag:s13], $0x1000  }
0x174: {  	[sflag:s13] =	ssyncset.done $0x0  }
0x175: {  	s25 =	rddreg [dreg:$0x19];
	[sflag:s13] =	ssyncadd.s32 $0xFFFFF000  }
0x176: {  	[hbm4b:s25+s3] =	stream.linear.scatter [tilespmem:s0], [sflag:$0xC], $0x1000, $0x38;
	[tilespmem:$0x1F080] =	vst v63  }
0x177: {  	_ =	swait.ge [sflag:s14], $0x1000  }
0x178: {  	[sflag:s14] =	ssyncset.done $0x0  }
0x179: {  	s30 =	rddreg [dreg:$0x1a];
	[sflag:s14] =	ssyncadd.s32 $0xFFFFF000  }
0x17a: {  	[hbm4b:s30+s3] =	stream.linear.scatter [tilespmem:s5], [sflag:$0xD], $0x1000, $0x38;
	[tilespmem:$0x1F080] =	vst v63  }
0x17b: {  	_ =	swait.ge [sflag:s15], $0x1000  }
0x17c: {  	[sflag:s15] =	ssyncset.done $0x0  }
0x17d: {  	s31 =	rddreg [dreg:$0x1b];
	[sflag:s15] =	ssyncadd.s32 $0xFFFFF000  }
0x17e: {  	[hbm4b:s31+s3] =	stream.linear.scatter [tilespmem:s7], [sflag:$0xE], $0x1000, $0x38;
	[tilespmem:$0x1F080] =	vst v63  }
0x17f: {  	_ =	swait.ge [sflag:s16], $0x1000  }
0x180: {  	[sflag:s16] =	ssyncset.done $0x0  }
0x181: {  	s25 =	rddreg [dreg:$0x1c];
	[sflag:s16] =	ssyncadd.s32 $0xFFFFF000  }
0x182: {  	[hbm4b:s25+s3] =	stream.linear.scatter [tilespmem:s8], [sflag:$0xF], $0x1000, $0x38;
	[tilespmem:$0x1F080] =	vst v63  }
0x183: {  	_ =	swait.ge [sflag:s17], $0x1000  }
0x184: {  	[sflag:s17] =	ssyncset.done $0x0  }
0x185: {  	s30 =	rddreg [dreg:$0x1d];
	[sflag:s17] =	ssyncadd.s32 $0xFFFFF000  }
0x186: {  	[hbm4b:s30+s3] =	stream.linear.scatter [tilespmem:s9], [sflag:$0x10], $0x1000, $0x38;
	[tilespmem:$0x1F080] =	vst v63  }
0x187: {  	_ =	swait.ge [sflag:s18], $0x1000  }
0x188: {  	[sflag:s18] =	ssyncset.done $0x0  }
0x189: {  	s31 =	rddreg [dreg:$0x1e];
	[sflag:s18] =	ssyncadd.s32 $0xFFFFF000  }
0x18a: {  	[hbm4b:s31+s3] =	stream.linear.scatter [tilespmem:s10], [sflag:$0x11], $0x1000, $0x38;
	[tilespmem:$0x1F080] =	vst v63  }
0x18b: {  	_ =	swait.ge [sflag:s19], $0x1000  }
0x18c: {  	[sflag:s19] =	ssyncset.done $0x0  }
0x18d: {  	[sflag:s19] =	ssyncadd.s32 $0xFFFFF000  }
0x18e: {  	_ =	swait.ge [sflag:s28], $0x1000  }
0x18f: {  	[sflag:s28] =	ssyncset.done $0x0  }
0x190: {  	[sflag:s28] =	ssyncadd.s32 $0xFFFFF000  }
0x191: {  	_ =	swait.ge [sflag:s20], $0x1000  }
0x192: {  	[sflag:s20] =	ssyncset.done $0x0  }
0x193: {  	[sflag:s20] =	ssyncadd.s32 $0xFFFFF000  }
0x194: {  	_ =	swait.ge [sflag:s21], $0x1000  }
0x195: {  	[sflag:s21] =	ssyncset.done $0x0  }
0x196: {  	[sflag:s21] =	ssyncadd.s32 $0xFFFFF000  }
0x197: {  	_ =	swait.ge [sflag:s22], $0x1000  }
0x198: {  	[sflag:s22] =	ssyncset.done $0x0  }
0x199: {  	[sflag:s22] =	ssyncadd.s32 $0xFFFFF000  }
0x19a: {  	_ =	swait.ge [sflag:s23], $0x1000  }
0x19b: {  	[sflag:s23] =	ssyncset.done $0x0  }
0x19c: {  	[sflag:s23] =	ssyncadd.s32 $0xFFFFF000  }
0x19d: {  	_ =	swait.ge [sflag:s24], $0x1000  }
0x19e: {  	[sflag:s24] =	ssyncset.done $0x0  }
0x19f: {  	[sflag:s24] =	ssyncadd.s32 $0xFFFFF000  }
0x1a0: {  	_ =	swait.ge [sflag:s6], $0x1000  }
0x1a1: {  	[sflag:s6] =	ssyncset.done $0x0  }
0x1a2: {  	[sflag:s6] =	ssyncadd.s32 $0xFFFFF000  }
0x1a3: {  	_ =	swait.ge [sflag:s26], $0x80  }
0x1a4: {  	s2 =	simm.s32 $0x4F;
	[sflag:s26] =	ssyncset.done $0x0  }
.LBB2_12:
0x1a5: {  	p0 =	sne.s32 s2, $0x1;
	s2 =	sadd.s32 $0xFFFFFFFF, s2;
	[sflag:s26] =	ssyncadd.s32 $0xFFFFFF80  }
.Ltmp5:
0x1a6: {  	(pc) =	sbr.rel @p0 .LBB2_12-.Ltmp5, $3  }
0x1a7: {  	_ =	sdelay $0x1  }
0x1a8: {  	_ =	swait.ge [sflag:s26], $0x80  }
0x1a9: {  	[sflag:s26] =	ssyncset.done $0x0  }
0x1aa: {  	[sflag:s26] =	ssyncadd.s32 $0xFFFFFF80  }
0x1ab: {  	[bflag:$0x0] =	sbarrier.arrive $0xFFFF  }
0x1ac: {  	s2 =	stileid.u32;
	s30 =	sld [smem:$0x7FD]  }
0x1ad: {  	s2 =	sshll.u32 s2, $0x6;
	s31 =	rddreg [dreg:$0xe]  }
0x1ae: {  	s2 =	sor.u32 $0x1C12, s2;
	s25 =	sshrl.u32 s31, $0x3  }
0x1af: {  	[hbm:s30], [sflag:s2] =	dma.local [spmem:s25], $0x2000  }
0x1b0: {  	s30 =	simm.s32 $0x12  }
0x1b1: {  	_ =	swait.ge [sflag:s30], $0x2000  }
0x1b2: {  	s2 =	sld [smem:$0x7FC];
	_ =	sdelay $0x2  }
0x1b3: {  	s25 =	sadd.s32 $0x1, s2;
	s2 =	rddreg [dreg:$0x1f]  }
0x1b4: {  	p0 =	sne.s32 s25, s2  }
.Ltmp6:
0x1b5: {  	_ = 	snop;
	(pc) =	sbr.rel @p0 .LBB2_1-.Ltmp6, $3  }
0x1b6: {  	_ =	sdelay $0x1  }
0x1b7: {  	[sflag:s30] =	ssyncset.done $0x0  }
0x1b8: {  	[sflag:s30] =	ssyncadd.s32 $0xFFFFE000  }
0x1b9: {  	_ =	sfence.sel $0x180000  }
0x1ba: {  	[bflag:$0x0] =	sbarrier.arrive $0xFFFF  }
0x1bb: {  	_ =	strace $0x90000047  }
0x1bc: {  	s0 =	stileid.u32;
	[bflag:$0x2] =	sbarrier.arrive $0xFFFF  }
0x1bd: {  	p0 =	sne.s32 s0, $0x0;
	s0 =	rddreg [dreg:$0x4]  }
0x1be: {  	s0 =	sadd.s32 @!p0 $0x100000, s0  }
0x1bf: {  	[sflag:s0] =	ssyncadd.tile.s32 @!p0 $0x1;
	_ =	shalt  }
.Lfunc_end2:
_tile_overlayer_lowered:
.L_overlay_start_2:
0x1c0: {  	(tag) =	ssettag $0x2  }
0x1c1: {  	s0 =	rddreg [dreg:$0x0];
	s2 =	stileid.u32  }
0x1c2: {  	s1 =	rddreg [dreg:$0x1];
	p0 =	sne.s32 s2, $0x0  }
0x1c3: {  	s3 =	rddreg [dreg:$0x2];
	[bflag:$0x3] =	sbarrier.arrive $0xFFFF;
	s2 =	simm.s32 @!p0 $0x1C12  }
0x1c4: {  	[timem:s3], [sflag:s2] =	dma.local @!p0 [hbm:s0], s1  }
0x1c5: {  	s0 =	simm.s32 @!p0 $0x12  }
0x1c6: {  	_ =	swait.ge @!p0 [sflag:s0], s1  }
0x1c7: {  	s1 =	ssub.s32 @!p0 $0x0, s1;
	[sflag:s0] =	ssyncset.done @!p0 $0x0  }
0x1c8: {  	[sflag:s0] =	ssyncadd.s32 @!p0 s1  }
0x1c9: {  	[bflag:$0x3] =	sbarrier.arrive $0xFFFF  }
0x1ca: {  	_ =	shalt  }

// kernel: kernel.7.cloned.1.call-start
scs
__scs_entry_jumppad:
0x0: {  	(pc) =	sbr.rel $0x88, $3  }
0x1: {  	(tag) =	ssettag $0x0;
	lr =	simm.s32 $0x1  }
0x2: {  	[smem:$0x3F9D] =	sst lr;
	_ =	strace $0xD0000000  }
0x3: {  	_ = 	snop  }
0x4: {  	_ = 	snop  }
0x5: {  	_ = 	snop  }
0x6: {  	_ = 	snop  }
0x7: {  	_ = 	snop  }
__scs_overlays_trampoline_lowered:
0x8: {  	[smem:$0x3FAC] =	sst s0  }
0x9: {  	[smem:$0x3FAD] =	sst s1  }
0xa: {  	[smem:$0x3FAE] =	sst s2  }
0xb: {  	[smem:$0x3FAF] =	sst s3  }
0xc: {  	[smem:$0x3FB0] =	sst s4  }
0xd: {  	[smem:$0x3FB1] =	sst s5  }
0xe: {  	[smem:$0x3FB2] =	sst s6  }
0xf: {  	[smem:$0x3FB3] =	sst s7  }
0x10: {  	[smem:$0x3FB4] =	sst s8  }
0x11: {  	[smem:$0x3FB5] =	sst s9;
	s0 =	simm.s32 @!p0 $0x0  }
0x12: {  	s1 =	sld [smem:$0x3F9B];
	s0 =	simm.s32 @p0 $0x1  }
0x13: {  	[smem:$0x3FB6] =	sst s0;
	s0 =	simm.s32 @!p1 $0x0  }
0x14: {  	s2 =	sld [smem:$0x3F9A];
	s0 =	simm.s32 @p1 $0x1  }
0x15: {  	[smem:$0x3FB7] =	sst s0;
	s0 =	simm.s32 @!p2 $0x0  }
0x16: {  	s3 =	sld [smem:$0x3FDB];
	s0 =	simm.s32 @p2 $0x1  }
0x17: {  	s4 =	simm.s32 $0x1BF5;
	[smem:$0x3FB9] =	sst s0  }
0x18: {  	s0 =	sld [smem:$0x3F9C];
	_ =	swait.ge [sflag:s4], $0x0  }
0x19: {  	s7 =	sld [smem:$0x3F9D]  }
0x1a: {  	s8 =	sadd.s32 $0xFFFFE003, lr  }
0x1b: {  	s9 =	sadd.s32 $0xFFFFFEF7, lr;
	s5 =	simm.s32 $0xFFFFFFFF;
	p2 =	slt.u32 s8, $0xFFFFF086  }
0x1c: {  	p1 =	slt.u32 s9, $0xF7A;
	s5 =	simm.s32 @!p2 $0x0  }
0x1d: {  	s5 =	simm.s32 @p1 $0x1;
	p0 =	seq.s32 s7, s2  }
0x1e: {  	s7 =	smul.u32 @!p0 $0xF7A, s2;
	p2 =	seq.s32 @!p0 s5, $0x0  }
0x1f: {  	s9 =	smul.u32 $0xF7A, s1;
	s8 =	simm.s32 @!p0 $0x1BF5;
	p2 =	por !p2, p0  }
0x20: {  	[sflag:s8] =	ssyncset.s32 @!p0 $0xFFFFF086;
	s6 =	sadd.s32 @!p0 s3, s7;
	s7 =	simm.s32 @!p0 $0x108  }
0x21: {  	s3 =	sadd.s32 s3, s9;
	s6 =	sadd.s32 @!p0 $0x88, s6;
	s7 =	simm.s32 @p2 $0x1082  }
0x22: {  	[simem:s7], [sflag:s8] =	dma.local @!p0 [hbm:s6], $0xF7A  }
0x23: {  	s9 =	sor.u32 $0xD0000000, s2;
	s6 =	simm.s32 $0x108;
	_ =	swait.ge @!p0 [sflag:s8], $0x0  }
0x24: {  	s3 =	sadd.s32 $0x88, s3;
	s6 =	simm.s32 @!p1 $0x1082;
	[sflag:s4] =	ssyncset.s32 $0xFFFFF086  }
0x25: {  	[simem:s6], [sflag:s4] =	dma.local [hbm:s3], $0xF7A  }
0x26: {  	[smem:$0x3F9D] =	sst s1;
	(tag) =	ssettag s2;
	_ =	strace s9  }
0x27: {  	s1 =	sld [smem:$0x3FAD]  }
0x28: {  	s2 =	sld [smem:$0x3FAE]  }
0x29: {  	s4 =	sld [smem:$0x3FB0]  }
0x2a: {  	p0 =	seq.s32 s5, $0x0;
	s5 =	sld [smem:$0x3FB1]  }
0x2b: {  	s6 =	sld [smem:$0x3FB2]  }
0x2c: {  	s7 =	sld [smem:$0x3FB3]  }
0x2d: {  	s3 =	simm.s32 $0x108;
	s8 =	sld [smem:$0x3FB4]  }
0x2e: {  	s3 =	simm.s32 @!p0 $0x1082;
	s9 =	sld [smem:$0x3FB5]  }
0x2f: {  	lr =	sadd.s32 s0, s3;
	s0 =	sld [smem:$0x3FAC]  }
0x30: {  	s3 =	sld [smem:$0x3FAF]  }
0x31: {  	[smem:$0x3FB8] =	sst s10  }
0x32: {  	s10 =	sld [smem:$0x3FB6];
	_ =	sdelay $0x3  }
0x33: {  	p0 =	seq.s32 s10, $0x1;
	s10 =	sld [smem:$0x3FB8];
	_ =	sdelay $0x3  }
0x34: {  	[smem:$0x3FB8] =	sst s10  }
0x35: {  	s10 =	sld [smem:$0x3FB7];
	_ =	sdelay $0x3  }
0x36: {  	p1 =	seq.s32 s10, $0x1;
	s10 =	sld [smem:$0x3FB8];
	_ =	sdelay $0x3  }
0x37: {  	[smem:$0x3FB8] =	sst s10  }
0x38: {  	s10 =	sld [smem:$0x3FB9]  }
0x39: {  	_ = 	snop;
	(pc) =	sbr.ind lr, $3  }
0x3a: {  	_ = 	snop  }
0x3b: {  	_ = 	snop  }
0x3c: {  	p2 =	seq.s32 s10, $0x1;
	s10 =	sld [smem:$0x3FB8]  }
0x3d: {  	_ =	shalt  }
0x3e: {  	_ =	shalt  }
0x3f: {  	_ =	shalt  }
0x40: {  	_ =	shalt  }
0x41: {  	_ =	shalt  }
0x42: {  	_ =	shalt  }
0x43: {  	_ =	shalt  }
0x44: {  	_ =	shalt  }
0x45: {  	_ =	shalt  }
0x46: {  	_ =	shalt  }
0x47: {  	_ =	shalt  }
0x48: {  	_ =	shalt  }
0x49: {  	_ =	shalt  }
0x4a: {  	_ =	shalt  }
0x4b: {  	_ =	shalt  }
0x4c: {  	_ =	shalt  }
0x4d: {  	_ =	shalt  }
0x4e: {  	_ =	shalt  }
0x4f: {  	_ =	shalt  }
0x50: {  	_ =	shalt  }
0x51: {  	_ =	shalt  }
0x52: {  	_ =	shalt  }
0x53: {  	_ =	shalt  }
0x54: {  	_ =	shalt  }
0x55: {  	_ =	shalt  }
0x56: {  	_ =	shalt  }
0x57: {  	_ =	shalt  }
0x58: {  	_ =	shalt  }
0x59: {  	_ =	shalt  }
0x5a: {  	_ =	shalt  }
0x5b: {  	_ =	shalt  }
0x5c: {  	_ =	shalt  }
0x5d: {  	_ =	shalt  }
0x5e: {  	_ =	shalt  }
0x5f: {  	_ =	shalt  }
0x60: {  	_ =	shalt  }
0x61: {  	_ =	shalt  }
0x62: {  	_ =	shalt  }
0x63: {  	_ =	shalt  }
0x64: {  	_ =	shalt  }
0x65: {  	_ =	shalt  }
0x66: {  	_ =	shalt  }
0x67: {  	_ =	shalt  }
0x68: {  	_ =	shalt  }
0x69: {  	_ =	shalt  }
0x6a: {  	_ =	shalt  }
0x6b: {  	_ =	shalt  }
0x6c: {  	_ =	shalt  }
0x6d: {  	_ =	shalt  }
0x6e: {  	_ =	shalt  }
0x6f: {  	_ =	shalt  }
0x70: {  	_ =	shalt  }
0x71: {  	_ =	shalt  }
0x72: {  	_ =	shalt  }
0x73: {  	_ =	shalt  }
0x74: {  	_ =	shalt  }
0x75: {  	_ =	shalt  }
0x76: {  	_ =	shalt  }
0x77: {  	_ =	shalt  }
0x78: {  	_ =	shalt  }
0x79: {  	_ =	shalt  }
0x7a: {  	_ =	shalt  }
0x7b: {  	_ =	shalt  }
0x7c: {  	_ =	shalt  }
0x7d: {  	_ =	shalt  }
0x7e: {  	_ =	shalt  }
0x7f: {  	_ =	shalt  }
0x80: {  	_ =	shalt  }
0x81: {  	_ =	shalt  }
0x82: {  	_ =	shalt  }
0x83: {  	_ =	shalt  }
0x84: {  	_ =	shalt  }
0x85: {  	_ =	shalt  }
0x86: {  	_ =	shalt  }
0x87: {  	_ =	shalt  }
.Lfunc_end0:
.L_simem_size_0:
called_computation.2_lowered:
.L_overlay_start_0:
0x88: {  	s2 =	sld [smem:$0x3FD9]  }
0x89: {  	s3 =	sld [smem:$0x3FFE];
	_ =	sdelay $0x1  }
0x8a: {  	s1 =	srdreg.scid  }
0x8b: {  	s0 =	sand.u32 $0x1, s1  }
0x8c: {  	s14 =	sshll.u32 s0, $0xA;
	s2 =	sadd.s32 s3, s2  }
0x8d: {  	s2 =	sadd.s32 s2, s14  }
0x8e: {  	[smem:$0x3FC4] =	sst s2  }
0x8f: {  	_ = 	snop  }
0x90: {  	s2 =	sld [smem:$0x3FD0];
	_ =	sdelay $0x2  }
0x91: {  	s15 =	simm.s32 $0xB;
	s4 =	simm.s32 $0x10  }
0x92: {  	[smem:s4], [sflag:s15] =	dma.local [hbm:s2], $0x1  }
0x93: {  	_ =	swait.eq [sflag:s15], $0x1  }
0x94: {  	[sflag:s15] =	ssyncset.done $0x0  }
0x95: {  	[sflag:s15] =	ssyncadd.s32 $0xFFFFFFFF  }
0x96: {  	s16 =	sld [smem:$0x13];
	(tm) =	ssettm $0x1  }
0x97: {  	s17 =	sld [smem:$0x3FFB];
	_ =	sdelay $0x3  }
0x98: {  	_ =	strace s17  }
0x99: {  	s3 =	sld [smem:$0x3FFC];
	_ =	sdelay $0x3  }
0x9a: {  	_ =	strace s3  }
0x9b: {  	s3 =	sld [smem:$0x3FFD];
	_ =	sdelay $0x3  }
0x9c: {  	_ =	strace s3  }
0x9d: {  	_ =	strace $0x8FFFFFFF  }
0x9e: {  	s18 =	sld [smem:$0x3FDB];
	_ =	sdelay $0x1  }
0x9f: {  	s19 =	simm.s32 $_scs_section_size  }
0xa0: {  	s5 =	simm.s32 $_size__tile_overlayer_lowered;
	s6 =	simm.s32 $_tile_overlayer_lowered  }
0xa1: {  	s22 =	simm.s32 $0x1BFF;
	s21 =	sshll.u32 s6, $0x1;
	s3 =	sadd.s32 s19, s18  }
0xa2: {  	s7 =	simm.s32 $0x0;
	s20 =	sshll.u32 s5, $0x1;
	s5 =	sadd.s32 s21, s3  }
0xa3: {  	[timem:s7], [sflag:s22] =	dma.local [hbm:s5], s20  }
0xa4: {  	_ =	swait.ge [sflag:s22], s20  }
0xa5: {  	s4 =	ssub.s32 $0x0, s20;
	[sflag:s22] =	ssyncset.done $0x0  }
0xa6: {  	[sflag:s22] =	ssyncadd.s32 s4;
	_ =	sdelay $0x1  }
0xa7: {  	s23 =	simm.s32 $0x1B8B  }
0xa8: {  	_ =	swait.ge [sflag:s23], $0x1  }
0xa9: {  	[sflag:s23] =	ssyncset.done $0x0  }
0xaa: {  	s25 =	simm.s32 $0x1B8E;
	s24 =	sld [smem:$0x3FFE];
	[sflag:s23] =	ssyncadd.s32 $0xFFFFFFFF  }
0xab: {  	s26 =	simm.s32 $execute0_lowered;
	[smem:$0x3FD2] =	sst s25  }
0xac: {  	s5 =	sshll.u32 s26, $0x1;
	_ =	strace $0x80000049;
	[dreg:$0x1] =	wrdreg $0xFFFFFFFF  }
0xad: {  	s28 =	simm.s32 $_size_execute0_lowered;
	s3 =	sadd.s32 s3, s5;
	[dreg:$0x0] =	wrdreg $0x0  }
0xae: {  	s5 =	sshll.u32 s28, $0x1;
	[dreg:$0x2] =	wrdreg s3  }
0xaf: {  	[dreg:$0x3] =	wrdreg s5  }
0xb0: {  	[dreg:$0x4] =	wrdreg $0xC0  }
0xb1: {  	_ =	task [dreg:s7], $0x5FFFF  }
0xb2: {  	[dreg:$0x1] =	wrdreg $0xFFFFFFFF  }
0xb3: {  	[dreg:$0x0] =	wrdreg $0x60  }
0xb4: {  	[dreg:$0x2] =	wrdreg s24  }
0xb5: {  	[dreg:$0x3] =	wrdreg s16  }
0xb6: {  	[dreg:$0x4] =	wrdreg $0xA  }
0xb7: {  	_ =	task.clear_ibuf [dreg:s7], $0x5FFFF;
	_ =	strace $0x90000049  }
0xb8: {  	s29 =	simm.s32 $0xA;
	_ =	strace $0x8000004B  }
0xb9: {  	_ =	swait.ge [sflag:s29], $0x1  }
0xba: {  	[sflag:s29] =	ssyncadd.s32 $0xFFFFFFFF  }
0xbb: {  	_ =	strace $0x9000004B  }
0xbc: {  	_ =	sfence  }
0xbd: {  	s30 =	sld [smem:$0x0];
	_ =	sdelay $0x2  }
0xbe: {  	s31 =	sshll.u32 s1, $0xD;
	s1 =	sshrl.u32 s1, $0x2  }
0xbf: {  	s3 =	sand.u32 $0x4000, s31;
	s1 =	sadd.s32 s1, s30  }
0xc0: {  	s0 =	sor.u32 s3, s0;
	s1 =	sshll.u32 s1, $0x11  }
0xc1: {  	s0 =	sor.u32 s1, s0  }
0xc2: {  	s0 =	sadd.s32 $0x8F2B, s0  }
0xc3: {  	[sflag:s0] =	ssyncadd.remote.s32 $0x1  }
0xc4: {  	_ =	sfence.sel $0xFFFF  }
0xc5: {  	[dreg:$0x0] =	wrdreg $0xFFFFFFFF;
	(pc) =	sbr.abs _section_cstart, $3  }
0xc6: {  	[dreg:$0x1] =	wrdreg $0xFFFFFFFF  }
0xc7: {  	_ =	task.clear_ibuf [dreg:s7], $0x2FFFF;
	_ =	strace $0x9FFFFFFF  }
0xc8: {  	(tm) =	ssettm $0x7FFFFFFF  }
0xc9: {  	_ =	shalt  }
tec
execute0_lowered:
.L_overlay_start_1:
0x0: {  	(tag) =	ssettag $0x1  }
0x1: {  	s1 =	srdreg.scid;
	s0 =	stileid.u32  }
0x2: {  	s5 =	sand.u32 $0x1, s1;
	s4 =	sshll.u32 s0, $0x1  }
0x3: {  	s8 =	sor.u32 s5, s4  }
0x4: {  	p0 =	sgt.u32 s8, $0x18  }
.Ltmp0:
0x5: {  	_ = 	snop;
	(pc) =	sbr.rel @p0 .LBB2_7-.Ltmp0, $4  }
0x6: {  	s9 =	rddreg [dreg:$0x0]  }
0x7: {  	s2 =	rddreg [dreg:$0x1];
	s3 =	simm.s32 $0x0  }
0x8: {  	[smem:$0x7FF] =	sst s3  }
0x9: {  	s1 =	rddreg [dreg:$0x2];
	_ =	strace $0x8000004A  }
0xa: {  	s4 =	sadd.s32 $0xBC00, s9;
	s10 =	ssub.s32 $0x2, s5;
	s5 =	sadd.s32 $0x4BC00, s9  }
0xb: {  	s6 =	sadd.s32 $0x6A600, s9;
	s7 =	sadd.s32 $0x89000, s9;
	s8 =	smul.u32 $0x9C40, s8  }
0xc: {  	s9 =	sadd.s32 $0x2BC00, s9;
	s12 =	simm.s32 $0xFA0;
	s13 =	simm.s32 $0x1F40  }
0xd: {  	s14 =	simm.s32 $0x2EE0;
	s15 =	simm.s32 $0x3E80;
	s11 =	sshrl.u32 s10, $0x1  }
0xe: {  	s16 =	simm.s32 $0x4E20;
	s17 =	simm.s32 $0x0;
	s10 =	ssub.s32 s10, s11  }
0xf: {  	s18 =	simm.s32 $0x0;
	s11 =	simm.s32 $0x1;
	s10 =	smax.u32 s10, $0x1  }
.LBB2_2:
0x10: {  	s19 =	simm.s32 $0x0  }
.LBB2_3:
0x11: {  	s20 =	smul.u32 $0xFA0, s19;
	_ =	sdelay $0x1  }
0x12: {  	s20 =	sadd.s32 s8, s20  }
0x13: {  	s20 =	sshrl.u32 s20, $0x3  }
0x14: {  	s21 =	sadd.s32 s4, s20  }
0x15: {  	[tilespmem:s18], [sflag:$0x1] =	stream.linear.gather [hbm4b:s21+s18], $0xFA0, $0x38;
	[tilespmem:$0x5DC0] =	vst v63  }
0x16: {  	_ =	swait.ge [sflag:s11], $0xFA0  }
0x17: {  	[sflag:s11] =	ssyncset.done $0x0  }
0x18: {  	s29 =	sadd.s32 s20, s9;
	[sflag:s11] =	ssyncadd.s32 $0xFFFFF060  }
0x19: {  	[tilespmem:s12], [sflag:$0x1] =	stream.linear.gather [hbm4b:s29+s18], $0xFA0, $0x38;
	[tilespmem:$0x5DC0] =	vst v63  }
0x1a: {  	_ =	swait.ge [sflag:s11], $0xFA0  }
0x1b: {  	[sflag:s11] =	ssyncset.done $0x0  }
0x1c: {  	s30 =	sadd.s32 s2, s20;
	[sflag:s11] =	ssyncadd.s32 $0xFFFFF060  }
0x1d: {  	[tilespmem:s13], [sflag:$0x1] =	stream.linear.gather [hbm4b:s30+s18], $0xFA0, $0x38;
	[tilespmem:$0x5DC0] =	vst v63  }
0x1e: {  	_ =	swait.ge [sflag:s11], $0xFA0  }
0x1f: {  	[sflag:s11] =	ssyncset.done $0x0  }
0x20: {  	s31 =	sadd.s32 s5, s20;
	[sflag:s11] =	ssyncadd.s32 $0xFFFFF060  }
0x21: {  	[tilespmem:s14], [sflag:$0x1] =	stream.linear.gather [hbm4b:s31+s18], $0xFA0, $0x38;
	[tilespmem:$0x5DC0] =	vst v63  }
0x22: {  	_ =	swait.ge [sflag:s11], $0xFA0  }
0x23: {  	[sflag:s11] =	ssyncset.done $0x0  }
0x24: {  	s21 =	simm.s32 $0x0;
	[sflag:s11] =	ssyncadd.s32 $0xFFFFF060  }
0x25: {  	v0 =	vld [tilespmem:s21+$0xFA0]  }
0x26: {  	v1 =	vld [tilespmem:s21+$0x0]  }
0x27: {  	v2 =	vld [tilespmem:s21+$0x2EE0]  }
0x28: {  	s22 =	simm.s32 $0x40;
	v3 =	vld [tilespmem:s21+$0x1F40]  }
.LBB2_4:
0x29: {  	p0 =	sne.s32 s22, $0x3E40  }
.Ltmp1:
0x2a: {  	s23 =	sshra.s32 s22, $0x2;
	s22 =	sadd.s32 $0x40, s22;
	v4 =	vsub.s32 $0x0, v0;
	(pc) =	sbr.rel @p0 .LBB2_4-.Ltmp1, $4  }
0x2b: {  	v0 =	vld [tilespmem:s23+$0xFA0];
	vm0 =	veq.s32 v1, v4  }
0x2c: {  	v1 =	vld [tilespmem:s23+$0x0];
	v4 =	vnsel vm0, $0x0, v2  }
0x2d: {  	v2 =	vld [tilespmem:s23+$0x2EE0];
	v5 =	vnsel vm0, $0x1, v3;
	[tilespmem:s21+$0x4E20] =	vst v4  }
0x2e: {  	v3 =	vld [tilespmem:s23+$0x1F40];
	[tilespmem:s21+$0x3E80] =	vst v5;
	s21 =	smov.u32 s23  }
0x2f: {  	_ = 	snop  }
0x30: {  	v0 =	vsub.s32 $0x0, v0  }
0x31: {  	vm0 =	veq.s32 v1, v0  }
0x32: {  	v0 =	vnsel vm0, $0x0, v2  }
0x33: {  	v1 =	vnsel vm0, $0x1, v3;
	[tilespmem:s21+$0x4E20] =	vst v0  }
0x34: {  	s30 =	sadd.s32 s6, s20;
	[tilespmem:s21+$0x3E80] =	vst v1  }
0x35: {  	[hbm4b:s30+s3] =	stream.linear.scatter [tilespmem:s15], [sflag:$0x1], $0xFA0, $0x38;
	[tilespmem:$0x5DC0] =	vst v63  }
0x36: {  	s19 =	sadd.s32 $0x1, s19;
	_ =	swait.ge [sflag:s11], $0xFA0  }
0x37: {  	p0 =	sne.s32 s19, $0xA;
	[sflag:s11] =	ssyncset.done $0x0  }
.Ltmp2:
0x38: {  	s31 =	sadd.s32 s7, s20;
	[sflag:s11] =	ssyncadd.s32 $0xFFFFF060;
	(pc) =	sbr.rel @p0 .LBB2_3-.Ltmp2, $4  }
0x39: {  	[hbm4b:s31+s3] =	stream.linear.scatter [tilespmem:s16], [sflag:$0x1], $0xFA0, $0x38;
	[tilespmem:$0x5DC0] =	vst v63  }
0x3a: {  	_ =	swait.ge [sflag:s11], $0xFA0  }
0x3b: {  	[sflag:s11] =	ssyncset.done $0x0  }
0x3c: {  	[sflag:s11] =	ssyncadd.s32 $0xFFFFF060  }
0x3d: {  	s17 =	sadd.s32 $0x1, s17  }
0x3e: {  	p0 =	sne.s32 s17, s10  }
.Ltmp3:
0x3f: {  	_ = 	snop;
	(pc) =	sbr.rel @p0 .LBB2_2-.Ltmp3, $1  }
0x40: {  	_ =	sdelay $0x3  }
.LBB2_7:
0x41: {  	_ =	sfence.sel $0x180000  }
0x42: {  	[bflag:$0x0] =	sbarrier.arrive $0xFFFF  }
0x43: {  	p0 =	sne.s32 s0, $0x0;
	_ =	strace $0x9000004A  }
0x44: {  	s0 =	sadd.s32 @!p0 $0x100000, s1;
	[bflag:$0x2] =	sbarrier.arrive $0xFFFF  }
0x45: {  	[sflag:s0] =	ssyncadd.tile.s32 @!p0 $0x1;
	_ =	shalt  }
.Lfunc_end2:
_tile_overlayer_lowered:
.L_overlay_start_2:
0x46: {  	(tag) =	ssettag $0x2  }
0x47: {  	s0 =	rddreg [dreg:$0x0];
	s2 =	stileid.u32  }
0x48: {  	s1 =	rddreg [dreg:$0x1];
	p0 =	sne.s32 s2, $0x0  }
0x49: {  	s3 =	rddreg [dreg:$0x2];
	[bflag:$0x3] =	sbarrier.arrive $0xFFFF;
	s2 =	simm.s32 @!p0 $0x1C01  }
0x4a: {  	[timem:s3], [sflag:s2] =	dma.local @!p0 [hbm:s0], s1  }
0x4b: {  	s0 =	simm.s32 @!p0 $0x1  }
0x4c: {  	_ =	swait.ge @!p0 [sflag:s0], s1  }
0x4d: {  	s1 =	ssub.s32 @!p0 $0x0, s1;
	[sflag:s0] =	ssyncset.done @!p0 $0x0  }
0x4e: {  	[sflag:s0] =	ssyncadd.s32 @!p0 s1  }
0x4f: {  	[bflag:$0x3] =	sbarrier.arrive $0xFFFF  }
0x50: {  	_ =	shalt  }

// kernel: sparse-core-data-format-call.cloned.1.call-start
scs
called_computation_lowered:
.L_overlay_start_0:
0x0: {  	s2 =	sld [smem:$0x3FD9]  }
0x1: {  	s3 =	sld [smem:$0x3FFE];
	_ =	sdelay $0x1  }
0x2: {  	s1 =	srdreg.scid  }
0x3: {  	s0 =	sand.u32 $0x1, s1  }
0x4: {  	s16 =	sshll.u32 s0, $0xA;
	s2 =	sadd.s32 s3, s2  }
0x5: {  	s2 =	sadd.s32 s2, s16  }
0x6: {  	[smem:$0x3FC4] =	sst s2  }
0x7: {  	_ = 	snop  }
0x8: {  	s2 =	sld [smem:$0x3FD0];
	_ =	sdelay $0x2  }
0x9: {  	s17 =	simm.s32 $0xB;
	s4 =	simm.s32 $0x10  }
0xa: {  	[smem:s4], [sflag:s17] =	dma.local [hbm:s2], $0x1  }
0xb: {  	_ =	swait.eq [sflag:s17], $0x1  }
0xc: {  	[sflag:s17] =	ssyncset.done $0x0  }
0xd: {  	[sflag:s17] =	ssyncadd.s32 $0xFFFFFFFF  }
0xe: {  	s18 =	sld [smem:$0x10];
	(tm) =	ssettm $0x1  }
0xf: {  	s19 =	sld [smem:$0x3FFB];
	_ =	sdelay $0x3  }
0x10: {  	_ =	strace s19  }
0x11: {  	s2 =	sld [smem:$0x3FFC];
	_ =	sdelay $0x3  }
0x12: {  	_ =	strace s2  }
0x13: {  	s2 =	sld [smem:$0x3FFD];
	_ =	sdelay $0x3  }
0x14: {  	_ =	strace s2  }
0x15: {  	_ =	strace $0x8FFFFFFF  }
0x16: {  	s20 =	sld [smem:$0x3FDB];
	_ =	sdelay $0x1  }
0x17: {  	s21 =	simm.s32 $_scs_section_size  }
0x18: {  	s5 =	simm.s32 $_size__tile_overlayer_lowered;
	s6 =	simm.s32 $_tile_overlayer_lowered  }
0x19: {  	s7 =	simm.s32 $0x1BFF;
	s22 =	sshll.u32 s6, $0x1;
	s4 =	sadd.s32 s21, s20  }
0x1a: {  	s23 =	simm.s32 $0x0;
	s5 =	sshll.u32 s5, $0x1;
	s6 =	sadd.s32 s22, s4  }
0x1b: {  	[timem:s23], [sflag:s7] =	dma.local [hbm:s6], s5  }
0x1c: {  	_ =	swait.ge [sflag:s7], s5  }
0x1d: {  	s5 =	ssub.s32 $0x0, s5;
	[sflag:s7] =	ssyncset.done $0x0  }
0x1e: {  	[sflag:s7] =	ssyncadd.s32 s5;
	_ =	sdelay $0x1  }
0x1f: {  	s24 =	simm.s32 $0x1B8B  }
0x20: {  	_ =	swait.ge [sflag:s24], $0x1  }
0x21: {  	[sflag:s24] =	ssyncset.done $0x0  }
0x22: {  	[sflag:s24] =	ssyncadd.s32 $0xFFFFFFFF  }
0x23: {  	s5 =	sld [smem:$0x0]  }
0x24: {  	s6 =	sand.u32 $0xFFFFFFFE, s1  }
0x25: {  	p0 =	sne.s32 s1, s6  }
0x26: {  	s6 =	sshll.u32 @p0 s6, $0xE  }
0x27: {  	s6 =	sadd.s32 @p0 $0x11B8D, s6;
	s7 =	sshll.u32 @p0 s5, $0x11  }
0x28: {  	s6 =	sor.u32 @p0 s7, s6  }
0x29: {  	[sflag:s6] =	ssyncadd.remote.s32 @p0 $0x1;
	_ =	sdelay $0x1  }
0x2a: {  	s6 =	simm.s32 @p0 $0x1B8D  }
0x2b: {  	_ =	swait.eq @p0 [sflag:s6], $0x1  }
0x2c: {  	[sflag:s6] =	ssyncadd.s32 @p0 $0xFFFFFFFF  }
0x2d: {  	s7 =	sshll.u32 @!p0 s1, $0xE  }
0x2e: {  	s7 =	sor.u32 @!p0 $0x4000, s7;
	s6 =	simm.s32 @!p0 $0x1B8D  }
0x2f: {  	s5 =	sshll.u32 @!p0 s5, $0x11;
	s7 =	sadd.s32 @!p0 $0x11B8D, s7;
	_ =	swait.eq @!p0 [sflag:s6], $0x1  }
0x30: {  	s5 =	sor.u32 @!p0 s5, s7;
	[sflag:s6] =	ssyncadd.s32 @!p0 $0xFFFFFFFF  }
0x31: {  	s26 =	simm.s32 $0x1B8E;
	s25 =	sld [smem:$0x3FFE];
	[sflag:s5] =	ssyncadd.remote.s32 @!p0 $0x1  }
0x32: {  	s27 =	simm.s32 $execute0_lowered;
	[smem:$0x3FD2] =	sst s26  }
0x33: {  	s6 =	sshll.u32 s27, $0x1;
	_ =	strace $0x8000004C;
	[dreg:$0x1] =	wrdreg $0xFFFFFFFF  }
0x34: {  	s28 =	simm.s32 $_size_execute0_lowered;
	s4 =	sadd.s32 s4, s6;
	[dreg:$0x0] =	wrdreg $0x0  }
0x35: {  	s6 =	sshll.u32 s28, $0x1;
	[dreg:$0x2] =	wrdreg s4  }
0x36: {  	[dreg:$0x3] =	wrdreg s6  }
0x37: {  	[dreg:$0x4] =	wrdreg $0xC0  }
0x38: {  	_ =	task [dreg:s23], $0x5FFFF  }
0x39: {  	[dreg:$0x1] =	wrdreg $0xFFFFFFFF  }
0x3a: {  	[dreg:$0x0] =	wrdreg $0x60  }
0x3b: {  	[dreg:$0x2] =	wrdreg s25  }
0x3c: {  	[dreg:$0x3] =	wrdreg s18  }
0x3d: {  	[dreg:$0x4] =	wrdreg $0x9  }
0x3e: {  	_ =	task.clear_ibuf [dreg:s23], $0x5FFFF;
	_ =	strace $0x9000004C  }
0x3f: {  	s29 =	simm.s32 $0x9;
	_ =	strace $0x8000004E  }
0x40: {  	_ =	swait.ge [sflag:s29], $0x1  }
0x41: {  	[sflag:s29] =	ssyncadd.s32 $0xFFFFFFFF  }
0x42: {  	_ =	strace $0x9000004E  }
0x43: {  	_ =	sfence  }
0x44: {  	s30 =	sld [smem:$0x0];
	_ =	sdelay $0x2  }
0x45: {  	s31 =	sshll.u32 s1, $0xD;
	s1 =	sshrl.u32 s1, $0x2  }
0x46: {  	s4 =	sand.u32 $0x4000, s31;
	s1 =	sadd.s32 s1, s30  }
0x47: {  	s0 =	sor.u32 s4, s0;
	s1 =	sshll.u32 s1, $0x11  }
0x48: {  	s0 =	sor.u32 s1, s0  }
0x49: {  	s0 =	sadd.s32 $0x8F2B, s0  }
0x4a: {  	[sflag:s0] =	ssyncadd.remote.s32 $0x1  }
0x4b: {  	_ =	sfence.sel $0xFFFF  }
0x4c: {  	[dreg:$0x0] =	wrdreg $0xFFFFFFFF;
	(pc) =	sbr.abs _section_cstart, $3  }
0x4d: {  	[dreg:$0x1] =	wrdreg $0xFFFFFFFF  }
0x4e: {  	_ =	task.clear_ibuf [dreg:s23], $0x2FFFF;
	_ =	strace $0x9FFFFFFF  }
0x4f: {  	(tm) =	ssettm $0x7FFFFFFF  }
tec
execute0_lowered:
.L_overlay_start_1:
0x0: {  	(tag) =	ssettag $0x1  }
0x1: {  	s0 =	srdreg.scid  }
0x2: {  	s1 =	sshll.u32 s0, $0x4  }
0x3: {  	s4 =	rddreg [dreg:$0x0];
	s0 =	stileid.u32;
	s1 =	sand.u32 $0x10, s1  }
0x4: {  	s2 =	rddreg [dreg:$0x1];
	s7 =	simm.s32 $0x1;
	s1 =	sor.u32 s0, s1  }
0x5: {  	s8 =	simm.s32 $0x2;
	s11 =	simm.s32 $0x0;
	s3 =	sshll.u32 s1, $0x7  }
0x6: {  	s10 =	simm.s32 $0x0;
	s4 =	sadd.s32 $0xA7A00, s4;
	s6 =	ssub.s32 $0x50000, s3  }
.Ltmp0:
0x7: {  	s1 =	rddreg [dreg:$0x2];
	s5 =	sand.u32 $0xF80, s6;
	(pc) =	sbr.rel .LBB1_1-.Ltmp0, $4  }
0x8: {  	_ =	strace $0x8000004D;
	s9 =	smov.u32 s3;
	p0 =	sne.s32 s5, $0x0  }
0x9: {  	s6 =	sshrl.u32 s6, $0xC;
	s5 =	simm.s32 $0x1;
	s7 =	simm.s32 @!p0 $0x0  }
0xa: {  	[sflag:s5] =	ssyncpa.u1 $0x0;
	p0 =	por $0x0, $0x0;
	s6 =	sadd.s32 s7, s6  }
0xb: {  	[sflag:s8] =	ssyncpa.u1 $0x0;
	s8 =	simm.s32 $0x280000;
	s7 =	sadd.s32 $0x1, s6  }
.LBB1_4:
0xc: {  	s14 =	sshll.u32 s11, $0x3  }
0xd: {  	s30 =	sand.u32 $0x7F, s11;
	s15 =	sand.u32 $0xFFFFFC00, s14  }
0xe: {  	s11 =	sor.u32 s30, s15  }
0xf: {  	s15 =	smulhi.u32 $0xCCCCCCCD, s11  }
0x10: {  	s14 =	smulhi.u32 $0xCCCCCCCD, s14  }
0x11: {  	s15 =	sshrl.u32 s15, $0x12  }
0x12: {  	s14 =	sshrl.u32 s14, $0x12;
	s15 =	smul.u32 $0x50000, s15  }
0x13: {  	s14 =	sand.u32 $0x1F, s14  }
0x14: {  	s14 =	smul.u32 $0xA000, s14;
	s11 =	ssub.s32 s11, s15  }
0x15: {  	s15 =	sand.u32 $0x7, s11  }
0x16: {  	s14 =	sadd.s32 s2, s14;
	s11 =	sshrl.u32 s11, $0x3;
	s15 =	sshll.u32 s15, $0x12  }
0x17: {  	[tilespmem:s13+$0x0 ss:$0x81] =	vst.msk $0xffff, v0;
	s11 =	sadd.s32 s11, s14;
	s31 =	sor.u32 $0x400, s15  }
0x18: {  	[hbm4b:s11+s31] =	stream.strided.scatter [tilespmem:s12], [sflag:$0x2], $0x1000, s8, s31, $0x20;
	[tilespmem:$0x4040] =	vst v63  }
.LBB1_5:
0x19: {  	s13 =	sadd.s32 $0x1000, s9  }
0x1a: {  	p2 =	sgt.s32 s13, $0x4FFFF  }
0x1b: {  	s13 =	smov.u32 @p2 s3;
	p2 =	sne.s32 s10, s7  }
.Ltmp1:
0x1c: {  	p1 =	slt.u32 s10, $0x2;
	(pc) =	sbr.rel @!p2 .LBB1_6-.Ltmp1, $4  }
0x1d: {  	s12 =	simm.s32 @!p1 $0x2  }
0x1e: {  	s14 =	sadd.s32 $0x1, s10;
	_ =	swait.ge @!p1 [sflag:s12], $0x1000  }
0x1f: {  	s11 =	smov.u32 s9;
	p0 =	por !p0, !p0;
	[sflag:s12] =	ssyncset.done @!p1 $0x0  }
0x20: {  	s10 =	smov.u32 s14;
	s9 =	smov.u32 s13;
	[sflag:s12] =	ssyncadd.s32 @!p1 $0xFFFFF000  }
.LBB1_1:
0x21: {  	p1 =	sge.u32 s10, s6  }
0x22: {  	s12 =	sand.u32 @!p1 $0x1FFFFFF, s9  }
0x23: {  	s13 =	smulhi.u32 @!p1 $0xCCCCCD, s12;
	_ =	sdelay $0x1  }
0x24: {  	s13 =	sshrl.u32 @!p1 s13, $0xA  }
0x25: {  	s13 =	smul.u32 @!p1 $0x50000, s13;
	_ =	sdelay $0x1  }
0x26: {  	s31 =	sadd.s32 $0xFFFFFFFF, s10;
	s14 =	sxor.u32 @!p1 $0xFFFFFFFF, s10;
	s12 =	ssub.s32 @!p1 s12, s13  }
0x27: {  	s15 =	simm.s32 @!p1 $0x80;
	s14 =	sshll.u32 @!p1 s14, $0xC;
	s12 =	sshll.u32 @!p1 s12, $0x4  }
0x28: {  	s13 =	sand.u32 @!p1 $0x1000, s14;
	s14 =	simm.s32 @!p1 $0x20;
	s12 =	sadd.s32 @!p1 s4, s12  }
0x29: {  	[tilespmem:s13], [sflag:$0x1] =	stream.strided.gather @!p1 [hbm4b:s12+s14], $0x1000, s15, s14, $0x38;
	[tilespmem:$0x4040] =	vst v63  }
0x2a: {  	p1 =	sge.u32 s31, s6  }
.Ltmp2:
0x2b: {  	_ = 	snop;
	(pc) =	sbr.rel @p1 .LBB1_5-.Ltmp2, $1  }
0x2c: {  	_ =	sdelay $0x3  }
0x2d: {  	s12 =	simm.s32 $0x1  }
0x2e: {  	_ =	swait.ge [sflag:s5], $0x1000;
	s12 =	simm.s32 @!p0 $0x0  }
0x2f: {  	[sflag:s5] =	ssyncset.done $0x0;
	s13 =	sshll.u32 s12, $0xC  }
0x30: {  	[sflag:s5] =	ssyncadd.s32 $0xFFFFF000;
	s16 =	sor.u32 $0x10, s13  }
0x31: {  	s12 =	smul.u32 $0x4080, s12;
	v1 =	vld [tilespmem:s16+$0x0]  }
0x32: {  	s30 =	sand.u32 $0x1, s10;
	v0 =	vld [tilespmem:s16+$0xFFFFFFF0]  }
0x33: {  	s13 =	smul.u32 $0x4080, s30;
	s12 =	sshrl.u32 s12, $0x2  }
0x34: {  	s14 =	sor.u32 $0x2000, s12  }
0x35: {  	s31 =	sshrl.u32 s13, $0x2;
	s13 =	sadd.s32 $0x0, s14  }
0x36: {  	s15 =	simm.s32 $0x4;
	s16 =	sadd.s32 $0x20, s16;
	s12 =	sor.u32 $0x2000, s31;
	[tilespmem:s13+$0x810 ss:$0x81] =	vst.msk $0xffff, v1  }
.LBB1_3:
0x37: {  	v1 =	vld [tilespmem:s16+$0x0];
	p1 =	sne.s32 s15, $0x1FC;
	[tilespmem:s13+$0x0 ss:$0x81] =	vst.msk $0xffff, v0;
	s13 =	smov.u32 s15;
	s15 =	sadd.s32 $0x4, s15  }
.Ltmp3:
0x38: {  	v0 =	vld [tilespmem:s16+$0xFFFFFFF0];
	(pc) =	sbr.rel @p1 .LBB1_3-.Ltmp3, $4  }
0x39: {  	_ = 	snop  }
0x3a: {  	s13 =	sshra.s32 s13, $0x2  }
0x3b: {  	s13 =	sadd.s32 s13, s14  }
0x3c: {  	s16 =	sadd.s32 $0x20, s16;
	[tilespmem:s13+$0x810 ss:$0x81] =	vst.msk $0xffff, v1  }
.Ltmp4:
0x3d: {  	_ = 	snop;
	(pc) =	sbr.rel .LBB1_4-.Ltmp4, $1  }
0x3e: {  	_ =	sdelay $0x3  }
.LBB1_6:
0x3f: {  	_ =	sfence.sel $0x180000  }
0x40: {  	s2 =	simm.s32 $0x1;
	[bflag:$0x0] =	sbarrier.arrive $0xFFFF  }
0x41: {  	s31 =	simm.s32 $0x2;
	[sflag:s2] =	ssyncpa.u1 $0x1  }
0x42: {  	[sflag:s31] =	ssyncpa.u1 $0x1  }
0x43: {  	p0 =	sne.s32 s0, $0x0;
	_ =	strace $0x9000004D  }
0x44: {  	s0 =	sadd.s32 @!p0 $0x100000, s1;
	[bflag:$0x2] =	sbarrier.arrive $0xFFFF  }
0x45: {  	[sflag:s0] =	ssyncadd.tile.s32 @!p0 $0x1;
	_ =	shalt  }
.Lfunc_end1:
_tile_overlayer_lowered:
.L_overlay_start_2:
0x46: {  	(tag) =	ssettag $0x2  }
0x47: {  	s0 =	rddreg [dreg:$0x0];
	s2 =	stileid.u32  }
0x48: {  	s1 =	rddreg [dreg:$0x1];
	p0 =	sne.s32 s2, $0x0  }
0x49: {  	s3 =	rddreg [dreg:$0x2];
	[bflag:$0x3] =	sbarrier.arrive $0xFFFF;
	s2 =	simm.s32 @!p0 $0x1C01  }
0x4a: {  	[timem:s3], [sflag:s2] =	dma.local @!p0 [hbm:s0], s1  }
0x4b: {  	s0 =	simm.s32 @!p0 $0x1  }
0x4c: {  	_ =	swait.ge @!p0 [sflag:s0], s1  }
0x4d: {  	s1 =	ssub.s32 @!p0 $0x0, s1;
	[sflag:s0] =	ssyncset.done @!p0 $0x0  }
0x4e: {  	[sflag:s0] =	ssyncadd.s32 @!p0 s1  }
0x4f: {  	[bflag:$0x3] =	sbarrier.arrive $0xFFFF  }
0x50: {  	_ =	shalt  }

</sc_bundles>
